<compile_context>
chip_gen: v7x
topology: tpu7x:2x2x1
jax: 0.10.2.dev20260603
libtpu: 0.0.44.dev20260713+nightly
codegen_flags: <defaults>
</compile_context>

<pallas_src>
import functools

import jax
import jax.numpy as jnp
from jax import lax
from jax.experimental import pallas as pl
from jax.experimental.pallas import tpu as pltpu
from jax.experimental.pallas import tpu_sc as plsc

NC = 2
NS = 16
NW = NC * NS

DP = 128
L = 16


@functools.partial(jax.jit, static_argnames=("d",))
def _embed(src_tokens, tgt_tokens, src_table_p, tgt_table_p, *, d):
    b, t = src_tokens.shape
    bw = b // NW
    n_pairs = t // 2
    assert t % 2 == 0 and bw % L == 0
    mesh = plsc.VectorSubcoreMesh(core_axis_name="c", subcore_axis_name="s")

    @functools.partial(
        pl.kernel,
        out_type=jax.ShapeDtypeStruct((2, t, d, b), jnp.float32),
        mesh=mesh,
        scratch_types=[
            pltpu.VMEM((bw, t), jnp.int32),
            pltpu.VMEM((t, bw), jnp.int32),
            pltpu.VMEM((bw, DP), jnp.float32),
            pltpu.VMEM((bw, DP), jnp.float32),
            pltpu.VMEM((d, bw), jnp.float32),
            pltpu.VMEM((d, bw), jnp.float32),
            pltpu.SemaphoreType.DMA,
            pltpu.SemaphoreType.DMA,
            pltpu.SemaphoreType.DMA,
            pltpu.SemaphoreType.DMA,
        ],
        compiler_params=pltpu.CompilerParams(use_tc_tiling_on_sc=True,
                                             needs_layout_passes=False,
                                             disable_bounds_checks=True),
    )
    def k(src_tok_hbm, tgt_tok_hbm, src_tab_hbm, tgt_tab_hbm, out_hbm,
          idx_v, idx_t, gbuf_a, gbuf_b, sbuf_a, sbuf_b,
          gsem_a, gsem_b, ssem_a, ssem_b):
        wid = lax.axis_index("s") * NC + lax.axis_index("c")
        row0 = pl.multiple_of(wid * bw, bw)
        lanes = lax.iota(jnp.int32, L)

        for side, (tok_hbm, tab_hbm) in enumerate(
            ((src_tok_hbm, src_tab_hbm), (tgt_tok_hbm, tgt_tab_hbm))):
            pltpu.sync_copy(tok_hbm.at[pl.ds(row0, bw)], idx_v)

            def tr_idx(c, _):
                cc = jnp.full((L,), c, jnp.int32)
                for kk in range(bw // L):
                    v = plsc.load_gather(idx_v, [lanes + kk * L, cc])
                    idx_t[c, pl.ds(kk * L, L)] = v
                return ()

            lax.fori_loop(0, t, tr_idx, (), unroll=False)

            def g_desc(c, gbuf, sem):
                return pltpu.make_async_copy(
                    tab_hbm.at[idx_t.at[c]], gbuf, sem)

            def s_desc(c, sbuf, sem):
                return pltpu.make_async_copy(
                    sbuf, out_hbm.at[side, c, :, pl.ds(row0, bw)], sem)

            def transpose(gbuf, sbuf):
                def blk(i, _):
                    b0 = (i // (d // L)) * L
                    e0 = (i % (d // L)) * L
                    gblk = gbuf.at[pl.ds(b0, L)]
                    sblk = sbuf.at[pl.ds(e0, L)]
                    for dd in range(L):
                        rot = jnp.bitwise_and(lanes + dd, L - 1)
                        v = plsc.load_gather(gblk, [lanes, rot + e0])
                        plsc.store_scatter(sblk, [rot, lanes + b0], v)
                    return ()
                lax.fori_loop(0, (bw // L) * (d // L), blk, (), unroll=2)

            g_desc(0, gbuf_a, gsem_a).start()

            def body(p, _):
                ca = 2 * p
                cb = 2 * p + 1
                g_desc(ca, gbuf_a, gsem_a).wait()
                g_desc(cb, gbuf_b, gsem_b).start()

                @pl.when(p > 0)
                def _():
                    s_desc(ca, sbuf_a, ssem_a).wait()

                transpose(gbuf_a, sbuf_a)
                s_desc(ca, sbuf_a, ssem_a).start()
                g_desc(cb, gbuf_b, gsem_b).wait()

                @pl.when(p < n_pairs - 1)
                def _():
                    g_desc(ca + 2, gbuf_a, gsem_a).start()

                @pl.when(p > 0)
                def _():
                    s_desc(cb, sbuf_b, ssem_b).wait()

                transpose(gbuf_b, sbuf_b)
                s_desc(cb, sbuf_b, ssem_b).start()
                return ()

            lax.fori_loop(0, n_pairs, body, (), unroll=False)
            s_desc(0, sbuf_a, ssem_a).wait()
            s_desc(1, sbuf_b, ssem_b).wait()

    return k(src_tokens, tgt_tokens, src_table_p, tgt_table_p)


def kernel(src_tokens, tgt_tokens, src_table, tgt_table):
    d = src_table.shape[1]
    src_p = jnp.pad(src_table, ((0, 0), (0, DP - d)))
    tgt_p = jnp.pad(tgt_table, ((0, 0), (0, DP - d)))
    out = _embed(src_tokens.astype(jnp.int32), tgt_tokens.astype(jnp.int32),
                 src_p, tgt_p, d=d)
    return jnp.transpose(out, (0, 3, 1, 2))

# --- scband reference (transcript-rebuilt; emitter-appended) ---
"""Pipeline reference for scband-model-embedding-41755672052095 (READ-ONLY COPY).

The authoritative reference and input builder live on the scoring server;
editing this copy changes nothing except your own understanding.
"""

import jax, jax.numpy as jnp
import numpy as np

SRC_VOCAB = 100000
TGT_VOCAB = 100000
EMBED = 64
SRC_PAD = 0
TGT_PAD = 0


def setup_inputs(seed: int = 0) -> dict:
    key = jax.random.key(seed)
    k1, k2, k3, k4 = jax.random.split(key, 4)
    src_tokens = jax.random.randint(k1, (4096, 50), 0, SRC_VOCAB)
    tgt_tokens = jax.random.randint(k2, (4096, 50), 0, TGT_VOCAB)
    src_table = jax.random.normal(k3, (SRC_VOCAB, EMBED), dtype=jnp.float32)
    tgt_table = jax.random.normal(k4, (TGT_VOCAB, EMBED), dtype=jnp.float32)
    # padding_idx rows are zero-initialized in torch nn.Embedding
    src_table = src_table.at[SRC_PAD].set(0.0)
    tgt_table = tgt_table.at[TGT_PAD].set(0.0)
    return {"src_tokens": src_tokens, "tgt_tokens": tgt_tokens, "src_table": src_table, "tgt_table": tgt_table}


def reference(src_tokens, tgt_tokens, src_table, tgt_table):
    # source embedding lookup with padding_idx semantics (zero output for pad token)
    src_emb = jnp.take(src_table, src_tokens, axis=0)
    src_emb = jnp.where((src_tokens == SRC_PAD)[..., None], 0.0, src_emb)
    # target embedding lookup with padding_idx semantics
    tgt_emb = jnp.take(tgt_table, tgt_tokens, axis=0)
    tgt_emb = jnp.where((tgt_tokens == TGT_PAD)[..., None], 0.0, tgt_emb)
    return jnp.stack([src_emb, tgt_emb], axis=0)

if __name__ == "__main__":
    import jax
    _d = setup_inputs()
    print(jax.jit(kernel)(*tuple(_d.values())))

</pallas_src>

<mosaic_0001>
#map = affine_map<(d0, d1) -> (0, 0)>
#map1 = affine_map<(d0, d1) -> (0, 0, 0, 0)>
module attributes {stable_mosaic.version = 14 : i64} {
  func.func @k(%arg0: i32, %arg1: i32, %arg2: memref<4096x50xi32, #tpu.memory_space<hbm>>, %arg3: memref<4096x50xi32, #tpu.memory_space<hbm>>, %arg4: memref<100000x128xf32, #tpu.memory_space<hbm>>, %arg5: memref<100000x128xf32, #tpu.memory_space<hbm>>, %arg6: memref<2x50x64x4096xf32, #tpu.memory_space<hbm>>, %arg7: memref<128x50xi32, #tpu.memory_space<vmem>>, %arg8: memref<50x128xi32, #tpu.memory_space<vmem>>, %arg9: memref<128x128xf32, #tpu.memory_space<vmem>>, %arg10: memref<128x128xf32, #tpu.memory_space<vmem>>, %arg11: memref<64x128xf32, #tpu.memory_space<vmem>>, %arg12: memref<64x128xf32, #tpu.memory_space<vmem>>, %arg13: memref<!tpu.dma_semaphore, #tpu.memory_space<semaphore_mem>>, %arg14: memref<!tpu.dma_semaphore, #tpu.memory_space<semaphore_mem>>, %arg15: memref<!tpu.dma_semaphore, #tpu.memory_space<semaphore_mem>>, %arg16: memref<!tpu.dma_semaphore, #tpu.memory_space<semaphore_mem>>) attributes {dimension_semantics = [#tpu.dimension_semantics<core_parallel>, #tpu.dimension_semantics<subcore_parallel>], iteration_bounds = array<i64: 2, 16>, scalar_prefetch = 0 : i64, scratch_operands = 10 : i64, tpu.core_type = #tpu.core_type<sc_vector_subcore>, window_params = [{transform_indices = #map}, {transform_indices = #map}, {transform_indices = #map}, {transform_indices = #map}, {transform_indices = #map1}]} {
    %mul3A = arith.constant 2 : i32
    %mul3A_0 = arith.muli %arg1, %mul3A : i32
    %add3A = arith.addi %mul3A_0, %arg0 : i32
    %mul3A_1 = arith.constant 128 : i32
    %mul3A_2 = arith.muli %add3A, %mul3A_1 : i32
    %multiple_of3A = tpu.assume_multiple %mul3A_2, 128 : i32
    %iota3A = tpu.iota {dimensions = array<i32: 0>} : vector<16xi32>
    "tpu.region"() ({
      %run_scoped3A = tpu.sem_alloc : memref<!tpu.dma_semaphore, #tpu.memory_space<semaphore_mem>>
      %dma_start3A_66 = arith.constant 0 : i32
      %dma_start3A_67 = tpu.memref_slice %arg2[%multiple_of3A, %dma_start3A_66] : memref<4096x50xi32, #tpu.memory_space<hbm>> -> memref<128x50xi32, #tpu.memory_space<hbm>>
      %dma_start3A_68 = arith.constant 0 : i32
      %dma_start3A_69 = tpu.memref_slice %arg2[%multiple_of3A, %dma_start3A_68] : memref<4096x50xi32, #tpu.memory_space<hbm>> -> memref<128x50xi32, #tpu.memory_space<hbm>>
      tpu.enqueue_dma source(%dma_start3A_69 : memref<128x50xi32, #tpu.memory_space<hbm>>) target(%arg7 : memref<128x50xi32, #tpu.memory_space<vmem>>) target_semaphore(%run_scoped3A : memref<!tpu.dma_semaphore, #tpu.memory_space<semaphore_mem>>)
      %dma_wait3A_70 = arith.constant 0 : i32
      %dma_wait3A_71 = tpu.memref_slice %arg2[%multiple_of3A, %dma_wait3A_70] : memref<4096x50xi32, #tpu.memory_space<hbm>> -> memref<128x50xi32, #tpu.memory_space<hbm>>
      %dma_wait3A_72 = arith.constant 0 : i32
      %dma_wait3A_73 = tpu.memref_slice %arg2[%multiple_of3A, %dma_wait3A_72] : memref<4096x50xi32, #tpu.memory_space<hbm>> -> memref<128x50xi32, #tpu.memory_space<hbm>>
      tpu.wait_dma2 semaphore(%run_scoped3A : memref<!tpu.dma_semaphore, #tpu.memory_space<semaphore_mem>>) src(%dma_wait3A_73 : memref<128x50xi32, #tpu.memory_space<hbm>>) dst(%arg7 : memref<128x50xi32, #tpu.memory_space<vmem>>)
      tpu.yield
    }) : () -> ()
    %scan3A = arith.constant 0 : i32
    %scan3A_3 = arith.constant 50 : i32
    %scan3A_4 = arith.addi %scan3A, %scan3A_3 : i32
    %scan3A_5 = arith.constant 1 : i32
    scf.for %scan3A_66 = %scan3A to %scan3A_4 step %scan3A_5  : i32 {
      %broadcast_in_dim3A = vector.broadcast %scan3A_66 : i32 to vector<16xi32>
      %add3A_67 = arith.constant 0 : i32
      %add3A_68 = vector.broadcast %add3A_67 : i32 to vector<16xi32>
      %add3A_69 = arith.addi %iota3A, %add3A_68 : vector<16xi32>
      %gather3A = tpu.vector_load_idx %arg7[%add3A_69, %broadcast_in_dim3A] : memref<128x50xi32, #tpu.memory_space<vmem>>[vector<16xi32>, vector<16xi32>], vector<16xi32>,
      %swap3A = arith.index_cast %scan3A_66 : i32 to index
      %swap3A_70 = arith.constant 0 : index
      %swap3A_71 = tpu.vector_load %arg8[%swap3A, %swap3A_70] {strides = array<i32>} : memref<50x128xi32, #tpu.memory_space<vmem>>, vector<16xi32>,
      tpu.vector_store %arg8[%swap3A, %swap3A_70], %gather3A {strides = array<i32>} : memref<50x128xi32, #tpu.memory_space<vmem>>, vector<16xi32>,
      %add3A_72 = arith.constant 16 : i32
      %add3A_73 = vector.broadcast %add3A_72 : i32 to vector<16xi32>
      %add3A_74 = arith.addi %iota3A, %add3A_73 : vector<16xi32>
      %gather3A_75 = tpu.vector_load_idx %arg7[%add3A_74, %broadcast_in_dim3A] : memref<128x50xi32, #tpu.memory_space<vmem>>[vector<16xi32>, vector<16xi32>], vector<16xi32>,
      %swap3A_76 = arith.index_cast %scan3A_66 : i32 to index
      %swap3A_77 = arith.constant 16 : index
      %swap3A_78 = tpu.vector_load %arg8[%swap3A_76, %swap3A_77] {strides = array<i32>} : memref<50x128xi32, #tpu.memory_space<vmem>>, vector<16xi32>,
      tpu.vector_store %arg8[%swap3A_76, %swap3A_77], %gather3A_75 {strides = array<i32>} : memref<50x128xi32, #tpu.memory_space<vmem>>, vector<16xi32>,
      %add3A_79 = arith.constant 32 : i32
      %add3A_80 = vector.broadcast %add3A_79 : i32 to vector<16xi32>
      %add3A_81 = arith.addi %iota3A, %add3A_80 : vector<16xi32>
      %gather3A_82 = tpu.vector_load_idx %arg7[%add3A_81, %broadcast_in_dim3A] : memref<128x50xi32, #tpu.memory_space<vmem>>[vector<16xi32>, vector<16xi32>], vector<16xi32>,
      %swap3A_83 = arith.index_cast %scan3A_66 : i32 to index
      %swap3A_84 = arith.constant 32 : index
      %swap3A_85 = tpu.vector_load %arg8[%swap3A_83, %swap3A_84] {strides = array<i32>} : memref<50x128xi32, #tpu.memory_space<vmem>>, vector<16xi32>,
      tpu.vector_store %arg8[%swap3A_83, %swap3A_84], %gather3A_82 {strides = array<i32>} : memref<50x128xi32, #tpu.memory_space<vmem>>, vector<16xi32>,
      %add3A_86 = arith.constant 48 : i32
      %add3A_87 = vector.broadcast %add3A_86 : i32 to vector<16xi32>
      %add3A_88 = arith.addi %iota3A, %add3A_87 : vector<16xi32>
      %gather3A_89 = tpu.vector_load_idx %arg7[%add3A_88, %broadcast_in_dim3A] : memref<128x50xi32, #tpu.memory_space<vmem>>[vector<16xi32>, vector<16xi32>], vector<16xi32>,
      %swap3A_90 = arith.index_cast %scan3A_66 : i32 to index
      %swap3A_91 = arith.constant 48 : index
      %swap3A_92 = tpu.vector_load %arg8[%swap3A_90, %swap3A_91] {strides = array<i32>} : memref<50x128xi32, #tpu.memory_space<vmem>>, vector<16xi32>,
      tpu.vector_store %arg8[%swap3A_90, %swap3A_91], %gather3A_89 {strides = array<i32>} : memref<50x128xi32, #tpu.memory_space<vmem>>, vector<16xi32>,
      %add3A_93 = arith.constant 64 : i32
      %add3A_94 = vector.broadcast %add3A_93 : i32 to vector<16xi32>
      %add3A_95 = arith.addi %iota3A, %add3A_94 : vector<16xi32>
      %gather3A_96 = tpu.vector_load_idx %arg7[%add3A_95, %broadcast_in_dim3A] : memref<128x50xi32, #tpu.memory_space<vmem>>[vector<16xi32>, vector<16xi32>], vector<16xi32>,
      %swap3A_97 = arith.index_cast %scan3A_66 : i32 to index
      %swap3A_98 = arith.constant 64 : index
      %swap3A_99 = tpu.vector_load %arg8[%swap3A_97, %swap3A_98] {strides = array<i32>} : memref<50x128xi32, #tpu.memory_space<vmem>>, vector<16xi32>,
      tpu.vector_store %arg8[%swap3A_97, %swap3A_98], %gather3A_96 {strides = array<i32>} : memref<50x128xi32, #tpu.memory_space<vmem>>, vector<16xi32>,
      %add3A_100 = arith.constant 80 : i32
      %add3A_101 = vector.broadcast %add3A_100 : i32 to vector<16xi32>
      %add3A_102 = arith.addi %iota3A, %add3A_101 : vector<16xi32>
      %gather3A_103 = tpu.vector_load_idx %arg7[%add3A_102, %broadcast_in_dim3A] : memref<128x50xi32, #tpu.memory_space<vmem>>[vector<16xi32>, vector<16xi32>], vector<16xi32>,
      %swap3A_104 = arith.index_cast %scan3A_66 : i32 to index
      %swap3A_105 = arith.constant 80 : index
      %swap3A_106 = tpu.vector_load %arg8[%swap3A_104, %swap3A_105] {strides = array<i32>} : memref<50x128xi32, #tpu.memory_space<vmem>>, vector<16xi32>,
      tpu.vector_store %arg8[%swap3A_104, %swap3A_105], %gather3A_103 {strides = array<i32>} : memref<50x128xi32, #tpu.memory_space<vmem>>, vector<16xi32>,
      %add3A_107 = arith.constant 96 : i32
      %add3A_108 = vector.broadcast %add3A_107 : i32 to vector<16xi32>
      %add3A_109 = arith.addi %iota3A, %add3A_108 : vector<16xi32>
      %gather3A_110 = tpu.vector_load_idx %arg7[%add3A_109, %broadcast_in_dim3A] : memref<128x50xi32, #tpu.memory_space<vmem>>[vector<16xi32>, vector<16xi32>], vector<16xi32>,
      %swap3A_111 = arith.index_cast %scan3A_66 : i32 to index
      %swap3A_112 = arith.constant 96 : index
      %swap3A_113 = tpu.vector_load %arg8[%swap3A_111, %swap3A_112] {strides = array<i32>} : memref<50x128xi32, #tpu.memory_space<vmem>>, vector<16xi32>,
      tpu.vector_store %arg8[%swap3A_111, %swap3A_112], %gather3A_110 {strides = array<i32>} : memref<50x128xi32, #tpu.memory_space<vmem>>, vector<16xi32>,
      %add3A_114 = arith.constant 112 : i32
      %add3A_115 = vector.broadcast %add3A_114 : i32 to vector<16xi32>
      %add3A_116 = arith.addi %iota3A, %add3A_115 : vector<16xi32>
      %gather3A_117 = tpu.vector_load_idx %arg7[%add3A_116, %broadcast_in_dim3A] : memref<128x50xi32, #tpu.memory_space<vmem>>[vector<16xi32>, vector<16xi32>], vector<16xi32>,
      %swap3A_118 = arith.index_cast %scan3A_66 : i32 to index
      %swap3A_119 = arith.constant 112 : index
      %swap3A_120 = tpu.vector_load %arg8[%swap3A_118, %swap3A_119] {strides = array<i32>} : memref<50x128xi32, #tpu.memory_space<vmem>>, vector<16xi32>,
      tpu.vector_store %arg8[%swap3A_118, %swap3A_119], %gather3A_117 {strides = array<i32>} : memref<50x128xi32, #tpu.memory_space<vmem>>, vector<16xi32>,
    }
    %scan3A_6 = arith.constant 50 : i32
    %dma_start3A = arith.constant 0 : i32
    %dma_start3A_7 = arith.constant 0 : i32
    %dma_start3A_8 = tpu.memref_slice %arg8[%dma_start3A, %dma_start3A_7] : memref<50x128xi32, #tpu.memory_space<vmem>> -> memref<1x128xi32, #tpu.memory_space<vmem>>
    %dma_start3A_9 = tpu.memref_squeeze %dma_start3A_8 : memref<1x128xi32, #tpu.memory_space<vmem>> -> memref<128xi32, #tpu.memory_space<vmem>>
    %dma_start3A_10 = arith.constant 0 : i32
    %dma_start3A_11 = arith.constant 0 : i32
    %dma_start3A_12 = tpu.memref_slice %arg4[%dma_start3A_10, %dma_start3A_11] : memref<100000x128xf32, #tpu.memory_space<hbm>> -> memref<100000x128xf32, #tpu.memory_space<hbm>>
    tpu.enqueue_indirect_dma source(%dma_start3A_12 : memref<100000x128xf32, #tpu.memory_space<hbm>>) target(%arg9 : memref<128x128xf32, #tpu.memory_space<vmem>>) offsets(%dma_start3A_9 : memref<128xi32, #tpu.memory_space<vmem>>) semaphore(%arg13 : memref<!tpu.dma_semaphore, #tpu.memory_space<semaphore_mem>>)
    %scan3A_13 = arith.constant 0 : i32
    %scan3A_14 = arith.constant 25 : i32
    %scan3A_15 = arith.addi %scan3A_13, %scan3A_14 : i32
    %scan3A_16 = arith.constant 1 : i32
    scf.for %scan3A_66 = %scan3A_13 to %scan3A_15 step %scan3A_16  : i32 {
      %mul3A_67 = arith.constant 2 : i32
      %mul3A_68 = arith.muli %mul3A_67, %scan3A_66 : i32
      %mul3A_69 = arith.constant 2 : i32
      %mul3A_70 = arith.muli %mul3A_69, %scan3A_66 : i32
      %add3A_71 = arith.constant 1 : i32
      %add3A_72 = arith.addi %mul3A_70, %add3A_71 : i32
      %dma_wait3A_73 = arith.constant 0 : i32
      %dma_wait3A_74 = tpu.memref_slice %arg8[%mul3A_68, %dma_wait3A_73] : memref<50x128xi32, #tpu.memory_space<vmem>> -> memref<1x128xi32, #tpu.memory_space<vmem>>
      %dma_wait3A_75 = tpu.memref_squeeze %dma_wait3A_74 : memref<1x128xi32, #tpu.memory_space<vmem>> -> memref<128xi32, #tpu.memory_space<vmem>>
      %dma_wait3A_76 = arith.constant 0 : i32
      %dma_wait3A_77 = arith.constant 0 : i32
      %dma_wait3A_78 = tpu.memref_slice %arg4[%dma_wait3A_76, %dma_wait3A_77] : memref<100000x128xf32, #tpu.memory_space<hbm>> -> memref<100000x128xf32, #tpu.memory_space<hbm>>
      tpu.wait_indirect_dma semaphore(%arg13 : memref<!tpu.dma_semaphore, #tpu.memory_space<semaphore_mem>>) src(%dma_wait3A_78 : memref<100000x128xf32, #tpu.memory_space<hbm>>) dst(%arg9 : memref<128x128xf32, #tpu.memory_space<vmem>>)
      %dma_start3A_79 = arith.constant 0 : i32
      %dma_start3A_80 = tpu.memref_slice %arg8[%add3A_72, %dma_start3A_79] : memref<50x128xi32, #tpu.memory_space<vmem>> -> memref<1x128xi32, #tpu.memory_space<vmem>>
      %dma_start3A_81 = tpu.memref_squeeze %dma_start3A_80 : memref<1x128xi32, #tpu.memory_space<vmem>> -> memref<128xi32, #tpu.memory_space<vmem>>
      %dma_start3A_82 = arith.constant 0 : i32
      %dma_start3A_83 = arith.constant 0 : i32
      %dma_start3A_84 = tpu.memref_slice %arg4[%dma_start3A_82, %dma_start3A_83] : memref<100000x128xf32, #tpu.memory_space<hbm>> -> memref<100000x128xf32, #tpu.memory_space<hbm>>
      tpu.enqueue_indirect_dma source(%dma_start3A_84 : memref<100000x128xf32, #tpu.memory_space<hbm>>) target(%arg10 : memref<128x128xf32, #tpu.memory_space<vmem>>) offsets(%dma_start3A_81 : memref<128xi32, #tpu.memory_space<vmem>>) semaphore(%arg14 : memref<!tpu.dma_semaphore, #tpu.memory_space<semaphore_mem>>)
      %gt3A = arith.constant 0 : i32
      %gt3A_85 = arith.cmpi sgt, %scan3A_66, %gt3A : i32
      %convert_element_type3A = arith.extui %gt3A_85 : i1 to i32
      %cond3A = arith.constant 0 : i32
      %cond3A_86 = arith.cmpi ne, %convert_element_type3A, %cond3A : i32
      scf.if %cond3A_86 {
        %dma_wait3A_126 = arith.constant 0 : i32
        %dma_wait3A_127 = arith.constant 0 : i32
        %dma_wait3A_128 = tpu.memref_slice %arg6[%dma_wait3A_126, %mul3A_68, %dma_wait3A_127, %multiple_of3A] : memref<2x50x64x4096xf32, #tpu.memory_space<hbm>> -> memref<1x1x64x128xf32, #tpu.memory_space<hbm>>
        %dma_wait3A_129 = tpu.memref_squeeze %dma_wait3A_128 : memref<1x1x64x128xf32, #tpu.memory_space<hbm>> -> memref<64x128xf32, #tpu.memory_space<hbm>>
        %dma_wait3A_130 = arith.constant 0 : i32
        %dma_wait3A_131 = tpu.memref_slice %arg6[%dma_wait3A_126, %mul3A_68, %dma_wait3A_130, %multiple_of3A] : memref<2x50x64x4096xf32, #tpu.memory_space<hbm>> -> memref<1x1x64x128xf32, #tpu.memory_space<hbm>>
        %dma_wait3A_132 = tpu.memref_squeeze %dma_wait3A_131 : memref<1x1x64x128xf32, #tpu.memory_space<hbm>> -> memref<64x128xf32, #tpu.memory_space<hbm>>
        tpu.wait_dma2 semaphore(%arg15 : memref<!tpu.dma_semaphore, #tpu.memory_space<semaphore_mem>>) src(%arg11 : memref<64x128xf32, #tpu.memory_space<vmem>>) dst(%dma_wait3A_132 : memref<64x128xf32, #tpu.memory_space<hbm>>)
      } else {
      }
      %scan3A_87 = arith.constant 0 : i32
      %scan3A_88 = arith.constant 32 : i32
      %scan3A_89 = arith.addi %scan3A_87, %scan3A_88 : i32
      %scan3A_90 = arith.constant 2 : i32
      scf.for %scan3A_126 = %scan3A_87 to %scan3A_89 step %scan3A_90  : i32 {
        %jit3A = arith.constant 4 : i32
        %div3A = arith.divsi %scan3A_126, %jit3A : i32
        %sign3A = arith.constant 0 : i32
        %sign3A_127 = arith.cmpi sgt, %scan3A_126, %sign3A : i32
        %sign3A_128 = arith.extui %sign3A_127 : i1 to i32
        %sign3A_129 = arith.constant 0 : i32
        %sign3A_130 = arith.cmpi slt, %scan3A_126, %sign3A_129 : i32
        %sign3A_131 = arith.extui %sign3A_130 : i1 to i32
        %sign3A_132 = arith.subi %sign3A_128, %sign3A_131 : i32
        %sign3A_133 = arith.constant 0 : i32
        %sign3A_134 = arith.cmpi sgt, %jit3A, %sign3A_133 : i32
        %sign3A_135 = arith.extui %sign3A_134 : i1 to i32
        %sign3A_136 = arith.constant 0 : i32
        %sign3A_137 = arith.cmpi slt, %jit3A, %sign3A_136 : i32
        %sign3A_138 = arith.extui %sign3A_137 : i1 to i32
        %sign3A_139 = arith.subi %sign3A_135, %sign3A_138 : i32
        %ne3A = arith.cmpi ne, %sign3A_132, %sign3A_139 : i32
        %rem3A = arith.remsi %scan3A_126, %jit3A : i32
        %ne3A_140 = arith.constant 0 : i32
        %ne3A_141 = arith.cmpi ne, %rem3A, %ne3A_140 : i32
        %and3A = arith.andi %ne3A, %ne3A_141 : i1
        %sub3A = arith.constant 1 : i32
        %sub3A_142 = arith.subi %div3A, %sub3A : i32
        %select_n3A = arith.select %and3A, %sub3A_142, %div3A : i32
        %mul3A_143 = arith.constant 16 : i32
        %mul3A_144 = arith.muli %select_n3A, %mul3A_143 : i32
        %jit3A_145 = arith.constant 4 : i32
        %eq3A = arith.constant 0 : i32
        %eq3A_146 = arith.cmpi eq, %jit3A_145, %eq3A : i32
        %jit3A_147 = arith.constant 1 : i32
        %select_n3A_148 = arith.select %eq3A_146, %jit3A_147, %jit3A_145 : i32
        %rem3A_149 = arith.remsi %scan3A_126, %select_n3A_148 : i32
        %ne3A_150 = arith.constant 0 : i32
        %ne3A_151 = arith.cmpi ne, %rem3A_149, %ne3A_150 : i32
        %lt3A_152 = arith.constant 0 : i32
        %lt3A_153 = arith.cmpi slt, %rem3A_149, %lt3A_152 : i32
        %lt3A_154 = arith.constant 0 : i32
        %lt3A_155 = arith.cmpi slt, %select_n3A_148, %lt3A_154 : i32
        %ne3A_156 = arith.xori %lt3A_153, %lt3A_155 : i1
        %and3A_157 = arith.andi %ne3A_156, %ne3A_151 : i1
        %add3A_158 = arith.addi %rem3A_149, %select_n3A_148 : i32
        %select_n3A_159 = arith.select %and3A_157, %add3A_158, %rem3A_149 : i32
        %mul3A_160 = arith.constant 16 : i32
        %mul3A_161 = arith.muli %select_n3A_159, %mul3A_160 : i32
        %add3A_162 = arith.constant 0 : i32
        %add3A_163 = vector.broadcast %add3A_162 : i32 to vector<16xi32>
        %add3A_164 = arith.addi %iota3A, %add3A_163 : vector<16xi32>
        %and3A_165 = arith.constant 15 : i32
        %and3A_166 = vector.broadcast %and3A_165 : i32 to vector<16xi32>
        %and3A_167 = arith.andi %add3A_164, %and3A_166 : vector<16xi32>
        %add3A_168 = vector.broadcast %mul3A_161 : i32 to vector<16xi32>
        %add3A_169 = arith.addi %and3A_167, %add3A_168 : vector<16xi32>
        %gather3A = arith.constant 0 : i32
        %gather3A_170 = tpu.memref_slice %arg9[%mul3A_144, %gather3A] : memref<128x128xf32, #tpu.memory_space<vmem>> -> memref<16x128xf32, #tpu.memory_space<vmem>>
        %gather3A_171 = tpu.vector_load_idx %gather3A_170[%iota3A, %add3A_169] : memref<16x128xf32, #tpu.memory_space<vmem>>[vector<16xi32>, vector<16xi32>], vector<16xf32>,
        %add3A_172 = vector.broadcast %mul3A_144 : i32 to vector<16xi32>
        %add3A_173 = arith.addi %iota3A, %add3A_172 : vector<16xi32>
        %scatter3A = arith.constant 0 : i32
        %scatter3A_174 = tpu.memref_slice %arg11[%mul3A_161, %scatter3A] : memref<64x128xf32, #tpu.memory_space<vmem>> -> memref<16x128xf32, #tpu.memory_space<vmem>>
        tpu.vector_store_idx %scatter3A_174[%and3A_167, %add3A_173], %gather3A_171 : memref<16x128xf32, #tpu.memory_space<vmem>>[vector<16xi32>, vector<16xi32>], vector<16xf32>,
        %add3A_175 = arith.constant 1 : i32
        %add3A_176 = vector.broadcast %add3A_175 : i32 to vector<16xi32>
        %add3A_177 = arith.addi %iota3A, %add3A_176 : vector<16xi32>
        %and3A_178 = arith.constant 15 : i32
        %and3A_179 = vector.broadcast %and3A_178 : i32 to vector<16xi32>
        %and3A_180 = arith.andi %add3A_177, %and3A_179 : vector<16xi32>
        %add3A_181 = vector.broadcast %mul3A_161 : i32 to vector<16xi32>
        %add3A_182 = arith.addi %and3A_180, %add3A_181 : vector<16xi32>
        %gather3A_183 = arith.constant 0 : i32
        %gather3A_184 = tpu.memref_slice %arg9[%mul3A_144, %gather3A_183] : memref<128x128xf32, #tpu.memory_space<vmem>> -> memref<16x128xf32, #tpu.memory_space<vmem>>
        %gather3A_185 = tpu.vector_load_idx %gather3A_184[%iota3A, %add3A_182] : memref<16x128xf32, #tpu.memory_space<vmem>>[vector<16xi32>, vector<16xi32>], vector<16xf32>,
        %add3A_186 = vector.broadcast %mul3A_144 : i32 to vector<16xi32>
        %add3A_187 = arith.addi %iota3A, %add3A_186 : vector<16xi32>
        %scatter3A_188 = arith.constant 0 : i32
        %scatter3A_189 = tpu.memref_slice %arg11[%mul3A_161, %scatter3A_188] : memref<64x128xf32, #tpu.memory_space<vmem>> -> memref<16x128xf32, #tpu.memory_space<vmem>>
        tpu.vector_store_idx %scatter3A_189[%and3A_180, %add3A_187], %gather3A_185 : memref<16x128xf32, #tpu.memory_space<vmem>>[vector<16xi32>, vector<16xi32>], vector<16xf32>,
        %add3A_190 = arith.constant 2 : i32
        %add3A_191 = vector.broadcast %add3A_190 : i32 to vector<16xi32>
        %add3A_192 = arith.addi %iota3A, %add3A_191 : vector<16xi32>
        %and3A_193 = arith.constant 15 : i32
        %and3A_194 = vector.broadcast %and3A_193 : i32 to vector<16xi32>
        %and3A_195 = arith.andi %add3A_192, %and3A_194 : vector<16xi32>
        %add3A_196 = vector.broadcast %mul3A_161 : i32 to vector<16xi32>
        %add3A_197 = arith.addi %and3A_195, %add3A_196 : vector<16xi32>
        %gather3A_198 = arith.constant 0 : i32
        %gather3A_199 = tpu.memref_slice %arg9[%mul3A_144, %gather3A_198] : memref<128x128xf32, #tpu.memory_space<vmem>> -> memref<16x128xf32, #tpu.memory_space<vmem>>
        %gather3A_200 = tpu.vector_load_idx %gather3A_199[%iota3A, %add3A_197] : memref<16x128xf32, #tpu.memory_space<vmem>>[vector<16xi32>, vector<16xi32>], vector<16xf32>,
        %add3A_201 = vector.broadcast %mul3A_144 : i32 to vector<16xi32>
        %add3A_202 = arith.addi %iota3A, %add3A_201 : vector<16xi32>
        %scatter3A_203 = arith.constant 0 : i32
        %scatter3A_204 = tpu.memref_slice %arg11[%mul3A_161, %scatter3A_203] : memref<64x128xf32, #tpu.memory_space<vmem>> -> memref<16x128xf32, #tpu.memory_space<vmem>>
        tpu.vector_store_idx %scatter3A_204[%and3A_195, %add3A_202], %gather3A_200 : memref<16x128xf32, #tpu.memory_space<vmem>>[vector<16xi32>, vector<16xi32>], vector<16xf32>,
        %add3A_205 = arith.constant 3 : i32
        %add3A_206 = vector.broadcast %add3A_205 : i32 to vector<16xi32>
        %add3A_207 = arith.addi %iota3A, %add3A_206 : vector<16xi32>
        %and3A_208 = arith.constant 15 : i32
        %and3A_209 = vector.broadcast %and3A_208 : i32 to vector<16xi32>
        %and3A_210 = arith.andi %add3A_207, %and3A_209 : vector<16xi32>
        %add3A_211 = vector.broadcast %mul3A_161 : i32 to vector<16xi32>
        %add3A_212 = arith.addi %and3A_210, %add3A_211 : vector<16xi32>
        %gather3A_213 = arith.constant 0 : i32
        %gather3A_214 = tpu.memref_slice %arg9[%mul3A_144, %gather3A_213] : memref<128x128xf32, #tpu.memory_space<vmem>> -> memref<16x128xf32, #tpu.memory_space<vmem>>
        %gather3A_215 = tpu.vector_load_idx %gather3A_214[%iota3A, %add3A_212] : memref<16x128xf32, #tpu.memory_space<vmem>>[vector<16xi32>, vector<16xi32>], vector<16xf32>,
        %add3A_216 = vector.broadcast %mul3A_144 : i32 to vector<16xi32>
        %add3A_217 = arith.addi %iota3A, %add3A_216 : vector<16xi32>
        %scatter3A_218 = arith.constant 0 : i32
        %scatter3A_219 = tpu.memref_slice %arg11[%mul3A_161, %scatter3A_218] : memref<64x128xf32, #tpu.memory_space<vmem>> -> memref<16x128xf32, #tpu.memory_space<vmem>>
        tpu.vector_store_idx %scatter3A_219[%and3A_210, %add3A_217], %gather3A_215 : memref<16x128xf32, #tpu.memory_space<vmem>>[vector<16xi32>, vector<16xi32>], vector<16xf32>,
        %add3A_220 = arith.constant 4 : i32
        %add3A_221 = vector.broadcast %add3A_220 : i32 to vector<16xi32>
        %add3A_222 = arith.addi %iota3A, %add3A_221 : vector<16xi32>
        %and3A_223 = arith.constant 15 : i32
        %and3A_224 = vector.broadcast %and3A_223 : i32 to vector<16xi32>
        %and3A_225 = arith.andi %add3A_222, %and3A_224 : vector<16xi32>
        %add3A_226 = vector.broadcast %mul3A_161 : i32 to vector<16xi32>
        %add3A_227 = arith.addi %and3A_225, %add3A_226 : vector<16xi32>
        %gather3A_228 = arith.constant 0 : i32
        %gather3A_229 = tpu.memref_slice %arg9[%mul3A_144, %gather3A_228] : memref<128x128xf32, #tpu.memory_space<vmem>> -> memref<16x128xf32, #tpu.memory_space<vmem>>
        %gather3A_230 = tpu.vector_load_idx %gather3A_229[%iota3A, %add3A_227] : memref<16x128xf32, #tpu.memory_space<vmem>>[vector<16xi32>, vector<16xi32>], vector<16xf32>,
        %add3A_231 = vector.broadcast %mul3A_144 : i32 to vector<16xi32>
        %add3A_232 = arith.addi %iota3A, %add3A_231 : vector<16xi32>
        %scatter3A_233 = arith.constant 0 : i32
        %scatter3A_234 = tpu.memref_slice %arg11[%mul3A_161, %scatter3A_233] : memref<64x128xf32, #tpu.memory_space<vmem>> -> memref<16x128xf32, #tpu.memory_space<vmem>>
        tpu.vector_store_idx %scatter3A_234[%and3A_225, %add3A_232], %gather3A_230 : memref<16x128xf32, #tpu.memory_space<vmem>>[vector<16xi32>, vector<16xi32>], vector<16xf32>,
        %add3A_235 = arith.constant 5 : i32
        %add3A_236 = vector.broadcast %add3A_235 : i32 to vector<16xi32>
        %add3A_237 = arith.addi %iota3A, %add3A_236 : vector<16xi32>
        %and3A_238 = arith.constant 15 : i32
        %and3A_239 = vector.broadcast %and3A_238 : i32 to vector<16xi32>
        %and3A_240 = arith.andi %add3A_237, %and3A_239 : vector<16xi32>
        %add3A_241 = vector.broadcast %mul3A_161 : i32 to vector<16xi32>
        %add3A_242 = arith.addi %and3A_240, %add3A_241 : vector<16xi32>
        %gather3A_243 = arith.constant 0 : i32
        %gather3A_244 = tpu.memref_slice %arg9[%mul3A_144, %gather3A_243] : memref<128x128xf32, #tpu.memory_space<vmem>> -> memref<16x128xf32, #tpu.memory_space<vmem>>
        %gather3A_245 = tpu.vector_load_idx %gather3A_244[%iota3A, %add3A_242] : memref<16x128xf32, #tpu.memory_space<vmem>>[vector<16xi32>, vector<16xi32>], vector<16xf32>,
        %add3A_246 = vector.broadcast %mul3A_144 : i32 to vector<16xi32>
        %add3A_247 = arith.addi %iota3A, %add3A_246 : vector<16xi32>
        %scatter3A_248 = arith.constant 0 : i32
        %scatter3A_249 = tpu.memref_slice %arg11[%mul3A_161, %scatter3A_248] : memref<64x128xf32, #tpu.memory_space<vmem>> -> memref<16x128xf32, #tpu.memory_space<vmem>>
        tpu.vector_store_idx %scatter3A_249[%and3A_240, %add3A_247], %gather3A_245 : memref<16x128xf32, #tpu.memory_space<vmem>>[vector<16xi32>, vector<16xi32>], vector<16xf32>,
        %add3A_250 = arith.constant 6 : i32
        %add3A_251 = vector.broadcast %add3A_250 : i32 to vector<16xi32>
        %add3A_252 = arith.addi %iota3A, %add3A_251 : vector<16xi32>
        %and3A_253 = arith.constant 15 : i32
        %and3A_254 = vector.broadcast %and3A_253 : i32 to vector<16xi32>
        %and3A_255 = arith.andi %add3A_252, %and3A_254 : vector<16xi32>
        %add3A_256 = vector.broadcast %mul3A_161 : i32 to vector<16xi32>
        %add3A_257 = arith.addi %and3A_255, %add3A_256 : vector<16xi32>
        %gather3A_258 = arith.constant 0 : i32
        %gather3A_259 = tpu.memref_slice %arg9[%mul3A_144, %gather3A_258] : memref<128x128xf32, #tpu.memory_space<vmem>> -> memref<16x128xf32, #tpu.memory_space<vmem>>
        %gather3A_260 = tpu.vector_load_idx %gather3A_259[%iota3A, %add3A_257] : memref<16x128xf32, #tpu.memory_space<vmem>>[vector<16xi32>, vector<16xi32>], vector<16xf32>,
        %add3A_261 = vector.broadcast %mul3A_144 : i32 to vector<16xi32>
        %add3A_262 = arith.addi %iota3A, %add3A_261 : vector<16xi32>
        %scatter3A_263 = arith.constant 0 : i32
        %scatter3A_264 = tpu.memref_slice %arg11[%mul3A_161, %scatter3A_263] : memref<64x128xf32, #tpu.memory_space<vmem>> -> memref<16x128xf32, #tpu.memory_space<vmem>>
        tpu.vector_store_idx %scatter3A_264[%and3A_255, %add3A_262], %gather3A_260 : memref<16x128xf32, #tpu.memory_space<vmem>>[vector<16xi32>, vector<16xi32>], vector<16xf32>,
        %add3A_265 = arith.constant 7 : i32
        %add3A_266 = vector.broadcast %add3A_265 : i32 to vector<16xi32>
        %add3A_267 = arith.addi %iota3A, %add3A_266 : vector<16xi32>
        %and3A_268 = arith.constant 15 : i32
        %and3A_269 = vector.broadcast %and3A_268 : i32 to vector<16xi32>
        %and3A_270 = arith.andi %add3A_267, %and3A_269 : vector<16xi32>
        %add3A_271 = vector.broadcast %mul3A_161 : i32 to vector<16xi32>
        %add3A_272 = arith.addi %and3A_270, %add3A_271 : vector<16xi32>
        %gather3A_273 = arith.constant 0 : i32
        %gather3A_274 = tpu.memref_slice %arg9[%mul3A_144, %gather3A_273] : memref<128x128xf32, #tpu.memory_space<vmem>> -> memref<16x128xf32, #tpu.memory_space<vmem>>
        %gather3A_275 = tpu.vector_load_idx %gather3A_274[%iota3A, %add3A_272] : memref<16x128xf32, #tpu.memory_space<vmem>>[vector<16xi32>, vector<16xi32>], vector<16xf32>,
        %add3A_276 = vector.broadcast %mul3A_144 : i32 to vector<16xi32>
        %add3A_277 = arith.addi %iota3A, %add3A_276 : vector<16xi32>
        %scatter3A_278 = arith.constant 0 : i32
        %scatter3A_279 = tpu.memref_slice %arg11[%mul3A_161, %scatter3A_278] : memref<64x128xf32, #tpu.memory_space<vmem>> -> memref<16x128xf32, #tpu.memory_space<vmem>>
        tpu.vector_store_idx %scatter3A_279[%and3A_270, %add3A_277], %gather3A_275 : memref<16x128xf32, #tpu.memory_space<vmem>>[vector<16xi32>, vector<16xi32>], vector<16xf32>,
        %add3A_280 = arith.constant 8 : i32
        %add3A_281 = vector.broadcast %add3A_280 : i32 to vector<16xi32>
        %add3A_282 = arith.addi %iota3A, %add3A_281 : vector<16xi32>
        %and3A_283 = arith.constant 15 : i32
        %and3A_284 = vector.broadcast %and3A_283 : i32 to vector<16xi32>
        %and3A_285 = arith.andi %add3A_282, %and3A_284 : vector<16xi32>
        %add3A_286 = vector.broadcast %mul3A_161 : i32 to vector<16xi32>
        %add3A_287 = arith.addi %and3A_285, %add3A_286 : vector<16xi32>
        %gather3A_288 = arith.constant 0 : i32
        %gather3A_289 = tpu.memref_slice %arg9[%mul3A_144, %gather3A_288] : memref<128x128xf32, #tpu.memory_space<vmem>> -> memref<16x128xf32, #tpu.memory_space<vmem>>
        %gather3A_290 = tpu.vector_load_idx %gather3A_289[%iota3A, %add3A_287] : memref<16x128xf32, #tpu.memory_space<vmem>>[vector<16xi32>, vector<16xi32>], vector<16xf32>,
        %add3A_291 = vector.broadcast %mul3A_144 : i32 to vector<16xi32>
        %add3A_292 = arith.addi %iota3A, %add3A_291 : vector<16xi32>
        %scatter3A_293 = arith.constant 0 : i32
        %scatter3A_294 = tpu.memref_slice %arg11[%mul3A_161, %scatter3A_293] : memref<64x128xf32, #tpu.memory_space<vmem>> -> memref<16x128xf32, #tpu.memory_space<vmem>>
        tpu.vector_store_idx %scatter3A_294[%and3A_285, %add3A_292], %gather3A_290 : memref<16x128xf32, #tpu.memory_space<vmem>>[vector<16xi32>, vector<16xi32>], vector<16xf32>,
        %add3A_295 = arith.constant 9 : i32
        %add3A_296 = vector.broadcast %add3A_295 : i32 to vector<16xi32>
        %add3A_297 = arith.addi %iota3A, %add3A_296 : vector<16xi32>
        %and3A_298 = arith.constant 15 : i32
        %and3A_299 = vector.broadcast %and3A_298 : i32 to vector<16xi32>
        %and3A_300 = arith.andi %add3A_297, %and3A_299 : vector<16xi32>
        %add3A_301 = vector.broadcast %mul3A_161 : i32 to vector<16xi32>
        %add3A_302 = arith.addi %and3A_300, %add3A_301 : vector<16xi32>
        %gather3A_303 = arith.constant 0 : i32
        %gather3A_304 = tpu.memref_slice %arg9[%mul3A_144, %gather3A_303] : memref<128x128xf32, #tpu.memory_space<vmem>> -> memref<16x128xf32, #tpu.memory_space<vmem>>
        %gather3A_305 = tpu.vector_load_idx %gather3A_304[%iota3A, %add3A_302] : memref<16x128xf32, #tpu.memory_space<vmem>>[vector<16xi32>, vector<16xi32>], vector<16xf32>,
        %add3A_306 = vector.broadcast %mul3A_144 : i32 to vector<16xi32>
        %add3A_307 = arith.addi %iota3A, %add3A_306 : vector<16xi32>
        %scatter3A_308 = arith.constant 0 : i32
        %scatter3A_309 = tpu.memref_slice %arg11[%mul3A_161, %scatter3A_308] : memref<64x128xf32, #tpu.memory_space<vmem>> -> memref<16x128xf32, #tpu.memory_space<vmem>>
        tpu.vector_store_idx %scatter3A_309[%and3A_300, %add3A_307], %gather3A_305 : memref<16x128xf32, #tpu.memory_space<vmem>>[vector<16xi32>, vector<16xi32>], vector<16xf32>,
        %add3A_310 = arith.constant 10 : i32
        %add3A_311 = vector.broadcast %add3A_310 : i32 to vector<16xi32>
        %add3A_312 = arith.addi %iota3A, %add3A_311 : vector<16xi32>
        %and3A_313 = arith.constant 15 : i32
        %and3A_314 = vector.broadcast %and3A_313 : i32 to vector<16xi32>
        %and3A_315 = arith.andi %add3A_312, %and3A_314 : vector<16xi32>
        %add3A_316 = vector.broadcast %mul3A_161 : i32 to vector<16xi32>
        %add3A_317 = arith.addi %and3A_315, %add3A_316 : vector<16xi32>
        %gather3A_318 = arith.constant 0 : i32
        %gather3A_319 = tpu.memref_slice %arg9[%mul3A_144, %gather3A_318] : memref<128x128xf32, #tpu.memory_space<vmem>> -> memref<16x128xf32, #tpu.memory_space<vmem>>
        %gather3A_320 = tpu.vector_load_idx %gather3A_319[%iota3A, %add3A_317] : memref<16x128xf32, #tpu.memory_space<vmem>>[vector<16xi32>, vector<16xi32>], vector<16xf32>,
        %add3A_321 = vector.broadcast %mul3A_144 : i32 to vector<16xi32>
        %add3A_322 = arith.addi %iota3A, %add3A_321 : vector<16xi32>
        %scatter3A_323 = arith.constant 0 : i32
        %scatter3A_324 = tpu.memref_slice %arg11[%mul3A_161, %scatter3A_323] : memref<64x128xf32, #tpu.memory_space<vmem>> -> memref<16x128xf32, #tpu.memory_space<vmem>>
        tpu.vector_store_idx %scatter3A_324[%and3A_315, %add3A_322], %gather3A_320 : memref<16x128xf32, #tpu.memory_space<vmem>>[vector<16xi32>, vector<16xi32>], vector<16xf32>,
        %add3A_325 = arith.constant 11 : i32
        %add3A_326 = vector.broadcast %add3A_325 : i32 to vector<16xi32>
        %add3A_327 = arith.addi %iota3A, %add3A_326 : vector<16xi32>
        %and3A_328 = arith.constant 15 : i32
        %and3A_329 = vector.broadcast %and3A_328 : i32 to vector<16xi32>
        %and3A_330 = arith.andi %add3A_327, %and3A_329 : vector<16xi32>
        %add3A_331 = vector.broadcast %mul3A_161 : i32 to vector<16xi32>
        %add3A_332 = arith.addi %and3A_330, %add3A_331 : vector<16xi32>
        %gather3A_333 = arith.constant 0 : i32
        %gather3A_334 = tpu.memref_slice %arg9[%mul3A_144, %gather3A_333] : memref<128x128xf32, #tpu.memory_space<vmem>> -> memref<16x128xf32, #tpu.memory_space<vmem>>
        %gather3A_335 = tpu.vector_load_idx %gather3A_334[%iota3A, %add3A_332] : memref<16x128xf32, #tpu.memory_space<vmem>>[vector<16xi32>, vector<16xi32>], vector<16xf32>,
        %add3A_336 = vector.broadcast %mul3A_144 : i32 to vector<16xi32>
        %add3A_337 = arith.addi %iota3A, %add3A_336 : vector<16xi32>
        %scatter3A_338 = arith.constant 0 : i32
        %scatter3A_339 = tpu.memref_slice %arg11[%mul3A_161, %scatter3A_338] : memref<64x128xf32, #tpu.memory_space<vmem>> -> memref<16x128xf32, #tpu.memory_space<vmem>>
        tpu.vector_store_idx %scatter3A_339[%and3A_330, %add3A_337], %gather3A_335 : memref<16x128xf32, #tpu.memory_space<vmem>>[vector<16xi32>, vector<16xi32>], vector<16xf32>,
        %add3A_340 = arith.constant 12 : i32
        %add3A_341 = vector.broadcast %add3A_340 : i32 to vector<16xi32>
        %add3A_342 = arith.addi %iota3A, %add3A_341 : vector<16xi32>
        %and3A_343 = arith.constant 15 : i32
        %and3A_344 = vector.broadcast %and3A_343 : i32 to vector<16xi32>
        %and3A_345 = arith.andi %add3A_342, %and3A_344 : vector<16xi32>
        %add3A_346 = vector.broadcast %mul3A_161 : i32 to vector<16xi32>
        %add3A_347 = arith.addi %and3A_345, %add3A_346 : vector<16xi32>
        %gather3A_348 = arith.constant 0 : i32
        %gather3A_349 = tpu.memref_slice %arg9[%mul3A_144, %gather3A_348] : memref<128x128xf32, #tpu.memory_space<vmem>> -> memref<16x128xf32, #tpu.memory_space<vmem>>
        %gather3A_350 = tpu.vector_load_idx %gather3A_349[%iota3A, %add3A_347] : memref<16x128xf32, #tpu.memory_space<vmem>>[vector<16xi32>, vector<16xi32>], vector<16xf32>,
        %add3A_351 = vector.broadcast %mul3A_144 : i32 to vector<16xi32>
        %add3A_352 = arith.addi %iota3A, %add3A_351 : vector<16xi32>
        %scatter3A_353 = arith.constant 0 : i32
        %scatter3A_354 = tpu.memref_slice %arg11[%mul3A_161, %scatter3A_353] : memref<64x128xf32, #tpu.memory_space<vmem>> -> memref<16x128xf32, #tpu.memory_space<vmem>>
        tpu.vector_store_idx %scatter3A_354[%and3A_345, %add3A_352], %gather3A_350 : memref<16x128xf32, #tpu.memory_space<vmem>>[vector<16xi32>, vector<16xi32>], vector<16xf32>,
        %add3A_355 = arith.constant 13 : i32
        %add3A_356 = vector.broadcast %add3A_355 : i32 to vector<16xi32>
        %add3A_357 = arith.addi %iota3A, %add3A_356 : vector<16xi32>
        %and3A_358 = arith.constant 15 : i32
        %and3A_359 = vector.broadcast %and3A_358 : i32 to vector<16xi32>
        %and3A_360 = arith.andi %add3A_357, %and3A_359 : vector<16xi32>
        %add3A_361 = vector.broadcast %mul3A_161 : i32 to vector<16xi32>
        %add3A_362 = arith.addi %and3A_360, %add3A_361 : vector<16xi32>
        %gather3A_363 = arith.constant 0 : i32
        %gather3A_364 = tpu.memref_slice %arg9[%mul3A_144, %gather3A_363] : memref<128x128xf32, #tpu.memory_space<vmem>> -> memref<16x128xf32, #tpu.memory_space<vmem>>
        %gather3A_365 = tpu.vector_load_idx %gather3A_364[%iota3A, %add3A_362] : memref<16x128xf32, #tpu.memory_space<vmem>>[vector<16xi32>, vector<16xi32>], vector<16xf32>,
        %add3A_366 = vector.broadcast %mul3A_144 : i32 to vector<16xi32>
        %add3A_367 = arith.addi %iota3A, %add3A_366 : vector<16xi32>
        %scatter3A_368 = arith.constant 0 : i32
        %scatter3A_369 = tpu.memref_slice %arg11[%mul3A_161, %scatter3A_368] : memref<64x128xf32, #tpu.memory_space<vmem>> -> memref<16x128xf32, #tpu.memory_space<vmem>>
        tpu.vector_store_idx %scatter3A_369[%and3A_360, %add3A_367], %gather3A_365 : memref<16x128xf32, #tpu.memory_space<vmem>>[vector<16xi32>, vector<16xi32>], vector<16xf32>,
        %add3A_370 = arith.constant 14 : i32
        %add3A_371 = vector.broadcast %add3A_370 : i32 to vector<16xi32>
        %add3A_372 = arith.addi %iota3A, %add3A_371 : vector<16xi32>
        %and3A_373 = arith.constant 15 : i32
        %and3A_374 = vector.broadcast %and3A_373 : i32 to vector<16xi32>
        %and3A_375 = arith.andi %add3A_372, %and3A_374 : vector<16xi32>
        %add3A_376 = vector.broadcast %mul3A_161 : i32 to vector<16xi32>
        %add3A_377 = arith.addi %and3A_375, %add3A_376 : vector<16xi32>
        %gather3A_378 = arith.constant 0 : i32
        %gather3A_379 = tpu.memref_slice %arg9[%mul3A_144, %gather3A_378] : memref<128x128xf32, #tpu.memory_space<vmem>> -> memref<16x128xf32, #tpu.memory_space<vmem>>
        %gather3A_380 = tpu.vector_load_idx %gather3A_379[%iota3A, %add3A_377] : memref<16x128xf32, #tpu.memory_space<vmem>>[vector<16xi32>, vector<16xi32>], vector<16xf32>,
        %add3A_381 = vector.broadcast %mul3A_144 : i32 to vector<16xi32>
        %add3A_382 = arith.addi %iota3A, %add3A_381 : vector<16xi32>
        %scatter3A_383 = arith.constant 0 : i32
        %scatter3A_384 = tpu.memref_slice %arg11[%mul3A_161, %scatter3A_383] : memref<64x128xf32, #tpu.memory_space<vmem>> -> memref<16x128xf32, #tpu.memory_space<vmem>>
        tpu.vector_store_idx %scatter3A_384[%and3A_375, %add3A_382], %gather3A_380 : memref<16x128xf32, #tpu.memory_space<vmem>>[vector<16xi32>, vector<16xi32>], vector<16xf32>,
        %add3A_385 = arith.constant 15 : i32
        %add3A_386 = vector.broadcast %add3A_385 : i32 to vector<16xi32>
        %add3A_387 = arith.addi %iota3A, %add3A_386 : vector<16xi32>
        %and3A_388 = arith.constant 15 : i32
        %and3A_389 = vector.broadcast %and3A_388 : i32 to vector<16xi32>
        %and3A_390 = arith.andi %add3A_387, %and3A_389 : vector<16xi32>
        %add3A_391 = vector.broadcast %mul3A_161 : i32 to vector<16xi32>
        %add3A_392 = arith.addi %and3A_390, %add3A_391 : vector<16xi32>
        %gather3A_393 = arith.constant 0 : i32
        %gather3A_394 = tpu.memref_slice %arg9[%mul3A_144, %gather3A_393] : memref<128x128xf32, #tpu.memory_space<vmem>> -> memref<16x128xf32, #tpu.memory_space<vmem>>
        %gather3A_395 = tpu.vector_load_idx %gather3A_394[%iota3A, %add3A_392] : memref<16x128xf32, #tpu.memory_space<vmem>>[vector<16xi32>, vector<16xi32>], vector<16xf32>,
        %add3A_396 = vector.broadcast %mul3A_144 : i32 to vector<16xi32>
        %add3A_397 = arith.addi %iota3A, %add3A_396 : vector<16xi32>
        %scatter3A_398 = arith.constant 0 : i32
        %scatter3A_399 = tpu.memref_slice %arg11[%mul3A_161, %scatter3A_398] : memref<64x128xf32, #tpu.memory_space<vmem>> -> memref<16x128xf32, #tpu.memory_space<vmem>>
        tpu.vector_store_idx %scatter3A_399[%and3A_390, %add3A_397], %gather3A_395 : memref<16x128xf32, #tpu.memory_space<vmem>>[vector<16xi32>, vector<16xi32>], vector<16xf32>,
        %scan3A_400 = arith.constant 1 : i32
        %scan3A_401 = arith.addi %scan3A_126, %scan3A_400 : i32
        %jit3A_402 = arith.constant 4 : i32
        %div3A_403 = arith.divsi %scan3A_401, %jit3A_402 : i32
        %sign3A_404 = arith.constant 0 : i32
        %sign3A_405 = arith.cmpi sgt, %scan3A_401, %sign3A_404 : i32
        %sign3A_406 = arith.extui %sign3A_405 : i1 to i32
        %sign3A_407 = arith.constant 0 : i32
        %sign3A_408 = arith.cmpi slt, %scan3A_401, %sign3A_407 : i32
        %sign3A_409 = arith.extui %sign3A_408 : i1 to i32
        %sign3A_410 = arith.subi %sign3A_406, %sign3A_409 : i32
        %sign3A_411 = arith.constant 0 : i32
        %sign3A_412 = arith.cmpi sgt, %jit3A_402, %sign3A_411 : i32
        %sign3A_413 = arith.extui %sign3A_412 : i1 to i32
        %sign3A_414 = arith.constant 0 : i32
        %sign3A_415 = arith.cmpi slt, %jit3A_402, %sign3A_414 : i32
        %sign3A_416 = arith.extui %sign3A_415 : i1 to i32
        %sign3A_417 = arith.subi %sign3A_413, %sign3A_416 : i32
        %ne3A_418 = arith.cmpi ne, %sign3A_410, %sign3A_417 : i32
        %rem3A_419 = arith.remsi %scan3A_401, %jit3A_402 : i32
        %ne3A_420 = arith.constant 0 : i32
        %ne3A_421 = arith.cmpi ne, %rem3A_419, %ne3A_420 : i32
        %and3A_422 = arith.andi %ne3A_418, %ne3A_421 : i1
        %sub3A_423 = arith.constant 1 : i32
        %sub3A_424 = arith.subi %div3A_403, %sub3A_423 : i32
        %select_n3A_425 = arith.select %and3A_422, %sub3A_424, %div3A_403 : i32
        %mul3A_426 = arith.constant 16 : i32
        %mul3A_427 = arith.muli %select_n3A_425, %mul3A_426 : i32
        %jit3A_428 = arith.constant 4 : i32
        %eq3A_429 = arith.constant 0 : i32
        %eq3A_430 = arith.cmpi eq, %jit3A_428, %eq3A_429 : i32
        %jit3A_431 = arith.constant 1 : i32
        %select_n3A_432 = arith.select %eq3A_430, %jit3A_431, %jit3A_428 : i32
        %rem3A_433 = arith.remsi %scan3A_401, %select_n3A_432 : i32
        %ne3A_434 = arith.constant 0 : i32
        %ne3A_435 = arith.cmpi ne, %rem3A_433, %ne3A_434 : i32
        %lt3A_436 = arith.constant 0 : i32
        %lt3A_437 = arith.cmpi slt, %rem3A_433, %lt3A_436 : i32
        %lt3A_438 = arith.constant 0 : i32
        %lt3A_439 = arith.cmpi slt, %select_n3A_432, %lt3A_438 : i32
        %ne3A_440 = arith.xori %lt3A_437, %lt3A_439 : i1
        %and3A_441 = arith.andi %ne3A_440, %ne3A_435 : i1
        %add3A_442 = arith.addi %rem3A_433, %select_n3A_432 : i32
        %select_n3A_443 = arith.select %and3A_441, %add3A_442, %rem3A_433 : i32
        %mul3A_444 = arith.constant 16 : i32
        %mul3A_445 = arith.muli %select_n3A_443, %mul3A_444 : i32
        %add3A_446 = arith.constant 0 : i32
        %add3A_447 = vector.broadcast %add3A_446 : i32 to vector<16xi32>
        %add3A_448 = arith.addi %iota3A, %add3A_447 : vector<16xi32>
        %and3A_449 = arith.constant 15 : i32
        %and3A_450 = vector.broadcast %and3A_449 : i32 to vector<16xi32>
        %and3A_451 = arith.andi %add3A_448, %and3A_450 : vector<16xi32>
        %add3A_452 = vector.broadcast %mul3A_445 : i32 to vector<16xi32>
        %add3A_453 = arith.addi %and3A_451, %add3A_452 : vector<16xi32>
        %gather3A_454 = arith.constant 0 : i32
        %gather3A_455 = tpu.memref_slice %arg9[%mul3A_427, %gather3A_454] : memref<128x128xf32, #tpu.memory_space<vmem>> -> memref<16x128xf32, #tpu.memory_space<vmem>>
        %gather3A_456 = tpu.vector_load_idx %gather3A_455[%iota3A, %add3A_453] : memref<16x128xf32, #tpu.memory_space<vmem>>[vector<16xi32>, vector<16xi32>], vector<16xf32>,
        %add3A_457 = vector.broadcast %mul3A_427 : i32 to vector<16xi32>
        %add3A_458 = arith.addi %iota3A, %add3A_457 : vector<16xi32>
        %scatter3A_459 = arith.constant 0 : i32
        %scatter3A_460 = tpu.memref_slice %arg11[%mul3A_445, %scatter3A_459] : memref<64x128xf32, #tpu.memory_space<vmem>> -> memref<16x128xf32, #tpu.memory_space<vmem>>
        tpu.vector_store_idx %scatter3A_460[%and3A_451, %add3A_458], %gather3A_456 : memref<16x128xf32, #tpu.memory_space<vmem>>[vector<16xi32>, vector<16xi32>], vector<16xf32>,
        %add3A_461 = arith.constant 1 : i32
        %add3A_462 = vector.broadcast %add3A_461 : i32 to vector<16xi32>
        %add3A_463 = arith.addi %iota3A, %add3A_462 : vector<16xi32>
        %and3A_464 = arith.constant 15 : i32
        %and3A_465 = vector.broadcast %and3A_464 : i32 to vector<16xi32>
        %and3A_466 = arith.andi %add3A_463, %and3A_465 : vector<16xi32>
        %add3A_467 = vector.broadcast %mul3A_445 : i32 to vector<16xi32>
        %add3A_468 = arith.addi %and3A_466, %add3A_467 : vector<16xi32>
        %gather3A_469 = arith.constant 0 : i32
        %gather3A_470 = tpu.memref_slice %arg9[%mul3A_427, %gather3A_469] : memref<128x128xf32, #tpu.memory_space<vmem>> -> memref<16x128xf32, #tpu.memory_space<vmem>>
        %gather3A_471 = tpu.vector_load_idx %gather3A_470[%iota3A, %add3A_468] : memref<16x128xf32, #tpu.memory_space<vmem>>[vector<16xi32>, vector<16xi32>], vector<16xf32>,
        %add3A_472 = vector.broadcast %mul3A_427 : i32 to vector<16xi32>
        %add3A_473 = arith.addi %iota3A, %add3A_472 : vector<16xi32>
        %scatter3A_474 = arith.constant 0 : i32
        %scatter3A_475 = tpu.memref_slice %arg11[%mul3A_445, %scatter3A_474] : memref<64x128xf32, #tpu.memory_space<vmem>> -> memref<16x128xf32, #tpu.memory_space<vmem>>
        tpu.vector_store_idx %scatter3A_475[%and3A_466, %add3A_473], %gather3A_471 : memref<16x128xf32, #tpu.memory_space<vmem>>[vector<16xi32>, vector<16xi32>], vector<16xf32>,
        %add3A_476 = arith.constant 2 : i32
        %add3A_477 = vector.broadcast %add3A_476 : i32 to vector<16xi32>
        %add3A_478 = arith.addi %iota3A, %add3A_477 : vector<16xi32>
        %and3A_479 = arith.constant 15 : i32
        %and3A_480 = vector.broadcast %and3A_479 : i32 to vector<16xi32>
        %and3A_481 = arith.andi %add3A_478, %and3A_480 : vector<16xi32>
        %add3A_482 = vector.broadcast %mul3A_445 : i32 to vector<16xi32>
        %add3A_483 = arith.addi %and3A_481, %add3A_482 : vector<16xi32>
        %gather3A_484 = arith.constant 0 : i32
        %gather3A_485 = tpu.memref_slice %arg9[%mul3A_427, %gather3A_484] : memref<128x128xf32, #tpu.memory_space<vmem>> -> memref<16x128xf32, #tpu.memory_space<vmem>>
        %gather3A_486 = tpu.vector_load_idx %gather3A_485[%iota3A, %add3A_483] : memref<16x128xf32, #tpu.memory_space<vmem>>[vector<16xi32>, vector<16xi32>], vector<16xf32>,
        %add3A_487 = vector.broadcast %mul3A_427 : i32 to vector<16xi32>
        %add3A_488 = arith.addi %iota3A, %add3A_487 : vector<16xi32>
        %scatter3A_489 = arith.constant 0 : i32
        %scatter3A_490 = tpu.memref_slice %arg11[%mul3A_445, %scatter3A_489] : memref<64x128xf32, #tpu.memory_space<vmem>> -> memref<16x128xf32, #tpu.memory_space<vmem>>
        tpu.vector_store_idx %scatter3A_490[%and3A_481, %add3A_488], %gather3A_486 : memref<16x128xf32, #tpu.memory_space<vmem>>[vector<16xi32>, vector<16xi32>], vector<16xf32>,
        %add3A_491 = arith.constant 3 : i32
        %add3A_492 = vector.broadcast %add3A_491 : i32 to vector<16xi32>
        %add3A_493 = arith.addi %iota3A, %add3A_492 : vector<16xi32>
        %and3A_494 = arith.constant 15 : i32
        %and3A_495 = vector.broadcast %and3A_494 : i32 to vector<16xi32>
        %and3A_496 = arith.andi %add3A_493, %and3A_495 : vector<16xi32>
        %add3A_497 = vector.broadcast %mul3A_445 : i32 to vector<16xi32>
        %add3A_498 = arith.addi %and3A_496, %add3A_497 : vector<16xi32>
        %gather3A_499 = arith.constant 0 : i32
        %gather3A_500 = tpu.memref_slice %arg9[%mul3A_427, %gather3A_499] : memref<128x128xf32, #tpu.memory_space<vmem>> -> memref<16x128xf32, #tpu.memory_space<vmem>>
        %gather3A_501 = tpu.vector_load_idx %gather3A_500[%iota3A, %add3A_498] : memref<16x128xf32, #tpu.memory_space<vmem>>[vector<16xi32>, vector<16xi32>], vector<16xf32>,
        %add3A_502 = vector.broadcast %mul3A_427 : i32 to vector<16xi32>
        %add3A_503 = arith.addi %iota3A, %add3A_502 : vector<16xi32>
        %scatter3A_504 = arith.constant 0 : i32
        %scatter3A_505 = tpu.memref_slice %arg11[%mul3A_445, %scatter3A_504] : memref<64x128xf32, #tpu.memory_space<vmem>> -> memref<16x128xf32, #tpu.memory_space<vmem>>
        tpu.vector_store_idx %scatter3A_505[%and3A_496, %add3A_503], %gather3A_501 : memref<16x128xf32, #tpu.memory_space<vmem>>[vector<16xi32>, vector<16xi32>], vector<16xf32>,
        %add3A_506 = arith.constant 4 : i32
        %add3A_507 = vector.broadcast %add3A_506 : i32 to vector<16xi32>
        %add3A_508 = arith.addi %iota3A, %add3A_507 : vector<16xi32>
        %and3A_509 = arith.constant 15 : i32
        %and3A_510 = vector.broadcast %and3A_509 : i32 to vector<16xi32>
        %and3A_511 = arith.andi %add3A_508, %and3A_510 : vector<16xi32>
        %add3A_512 = vector.broadcast %mul3A_445 : i32 to vector<16xi32>
        %add3A_513 = arith.addi %and3A_511, %add3A_512 : vector<16xi32>
        %gather3A_514 = arith.constant 0 : i32
        %gather3A_515 = tpu.memref_slice %arg9[%mul3A_427, %gather3A_514] : memref<128x128xf32, #tpu.memory_space<vmem>> -> memref<16x128xf32, #tpu.memory_space<vmem>>
        %gather3A_516 = tpu.vector_load_idx %gather3A_515[%iota3A, %add3A_513] : memref<16x128xf32, #tpu.memory_space<vmem>>[vector<16xi32>, vector<16xi32>], vector<16xf32>,
        %add3A_517 = vector.broadcast %mul3A_427 : i32 to vector<16xi32>
        %add3A_518 = arith.addi %iota3A, %add3A_517 : vector<16xi32>
        %scatter3A_519 = arith.constant 0 : i32
        %scatter3A_520 = tpu.memref_slice %arg11[%mul3A_445, %scatter3A_519] : memref<64x128xf32, #tpu.memory_space<vmem>> -> memref<16x128xf32, #tpu.memory_space<vmem>>
        tpu.vector_store_idx %scatter3A_520[%and3A_511, %add3A_518], %gather3A_516 : memref<16x128xf32, #tpu.memory_space<vmem>>[vector<16xi32>, vector<16xi32>], vector<16xf32>,
        %add3A_521 = arith.constant 5 : i32
        %add3A_522 = vector.broadcast %add3A_521 : i32 to vector<16xi32>
        %add3A_523 = arith.addi %iota3A, %add3A_522 : vector<16xi32>
        %and3A_524 = arith.constant 15 : i32
        %and3A_525 = vector.broadcast %and3A_524 : i32 to vector<16xi32>
        %and3A_526 = arith.andi %add3A_523, %and3A_525 : vector<16xi32>
        %add3A_527 = vector.broadcast %mul3A_445 : i32 to vector<16xi32>
        %add3A_528 = arith.addi %and3A_526, %add3A_527 : vector<16xi32>
        %gather3A_529 = arith.constant 0 : i32
        %gather3A_530 = tpu.memref_slice %arg9[%mul3A_427, %gather3A_529] : memref<128x128xf32, #tpu.memory_space<vmem>> -> memref<16x128xf32, #tpu.memory_space<vmem>>
        %gather3A_531 = tpu.vector_load_idx %gather3A_530[%iota3A, %add3A_528] : memref<16x128xf32, #tpu.memory_space<vmem>>[vector<16xi32>, vector<16xi32>], vector<16xf32>,
        %add3A_532 = vector.broadcast %mul3A_427 : i32 to vector<16xi32>
        %add3A_533 = arith.addi %iota3A, %add3A_532 : vector<16xi32>
        %scatter3A_534 = arith.constant 0 : i32
        %scatter3A_535 = tpu.memref_slice %arg11[%mul3A_445, %scatter3A_534] : memref<64x128xf32, #tpu.memory_space<vmem>> -> memref<16x128xf32, #tpu.memory_space<vmem>>
        tpu.vector_store_idx %scatter3A_535[%and3A_526, %add3A_533], %gather3A_531 : memref<16x128xf32, #tpu.memory_space<vmem>>[vector<16xi32>, vector<16xi32>], vector<16xf32>,
        %add3A_536 = arith.constant 6 : i32
        %add3A_537 = vector.broadcast %add3A_536 : i32 to vector<16xi32>
        %add3A_538 = arith.addi %iota3A, %add3A_537 : vector<16xi32>
        %and3A_539 = arith.constant 15 : i32
        %and3A_540 = vector.broadcast %and3A_539 : i32 to vector<16xi32>
        %and3A_541 = arith.andi %add3A_538, %and3A_540 : vector<16xi32>
        %add3A_542 = vector.broadcast %mul3A_445 : i32 to vector<16xi32>
        %add3A_543 = arith.addi %and3A_541, %add3A_542 : vector<16xi32>
        %gather3A_544 = arith.constant 0 : i32
        %gather3A_545 = tpu.memref_slice %arg9[%mul3A_427, %gather3A_544] : memref<128x128xf32, #tpu.memory_space<vmem>> -> memref<16x128xf32, #tpu.memory_space<vmem>>
        %gather3A_546 = tpu.vector_load_idx %gather3A_545[%iota3A, %add3A_543] : memref<16x128xf32, #tpu.memory_space<vmem>>[vector<16xi32>, vector<16xi32>], vector<16xf32>,
        %add3A_547 = vector.broadcast %mul3A_427 : i32 to vector<16xi32>
        %add3A_548 = arith.addi %iota3A, %add3A_547 : vector<16xi32>
        %scatter3A_549 = arith.constant 0 : i32
        %scatter3A_550 = tpu.memref_slice %arg11[%mul3A_445, %scatter3A_549] : memref<64x128xf32, #tpu.memory_space<vmem>> -> memref<16x128xf32, #tpu.memory_space<vmem>>
        tpu.vector_store_idx %scatter3A_550[%and3A_541, %add3A_548], %gather3A_546 : memref<16x128xf32, #tpu.memory_space<vmem>>[vector<16xi32>, vector<16xi32>], vector<16xf32>,
        %add3A_551 = arith.constant 7 : i32
        %add3A_552 = vector.broadcast %add3A_551 : i32 to vector<16xi32>
        %add3A_553 = arith.addi %iota3A, %add3A_552 : vector<16xi32>
        %and3A_554 = arith.constant 15 : i32
        %and3A_555 = vector.broadcast %and3A_554 : i32 to vector<16xi32>
        %and3A_556 = arith.andi %add3A_553, %and3A_555 : vector<16xi32>
        %add3A_557 = vector.broadcast %mul3A_445 : i32 to vector<16xi32>
        %add3A_558 = arith.addi %and3A_556, %add3A_557 : vector<16xi32>
        %gather3A_559 = arith.constant 0 : i32
        %gather3A_560 = tpu.memref_slice %arg9[%mul3A_427, %gather3A_559] : memref<128x128xf32, #tpu.memory_space<vmem>> -> memref<16x128xf32, #tpu.memory_space<vmem>>
        %gather3A_561 = tpu.vector_load_idx %gather3A_560[%iota3A, %add3A_558] : memref<16x128xf32, #tpu.memory_space<vmem>>[vector<16xi32>, vector<16xi32>], vector<16xf32>,
        %add3A_562 = vector.broadcast %mul3A_427 : i32 to vector<16xi32>
        %add3A_563 = arith.addi %iota3A, %add3A_562 : vector<16xi32>
        %scatter3A_564 = arith.constant 0 : i32
        %scatter3A_565 = tpu.memref_slice %arg11[%mul3A_445, %scatter3A_564] : memref<64x128xf32, #tpu.memory_space<vmem>> -> memref<16x128xf32, #tpu.memory_space<vmem>>
        tpu.vector_store_idx %scatter3A_565[%and3A_556, %add3A_563], %gather3A_561 : memref<16x128xf32, #tpu.memory_space<vmem>>[vector<16xi32>, vector<16xi32>], vector<16xf32>,
        %add3A_566 = arith.constant 8 : i32
        %add3A_567 = vector.broadcast %add3A_566 : i32 to vector<16xi32>
        %add3A_568 = arith.addi %iota3A, %add3A_567 : vector<16xi32>
        %and3A_569 = arith.constant 15 : i32
        %and3A_570 = vector.broadcast %and3A_569 : i32 to vector<16xi32>
        %and3A_571 = arith.andi %add3A_568, %and3A_570 : vector<16xi32>
        %add3A_572 = vector.broadcast %mul3A_445 : i32 to vector<16xi32>
        %add3A_573 = arith.addi %and3A_571, %add3A_572 : vector<16xi32>
        %gather3A_574 = arith.constant 0 : i32
        %gather3A_575 = tpu.memref_slice %arg9[%mul3A_427, %gather3A_574] : memref<128x128xf32, #tpu.memory_space<vmem>> -> memref<16x128xf32, #tpu.memory_space<vmem>>
        %gather3A_576 = tpu.vector_load_idx %gather3A_575[%iota3A, %add3A_573] : memref<16x128xf32, #tpu.memory_space<vmem>>[vector<16xi32>, vector<16xi32>], vector<16xf32>,
        %add3A_577 = vector.broadcast %mul3A_427 : i32 to vector<16xi32>
        %add3A_578 = arith.addi %iota3A, %add3A_577 : vector<16xi32>
        %scatter3A_579 = arith.constant 0 : i32
        %scatter3A_580 = tpu.memref_slice %arg11[%mul3A_445, %scatter3A_579] : memref<64x128xf32, #tpu.memory_space<vmem>> -> memref<16x128xf32, #tpu.memory_space<vmem>>
        tpu.vector_store_idx %scatter3A_580[%and3A_571, %add3A_578], %gather3A_576 : memref<16x128xf32, #tpu.memory_space<vmem>>[vector<16xi32>, vector<16xi32>], vector<16xf32>,
        %add3A_581 = arith.constant 9 : i32
        %add3A_582 = vector.broadcast %add3A_581 : i32 to vector<16xi32>
        %add3A_583 = arith.addi %iota3A, %add3A_582 : vector<16xi32>
        %and3A_584 = arith.constant 15 : i32
        %and3A_585 = vector.broadcast %and3A_584 : i32 to vector<16xi32>
        %and3A_586 = arith.andi %add3A_583, %and3A_585 : vector<16xi32>
        %add3A_587 = vector.broadcast %mul3A_445 : i32 to vector<16xi32>
        %add3A_588 = arith.addi %and3A_586, %add3A_587 : vector<16xi32>
        %gather3A_589 = arith.constant 0 : i32
        %gather3A_590 = tpu.memref_slice %arg9[%mul3A_427, %gather3A_589] : memref<128x128xf32, #tpu.memory_space<vmem>> -> memref<16x128xf32, #tpu.memory_space<vmem>>
        %gather3A_591 = tpu.vector_load_idx %gather3A_590[%iota3A, %add3A_588] : memref<16x128xf32, #tpu.memory_space<vmem>>[vector<16xi32>, vector<16xi32>], vector<16xf32>,
        %add3A_592 = vector.broadcast %mul3A_427 : i32 to vector<16xi32>
        %add3A_593 = arith.addi %iota3A, %add3A_592 : vector<16xi32>
        %scatter3A_594 = arith.constant 0 : i32
        %scatter3A_595 = tpu.memref_slice %arg11[%mul3A_445, %scatter3A_594] : memref<64x128xf32, #tpu.memory_space<vmem>> -> memref<16x128xf32, #tpu.memory_space<vmem>>
        tpu.vector_store_idx %scatter3A_595[%and3A_586, %add3A_593], %gather3A_591 : memref<16x128xf32, #tpu.memory_space<vmem>>[vector<16xi32>, vector<16xi32>], vector<16xf32>,
        %add3A_596 = arith.constant 10 : i32
        %add3A_597 = vector.broadcast %add3A_596 : i32 to vector<16xi32>
        %add3A_598 = arith.addi %iota3A, %add3A_597 : vector<16xi32>
        %and3A_599 = arith.constant 15 : i32
        %and3A_600 = vector.broadcast %and3A_599 : i32 to vector<16xi32>
        %and3A_601 = arith.andi %add3A_598, %and3A_600 : vector<16xi32>
        %add3A_602 = vector.broadcast %mul3A_445 : i32 to vector<16xi32>
        %add3A_603 = arith.addi %and3A_601, %add3A_602 : vector<16xi32>
        %gather3A_604 = arith.constant 0 : i32
        %gather3A_605 = tpu.memref_slice %arg9[%mul3A_427, %gather3A_604] : memref<128x128xf32, #tpu.memory_space<vmem>> -> memref<16x128xf32, #tpu.memory_space<vmem>>
        %gather3A_606 = tpu.vector_load_idx %gather3A_605[%iota3A, %add3A_603] : memref<16x128xf32, #tpu.memory_space<vmem>>[vector<16xi32>, vector<16xi32>], vector<16xf32>,
        %add3A_607 = vector.broadcast %mul3A_427 : i32 to vector<16xi32>
        %add3A_608 = arith.addi %iota3A, %add3A_607 : vector<16xi32>
        %scatter3A_609 = arith.constant 0 : i32
        %scatter3A_610 = tpu.memref_slice %arg11[%mul3A_445, %scatter3A_609] : memref<64x128xf32, #tpu.memory_space<vmem>> -> memref<16x128xf32, #tpu.memory_space<vmem>>
        tpu.vector_store_idx %scatter3A_610[%and3A_601, %add3A_608], %gather3A_606 : memref<16x128xf32, #tpu.memory_space<vmem>>[vector<16xi32>, vector<16xi32>], vector<16xf32>,
        %add3A_611 = arith.constant 11 : i32
        %add3A_612 = vector.broadcast %add3A_611 : i32 to vector<16xi32>
        %add3A_613 = arith.addi %iota3A, %add3A_612 : vector<16xi32>
        %and3A_614 = arith.constant 15 : i32
        %and3A_615 = vector.broadcast %and3A_614 : i32 to vector<16xi32>
        %and3A_616 = arith.andi %add3A_613, %and3A_615 : vector<16xi32>
        %add3A_617 = vector.broadcast %mul3A_445 : i32 to vector<16xi32>
        %add3A_618 = arith.addi %and3A_616, %add3A_617 : vector<16xi32>
        %gather3A_619 = arith.constant 0 : i32
        %gather3A_620 = tpu.memref_slice %arg9[%mul3A_427, %gather3A_619] : memref<128x128xf32, #tpu.memory_space<vmem>> -> memref<16x128xf32, #tpu.memory_space<vmem>>
        %gather3A_621 = tpu.vector_load_idx %gather3A_620[%iota3A, %add3A_618] : memref<16x128xf32, #tpu.memory_space<vmem>>[vector<16xi32>, vector<16xi32>], vector<16xf32>,
        %add3A_622 = vector.broadcast %mul3A_427 : i32 to vector<16xi32>
        %add3A_623 = arith.addi %iota3A, %add3A_622 : vector<16xi32>
        %scatter3A_624 = arith.constant 0 : i32
        %scatter3A_625 = tpu.memref_slice %arg11[%mul3A_445, %scatter3A_624] : memref<64x128xf32, #tpu.memory_space<vmem>> -> memref<16x128xf32, #tpu.memory_space<vmem>>
        tpu.vector_store_idx %scatter3A_625[%and3A_616, %add3A_623], %gather3A_621 : memref<16x128xf32, #tpu.memory_space<vmem>>[vector<16xi32>, vector<16xi32>], vector<16xf32>,
        %add3A_626 = arith.constant 12 : i32
        %add3A_627 = vector.broadcast %add3A_626 : i32 to vector<16xi32>
        %add3A_628 = arith.addi %iota3A, %add3A_627 : vector<16xi32>
        %and3A_629 = arith.constant 15 : i32
        %and3A_630 = vector.broadcast %and3A_629 : i32 to vector<16xi32>
        %and3A_631 = arith.andi %add3A_628, %and3A_630 : vector<16xi32>
        %add3A_632 = vector.broadcast %mul3A_445 : i32 to vector<16xi32>
        %add3A_633 = arith.addi %and3A_631, %add3A_632 : vector<16xi32>
        %gather3A_634 = arith.constant 0 : i32
        %gather3A_635 = tpu.memref_slice %arg9[%mul3A_427, %gather3A_634] : memref<128x128xf32, #tpu.memory_space<vmem>> -> memref<16x128xf32, #tpu.memory_space<vmem>>
        %gather3A_636 = tpu.vector_load_idx %gather3A_635[%iota3A, %add3A_633] : memref<16x128xf32, #tpu.memory_space<vmem>>[vector<16xi32>, vector<16xi32>], vector<16xf32>,
        %add3A_637 = vector.broadcast %mul3A_427 : i32 to vector<16xi32>
        %add3A_638 = arith.addi %iota3A, %add3A_637 : vector<16xi32>
        %scatter3A_639 = arith.constant 0 : i32
        %scatter3A_640 = tpu.memref_slice %arg11[%mul3A_445, %scatter3A_639] : memref<64x128xf32, #tpu.memory_space<vmem>> -> memref<16x128xf32, #tpu.memory_space<vmem>>
        tpu.vector_store_idx %scatter3A_640[%and3A_631, %add3A_638], %gather3A_636 : memref<16x128xf32, #tpu.memory_space<vmem>>[vector<16xi32>, vector<16xi32>], vector<16xf32>,
        %add3A_641 = arith.constant 13 : i32
        %add3A_642 = vector.broadcast %add3A_641 : i32 to vector<16xi32>
        %add3A_643 = arith.addi %iota3A, %add3A_642 : vector<16xi32>
        %and3A_644 = arith.constant 15 : i32
        %and3A_645 = vector.broadcast %and3A_644 : i32 to vector<16xi32>
        %and3A_646 = arith.andi %add3A_643, %and3A_645 : vector<16xi32>
        %add3A_647 = vector.broadcast %mul3A_445 : i32 to vector<16xi32>
        %add3A_648 = arith.addi %and3A_646, %add3A_647 : vector<16xi32>
        %gather3A_649 = arith.constant 0 : i32
        %gather3A_650 = tpu.memref_slice %arg9[%mul3A_427, %gather3A_649] : memref<128x128xf32, #tpu.memory_space<vmem>> -> memref<16x128xf32, #tpu.memory_space<vmem>>
        %gather3A_651 = tpu.vector_load_idx %gather3A_650[%iota3A, %add3A_648] : memref<16x128xf32, #tpu.memory_space<vmem>>[vector<16xi32>, vector<16xi32>], vector<16xf32>,
        %add3A_652 = vector.broadcast %mul3A_427 : i32 to vector<16xi32>
        %add3A_653 = arith.addi %iota3A, %add3A_652 : vector<16xi32>
        %scatter3A_654 = arith.constant 0 : i32
        %scatter3A_655 = tpu.memref_slice %arg11[%mul3A_445, %scatter3A_654] : memref<64x128xf32, #tpu.memory_space<vmem>> -> memref<16x128xf32, #tpu.memory_space<vmem>>
        tpu.vector_store_idx %scatter3A_655[%and3A_646, %add3A_653], %gather3A_651 : memref<16x128xf32, #tpu.memory_space<vmem>>[vector<16xi32>, vector<16xi32>], vector<16xf32>,
        %add3A_656 = arith.constant 14 : i32
        %add3A_657 = vector.broadcast %add3A_656 : i32 to vector<16xi32>
        %add3A_658 = arith.addi %iota3A, %add3A_657 : vector<16xi32>
        %and3A_659 = arith.constant 15 : i32
        %and3A_660 = vector.broadcast %and3A_659 : i32 to vector<16xi32>
        %and3A_661 = arith.andi %add3A_658, %and3A_660 : vector<16xi32>
        %add3A_662 = vector.broadcast %mul3A_445 : i32 to vector<16xi32>
        %add3A_663 = arith.addi %and3A_661, %add3A_662 : vector<16xi32>
        %gather3A_664 = arith.constant 0 : i32
        %gather3A_665 = tpu.memref_slice %arg9[%mul3A_427, %gather3A_664] : memref<128x128xf32, #tpu.memory_space<vmem>> -> memref<16x128xf32, #tpu.memory_space<vmem>>
        %gather3A_666 = tpu.vector_load_idx %gather3A_665[%iota3A, %add3A_663] : memref<16x128xf32, #tpu.memory_space<vmem>>[vector<16xi32>, vector<16xi32>], vector<16xf32>,
        %add3A_667 = vector.broadcast %mul3A_427 : i32 to vector<16xi32>
        %add3A_668 = arith.addi %iota3A, %add3A_667 : vector<16xi32>
        %scatter3A_669 = arith.constant 0 : i32
        %scatter3A_670 = tpu.memref_slice %arg11[%mul3A_445, %scatter3A_669] : memref<64x128xf32, #tpu.memory_space<vmem>> -> memref<16x128xf32, #tpu.memory_space<vmem>>
        tpu.vector_store_idx %scatter3A_670[%and3A_661, %add3A_668], %gather3A_666 : memref<16x128xf32, #tpu.memory_space<vmem>>[vector<16xi32>, vector<16xi32>], vector<16xf32>,
        %add3A_671 = arith.constant 15 : i32
        %add3A_672 = vector.broadcast %add3A_671 : i32 to vector<16xi32>
        %add3A_673 = arith.addi %iota3A, %add3A_672 : vector<16xi32>
        %and3A_674 = arith.constant 15 : i32
        %and3A_675 = vector.broadcast %and3A_674 : i32 to vector<16xi32>
        %and3A_676 = arith.andi %add3A_673, %and3A_675 : vector<16xi32>
        %add3A_677 = vector.broadcast %mul3A_445 : i32 to vector<16xi32>
        %add3A_678 = arith.addi %and3A_676, %add3A_677 : vector<16xi32>
        %gather3A_679 = arith.constant 0 : i32
        %gather3A_680 = tpu.memref_slice %arg9[%mul3A_427, %gather3A_679] : memref<128x128xf32, #tpu.memory_space<vmem>> -> memref<16x128xf32, #tpu.memory_space<vmem>>
        %gather3A_681 = tpu.vector_load_idx %gather3A_680[%iota3A, %add3A_678] : memref<16x128xf32, #tpu.memory_space<vmem>>[vector<16xi32>, vector<16xi32>], vector<16xf32>,
        %add3A_682 = vector.broadcast %mul3A_427 : i32 to vector<16xi32>
        %add3A_683 = arith.addi %iota3A, %add3A_682 : vector<16xi32>
        %scatter3A_684 = arith.constant 0 : i32
        %scatter3A_685 = tpu.memref_slice %arg11[%mul3A_445, %scatter3A_684] : memref<64x128xf32, #tpu.memory_space<vmem>> -> memref<16x128xf32, #tpu.memory_space<vmem>>
        tpu.vector_store_idx %scatter3A_685[%and3A_676, %add3A_683], %gather3A_681 : memref<16x128xf32, #tpu.memory_space<vmem>>[vector<16xi32>, vector<16xi32>], vector<16xf32>,
      }
      %scan3A_91 = arith.constant 32 : i32
      %dma_start3A_92 = arith.constant 0 : i32
      %dma_start3A_93 = arith.constant 0 : i32
      %dma_start3A_94 = tpu.memref_slice %arg6[%dma_start3A_92, %mul3A_68, %dma_start3A_93, %multiple_of3A] : memref<2x50x64x4096xf32, #tpu.memory_space<hbm>> -> memref<1x1x64x128xf32, #tpu.memory_space<hbm>>
      %dma_start3A_95 = tpu.memref_squeeze %dma_start3A_94 : memref<1x1x64x128xf32, #tpu.memory_space<hbm>> -> memref<64x128xf32, #tpu.memory_space<hbm>>
      %dma_start3A_96 = arith.constant 0 : i32
      %dma_start3A_97 = tpu.memref_slice %arg6[%dma_start3A_92, %mul3A_68, %dma_start3A_96, %multiple_of3A] : memref<2x50x64x4096xf32, #tpu.memory_space<hbm>> -> memref<1x1x64x128xf32, #tpu.memory_space<hbm>>
      %dma_start3A_98 = tpu.memref_squeeze %dma_start3A_97 : memref<1x1x64x128xf32, #tpu.memory_space<hbm>> -> memref<64x128xf32, #tpu.memory_space<hbm>>
      tpu.enqueue_dma source(%arg11 : memref<64x128xf32, #tpu.memory_space<vmem>>) target(%dma_start3A_98 : memref<64x128xf32, #tpu.memory_space<hbm>>) target_semaphore(%arg15 : memref<!tpu.dma_semaphore, #tpu.memory_space<semaphore_mem>>)
      %dma_wait3A_99 = arith.constant 0 : i32
      %dma_wait3A_100 = tpu.memref_slice %arg8[%add3A_72, %dma_wait3A_99] : memref<50x128xi32, #tpu.memory_space<vmem>> -> memref<1x128xi32, #tpu.memory_space<vmem>>
      %dma_wait3A_101 = tpu.memref_squeeze %dma_wait3A_100 : memref<1x128xi32, #tpu.memory_space<vmem>> -> memref<128xi32, #tpu.memory_space<vmem>>
      %dma_wait3A_102 = arith.constant 0 : i32
      %dma_wait3A_103 = arith.constant 0 : i32
      %dma_wait3A_104 = tpu.memref_slice %arg4[%dma_wait3A_102, %dma_wait3A_103] : memref<100000x128xf32, #tpu.memory_space<hbm>> -> memref<100000x128xf32, #tpu.memory_space<hbm>>
      tpu.wait_indirect_dma semaphore(%arg14 : memref<!tpu.dma_semaphore, #tpu.memory_space<semaphore_mem>>) src(%dma_wait3A_104 : memref<100000x128xf32, #tpu.memory_space<hbm>>) dst(%arg10 : memref<128x128xf32, #tpu.memory_space<vmem>>)
      %lt3A = arith.constant 24 : i32
      %lt3A_105 = arith.cmpi slt, %scan3A_66, %lt3A : i32
      %convert_element_type3A_106 = arith.extui %lt3A_105 : i1 to i32
      %cond3A_107 = arith.constant 0 : i32
      %cond3A_108 = arith.cmpi ne, %convert_element_type3A_106, %cond3A_107 : i32
      scf.if %cond3A_108 {
        %add3A_126 = arith.constant 2 : i32
        %add3A_127 = arith.addi %mul3A_68, %add3A_126 : i32
        %dma_start3A_128 = arith.constant 0 : i32
        %dma_start3A_129 = tpu.memref_slice %arg8[%add3A_127, %dma_start3A_128] : memref<50x128xi32, #tpu.memory_space<vmem>> -> memref<1x128xi32, #tpu.memory_space<vmem>>
        %dma_start3A_130 = tpu.memref_squeeze %dma_start3A_129 : memref<1x128xi32, #tpu.memory_space<vmem>> -> memref<128xi32, #tpu.memory_space<vmem>>
        %dma_start3A_131 = arith.constant 0 : i32
        %dma_start3A_132 = arith.constant 0 : i32
        %dma_start3A_133 = tpu.memref_slice %arg4[%dma_start3A_131, %dma_start3A_132] : memref<100000x128xf32, #tpu.memory_space<hbm>> -> memref<100000x128xf32, #tpu.memory_space<hbm>>
        tpu.enqueue_indirect_dma source(%dma_start3A_133 : memref<100000x128xf32, #tpu.memory_space<hbm>>) target(%arg9 : memref<128x128xf32, #tpu.memory_space<vmem>>) offsets(%dma_start3A_130 : memref<128xi32, #tpu.memory_space<vmem>>) semaphore(%arg13 : memref<!tpu.dma_semaphore, #tpu.memory_space<semaphore_mem>>)
      } else {
      }
      %gt3A_109 = arith.constant 0 : i32
      %gt3A_110 = arith.cmpi sgt, %scan3A_66, %gt3A_109 : i32
      %convert_element_type3A_111 = arith.extui %gt3A_110 : i1 to i32
      %cond3A_112 = arith.constant 0 : i32
      %cond3A_113 = arith.cmpi ne, %convert_element_type3A_111, %cond3A_112 : i32
      scf.if %cond3A_113 {
        %dma_wait3A_126 = arith.constant 0 : i32
        %dma_wait3A_127 = arith.constant 0 : i32
        %dma_wait3A_128 = tpu.memref_slice %arg6[%dma_wait3A_126, %add3A_72, %dma_wait3A_127, %multiple_of3A] : memref<2x50x64x4096xf32, #tpu.memory_space<hbm>> -> memref<1x1x64x128xf32, #tpu.memory_space<hbm>>
        %dma_wait3A_129 = tpu.memref_squeeze %dma_wait3A_128 : memref<1x1x64x128xf32, #tpu.memory_space<hbm>> -> memref<64x128xf32, #tpu.memory_space<hbm>>
        %dma_wait3A_130 = arith.constant 0 : i32
        %dma_wait3A_131 = tpu.memref_slice %arg6[%dma_wait3A_126, %add3A_72, %dma_wait3A_130, %multiple_of3A] : memref<2x50x64x4096xf32, #tpu.memory_space<hbm>> -> memref<1x1x64x128xf32, #tpu.memory_space<hbm>>
        %dma_wait3A_132 = tpu.memref_squeeze %dma_wait3A_131 : memref<1x1x64x128xf32, #tpu.memory_space<hbm>> -> memref<64x128xf32, #tpu.memory_space<hbm>>
        tpu.wait_dma2 semaphore(%arg16 : memref<!tpu.dma_semaphore, #tpu.memory_space<semaphore_mem>>) src(%arg12 : memref<64x128xf32, #tpu.memory_space<vmem>>) dst(%dma_wait3A_132 : memref<64x128xf32, #tpu.memory_space<hbm>>)
      } else {
      }
      %scan3A_114 = arith.constant 0 : i32
      %scan3A_115 = arith.constant 32 : i32
      %scan3A_116 = arith.addi %scan3A_114, %scan3A_115 : i32
      %scan3A_117 = arith.constant 2 : i32
      scf.for %scan3A_126 = %scan3A_114 to %scan3A_116 step %scan3A_117  : i32 {
        %jit3A = arith.constant 4 : i32
        %div3A = arith.divsi %scan3A_126, %jit3A : i32
        %sign3A = arith.constant 0 : i32
        %sign3A_127 = arith.cmpi sgt, %scan3A_126, %sign3A : i32
        %sign3A_128 = arith.extui %sign3A_127 : i1 to i32
        %sign3A_129 = arith.constant 0 : i32
        %sign3A_130 = arith.cmpi slt, %scan3A_126, %sign3A_129 : i32
        %sign3A_131 = arith.extui %sign3A_130 : i1 to i32
        %sign3A_132 = arith.subi %sign3A_128, %sign3A_131 : i32
        %sign3A_133 = arith.constant 0 : i32
        %sign3A_134 = arith.cmpi sgt, %jit3A, %sign3A_133 : i32
        %sign3A_135 = arith.extui %sign3A_134 : i1 to i32
        %sign3A_136 = arith.constant 0 : i32
        %sign3A_137 = arith.cmpi slt, %jit3A, %sign3A_136 : i32
        %sign3A_138 = arith.extui %sign3A_137 : i1 to i32
        %sign3A_139 = arith.subi %sign3A_135, %sign3A_138 : i32
        %ne3A = arith.cmpi ne, %sign3A_132, %sign3A_139 : i32
        %rem3A = arith.remsi %scan3A_126, %jit3A : i32
        %ne3A_140 = arith.constant 0 : i32
        %ne3A_141 = arith.cmpi ne, %rem3A, %ne3A_140 : i32
        %and3A = arith.andi %ne3A, %ne3A_141 : i1
        %sub3A = arith.constant 1 : i32
        %sub3A_142 = arith.subi %div3A, %sub3A : i32
        %select_n3A = arith.select %and3A, %sub3A_142, %div3A : i32
        %mul3A_143 = arith.constant 16 : i32
        %mul3A_144 = arith.muli %select_n3A, %mul3A_143 : i32
        %jit3A_145 = arith.constant 4 : i32
        %eq3A = arith.constant 0 : i32
        %eq3A_146 = arith.cmpi eq, %jit3A_145, %eq3A : i32
        %jit3A_147 = arith.constant 1 : i32
        %select_n3A_148 = arith.select %eq3A_146, %jit3A_147, %jit3A_145 : i32
        %rem3A_149 = arith.remsi %scan3A_126, %select_n3A_148 : i32
        %ne3A_150 = arith.constant 0 : i32
        %ne3A_151 = arith.cmpi ne, %rem3A_149, %ne3A_150 : i32
        %lt3A_152 = arith.constant 0 : i32
        %lt3A_153 = arith.cmpi slt, %rem3A_149, %lt3A_152 : i32
        %lt3A_154 = arith.constant 0 : i32
        %lt3A_155 = arith.cmpi slt, %select_n3A_148, %lt3A_154 : i32
        %ne3A_156 = arith.xori %lt3A_153, %lt3A_155 : i1
        %and3A_157 = arith.andi %ne3A_156, %ne3A_151 : i1
        %add3A_158 = arith.addi %rem3A_149, %select_n3A_148 : i32
        %select_n3A_159 = arith.select %and3A_157, %add3A_158, %rem3A_149 : i32
        %mul3A_160 = arith.constant 16 : i32
        %mul3A_161 = arith.muli %select_n3A_159, %mul3A_160 : i32
        %add3A_162 = arith.constant 0 : i32
        %add3A_163 = vector.broadcast %add3A_162 : i32 to vector<16xi32>
        %add3A_164 = arith.addi %iota3A, %add3A_163 : vector<16xi32>
        %and3A_165 = arith.constant 15 : i32
        %and3A_166 = vector.broadcast %and3A_165 : i32 to vector<16xi32>
        %and3A_167 = arith.andi %add3A_164, %and3A_166 : vector<16xi32>
        %add3A_168 = vector.broadcast %mul3A_161 : i32 to vector<16xi32>
        %add3A_169 = arith.addi %and3A_167, %add3A_168 : vector<16xi32>
        %gather3A = arith.constant 0 : i32
        %gather3A_170 = tpu.memref_slice %arg10[%mul3A_144, %gather3A] : memref<128x128xf32, #tpu.memory_space<vmem>> -> memref<16x128xf32, #tpu.memory_space<vmem>>
        %gather3A_171 = tpu.vector_load_idx %gather3A_170[%iota3A, %add3A_169] : memref<16x128xf32, #tpu.memory_space<vmem>>[vector<16xi32>, vector<16xi32>], vector<16xf32>,
        %add3A_172 = vector.broadcast %mul3A_144 : i32 to vector<16xi32>
        %add3A_173 = arith.addi %iota3A, %add3A_172 : vector<16xi32>
        %scatter3A = arith.constant 0 : i32
        %scatter3A_174 = tpu.memref_slice %arg12[%mul3A_161, %scatter3A] : memref<64x128xf32, #tpu.memory_space<vmem>> -> memref<16x128xf32, #tpu.memory_space<vmem>>
        tpu.vector_store_idx %scatter3A_174[%and3A_167, %add3A_173], %gather3A_171 : memref<16x128xf32, #tpu.memory_space<vmem>>[vector<16xi32>, vector<16xi32>], vector<16xf32>,
        %add3A_175 = arith.constant 1 : i32
        %add3A_176 = vector.broadcast %add3A_175 : i32 to vector<16xi32>
        %add3A_177 = arith.addi %iota3A, %add3A_176 : vector<16xi32>
        %and3A_178 = arith.constant 15 : i32
        %and3A_179 = vector.broadcast %and3A_178 : i32 to vector<16xi32>
        %and3A_180 = arith.andi %add3A_177, %and3A_179 : vector<16xi32>
        %add3A_181 = vector.broadcast %mul3A_161 : i32 to vector<16xi32>
        %add3A_182 = arith.addi %and3A_180, %add3A_181 : vector<16xi32>
        %gather3A_183 = arith.constant 0 : i32
        %gather3A_184 = tpu.memref_slice %arg10[%mul3A_144, %gather3A_183] : memref<128x128xf32, #tpu.memory_space<vmem>> -> memref<16x128xf32, #tpu.memory_space<vmem>>
        %gather3A_185 = tpu.vector_load_idx %gather3A_184[%iota3A, %add3A_182] : memref<16x128xf32, #tpu.memory_space<vmem>>[vector<16xi32>, vector<16xi32>], vector<16xf32>,
        %add3A_186 = vector.broadcast %mul3A_144 : i32 to vector<16xi32>
        %add3A_187 = arith.addi %iota3A, %add3A_186 : vector<16xi32>
        %scatter3A_188 = arith.constant 0 : i32
        %scatter3A_189 = tpu.memref_slice %arg12[%mul3A_161, %scatter3A_188] : memref<64x128xf32, #tpu.memory_space<vmem>> -> memref<16x128xf32, #tpu.memory_space<vmem>>
        tpu.vector_store_idx %scatter3A_189[%and3A_180, %add3A_187], %gather3A_185 : memref<16x128xf32, #tpu.memory_space<vmem>>[vector<16xi32>, vector<16xi32>], vector<16xf32>,
        %add3A_190 = arith.constant 2 : i32
        %add3A_191 = vector.broadcast %add3A_190 : i32 to vector<16xi32>
        %add3A_192 = arith.addi %iota3A, %add3A_191 : vector<16xi32>
        %and3A_193 = arith.constant 15 : i32
        %and3A_194 = vector.broadcast %and3A_193 : i32 to vector<16xi32>
        %and3A_195 = arith.andi %add3A_192, %and3A_194 : vector<16xi32>
        %add3A_196 = vector.broadcast %mul3A_161 : i32 to vector<16xi32>
        %add3A_197 = arith.addi %and3A_195, %add3A_196 : vector<16xi32>
        %gather3A_198 = arith.constant 0 : i32
        %gather3A_199 = tpu.memref_slice %arg10[%mul3A_144, %gather3A_198] : memref<128x128xf32, #tpu.memory_space<vmem>> -> memref<16x128xf32, #tpu.memory_space<vmem>>
        %gather3A_200 = tpu.vector_load_idx %gather3A_199[%iota3A, %add3A_197] : memref<16x128xf32, #tpu.memory_space<vmem>>[vector<16xi32>, vector<16xi32>], vector<16xf32>,
        %add3A_201 = vector.broadcast %mul3A_144 : i32 to vector<16xi32>
        %add3A_202 = arith.addi %iota3A, %add3A_201 : vector<16xi32>
        %scatter3A_203 = arith.constant 0 : i32
        %scatter3A_204 = tpu.memref_slice %arg12[%mul3A_161, %scatter3A_203] : memref<64x128xf32, #tpu.memory_space<vmem>> -> memref<16x128xf32, #tpu.memory_space<vmem>>
        tpu.vector_store_idx %scatter3A_204[%and3A_195, %add3A_202], %gather3A_200 : memref<16x128xf32, #tpu.memory_space<vmem>>[vector<16xi32>, vector<16xi32>], vector<16xf32>,
        %add3A_205 = arith.constant 3 : i32
        %add3A_206 = vector.broadcast %add3A_205 : i32 to vector<16xi32>
        %add3A_207 = arith.addi %iota3A, %add3A_206 : vector<16xi32>
        %and3A_208 = arith.constant 15 : i32
        %and3A_209 = vector.broadcast %and3A_208 : i32 to vector<16xi32>
        %and3A_210 = arith.andi %add3A_207, %and3A_209 : vector<16xi32>
        %add3A_211 = vector.broadcast %mul3A_161 : i32 to vector<16xi32>
        %add3A_212 = arith.addi %and3A_210, %add3A_211 : vector<16xi32>
        %gather3A_213 = arith.constant 0 : i32
        %gather3A_214 = tpu.memref_slice %arg10[%mul3A_144, %gather3A_213] : memref<128x128xf32, #tpu.memory_space<vmem>> -> memref<16x128xf32, #tpu.memory_space<vmem>>
        %gather3A_215 = tpu.vector_load_idx %gather3A_214[%iota3A, %add3A_212] : memref<16x128xf32, #tpu.memory_space<vmem>>[vector<16xi32>, vector<16xi32>], vector<16xf32>,
        %add3A_216 = vector.broadcast %mul3A_144 : i32 to vector<16xi32>
        %add3A_217 = arith.addi %iota3A, %add3A_216 : vector<16xi32>
        %scatter3A_218 = arith.constant 0 : i32
        %scatter3A_219 = tpu.memref_slice %arg12[%mul3A_161, %scatter3A_218] : memref<64x128xf32, #tpu.memory_space<vmem>> -> memref<16x128xf32, #tpu.memory_space<vmem>>
        tpu.vector_store_idx %scatter3A_219[%and3A_210, %add3A_217], %gather3A_215 : memref<16x128xf32, #tpu.memory_space<vmem>>[vector<16xi32>, vector<16xi32>], vector<16xf32>,
        %add3A_220 = arith.constant 4 : i32
        %add3A_221 = vector.broadcast %add3A_220 : i32 to vector<16xi32>
        %add3A_222 = arith.addi %iota3A, %add3A_221 : vector<16xi32>
        %and3A_223 = arith.constant 15 : i32
        %and3A_224 = vector.broadcast %and3A_223 : i32 to vector<16xi32>
        %and3A_225 = arith.andi %add3A_222, %and3A_224 : vector<16xi32>
        %add3A_226 = vector.broadcast %mul3A_161 : i32 to vector<16xi32>
        %add3A_227 = arith.addi %and3A_225, %add3A_226 : vector<16xi32>
        %gather3A_228 = arith.constant 0 : i32
        %gather3A_229 = tpu.memref_slice %arg10[%mul3A_144, %gather3A_228] : memref<128x128xf32, #tpu.memory_space<vmem>> -> memref<16x128xf32, #tpu.memory_space<vmem>>
        %gather3A_230 = tpu.vector_load_idx %gather3A_229[%iota3A, %add3A_227] : memref<16x128xf32, #tpu.memory_space<vmem>>[vector<16xi32>, vector<16xi32>], vector<16xf32>,
        %add3A_231 = vector.broadcast %mul3A_144 : i32 to vector<16xi32>
        %add3A_232 = arith.addi %iota3A, %add3A_231 : vector<16xi32>
        %scatter3A_233 = arith.constant 0 : i32
        %scatter3A_234 = tpu.memref_slice %arg12[%mul3A_161, %scatter3A_233] : memref<64x128xf32, #tpu.memory_space<vmem>> -> memref<16x128xf32, #tpu.memory_space<vmem>>
        tpu.vector_store_idx %scatter3A_234[%and3A_225, %add3A_232], %gather3A_230 : memref<16x128xf32, #tpu.memory_space<vmem>>[vector<16xi32>, vector<16xi32>], vector<16xf32>,
        %add3A_235 = arith.constant 5 : i32
        %add3A_236 = vector.broadcast %add3A_235 : i32 to vector<16xi32>
        %add3A_237 = arith.addi %iota3A, %add3A_236 : vector<16xi32>
        %and3A_238 = arith.constant 15 : i32
        %and3A_239 = vector.broadcast %and3A_238 : i32 to vector<16xi32>
        %and3A_240 = arith.andi %add3A_237, %and3A_239 : vector<16xi32>
        %add3A_241 = vector.broadcast %mul3A_161 : i32 to vector<16xi32>
        %add3A_242 = arith.addi %and3A_240, %add3A_241 : vector<16xi32>
        %gather3A_243 = arith.constant 0 : i32
        %gather3A_244 = tpu.memref_slice %arg10[%mul3A_144, %gather3A_243] : memref<128x128xf32, #tpu.memory_space<vmem>> -> memref<16x128xf32, #tpu.memory_space<vmem>>
        %gather3A_245 = tpu.vector_load_idx %gather3A_244[%iota3A, %add3A_242] : memref<16x128xf32, #tpu.memory_space<vmem>>[vector<16xi32>, vector<16xi32>], vector<16xf32>,
        %add3A_246 = vector.broadcast %mul3A_144 : i32 to vector<16xi32>
        %add3A_247 = arith.addi %iota3A, %add3A_246 : vector<16xi32>
        %scatter3A_248 = arith.constant 0 : i32
        %scatter3A_249 = tpu.memref_slice %arg12[%mul3A_161, %scatter3A_248] : memref<64x128xf32, #tpu.memory_space<vmem>> -> memref<16x128xf32, #tpu.memory_space<vmem>>
        tpu.vector_store_idx %scatter3A_249[%and3A_240, %add3A_247], %gather3A_245 : memref<16x128xf32, #tpu.memory_space<vmem>>[vector<16xi32>, vector<16xi32>], vector<16xf32>,
        %add3A_250 = arith.constant 6 : i32
        %add3A_251 = vector.broadcast %add3A_250 : i32 to vector<16xi32>
        %add3A_252 = arith.addi %iota3A, %add3A_251 : vector<16xi32>
        %and3A_253 = arith.constant 15 : i32
        %and3A_254 = vector.broadcast %and3A_253 : i32 to vector<16xi32>
        %and3A_255 = arith.andi %add3A_252, %and3A_254 : vector<16xi32>
        %add3A_256 = vector.broadcast %mul3A_161 : i32 to vector<16xi32>
        %add3A_257 = arith.addi %and3A_255, %add3A_256 : vector<16xi32>
        %gather3A_258 = arith.constant 0 : i32
        %gather3A_259 = tpu.memref_slice %arg10[%mul3A_144, %gather3A_258] : memref<128x128xf32, #tpu.memory_space<vmem>> -> memref<16x128xf32, #tpu.memory_space<vmem>>
        %gather3A_260 = tpu.vector_load_idx %gather3A_259[%iota3A, %add3A_257] : memref<16x128xf32, #tpu.memory_space<vmem>>[vector<16xi32>, vector<16xi32>], vector<16xf32>,
        %add3A_261 = vector.broadcast %mul3A_144 : i32 to vector<16xi32>
        %add3A_262 = arith.addi %iota3A, %add3A_261 : vector<16xi32>
        %scatter3A_263 = arith.constant 0 : i32
        %scatter3A_264 = tpu.memref_slice %arg12[%mul3A_161, %scatter3A_263] : memref<64x128xf32, #tpu.memory_space<vmem>> -> memref<16x128xf32, #tpu.memory_space<vmem>>
        tpu.vector_store_idx %scatter3A_264[%and3A_255, %add3A_262], %gather3A_260 : memref<16x128xf32, #tpu.memory_space<vmem>>[vector<16xi32>, vector<16xi32>], vector<16xf32>,
        %add3A_265 = arith.constant 7 : i32
        %add3A_266 = vector.broadcast %add3A_265 : i32 to vector<16xi32>
        %add3A_267 = arith.addi %iota3A, %add3A_266 : vector<16xi32>
        %and3A_268 = arith.constant 15 : i32
        %and3A_269 = vector.broadcast %and3A_268 : i32 to vector<16xi32>
        %and3A_270 = arith.andi %add3A_267, %and3A_269 : vector<16xi32>
        %add3A_271 = vector.broadcast %mul3A_161 : i32 to vector<16xi32>
        %add3A_272 = arith.addi %and3A_270, %add3A_271 : vector<16xi32>
        %gather3A_273 = arith.constant 0 : i32
        %gather3A_274 = tpu.memref_slice %arg10[%mul3A_144, %gather3A_273] : memref<128x128xf32, #tpu.memory_space<vmem>> -> memref<16x128xf32, #tpu.memory_space<vmem>>
        %gather3A_275 = tpu.vector_load_idx %gather3A_274[%iota3A, %add3A_272] : memref<16x128xf32, #tpu.memory_space<vmem>>[vector<16xi32>, vector<16xi32>], vector<16xf32>,
        %add3A_276 = vector.broadcast %mul3A_144 : i32 to vector<16xi32>
        %add3A_277 = arith.addi %iota3A, %add3A_276 : vector<16xi32>
        %scatter3A_278 = arith.constant 0 : i32
        %scatter3A_279 = tpu.memref_slice %arg12[%mul3A_161, %scatter3A_278] : memref<64x128xf32, #tpu.memory_space<vmem>> -> memref<16x128xf32, #tpu.memory_space<vmem>>
        tpu.vector_store_idx %scatter3A_279[%and3A_270, %add3A_277], %gather3A_275 : memref<16x128xf32, #tpu.memory_space<vmem>>[vector<16xi32>, vector<16xi32>], vector<16xf32>,
        %add3A_280 = arith.constant 8 : i32
        %add3A_281 = vector.broadcast %add3A_280 : i32 to vector<16xi32>
        %add3A_282 = arith.addi %iota3A, %add3A_281 : vector<16xi32>
        %and3A_283 = arith.constant 15 : i32
        %and3A_284 = vector.broadcast %and3A_283 : i32 to vector<16xi32>
        %and3A_285 = arith.andi %add3A_282, %and3A_284 : vector<16xi32>
        %add3A_286 = vector.broadcast %mul3A_161 : i32 to vector<16xi32>
        %add3A_287 = arith.addi %and3A_285, %add3A_286 : vector<16xi32>
        %gather3A_288 = arith.constant 0 : i32
        %gather3A_289 = tpu.memref_slice %arg10[%mul3A_144, %gather3A_288] : memref<128x128xf32, #tpu.memory_space<vmem>> -> memref<16x128xf32, #tpu.memory_space<vmem>>
        %gather3A_290 = tpu.vector_load_idx %gather3A_289[%iota3A, %add3A_287] : memref<16x128xf32, #tpu.memory_space<vmem>>[vector<16xi32>, vector<16xi32>], vector<16xf32>,
        %add3A_291 = vector.broadcast %mul3A_144 : i32 to vector<16xi32>
        %add3A_292 = arith.addi %iota3A, %add3A_291 : vector<16xi32>
        %scatter3A_293 = arith.constant 0 : i32
        %scatter3A_294 = tpu.memref_slice %arg12[%mul3A_161, %scatter3A_293] : memref<64x128xf32, #tpu.memory_space<vmem>> -> memref<16x128xf32, #tpu.memory_space<vmem>>
        tpu.vector_store_idx %scatter3A_294[%and3A_285, %add3A_292], %gather3A_290 : memref<16x128xf32, #tpu.memory_space<vmem>>[vector<16xi32>, vector<16xi32>], vector<16xf32>,
        %add3A_295 = arith.constant 9 : i32
        %add3A_296 = vector.broadcast %add3A_295 : i32 to vector<16xi32>
        %add3A_297 = arith.addi %iota3A, %add3A_296 : vector<16xi32>
        %and3A_298 = arith.constant 15 : i32
        %and3A_299 = vector.broadcast %and3A_298 : i32 to vector<16xi32>
        %and3A_300 = arith.andi %add3A_297, %and3A_299 : vector<16xi32>
        %add3A_301 = vector.broadcast %mul3A_161 : i32 to vector<16xi32>
        %add3A_302 = arith.addi %and3A_300, %add3A_301 : vector<16xi32>
        %gather3A_303 = arith.constant 0 : i32
        %gather3A_304 = tpu.memref_slice %arg10[%mul3A_144, %gather3A_303] : memref<128x128xf32, #tpu.memory_space<vmem>> -> memref<16x128xf32, #tpu.memory_space<vmem>>
        %gather3A_305 = tpu.vector_load_idx %gather3A_304[%iota3A, %add3A_302] : memref<16x128xf32, #tpu.memory_space<vmem>>[vector<16xi32>, vector<16xi32>], vector<16xf32>,
        %add3A_306 = vector.broadcast %mul3A_144 : i32 to vector<16xi32>
        %add3A_307 = arith.addi %iota3A, %add3A_306 : vector<16xi32>
        %scatter3A_308 = arith.constant 0 : i32
        %scatter3A_309 = tpu.memref_slice %arg12[%mul3A_161, %scatter3A_308] : memref<64x128xf32, #tpu.memory_space<vmem>> -> memref<16x128xf32, #tpu.memory_space<vmem>>
        tpu.vector_store_idx %scatter3A_309[%and3A_300, %add3A_307], %gather3A_305 : memref<16x128xf32, #tpu.memory_space<vmem>>[vector<16xi32>, vector<16xi32>], vector<16xf32>,
        %add3A_310 = arith.constant 10 : i32
        %add3A_311 = vector.broadcast %add3A_310 : i32 to vector<16xi32>
        %add3A_312 = arith.addi %iota3A, %add3A_311 : vector<16xi32>
        %and3A_313 = arith.constant 15 : i32
        %and3A_314 = vector.broadcast %and3A_313 : i32 to vector<16xi32>
        %and3A_315 = arith.andi %add3A_312, %and3A_314 : vector<16xi32>
        %add3A_316 = vector.broadcast %mul3A_161 : i32 to vector<16xi32>
        %add3A_317 = arith.addi %and3A_315, %add3A_316 : vector<16xi32>
        %gather3A_318 = arith.constant 0 : i32
        %gather3A_319 = tpu.memref_slice %arg10[%mul3A_144, %gather3A_318] : memref<128x128xf32, #tpu.memory_space<vmem>> -> memref<16x128xf32, #tpu.memory_space<vmem>>
        %gather3A_320 = tpu.vector_load_idx %gather3A_319[%iota3A, %add3A_317] : memref<16x128xf32, #tpu.memory_space<vmem>>[vector<16xi32>, vector<16xi32>], vector<16xf32>,
        %add3A_321 = vector.broadcast %mul3A_144 : i32 to vector<16xi32>
        %add3A_322 = arith.addi %iota3A, %add3A_321 : vector<16xi32>
        %scatter3A_323 = arith.constant 0 : i32
        %scatter3A_324 = tpu.memref_slice %arg12[%mul3A_161, %scatter3A_323] : memref<64x128xf32, #tpu.memory_space<vmem>> -> memref<16x128xf32, #tpu.memory_space<vmem>>
        tpu.vector_store_idx %scatter3A_324[%and3A_315, %add3A_322], %gather3A_320 : memref<16x128xf32, #tpu.memory_space<vmem>>[vector<16xi32>, vector<16xi32>], vector<16xf32>,
        %add3A_325 = arith.constant 11 : i32
        %add3A_326 = vector.broadcast %add3A_325 : i32 to vector<16xi32>
        %add3A_327 = arith.addi %iota3A, %add3A_326 : vector<16xi32>
        %and3A_328 = arith.constant 15 : i32
        %and3A_329 = vector.broadcast %and3A_328 : i32 to vector<16xi32>
        %and3A_330 = arith.andi %add3A_327, %and3A_329 : vector<16xi32>
        %add3A_331 = vector.broadcast %mul3A_161 : i32 to vector<16xi32>
        %add3A_332 = arith.addi %and3A_330, %add3A_331 : vector<16xi32>
        %gather3A_333 = arith.constant 0 : i32
        %gather3A_334 = tpu.memref_slice %arg10[%mul3A_144, %gather3A_333] : memref<128x128xf32, #tpu.memory_space<vmem>> -> memref<16x128xf32, #tpu.memory_space<vmem>>
        %gather3A_335 = tpu.vector_load_idx %gather3A_334[%iota3A, %add3A_332] : memref<16x128xf32, #tpu.memory_space<vmem>>[vector<16xi32>, vector<16xi32>], vector<16xf32>,
        %add3A_336 = vector.broadcast %mul3A_144 : i32 to vector<16xi32>
        %add3A_337 = arith.addi %iota3A, %add3A_336 : vector<16xi32>
        %scatter3A_338 = arith.constant 0 : i32
        %scatter3A_339 = tpu.memref_slice %arg12[%mul3A_161, %scatter3A_338] : memref<64x128xf32, #tpu.memory_space<vmem>> -> memref<16x128xf32, #tpu.memory_space<vmem>>
        tpu.vector_store_idx %scatter3A_339[%and3A_330, %add3A_337], %gather3A_335 : memref<16x128xf32, #tpu.memory_space<vmem>>[vector<16xi32>, vector<16xi32>], vector<16xf32>,
        %add3A_340 = arith.constant 12 : i32
        %add3A_341 = vector.broadcast %add3A_340 : i32 to vector<16xi32>
        %add3A_342 = arith.addi %iota3A, %add3A_341 : vector<16xi32>
        %and3A_343 = arith.constant 15 : i32
        %and3A_344 = vector.broadcast %and3A_343 : i32 to vector<16xi32>
        %and3A_345 = arith.andi %add3A_342, %and3A_344 : vector<16xi32>
        %add3A_346 = vector.broadcast %mul3A_161 : i32 to vector<16xi32>
        %add3A_347 = arith.addi %and3A_345, %add3A_346 : vector<16xi32>
        %gather3A_348 = arith.constant 0 : i32
        %gather3A_349 = tpu.memref_slice %arg10[%mul3A_144, %gather3A_348] : memref<128x128xf32, #tpu.memory_space<vmem>> -> memref<16x128xf32, #tpu.memory_space<vmem>>
        %gather3A_350 = tpu.vector_load_idx %gather3A_349[%iota3A, %add3A_347] : memref<16x128xf32, #tpu.memory_space<vmem>>[vector<16xi32>, vector<16xi32>], vector<16xf32>,
        %add3A_351 = vector.broadcast %mul3A_144 : i32 to vector<16xi32>
        %add3A_352 = arith.addi %iota3A, %add3A_351 : vector<16xi32>
        %scatter3A_353 = arith.constant 0 : i32
        %scatter3A_354 = tpu.memref_slice %arg12[%mul3A_161, %scatter3A_353] : memref<64x128xf32, #tpu.memory_space<vmem>> -> memref<16x128xf32, #tpu.memory_space<vmem>>
        tpu.vector_store_idx %scatter3A_354[%and3A_345, %add3A_352], %gather3A_350 : memref<16x128xf32, #tpu.memory_space<vmem>>[vector<16xi32>, vector<16xi32>], vector<16xf32>,
        %add3A_355 = arith.constant 13 : i32
        %add3A_356 = vector.broadcast %add3A_355 : i32 to vector<16xi32>
        %add3A_357 = arith.addi %iota3A, %add3A_356 : vector<16xi32>
        %and3A_358 = arith.constant 15 : i32
        %and3A_359 = vector.broadcast %and3A_358 : i32 to vector<16xi32>
        %and3A_360 = arith.andi %add3A_357, %and3A_359 : vector<16xi32>
        %add3A_361 = vector.broadcast %mul3A_161 : i32 to vector<16xi32>
        %add3A_362 = arith.addi %and3A_360, %add3A_361 : vector<16xi32>
        %gather3A_363 = arith.constant 0 : i32
        %gather3A_364 = tpu.memref_slice %arg10[%mul3A_144, %gather3A_363] : memref<128x128xf32, #tpu.memory_space<vmem>> -> memref<16x128xf32, #tpu.memory_space<vmem>>
        %gather3A_365 = tpu.vector_load_idx %gather3A_364[%iota3A, %add3A_362] : memref<16x128xf32, #tpu.memory_space<vmem>>[vector<16xi32>, vector<16xi32>], vector<16xf32>,
        %add3A_366 = vector.broadcast %mul3A_144 : i32 to vector<16xi32>
        %add3A_367 = arith.addi %iota3A, %add3A_366 : vector<16xi32>
        %scatter3A_368 = arith.constant 0 : i32
        %scatter3A_369 = tpu.memref_slice %arg12[%mul3A_161, %scatter3A_368] : memref<64x128xf32, #tpu.memory_space<vmem>> -> memref<16x128xf32, #tpu.memory_space<vmem>>
        tpu.vector_store_idx %scatter3A_369[%and3A_360, %add3A_367], %gather3A_365 : memref<16x128xf32, #tpu.memory_space<vmem>>[vector<16xi32>, vector<16xi32>], vector<16xf32>,
        %add3A_370 = arith.constant 14 : i32
        %add3A_371 = vector.broadcast %add3A_370 : i32 to vector<16xi32>
        %add3A_372 = arith.addi %iota3A, %add3A_371 : vector<16xi32>
        %and3A_373 = arith.constant 15 : i32
        %and3A_374 = vector.broadcast %and3A_373 : i32 to vector<16xi32>
        %and3A_375 = arith.andi %add3A_372, %and3A_374 : vector<16xi32>
        %add3A_376 = vector.broadcast %mul3A_161 : i32 to vector<16xi32>
        %add3A_377 = arith.addi %and3A_375, %add3A_376 : vector<16xi32>
        %gather3A_378 = arith.constant 0 : i32
        %gather3A_379 = tpu.memref_slice %arg10[%mul3A_144, %gather3A_378] : memref<128x128xf32, #tpu.memory_space<vmem>> -> memref<16x128xf32, #tpu.memory_space<vmem>>
        %gather3A_380 = tpu.vector_load_idx %gather3A_379[%iota3A, %add3A_377] : memref<16x128xf32, #tpu.memory_space<vmem>>[vector<16xi32>, vector<16xi32>], vector<16xf32>,
        %add3A_381 = vector.broadcast %mul3A_144 : i32 to vector<16xi32>
        %add3A_382 = arith.addi %iota3A, %add3A_381 : vector<16xi32>
        %scatter3A_383 = arith.constant 0 : i32
        %scatter3A_384 = tpu.memref_slice %arg12[%mul3A_161, %scatter3A_383] : memref<64x128xf32, #tpu.memory_space<vmem>> -> memref<16x128xf32, #tpu.memory_space<vmem>>
        tpu.vector_store_idx %scatter3A_384[%and3A_375, %add3A_382], %gather3A_380 : memref<16x128xf32, #tpu.memory_space<vmem>>[vector<16xi32>, vector<16xi32>], vector<16xf32>,
        %add3A_385 = arith.constant 15 : i32
        %add3A_386 = vector.broadcast %add3A_385 : i32 to vector<16xi32>
        %add3A_387 = arith.addi %iota3A, %add3A_386 : vector<16xi32>
        %and3A_388 = arith.constant 15 : i32
        %and3A_389 = vector.broadcast %and3A_388 : i32 to vector<16xi32>
        %and3A_390 = arith.andi %add3A_387, %and3A_389 : vector<16xi32>
        %add3A_391 = vector.broadcast %mul3A_161 : i32 to vector<16xi32>
        %add3A_392 = arith.addi %and3A_390, %add3A_391 : vector<16xi32>
        %gather3A_393 = arith.constant 0 : i32
        %gather3A_394 = tpu.memref_slice %arg10[%mul3A_144, %gather3A_393] : memref<128x128xf32, #tpu.memory_space<vmem>> -> memref<16x128xf32, #tpu.memory_space<vmem>>
        %gather3A_395 = tpu.vector_load_idx %gather3A_394[%iota3A, %add3A_392] : memref<16x128xf32, #tpu.memory_space<vmem>>[vector<16xi32>, vector<16xi32>], vector<16xf32>,
        %add3A_396 = vector.broadcast %mul3A_144 : i32 to vector<16xi32>
        %add3A_397 = arith.addi %iota3A, %add3A_396 : vector<16xi32>
        %scatter3A_398 = arith.constant 0 : i32
        %scatter3A_399 = tpu.memref_slice %arg12[%mul3A_161, %scatter3A_398] : memref<64x128xf32, #tpu.memory_space<vmem>> -> memref<16x128xf32, #tpu.memory_space<vmem>>
        tpu.vector_store_idx %scatter3A_399[%and3A_390, %add3A_397], %gather3A_395 : memref<16x128xf32, #tpu.memory_space<vmem>>[vector<16xi32>, vector<16xi32>], vector<16xf32>,
        %scan3A_400 = arith.constant 1 : i32
        %scan3A_401 = arith.addi %scan3A_126, %scan3A_400 : i32
        %jit3A_402 = arith.constant 4 : i32
        %div3A_403 = arith.divsi %scan3A_401, %jit3A_402 : i32
        %sign3A_404 = arith.constant 0 : i32
        %sign3A_405 = arith.cmpi sgt, %scan3A_401, %sign3A_404 : i32
        %sign3A_406 = arith.extui %sign3A_405 : i1 to i32
        %sign3A_407 = arith.constant 0 : i32
        %sign3A_408 = arith.cmpi slt, %scan3A_401, %sign3A_407 : i32
        %sign3A_409 = arith.extui %sign3A_408 : i1 to i32
        %sign3A_410 = arith.subi %sign3A_406, %sign3A_409 : i32
        %sign3A_411 = arith.constant 0 : i32
        %sign3A_412 = arith.cmpi sgt, %jit3A_402, %sign3A_411 : i32
        %sign3A_413 = arith.extui %sign3A_412 : i1 to i32
        %sign3A_414 = arith.constant 0 : i32
        %sign3A_415 = arith.cmpi slt, %jit3A_402, %sign3A_414 : i32
        %sign3A_416 = arith.extui %sign3A_415 : i1 to i32
        %sign3A_417 = arith.subi %sign3A_413, %sign3A_416 : i32
        %ne3A_418 = arith.cmpi ne, %sign3A_410, %sign3A_417 : i32
        %rem3A_419 = arith.remsi %scan3A_401, %jit3A_402 : i32
        %ne3A_420 = arith.constant 0 : i32
        %ne3A_421 = arith.cmpi ne, %rem3A_419, %ne3A_420 : i32
        %and3A_422 = arith.andi %ne3A_418, %ne3A_421 : i1
        %sub3A_423 = arith.constant 1 : i32
        %sub3A_424 = arith.subi %div3A_403, %sub3A_423 : i32
        %select_n3A_425 = arith.select %and3A_422, %sub3A_424, %div3A_403 : i32
        %mul3A_426 = arith.constant 16 : i32
        %mul3A_427 = arith.muli %select_n3A_425, %mul3A_426 : i32
        %jit3A_428 = arith.constant 4 : i32
        %eq3A_429 = arith.constant 0 : i32
        %eq3A_430 = arith.cmpi eq, %jit3A_428, %eq3A_429 : i32
        %jit3A_431 = arith.constant 1 : i32
        %select_n3A_432 = arith.select %eq3A_430, %jit3A_431, %jit3A_428 : i32
        %rem3A_433 = arith.remsi %scan3A_401, %select_n3A_432 : i32
        %ne3A_434 = arith.constant 0 : i32
        %ne3A_435 = arith.cmpi ne, %rem3A_433, %ne3A_434 : i32
        %lt3A_436 = arith.constant 0 : i32
        %lt3A_437 = arith.cmpi slt, %rem3A_433, %lt3A_436 : i32
        %lt3A_438 = arith.constant 0 : i32
        %lt3A_439 = arith.cmpi slt, %select_n3A_432, %lt3A_438 : i32
        %ne3A_440 = arith.xori %lt3A_437, %lt3A_439 : i1
        %and3A_441 = arith.andi %ne3A_440, %ne3A_435 : i1
        %add3A_442 = arith.addi %rem3A_433, %select_n3A_432 : i32
        %select_n3A_443 = arith.select %and3A_441, %add3A_442, %rem3A_433 : i32
        %mul3A_444 = arith.constant 16 : i32
        %mul3A_445 = arith.muli %select_n3A_443, %mul3A_444 : i32
        %add3A_446 = arith.constant 0 : i32
        %add3A_447 = vector.broadcast %add3A_446 : i32 to vector<16xi32>
        %add3A_448 = arith.addi %iota3A, %add3A_447 : vector<16xi32>
        %and3A_449 = arith.constant 15 : i32
        %and3A_450 = vector.broadcast %and3A_449 : i32 to vector<16xi32>
        %and3A_451 = arith.andi %add3A_448, %and3A_450 : vector<16xi32>
        %add3A_452 = vector.broadcast %mul3A_445 : i32 to vector<16xi32>
        %add3A_453 = arith.addi %and3A_451, %add3A_452 : vector<16xi32>
        %gather3A_454 = arith.constant 0 : i32
        %gather3A_455 = tpu.memref_slice %arg10[%mul3A_427, %gather3A_454] : memref<128x128xf32, #tpu.memory_space<vmem>> -> memref<16x128xf32, #tpu.memory_space<vmem>>
        %gather3A_456 = tpu.vector_load_idx %gather3A_455[%iota3A, %add3A_453] : memref<16x128xf32, #tpu.memory_space<vmem>>[vector<16xi32>, vector<16xi32>], vector<16xf32>,
        %add3A_457 = vector.broadcast %mul3A_427 : i32 to vector<16xi32>
        %add3A_458 = arith.addi %iota3A, %add3A_457 : vector<16xi32>
        %scatter3A_459 = arith.constant 0 : i32
        %scatter3A_460 = tpu.memref_slice %arg12[%mul3A_445, %scatter3A_459] : memref<64x128xf32, #tpu.memory_space<vmem>> -> memref<16x128xf32, #tpu.memory_space<vmem>>
        tpu.vector_store_idx %scatter3A_460[%and3A_451, %add3A_458], %gather3A_456 : memref<16x128xf32, #tpu.memory_space<vmem>>[vector<16xi32>, vector<16xi32>], vector<16xf32>,
        %add3A_461 = arith.constant 1 : i32
        %add3A_462 = vector.broadcast %add3A_461 : i32 to vector<16xi32>
        %add3A_463 = arith.addi %iota3A, %add3A_462 : vector<16xi32>
        %and3A_464 = arith.constant 15 : i32
        %and3A_465 = vector.broadcast %and3A_464 : i32 to vector<16xi32>
        %and3A_466 = arith.andi %add3A_463, %and3A_465 : vector<16xi32>
        %add3A_467 = vector.broadcast %mul3A_445 : i32 to vector<16xi32>
        %add3A_468 = arith.addi %and3A_466, %add3A_467 : vector<16xi32>
        %gather3A_469 = arith.constant 0 : i32
        %gather3A_470 = tpu.memref_slice %arg10[%mul3A_427, %gather3A_469] : memref<128x128xf32, #tpu.memory_space<vmem>> -> memref<16x128xf32, #tpu.memory_space<vmem>>
        %gather3A_471 = tpu.vector_load_idx %gather3A_470[%iota3A, %add3A_468] : memref<16x128xf32, #tpu.memory_space<vmem>>[vector<16xi32>, vector<16xi32>], vector<16xf32>,
        %add3A_472 = vector.broadcast %mul3A_427 : i32 to vector<16xi32>
        %add3A_473 = arith.addi %iota3A, %add3A_472 : vector<16xi32>
        %scatter3A_474 = arith.constant 0 : i32
        %scatter3A_475 = tpu.memref_slice %arg12[%mul3A_445, %scatter3A_474] : memref<64x128xf32, #tpu.memory_space<vmem>> -> memref<16x128xf32, #tpu.memory_space<vmem>>
        tpu.vector_store_idx %scatter3A_475[%and3A_466, %add3A_473], %gather3A_471 : memref<16x128xf32, #tpu.memory_space<vmem>>[vector<16xi32>, vector<16xi32>], vector<16xf32>,
        %add3A_476 = arith.constant 2 : i32
        %add3A_477 = vector.broadcast %add3A_476 : i32 to vector<16xi32>
        %add3A_478 = arith.addi %iota3A, %add3A_477 : vector<16xi32>
        %and3A_479 = arith.constant 15 : i32
        %and3A_480 = vector.broadcast %and3A_479 : i32 to vector<16xi32>
        %and3A_481 = arith.andi %add3A_478, %and3A_480 : vector<16xi32>
        %add3A_482 = vector.broadcast %mul3A_445 : i32 to vector<16xi32>
        %add3A_483 = arith.addi %and3A_481, %add3A_482 : vector<16xi32>
        %gather3A_484 = arith.constant 0 : i32
        %gather3A_485 = tpu.memref_slice %arg10[%mul3A_427, %gather3A_484] : memref<128x128xf32, #tpu.memory_space<vmem>> -> memref<16x128xf32, #tpu.memory_space<vmem>>
        %gather3A_486 = tpu.vector_load_idx %gather3A_485[%iota3A, %add3A_483] : memref<16x128xf32, #tpu.memory_space<vmem>>[vector<16xi32>, vector<16xi32>], vector<16xf32>,
        %add3A_487 = vector.broadcast %mul3A_427 : i32 to vector<16xi32>
        %add3A_488 = arith.addi %iota3A, %add3A_487 : vector<16xi32>
        %scatter3A_489 = arith.constant 0 : i32
        %scatter3A_490 = tpu.memref_slice %arg12[%mul3A_445, %scatter3A_489] : memref<64x128xf32, #tpu.memory_space<vmem>> -> memref<16x128xf32, #tpu.memory_space<vmem>>
        tpu.vector_store_idx %scatter3A_490[%and3A_481, %add3A_488], %gather3A_486 : memref<16x128xf32, #tpu.memory_space<vmem>>[vector<16xi32>, vector<16xi32>], vector<16xf32>,
        %add3A_491 = arith.constant 3 : i32
        %add3A_492 = vector.broadcast %add3A_491 : i32 to vector<16xi32>
        %add3A_493 = arith.addi %iota3A, %add3A_492 : vector<16xi32>
        %and3A_494 = arith.constant 15 : i32
        %and3A_495 = vector.broadcast %and3A_494 : i32 to vector<16xi32>
        %and3A_496 = arith.andi %add3A_493, %and3A_495 : vector<16xi32>
        %add3A_497 = vector.broadcast %mul3A_445 : i32 to vector<16xi32>
        %add3A_498 = arith.addi %and3A_496, %add3A_497 : vector<16xi32>
        %gather3A_499 = arith.constant 0 : i32
        %gather3A_500 = tpu.memref_slice %arg10[%mul3A_427, %gather3A_499] : memref<128x128xf32, #tpu.memory_space<vmem>> -> memref<16x128xf32, #tpu.memory_space<vmem>>
        %gather3A_501 = tpu.vector_load_idx %gather3A_500[%iota3A, %add3A_498] : memref<16x128xf32, #tpu.memory_space<vmem>>[vector<16xi32>, vector<16xi32>], vector<16xf32>,
        %add3A_502 = vector.broadcast %mul3A_427 : i32 to vector<16xi32>
        %add3A_503 = arith.addi %iota3A, %add3A_502 : vector<16xi32>
        %scatter3A_504 = arith.constant 0 : i32
        %scatter3A_505 = tpu.memref_slice %arg12[%mul3A_445, %scatter3A_504] : memref<64x128xf32, #tpu.memory_space<vmem>> -> memref<16x128xf32, #tpu.memory_space<vmem>>
        tpu.vector_store_idx %scatter3A_505[%and3A_496, %add3A_503], %gather3A_501 : memref<16x128xf32, #tpu.memory_space<vmem>>[vector<16xi32>, vector<16xi32>], vector<16xf32>,
        %add3A_506 = arith.constant 4 : i32
        %add3A_507 = vector.broadcast %add3A_506 : i32 to vector<16xi32>
        %add3A_508 = arith.addi %iota3A, %add3A_507 : vector<16xi32>
        %and3A_509 = arith.constant 15 : i32
        %and3A_510 = vector.broadcast %and3A_509 : i32 to vector<16xi32>
        %and3A_511 = arith.andi %add3A_508, %and3A_510 : vector<16xi32>
        %add3A_512 = vector.broadcast %mul3A_445 : i32 to vector<16xi32>
        %add3A_513 = arith.addi %and3A_511, %add3A_512 : vector<16xi32>
        %gather3A_514 = arith.constant 0 : i32
        %gather3A_515 = tpu.memref_slice %arg10[%mul3A_427, %gather3A_514] : memref<128x128xf32, #tpu.memory_space<vmem>> -> memref<16x128xf32, #tpu.memory_space<vmem>>
        %gather3A_516 = tpu.vector_load_idx %gather3A_515[%iota3A, %add3A_513] : memref<16x128xf32, #tpu.memory_space<vmem>>[vector<16xi32>, vector<16xi32>], vector<16xf32>,
        %add3A_517 = vector.broadcast %mul3A_427 : i32 to vector<16xi32>
        %add3A_518 = arith.addi %iota3A, %add3A_517 : vector<16xi32>
        %scatter3A_519 = arith.constant 0 : i32
        %scatter3A_520 = tpu.memref_slice %arg12[%mul3A_445, %scatter3A_519] : memref<64x128xf32, #tpu.memory_space<vmem>> -> memref<16x128xf32, #tpu.memory_space<vmem>>
        tpu.vector_store_idx %scatter3A_520[%and3A_511, %add3A_518], %gather3A_516 : memref<16x128xf32, #tpu.memory_space<vmem>>[vector<16xi32>, vector<16xi32>], vector<16xf32>,
        %add3A_521 = arith.constant 5 : i32
        %add3A_522 = vector.broadcast %add3A_521 : i32 to vector<16xi32>
        %add3A_523 = arith.addi %iota3A, %add3A_522 : vector<16xi32>
        %and3A_524 = arith.constant 15 : i32
        %and3A_525 = vector.broadcast %and3A_524 : i32 to vector<16xi32>
        %and3A_526 = arith.andi %add3A_523, %and3A_525 : vector<16xi32>
        %add3A_527 = vector.broadcast %mul3A_445 : i32 to vector<16xi32>
        %add3A_528 = arith.addi %and3A_526, %add3A_527 : vector<16xi32>
        %gather3A_529 = arith.constant 0 : i32
        %gather3A_530 = tpu.memref_slice %arg10[%mul3A_427, %gather3A_529] : memref<128x128xf32, #tpu.memory_space<vmem>> -> memref<16x128xf32, #tpu.memory_space<vmem>>
        %gather3A_531 = tpu.vector_load_idx %gather3A_530[%iota3A, %add3A_528] : memref<16x128xf32, #tpu.memory_space<vmem>>[vector<16xi32>, vector<16xi32>], vector<16xf32>,
        %add3A_532 = vector.broadcast %mul3A_427 : i32 to vector<16xi32>
        %add3A_533 = arith.addi %iota3A, %add3A_532 : vector<16xi32>
        %scatter3A_534 = arith.constant 0 : i32
        %scatter3A_535 = tpu.memref_slice %arg12[%mul3A_445, %scatter3A_534] : memref<64x128xf32, #tpu.memory_space<vmem>> -> memref<16x128xf32, #tpu.memory_space<vmem>>
        tpu.vector_store_idx %scatter3A_535[%and3A_526, %add3A_533], %gather3A_531 : memref<16x128xf32, #tpu.memory_space<vmem>>[vector<16xi32>, vector<16xi32>], vector<16xf32>,
        %add3A_536 = arith.constant 6 : i32
        %add3A_537 = vector.broadcast %add3A_536 : i32 to vector<16xi32>
        %add3A_538 = arith.addi %iota3A, %add3A_537 : vector<16xi32>
        %and3A_539 = arith.constant 15 : i32
        %and3A_540 = vector.broadcast %and3A_539 : i32 to vector<16xi32>
        %and3A_541 = arith.andi %add3A_538, %and3A_540 : vector<16xi32>
        %add3A_542 = vector.broadcast %mul3A_445 : i32 to vector<16xi32>
        %add3A_543 = arith.addi %and3A_541, %add3A_542 : vector<16xi32>
        %gather3A_544 = arith.constant 0 : i32
        %gather3A_545 = tpu.memref_slice %arg10[%mul3A_427, %gather3A_544] : memref<128x128xf32, #tpu.memory_space<vmem>> -> memref<16x128xf32, #tpu.memory_space<vmem>>
        %gather3A_546 = tpu.vector_load_idx %gather3A_545[%iota3A, %add3A_543] : memref<16x128xf32, #tpu.memory_space<vmem>>[vector<16xi32>, vector<16xi32>], vector<16xf32>,
        %add3A_547 = vector.broadcast %mul3A_427 : i32 to vector<16xi32>
        %add3A_548 = arith.addi %iota3A, %add3A_547 : vector<16xi32>
        %scatter3A_549 = arith.constant 0 : i32
        %scatter3A_550 = tpu.memref_slice %arg12[%mul3A_445, %scatter3A_549] : memref<64x128xf32, #tpu.memory_space<vmem>> -> memref<16x128xf32, #tpu.memory_space<vmem>>
        tpu.vector_store_idx %scatter3A_550[%and3A_541, %add3A_548], %gather3A_546 : memref<16x128xf32, #tpu.memory_space<vmem>>[vector<16xi32>, vector<16xi32>], vector<16xf32>,
        %add3A_551 = arith.constant 7 : i32
        %add3A_552 = vector.broadcast %add3A_551 : i32 to vector<16xi32>
        %add3A_553 = arith.addi %iota3A, %add3A_552 : vector<16xi32>
        %and3A_554 = arith.constant 15 : i32
        %and3A_555 = vector.broadcast %and3A_554 : i32 to vector<16xi32>
        %and3A_556 = arith.andi %add3A_553, %and3A_555 : vector<16xi32>
        %add3A_557 = vector.broadcast %mul3A_445 : i32 to vector<16xi32>
        %add3A_558 = arith.addi %and3A_556, %add3A_557 : vector<16xi32>
        %gather3A_559 = arith.constant 0 : i32
        %gather3A_560 = tpu.memref_slice %arg10[%mul3A_427, %gather3A_559] : memref<128x128xf32, #tpu.memory_space<vmem>> -> memref<16x128xf32, #tpu.memory_space<vmem>>
        %gather3A_561 = tpu.vector_load_idx %gather3A_560[%iota3A, %add3A_558] : memref<16x128xf32, #tpu.memory_space<vmem>>[vector<16xi32>, vector<16xi32>], vector<16xf32>,
        %add3A_562 = vector.broadcast %mul3A_427 : i32 to vector<16xi32>
        %add3A_563 = arith.addi %iota3A, %add3A_562 : vector<16xi32>
        %scatter3A_564 = arith.constant 0 : i32
        %scatter3A_565 = tpu.memref_slice %arg12[%mul3A_445, %scatter3A_564] : memref<64x128xf32, #tpu.memory_space<vmem>> -> memref<16x128xf32, #tpu.memory_space<vmem>>
        tpu.vector_store_idx %scatter3A_565[%and3A_556, %add3A_563], %gather3A_561 : memref<16x128xf32, #tpu.memory_space<vmem>>[vector<16xi32>, vector<16xi32>], vector<16xf32>,
        %add3A_566 = arith.constant 8 : i32
        %add3A_567 = vector.broadcast %add3A_566 : i32 to vector<16xi32>
        %add3A_568 = arith.addi %iota3A, %add3A_567 : vector<16xi32>
        %and3A_569 = arith.constant 15 : i32
        %and3A_570 = vector.broadcast %and3A_569 : i32 to vector<16xi32>
        %and3A_571 = arith.andi %add3A_568, %and3A_570 : vector<16xi32>
        %add3A_572 = vector.broadcast %mul3A_445 : i32 to vector<16xi32>
        %add3A_573 = arith.addi %and3A_571, %add3A_572 : vector<16xi32>
        %gather3A_574 = arith.constant 0 : i32
        %gather3A_575 = tpu.memref_slice %arg10[%mul3A_427, %gather3A_574] : memref<128x128xf32, #tpu.memory_space<vmem>> -> memref<16x128xf32, #tpu.memory_space<vmem>>
        %gather3A_576 = tpu.vector_load_idx %gather3A_575[%iota3A, %add3A_573] : memref<16x128xf32, #tpu.memory_space<vmem>>[vector<16xi32>, vector<16xi32>], vector<16xf32>,
        %add3A_577 = vector.broadcast %mul3A_427 : i32 to vector<16xi32>
        %add3A_578 = arith.addi %iota3A, %add3A_577 : vector<16xi32>
        %scatter3A_579 = arith.constant 0 : i32
        %scatter3A_580 = tpu.memref_slice %arg12[%mul3A_445, %scatter3A_579] : memref<64x128xf32, #tpu.memory_space<vmem>> -> memref<16x128xf32, #tpu.memory_space<vmem>>
        tpu.vector_store_idx %scatter3A_580[%and3A_571, %add3A_578], %gather3A_576 : memref<16x128xf32, #tpu.memory_space<vmem>>[vector<16xi32>, vector<16xi32>], vector<16xf32>,
        %add3A_581 = arith.constant 9 : i32
        %add3A_582 = vector.broadcast %add3A_581 : i32 to vector<16xi32>
        %add3A_583 = arith.addi %iota3A, %add3A_582 : vector<16xi32>
        %and3A_584 = arith.constant 15 : i32
        %and3A_585 = vector.broadcast %and3A_584 : i32 to vector<16xi32>
        %and3A_586 = arith.andi %add3A_583, %and3A_585 : vector<16xi32>
        %add3A_587 = vector.broadcast %mul3A_445 : i32 to vector<16xi32>
        %add3A_588 = arith.addi %and3A_586, %add3A_587 : vector<16xi32>
        %gather3A_589 = arith.constant 0 : i32
        %gather3A_590 = tpu.memref_slice %arg10[%mul3A_427, %gather3A_589] : memref<128x128xf32, #tpu.memory_space<vmem>> -> memref<16x128xf32, #tpu.memory_space<vmem>>
        %gather3A_591 = tpu.vector_load_idx %gather3A_590[%iota3A, %add3A_588] : memref<16x128xf32, #tpu.memory_space<vmem>>[vector<16xi32>, vector<16xi32>], vector<16xf32>,
        %add3A_592 = vector.broadcast %mul3A_427 : i32 to vector<16xi32>
        %add3A_593 = arith.addi %iota3A, %add3A_592 : vector<16xi32>
        %scatter3A_594 = arith.constant 0 : i32
        %scatter3A_595 = tpu.memref_slice %arg12[%mul3A_445, %scatter3A_594] : memref<64x128xf32, #tpu.memory_space<vmem>> -> memref<16x128xf32, #tpu.memory_space<vmem>>
        tpu.vector_store_idx %scatter3A_595[%and3A_586, %add3A_593], %gather3A_591 : memref<16x128xf32, #tpu.memory_space<vmem>>[vector<16xi32>, vector<16xi32>], vector<16xf32>,
        %add3A_596 = arith.constant 10 : i32
        %add3A_597 = vector.broadcast %add3A_596 : i32 to vector<16xi32>
        %add3A_598 = arith.addi %iota3A, %add3A_597 : vector<16xi32>
        %and3A_599 = arith.constant 15 : i32
        %and3A_600 = vector.broadcast %and3A_599 : i32 to vector<16xi32>
        %and3A_601 = arith.andi %add3A_598, %and3A_600 : vector<16xi32>
        %add3A_602 = vector.broadcast %mul3A_445 : i32 to vector<16xi32>
        %add3A_603 = arith.addi %and3A_601, %add3A_602 : vector<16xi32>
        %gather3A_604 = arith.constant 0 : i32
        %gather3A_605 = tpu.memref_slice %arg10[%mul3A_427, %gather3A_604] : memref<128x128xf32, #tpu.memory_space<vmem>> -> memref<16x128xf32, #tpu.memory_space<vmem>>
        %gather3A_606 = tpu.vector_load_idx %gather3A_605[%iota3A, %add3A_603] : memref<16x128xf32, #tpu.memory_space<vmem>>[vector<16xi32>, vector<16xi32>], vector<16xf32>,
        %add3A_607 = vector.broadcast %mul3A_427 : i32 to vector<16xi32>
        %add3A_608 = arith.addi %iota3A, %add3A_607 : vector<16xi32>
        %scatter3A_609 = arith.constant 0 : i32
        %scatter3A_610 = tpu.memref_slice %arg12[%mul3A_445, %scatter3A_609] : memref<64x128xf32, #tpu.memory_space<vmem>> -> memref<16x128xf32, #tpu.memory_space<vmem>>
        tpu.vector_store_idx %scatter3A_610[%and3A_601, %add3A_608], %gather3A_606 : memref<16x128xf32, #tpu.memory_space<vmem>>[vector<16xi32>, vector<16xi32>], vector<16xf32>,
        %add3A_611 = arith.constant 11 : i32
        %add3A_612 = vector.broadcast %add3A_611 : i32 to vector<16xi32>
        %add3A_613 = arith.addi %iota3A, %add3A_612 : vector<16xi32>
        %and3A_614 = arith.constant 15 : i32
        %and3A_615 = vector.broadcast %and3A_614 : i32 to vector<16xi32>
        %and3A_616 = arith.andi %add3A_613, %and3A_615 : vector<16xi32>
        %add3A_617 = vector.broadcast %mul3A_445 : i32 to vector<16xi32>
        %add3A_618 = arith.addi %and3A_616, %add3A_617 : vector<16xi32>
        %gather3A_619 = arith.constant 0 : i32
        %gather3A_620 = tpu.memref_slice %arg10[%mul3A_427, %gather3A_619] : memref<128x128xf32, #tpu.memory_space<vmem>> -> memref<16x128xf32, #tpu.memory_space<vmem>>
        %gather3A_621 = tpu.vector_load_idx %gather3A_620[%iota3A, %add3A_618] : memref<16x128xf32, #tpu.memory_space<vmem>>[vector<16xi32>, vector<16xi32>], vector<16xf32>,
        %add3A_622 = vector.broadcast %mul3A_427 : i32 to vector<16xi32>
        %add3A_623 = arith.addi %iota3A, %add3A_622 : vector<16xi32>
        %scatter3A_624 = arith.constant 0 : i32
        %scatter3A_625 = tpu.memref_slice %arg12[%mul3A_445, %scatter3A_624] : memref<64x128xf32, #tpu.memory_space<vmem>> -> memref<16x128xf32, #tpu.memory_space<vmem>>
        tpu.vector_store_idx %scatter3A_625[%and3A_616, %add3A_623], %gather3A_621 : memref<16x128xf32, #tpu.memory_space<vmem>>[vector<16xi32>, vector<16xi32>], vector<16xf32>,
        %add3A_626 = arith.constant 12 : i32
        %add3A_627 = vector.broadcast %add3A_626 : i32 to vector<16xi32>
        %add3A_628 = arith.addi %iota3A, %add3A_627 : vector<16xi32>
        %and3A_629 = arith.constant 15 : i32
        %and3A_630 = vector.broadcast %and3A_629 : i32 to vector<16xi32>
        %and3A_631 = arith.andi %add3A_628, %and3A_630 : vector<16xi32>
        %add3A_632 = vector.broadcast %mul3A_445 : i32 to vector<16xi32>
        %add3A_633 = arith.addi %and3A_631, %add3A_632 : vector<16xi32>
        %gather3A_634 = arith.constant 0 : i32
        %gather3A_635 = tpu.memref_slice %arg10[%mul3A_427, %gather3A_634] : memref<128x128xf32, #tpu.memory_space<vmem>> -> memref<16x128xf32, #tpu.memory_space<vmem>>
        %gather3A_636 = tpu.vector_load_idx %gather3A_635[%iota3A, %add3A_633] : memref<16x128xf32, #tpu.memory_space<vmem>>[vector<16xi32>, vector<16xi32>], vector<16xf32>,
        %add3A_637 = vector.broadcast %mul3A_427 : i32 to vector<16xi32>
        %add3A_638 = arith.addi %iota3A, %add3A_637 : vector<16xi32>
        %scatter3A_639 = arith.constant 0 : i32
        %scatter3A_640 = tpu.memref_slice %arg12[%mul3A_445, %scatter3A_639] : memref<64x128xf32, #tpu.memory_space<vmem>> -> memref<16x128xf32, #tpu.memory_space<vmem>>
        tpu.vector_store_idx %scatter3A_640[%and3A_631, %add3A_638], %gather3A_636 : memref<16x128xf32, #tpu.memory_space<vmem>>[vector<16xi32>, vector<16xi32>], vector<16xf32>,
        %add3A_641 = arith.constant 13 : i32
        %add3A_642 = vector.broadcast %add3A_641 : i32 to vector<16xi32>
        %add3A_643 = arith.addi %iota3A, %add3A_642 : vector<16xi32>
        %and3A_644 = arith.constant 15 : i32
        %and3A_645 = vector.broadcast %and3A_644 : i32 to vector<16xi32>
        %and3A_646 = arith.andi %add3A_643, %and3A_645 : vector<16xi32>
        %add3A_647 = vector.broadcast %mul3A_445 : i32 to vector<16xi32>
        %add3A_648 = arith.addi %and3A_646, %add3A_647 : vector<16xi32>
        %gather3A_649 = arith.constant 0 : i32
        %gather3A_650 = tpu.memref_slice %arg10[%mul3A_427, %gather3A_649] : memref<128x128xf32, #tpu.memory_space<vmem>> -> memref<16x128xf32, #tpu.memory_space<vmem>>
        %gather3A_651 = tpu.vector_load_idx %gather3A_650[%iota3A, %add3A_648] : memref<16x128xf32, #tpu.memory_space<vmem>>[vector<16xi32>, vector<16xi32>], vector<16xf32>,
        %add3A_652 = vector.broadcast %mul3A_427 : i32 to vector<16xi32>
        %add3A_653 = arith.addi %iota3A, %add3A_652 : vector<16xi32>
        %scatter3A_654 = arith.constant 0 : i32
        %scatter3A_655 = tpu.memref_slice %arg12[%mul3A_445, %scatter3A_654] : memref<64x128xf32, #tpu.memory_space<vmem>> -> memref<16x128xf32, #tpu.memory_space<vmem>>
        tpu.vector_store_idx %scatter3A_655[%and3A_646, %add3A_653], %gather3A_651 : memref<16x128xf32, #tpu.memory_space<vmem>>[vector<16xi32>, vector<16xi32>], vector<16xf32>,
        %add3A_656 = arith.constant 14 : i32
        %add3A_657 = vector.broadcast %add3A_656 : i32 to vector<16xi32>
        %add3A_658 = arith.addi %iota3A, %add3A_657 : vector<16xi32>
        %and3A_659 = arith.constant 15 : i32
        %and3A_660 = vector.broadcast %and3A_659 : i32 to vector<16xi32>
        %and3A_661 = arith.andi %add3A_658, %and3A_660 : vector<16xi32>
        %add3A_662 = vector.broadcast %mul3A_445 : i32 to vector<16xi32>
        %add3A_663 = arith.addi %and3A_661, %add3A_662 : vector<16xi32>
        %gather3A_664 = arith.constant 0 : i32
        %gather3A_665 = tpu.memref_slice %arg10[%mul3A_427, %gather3A_664] : memref<128x128xf32, #tpu.memory_space<vmem>> -> memref<16x128xf32, #tpu.memory_space<vmem>>
        %gather3A_666 = tpu.vector_load_idx %gather3A_665[%iota3A, %add3A_663] : memref<16x128xf32, #tpu.memory_space<vmem>>[vector<16xi32>, vector<16xi32>], vector<16xf32>,
        %add3A_667 = vector.broadcast %mul3A_427 : i32 to vector<16xi32>
        %add3A_668 = arith.addi %iota3A, %add3A_667 : vector<16xi32>
        %scatter3A_669 = arith.constant 0 : i32
        %scatter3A_670 = tpu.memref_slice %arg12[%mul3A_445, %scatter3A_669] : memref<64x128xf32, #tpu.memory_space<vmem>> -> memref<16x128xf32, #tpu.memory_space<vmem>>
        tpu.vector_store_idx %scatter3A_670[%and3A_661, %add3A_668], %gather3A_666 : memref<16x128xf32, #tpu.memory_space<vmem>>[vector<16xi32>, vector<16xi32>], vector<16xf32>,
        %add3A_671 = arith.constant 15 : i32
        %add3A_672 = vector.broadcast %add3A_671 : i32 to vector<16xi32>
        %add3A_673 = arith.addi %iota3A, %add3A_672 : vector<16xi32>
        %and3A_674 = arith.constant 15 : i32
        %and3A_675 = vector.broadcast %and3A_674 : i32 to vector<16xi32>
        %and3A_676 = arith.andi %add3A_673, %and3A_675 : vector<16xi32>
        %add3A_677 = vector.broadcast %mul3A_445 : i32 to vector<16xi32>
        %add3A_678 = arith.addi %and3A_676, %add3A_677 : vector<16xi32>
        %gather3A_679 = arith.constant 0 : i32
        %gather3A_680 = tpu.memref_slice %arg10[%mul3A_427, %gather3A_679] : memref<128x128xf32, #tpu.memory_space<vmem>> -> memref<16x128xf32, #tpu.memory_space<vmem>>
        %gather3A_681 = tpu.vector_load_idx %gather3A_680[%iota3A, %add3A_678] : memref<16x128xf32, #tpu.memory_space<vmem>>[vector<16xi32>, vector<16xi32>], vector<16xf32>,
        %add3A_682 = vector.broadcast %mul3A_427 : i32 to vector<16xi32>
        %add3A_683 = arith.addi %iota3A, %add3A_682 : vector<16xi32>
        %scatter3A_684 = arith.constant 0 : i32
        %scatter3A_685 = tpu.memref_slice %arg12[%mul3A_445, %scatter3A_684] : memref<64x128xf32, #tpu.memory_space<vmem>> -> memref<16x128xf32, #tpu.memory_space<vmem>>
        tpu.vector_store_idx %scatter3A_685[%and3A_676, %add3A_683], %gather3A_681 : memref<16x128xf32, #tpu.memory_space<vmem>>[vector<16xi32>, vector<16xi32>], vector<16xf32>,
      }
      %scan3A_118 = arith.constant 32 : i32
      %dma_start3A_119 = arith.constant 0 : i32
      %dma_start3A_120 = arith.constant 0 : i32
      %dma_start3A_121 = tpu.memref_slice %arg6[%dma_start3A_119, %add3A_72, %dma_start3A_120, %multiple_of3A] : memref<2x50x64x4096xf32, #tpu.memory_space<hbm>> -> memref<1x1x64x128xf32, #tpu.memory_space<hbm>>
      %dma_start3A_122 = tpu.memref_squeeze %dma_start3A_121 : memref<1x1x64x128xf32, #tpu.memory_space<hbm>> -> memref<64x128xf32, #tpu.memory_space<hbm>>
      %dma_start3A_123 = arith.constant 0 : i32
      %dma_start3A_124 = tpu.memref_slice %arg6[%dma_start3A_119, %add3A_72, %dma_start3A_123, %multiple_of3A] : memref<2x50x64x4096xf32, #tpu.memory_space<hbm>> -> memref<1x1x64x128xf32, #tpu.memory_space<hbm>>
      %dma_start3A_125 = tpu.memref_squeeze %dma_start3A_124 : memref<1x1x64x128xf32, #tpu.memory_space<hbm>> -> memref<64x128xf32, #tpu.memory_space<hbm>>
      tpu.enqueue_dma source(%arg12 : memref<64x128xf32, #tpu.memory_space<vmem>>) target(%dma_start3A_125 : memref<64x128xf32, #tpu.memory_space<hbm>>) target_semaphore(%arg16 : memref<!tpu.dma_semaphore, #tpu.memory_space<semaphore_mem>>)
    }
    %scan3A_17 = arith.constant 25 : i32
    %dma_wait3A = arith.constant 0 : i32
    %dma_wait3A_18 = arith.constant 0 : i32
    %dma_wait3A_19 = arith.constant 0 : i32
    %dma_wait3A_20 = tpu.memref_slice %arg6[%dma_wait3A, %dma_wait3A_18, %dma_wait3A_19, %multiple_of3A] : memref<2x50x64x4096xf32, #tpu.memory_space<hbm>> -> memref<1x1x64x128xf32, #tpu.memory_space<hbm>>
    %dma_wait3A_21 = tpu.memref_squeeze %dma_wait3A_20 : memref<1x1x64x128xf32, #tpu.memory_space<hbm>> -> memref<64x128xf32, #tpu.memory_space<hbm>>
    %dma_wait3A_22 = arith.constant 0 : i32
    %dma_wait3A_23 = tpu.memref_slice %arg6[%dma_wait3A, %dma_wait3A_18, %dma_wait3A_22, %multiple_of3A] : memref<2x50x64x4096xf32, #tpu.memory_space<hbm>> -> memref<1x1x64x128xf32, #tpu.memory_space<hbm>>
    %dma_wait3A_24 = tpu.memref_squeeze %dma_wait3A_23 : memref<1x1x64x128xf32, #tpu.memory_space<hbm>> -> memref<64x128xf32, #tpu.memory_space<hbm>>
    tpu.wait_dma2 semaphore(%arg15 : memref<!tpu.dma_semaphore, #tpu.memory_space<semaphore_mem>>) src(%arg11 : memref<64x128xf32, #tpu.memory_space<vmem>>) dst(%dma_wait3A_24 : memref<64x128xf32, #tpu.memory_space<hbm>>)
    %dma_wait3A_25 = arith.constant 0 : i32
    %dma_wait3A_26 = arith.constant 1 : i32
    %dma_wait3A_27 = arith.constant 0 : i32
    %dma_wait3A_28 = tpu.memref_slice %arg6[%dma_wait3A_25, %dma_wait3A_26, %dma_wait3A_27, %multiple_of3A] : memref<2x50x64x4096xf32, #tpu.memory_space<hbm>> -> memref<1x1x64x128xf32, #tpu.memory_space<hbm>>
    %dma_wait3A_29 = tpu.memref_squeeze %dma_wait3A_28 : memref<1x1x64x128xf32, #tpu.memory_space<hbm>> -> memref<64x128xf32, #tpu.memory_space<hbm>>
    %dma_wait3A_30 = arith.constant 0 : i32
    %dma_wait3A_31 = tpu.memref_slice %arg6[%dma_wait3A_25, %dma_wait3A_26, %dma_wait3A_30, %multiple_of3A] : memref<2x50x64x4096xf32, #tpu.memory_space<hbm>> -> memref<1x1x64x128xf32, #tpu.memory_space<hbm>>
    %dma_wait3A_32 = tpu.memref_squeeze %dma_wait3A_31 : memref<1x1x64x128xf32, #tpu.memory_space<hbm>> -> memref<64x128xf32, #tpu.memory_space<hbm>>
    tpu.wait_dma2 semaphore(%arg16 : memref<!tpu.dma_semaphore, #tpu.memory_space<semaphore_mem>>) src(%arg12 : memref<64x128xf32, #tpu.memory_space<vmem>>) dst(%dma_wait3A_32 : memref<64x128xf32, #tpu.memory_space<hbm>>)
    "tpu.region"() ({
      %run_scoped3A = tpu.sem_alloc : memref<!tpu.dma_semaphore, #tpu.memory_space<semaphore_mem>>
      %dma_start3A_66 = arith.constant 0 : i32
      %dma_start3A_67 = tpu.memref_slice %arg3[%multiple_of3A, %dma_start3A_66] : memref<4096x50xi32, #tpu.memory_space<hbm>> -> memref<128x50xi32, #tpu.memory_space<hbm>>
      %dma_start3A_68 = arith.constant 0 : i32
      %dma_start3A_69 = tpu.memref_slice %arg3[%multiple_of3A, %dma_start3A_68] : memref<4096x50xi32, #tpu.memory_space<hbm>> -> memref<128x50xi32, #tpu.memory_space<hbm>>
      tpu.enqueue_dma source(%dma_start3A_69 : memref<128x50xi32, #tpu.memory_space<hbm>>) target(%arg7 : memref<128x50xi32, #tpu.memory_space<vmem>>) target_semaphore(%run_scoped3A : memref<!tpu.dma_semaphore, #tpu.memory_space<semaphore_mem>>)
      %dma_wait3A_70 = arith.constant 0 : i32
      %dma_wait3A_71 = tpu.memref_slice %arg3[%multiple_of3A, %dma_wait3A_70] : memref<4096x50xi32, #tpu.memory_space<hbm>> -> memref<128x50xi32, #tpu.memory_space<hbm>>
      %dma_wait3A_72 = arith.constant 0 : i32
      %dma_wait3A_73 = tpu.memref_slice %arg3[%multiple_of3A, %dma_wait3A_72] : memref<4096x50xi32, #tpu.memory_space<hbm>> -> memref<128x50xi32, #tpu.memory_space<hbm>>
      tpu.wait_dma2 semaphore(%run_scoped3A : memref<!tpu.dma_semaphore, #tpu.memory_space<semaphore_mem>>) src(%dma_wait3A_73 : memref<128x50xi32, #tpu.memory_space<hbm>>) dst(%arg7 : memref<128x50xi32, #tpu.memory_space<vmem>>)
      tpu.yield
    }) : () -> ()
    %scan3A_33 = arith.constant 0 : i32
    %scan3A_34 = arith.constant 50 : i32
    %scan3A_35 = arith.addi %scan3A_33, %scan3A_34 : i32
    %scan3A_36 = arith.constant 1 : i32
    scf.for %scan3A_66 = %scan3A_33 to %scan3A_35 step %scan3A_36  : i32 {
      %broadcast_in_dim3A = vector.broadcast %scan3A_66 : i32 to vector<16xi32>
      %add3A_67 = arith.constant 0 : i32
      %add3A_68 = vector.broadcast %add3A_67 : i32 to vector<16xi32>
      %add3A_69 = arith.addi %iota3A, %add3A_68 : vector<16xi32>
      %gather3A = tpu.vector_load_idx %arg7[%add3A_69, %broadcast_in_dim3A] : memref<128x50xi32, #tpu.memory_space<vmem>>[vector<16xi32>, vector<16xi32>], vector<16xi32>,
      %swap3A = arith.index_cast %scan3A_66 : i32 to index
      %swap3A_70 = arith.constant 0 : index
      %swap3A_71 = tpu.vector_load %arg8[%swap3A, %swap3A_70] {strides = array<i32>} : memref<50x128xi32, #tpu.memory_space<vmem>>, vector<16xi32>,
      tpu.vector_store %arg8[%swap3A, %swap3A_70], %gather3A {strides = array<i32>} : memref<50x128xi32, #tpu.memory_space<vmem>>, vector<16xi32>,
      %add3A_72 = arith.constant 16 : i32
      %add3A_73 = vector.broadcast %add3A_72 : i32 to vector<16xi32>
      %add3A_74 = arith.addi %iota3A, %add3A_73 : vector<16xi32>
      %gather3A_75 = tpu.vector_load_idx %arg7[%add3A_74, %broadcast_in_dim3A] : memref<128x50xi32, #tpu.memory_space<vmem>>[vector<16xi32>, vector<16xi32>], vector<16xi32>,
      %swap3A_76 = arith.index_cast %scan3A_66 : i32 to index
      %swap3A_77 = arith.constant 16 : index
      %swap3A_78 = tpu.vector_load %arg8[%swap3A_76, %swap3A_77] {strides = array<i32>} : memref<50x128xi32, #tpu.memory_space<vmem>>, vector<16xi32>,
      tpu.vector_store %arg8[%swap3A_76, %swap3A_77], %gather3A_75 {strides = array<i32>} : memref<50x128xi32, #tpu.memory_space<vmem>>, vector<16xi32>,
      %add3A_79 = arith.constant 32 : i32
      %add3A_80 = vector.broadcast %add3A_79 : i32 to vector<16xi32>
      %add3A_81 = arith.addi %iota3A, %add3A_80 : vector<16xi32>
      %gather3A_82 = tpu.vector_load_idx %arg7[%add3A_81, %broadcast_in_dim3A] : memref<128x50xi32, #tpu.memory_space<vmem>>[vector<16xi32>, vector<16xi32>], vector<16xi32>,
      %swap3A_83 = arith.index_cast %scan3A_66 : i32 to index
      %swap3A_84 = arith.constant 32 : index
      %swap3A_85 = tpu.vector_load %arg8[%swap3A_83, %swap3A_84] {strides = array<i32>} : memref<50x128xi32, #tpu.memory_space<vmem>>, vector<16xi32>,
      tpu.vector_store %arg8[%swap3A_83, %swap3A_84], %gather3A_82 {strides = array<i32>} : memref<50x128xi32, #tpu.memory_space<vmem>>, vector<16xi32>,
      %add3A_86 = arith.constant 48 : i32
      %add3A_87 = vector.broadcast %add3A_86 : i32 to vector<16xi32>
      %add3A_88 = arith.addi %iota3A, %add3A_87 : vector<16xi32>
      %gather3A_89 = tpu.vector_load_idx %arg7[%add3A_88, %broadcast_in_dim3A] : memref<128x50xi32, #tpu.memory_space<vmem>>[vector<16xi32>, vector<16xi32>], vector<16xi32>,
      %swap3A_90 = arith.index_cast %scan3A_66 : i32 to index
      %swap3A_91 = arith.constant 48 : index
      %swap3A_92 = tpu.vector_load %arg8[%swap3A_90, %swap3A_91] {strides = array<i32>} : memref<50x128xi32, #tpu.memory_space<vmem>>, vector<16xi32>,
      tpu.vector_store %arg8[%swap3A_90, %swap3A_91], %gather3A_89 {strides = array<i32>} : memref<50x128xi32, #tpu.memory_space<vmem>>, vector<16xi32>,
      %add3A_93 = arith.constant 64 : i32
      %add3A_94 = vector.broadcast %add3A_93 : i32 to vector<16xi32>
      %add3A_95 = arith.addi %iota3A, %add3A_94 : vector<16xi32>
      %gather3A_96 = tpu.vector_load_idx %arg7[%add3A_95, %broadcast_in_dim3A] : memref<128x50xi32, #tpu.memory_space<vmem>>[vector<16xi32>, vector<16xi32>], vector<16xi32>,
      %swap3A_97 = arith.index_cast %scan3A_66 : i32 to index
      %swap3A_98 = arith.constant 64 : index
      %swap3A_99 = tpu.vector_load %arg8[%swap3A_97, %swap3A_98] {strides = array<i32>} : memref<50x128xi32, #tpu.memory_space<vmem>>, vector<16xi32>,
      tpu.vector_store %arg8[%swap3A_97, %swap3A_98], %gather3A_96 {strides = array<i32>} : memref<50x128xi32, #tpu.memory_space<vmem>>, vector<16xi32>,
      %add3A_100 = arith.constant 80 : i32
      %add3A_101 = vector.broadcast %add3A_100 : i32 to vector<16xi32>
      %add3A_102 = arith.addi %iota3A, %add3A_101 : vector<16xi32>
      %gather3A_103 = tpu.vector_load_idx %arg7[%add3A_102, %broadcast_in_dim3A] : memref<128x50xi32, #tpu.memory_space<vmem>>[vector<16xi32>, vector<16xi32>], vector<16xi32>,
      %swap3A_104 = arith.index_cast %scan3A_66 : i32 to index
      %swap3A_105 = arith.constant 80 : index
      %swap3A_106 = tpu.vector_load %arg8[%swap3A_104, %swap3A_105] {strides = array<i32>} : memref<50x128xi32, #tpu.memory_space<vmem>>, vector<16xi32>,
      tpu.vector_store %arg8[%swap3A_104, %swap3A_105], %gather3A_103 {strides = array<i32>} : memref<50x128xi32, #tpu.memory_space<vmem>>, vector<16xi32>,
      %add3A_107 = arith.constant 96 : i32
      %add3A_108 = vector.broadcast %add3A_107 : i32 to vector<16xi32>
      %add3A_109 = arith.addi %iota3A, %add3A_108 : vector<16xi32>
      %gather3A_110 = tpu.vector_load_idx %arg7[%add3A_109, %broadcast_in_dim3A] : memref<128x50xi32, #tpu.memory_space<vmem>>[vector<16xi32>, vector<16xi32>], vector<16xi32>,
      %swap3A_111 = arith.index_cast %scan3A_66 : i32 to index
      %swap3A_112 = arith.constant 96 : index
      %swap3A_113 = tpu.vector_load %arg8[%swap3A_111, %swap3A_112] {strides = array<i32>} : memref<50x128xi32, #tpu.memory_space<vmem>>, vector<16xi32>,
      tpu.vector_store %arg8[%swap3A_111, %swap3A_112], %gather3A_110 {strides = array<i32>} : memref<50x128xi32, #tpu.memory_space<vmem>>, vector<16xi32>,
      %add3A_114 = arith.constant 112 : i32
      %add3A_115 = vector.broadcast %add3A_114 : i32 to vector<16xi32>
      %add3A_116 = arith.addi %iota3A, %add3A_115 : vector<16xi32>
      %gather3A_117 = tpu.vector_load_idx %arg7[%add3A_116, %broadcast_in_dim3A] : memref<128x50xi32, #tpu.memory_space<vmem>>[vector<16xi32>, vector<16xi32>], vector<16xi32>,
      %swap3A_118 = arith.index_cast %scan3A_66 : i32 to index
      %swap3A_119 = arith.constant 112 : index
      %swap3A_120 = tpu.vector_load %arg8[%swap3A_118, %swap3A_119] {strides = array<i32>} : memref<50x128xi32, #tpu.memory_space<vmem>>, vector<16xi32>,
      tpu.vector_store %arg8[%swap3A_118, %swap3A_119], %gather3A_117 {strides = array<i32>} : memref<50x128xi32, #tpu.memory_space<vmem>>, vector<16xi32>,
    }
    %scan3A_37 = arith.constant 50 : i32
    %dma_start3A_38 = arith.constant 0 : i32
    %dma_start3A_39 = arith.constant 0 : i32
    %dma_start3A_40 = tpu.memref_slice %arg8[%dma_start3A_38, %dma_start3A_39] : memref<50x128xi32, #tpu.memory_space<vmem>> -> memref<1x128xi32, #tpu.memory_space<vmem>>
    %dma_start3A_41 = tpu.memref_squeeze %dma_start3A_40 : memref<1x128xi32, #tpu.memory_space<vmem>> -> memref<128xi32, #tpu.memory_space<vmem>>
    %dma_start3A_42 = arith.constant 0 : i32
    %dma_start3A_43 = arith.constant 0 : i32
    %dma_start3A_44 = tpu.memref_slice %arg5[%dma_start3A_42, %dma_start3A_43] : memref<100000x128xf32, #tpu.memory_space<hbm>> -> memref<100000x128xf32, #tpu.memory_space<hbm>>
    tpu.enqueue_indirect_dma source(%dma_start3A_44 : memref<100000x128xf32, #tpu.memory_space<hbm>>) target(%arg9 : memref<128x128xf32, #tpu.memory_space<vmem>>) offsets(%dma_start3A_41 : memref<128xi32, #tpu.memory_space<vmem>>) semaphore(%arg13 : memref<!tpu.dma_semaphore, #tpu.memory_space<semaphore_mem>>)
    %scan3A_45 = arith.constant 0 : i32
    %scan3A_46 = arith.constant 25 : i32
    %scan3A_47 = arith.addi %scan3A_45, %scan3A_46 : i32
    %scan3A_48 = arith.constant 1 : i32
    scf.for %scan3A_66 = %scan3A_45 to %scan3A_47 step %scan3A_48  : i32 {
      %mul3A_67 = arith.constant 2 : i32
      %mul3A_68 = arith.muli %mul3A_67, %scan3A_66 : i32
      %mul3A_69 = arith.constant 2 : i32
      %mul3A_70 = arith.muli %mul3A_69, %scan3A_66 : i32
      %add3A_71 = arith.constant 1 : i32
      %add3A_72 = arith.addi %mul3A_70, %add3A_71 : i32
      %dma_wait3A_73 = arith.constant 0 : i32
      %dma_wait3A_74 = tpu.memref_slice %arg8[%mul3A_68, %dma_wait3A_73] : memref<50x128xi32, #tpu.memory_space<vmem>> -> memref<1x128xi32, #tpu.memory_space<vmem>>
      %dma_wait3A_75 = tpu.memref_squeeze %dma_wait3A_74 : memref<1x128xi32, #tpu.memory_space<vmem>> -> memref<128xi32, #tpu.memory_space<vmem>>
      %dma_wait3A_76 = arith.constant 0 : i32
      %dma_wait3A_77 = arith.constant 0 : i32
      %dma_wait3A_78 = tpu.memref_slice %arg5[%dma_wait3A_76, %dma_wait3A_77] : memref<100000x128xf32, #tpu.memory_space<hbm>> -> memref<100000x128xf32, #tpu.memory_space<hbm>>
      tpu.wait_indirect_dma semaphore(%arg13 : memref<!tpu.dma_semaphore, #tpu.memory_space<semaphore_mem>>) src(%dma_wait3A_78 : memref<100000x128xf32, #tpu.memory_space<hbm>>) dst(%arg9 : memref<128x128xf32, #tpu.memory_space<vmem>>)
      %dma_start3A_79 = arith.constant 0 : i32
      %dma_start3A_80 = tpu.memref_slice %arg8[%add3A_72, %dma_start3A_79] : memref<50x128xi32, #tpu.memory_space<vmem>> -> memref<1x128xi32, #tpu.memory_space<vmem>>
      %dma_start3A_81 = tpu.memref_squeeze %dma_start3A_80 : memref<1x128xi32, #tpu.memory_space<vmem>> -> memref<128xi32, #tpu.memory_space<vmem>>
      %dma_start3A_82 = arith.constant 0 : i32
      %dma_start3A_83 = arith.constant 0 : i32
      %dma_start3A_84 = tpu.memref_slice %arg5[%dma_start3A_82, %dma_start3A_83] : memref<100000x128xf32, #tpu.memory_space<hbm>> -> memref<100000x128xf32, #tpu.memory_space<hbm>>
      tpu.enqueue_indirect_dma source(%dma_start3A_84 : memref<100000x128xf32, #tpu.memory_space<hbm>>) target(%arg10 : memref<128x128xf32, #tpu.memory_space<vmem>>) offsets(%dma_start3A_81 : memref<128xi32, #tpu.memory_space<vmem>>) semaphore(%arg14 : memref<!tpu.dma_semaphore, #tpu.memory_space<semaphore_mem>>)
      %gt3A = arith.constant 0 : i32
      %gt3A_85 = arith.cmpi sgt, %scan3A_66, %gt3A : i32
      %convert_element_type3A = arith.extui %gt3A_85 : i1 to i32
      %cond3A = arith.constant 0 : i32
      %cond3A_86 = arith.cmpi ne, %convert_element_type3A, %cond3A : i32
      scf.if %cond3A_86 {
        %dma_wait3A_126 = arith.constant 1 : i32
        %dma_wait3A_127 = arith.constant 0 : i32
        %dma_wait3A_128 = tpu.memref_slice %arg6[%dma_wait3A_126, %mul3A_68, %dma_wait3A_127, %multiple_of3A] : memref<2x50x64x4096xf32, #tpu.memory_space<hbm>> -> memref<1x1x64x128xf32, #tpu.memory_space<hbm>>
        %dma_wait3A_129 = tpu.memref_squeeze %dma_wait3A_128 : memref<1x1x64x128xf32, #tpu.memory_space<hbm>> -> memref<64x128xf32, #tpu.memory_space<hbm>>
        %dma_wait3A_130 = arith.constant 0 : i32
        %dma_wait3A_131 = tpu.memref_slice %arg6[%dma_wait3A_126, %mul3A_68, %dma_wait3A_130, %multiple_of3A] : memref<2x50x64x4096xf32, #tpu.memory_space<hbm>> -> memref<1x1x64x128xf32, #tpu.memory_space<hbm>>
        %dma_wait3A_132 = tpu.memref_squeeze %dma_wait3A_131 : memref<1x1x64x128xf32, #tpu.memory_space<hbm>> -> memref<64x128xf32, #tpu.memory_space<hbm>>
        tpu.wait_dma2 semaphore(%arg15 : memref<!tpu.dma_semaphore, #tpu.memory_space<semaphore_mem>>) src(%arg11 : memref<64x128xf32, #tpu.memory_space<vmem>>) dst(%dma_wait3A_132 : memref<64x128xf32, #tpu.memory_space<hbm>>)
      } else {
      }
      %scan3A_87 = arith.constant 0 : i32
      %scan3A_88 = arith.constant 32 : i32
      %scan3A_89 = arith.addi %scan3A_87, %scan3A_88 : i32
      %scan3A_90 = arith.constant 2 : i32
      scf.for %scan3A_126 = %scan3A_87 to %scan3A_89 step %scan3A_90  : i32 {
        %jit3A = arith.constant 4 : i32
        %div3A = arith.divsi %scan3A_126, %jit3A : i32
        %sign3A = arith.constant 0 : i32
        %sign3A_127 = arith.cmpi sgt, %scan3A_126, %sign3A : i32
        %sign3A_128 = arith.extui %sign3A_127 : i1 to i32
        %sign3A_129 = arith.constant 0 : i32
        %sign3A_130 = arith.cmpi slt, %scan3A_126, %sign3A_129 : i32
        %sign3A_131 = arith.extui %sign3A_130 : i1 to i32
        %sign3A_132 = arith.subi %sign3A_128, %sign3A_131 : i32
        %sign3A_133 = arith.constant 0 : i32
        %sign3A_134 = arith.cmpi sgt, %jit3A, %sign3A_133 : i32
        %sign3A_135 = arith.extui %sign3A_134 : i1 to i32
        %sign3A_136 = arith.constant 0 : i32
        %sign3A_137 = arith.cmpi slt, %jit3A, %sign3A_136 : i32
        %sign3A_138 = arith.extui %sign3A_137 : i1 to i32
        %sign3A_139 = arith.subi %sign3A_135, %sign3A_138 : i32
        %ne3A = arith.cmpi ne, %sign3A_132, %sign3A_139 : i32
        %rem3A = arith.remsi %scan3A_126, %jit3A : i32
        %ne3A_140 = arith.constant 0 : i32
        %ne3A_141 = arith.cmpi ne, %rem3A, %ne3A_140 : i32
        %and3A = arith.andi %ne3A, %ne3A_141 : i1
        %sub3A = arith.constant 1 : i32
        %sub3A_142 = arith.subi %div3A, %sub3A : i32
        %select_n3A = arith.select %and3A, %sub3A_142, %div3A : i32
        %mul3A_143 = arith.constant 16 : i32
        %mul3A_144 = arith.muli %select_n3A, %mul3A_143 : i32
        %jit3A_145 = arith.constant 4 : i32
        %eq3A = arith.constant 0 : i32
        %eq3A_146 = arith.cmpi eq, %jit3A_145, %eq3A : i32
        %jit3A_147 = arith.constant 1 : i32
        %select_n3A_148 = arith.select %eq3A_146, %jit3A_147, %jit3A_145 : i32
        %rem3A_149 = arith.remsi %scan3A_126, %select_n3A_148 : i32
        %ne3A_150 = arith.constant 0 : i32
        %ne3A_151 = arith.cmpi ne, %rem3A_149, %ne3A_150 : i32
        %lt3A_152 = arith.constant 0 : i32
        %lt3A_153 = arith.cmpi slt, %rem3A_149, %lt3A_152 : i32
        %lt3A_154 = arith.constant 0 : i32
        %lt3A_155 = arith.cmpi slt, %select_n3A_148, %lt3A_154 : i32
        %ne3A_156 = arith.xori %lt3A_153, %lt3A_155 : i1
        %and3A_157 = arith.andi %ne3A_156, %ne3A_151 : i1
        %add3A_158 = arith.addi %rem3A_149, %select_n3A_148 : i32
        %select_n3A_159 = arith.select %and3A_157, %add3A_158, %rem3A_149 : i32
        %mul3A_160 = arith.constant 16 : i32
        %mul3A_161 = arith.muli %select_n3A_159, %mul3A_160 : i32
        %add3A_162 = arith.constant 0 : i32
        %add3A_163 = vector.broadcast %add3A_162 : i32 to vector<16xi32>
        %add3A_164 = arith.addi %iota3A, %add3A_163 : vector<16xi32>
        %and3A_165 = arith.constant 15 : i32
        %and3A_166 = vector.broadcast %and3A_165 : i32 to vector<16xi32>
        %and3A_167 = arith.andi %add3A_164, %and3A_166 : vector<16xi32>
        %add3A_168 = vector.broadcast %mul3A_161 : i32 to vector<16xi32>
        %add3A_169 = arith.addi %and3A_167, %add3A_168 : vector<16xi32>
        %gather3A = arith.constant 0 : i32
        %gather3A_170 = tpu.memref_slice %arg9[%mul3A_144, %gather3A] : memref<128x128xf32, #tpu.memory_space<vmem>> -> memref<16x128xf32, #tpu.memory_space<vmem>>
        %gather3A_171 = tpu.vector_load_idx %gather3A_170[%iota3A, %add3A_169] : memref<16x128xf32, #tpu.memory_space<vmem>>[vector<16xi32>, vector<16xi32>], vector<16xf32>,
        %add3A_172 = vector.broadcast %mul3A_144 : i32 to vector<16xi32>
        %add3A_173 = arith.addi %iota3A, %add3A_172 : vector<16xi32>
        %scatter3A = arith.constant 0 : i32
        %scatter3A_174 = tpu.memref_slice %arg11[%mul3A_161, %scatter3A] : memref<64x128xf32, #tpu.memory_space<vmem>> -> memref<16x128xf32, #tpu.memory_space<vmem>>
        tpu.vector_store_idx %scatter3A_174[%and3A_167, %add3A_173], %gather3A_171 : memref<16x128xf32, #tpu.memory_space<vmem>>[vector<16xi32>, vector<16xi32>], vector<16xf32>,
        %add3A_175 = arith.constant 1 : i32
        %add3A_176 = vector.broadcast %add3A_175 : i32 to vector<16xi32>
        %add3A_177 = arith.addi %iota3A, %add3A_176 : vector<16xi32>
        %and3A_178 = arith.constant 15 : i32
        %and3A_179 = vector.broadcast %and3A_178 : i32 to vector<16xi32>
        %and3A_180 = arith.andi %add3A_177, %and3A_179 : vector<16xi32>
        %add3A_181 = vector.broadcast %mul3A_161 : i32 to vector<16xi32>
        %add3A_182 = arith.addi %and3A_180, %add3A_181 : vector<16xi32>
        %gather3A_183 = arith.constant 0 : i32
        %gather3A_184 = tpu.memref_slice %arg9[%mul3A_144, %gather3A_183] : memref<128x128xf32, #tpu.memory_space<vmem>> -> memref<16x128xf32, #tpu.memory_space<vmem>>
        %gather3A_185 = tpu.vector_load_idx %gather3A_184[%iota3A, %add3A_182] : memref<16x128xf32, #tpu.memory_space<vmem>>[vector<16xi32>, vector<16xi32>], vector<16xf32>,
        %add3A_186 = vector.broadcast %mul3A_144 : i32 to vector<16xi32>
        %add3A_187 = arith.addi %iota3A, %add3A_186 : vector<16xi32>
        %scatter3A_188 = arith.constant 0 : i32
        %scatter3A_189 = tpu.memref_slice %arg11[%mul3A_161, %scatter3A_188] : memref<64x128xf32, #tpu.memory_space<vmem>> -> memref<16x128xf32, #tpu.memory_space<vmem>>
        tpu.vector_store_idx %scatter3A_189[%and3A_180, %add3A_187], %gather3A_185 : memref<16x128xf32, #tpu.memory_space<vmem>>[vector<16xi32>, vector<16xi32>], vector<16xf32>,
        %add3A_190 = arith.constant 2 : i32
        %add3A_191 = vector.broadcast %add3A_190 : i32 to vector<16xi32>
        %add3A_192 = arith.addi %iota3A, %add3A_191 : vector<16xi32>
        %and3A_193 = arith.constant 15 : i32
        %and3A_194 = vector.broadcast %and3A_193 : i32 to vector<16xi32>
        %and3A_195 = arith.andi %add3A_192, %and3A_194 : vector<16xi32>
        %add3A_196 = vector.broadcast %mul3A_161 : i32 to vector<16xi32>
        %add3A_197 = arith.addi %and3A_195, %add3A_196 : vector<16xi32>
        %gather3A_198 = arith.constant 0 : i32
        %gather3A_199 = tpu.memref_slice %arg9[%mul3A_144, %gather3A_198] : memref<128x128xf32, #tpu.memory_space<vmem>> -> memref<16x128xf32, #tpu.memory_space<vmem>>
        %gather3A_200 = tpu.vector_load_idx %gather3A_199[%iota3A, %add3A_197] : memref<16x128xf32, #tpu.memory_space<vmem>>[vector<16xi32>, vector<16xi32>], vector<16xf32>,
        %add3A_201 = vector.broadcast %mul3A_144 : i32 to vector<16xi32>
        %add3A_202 = arith.addi %iota3A, %add3A_201 : vector<16xi32>
        %scatter3A_203 = arith.constant 0 : i32
        %scatter3A_204 = tpu.memref_slice %arg11[%mul3A_161, %scatter3A_203] : memref<64x128xf32, #tpu.memory_space<vmem>> -> memref<16x128xf32, #tpu.memory_space<vmem>>
        tpu.vector_store_idx %scatter3A_204[%and3A_195, %add3A_202], %gather3A_200 : memref<16x128xf32, #tpu.memory_space<vmem>>[vector<16xi32>, vector<16xi32>], vector<16xf32>,
        %add3A_205 = arith.constant 3 : i32
        %add3A_206 = vector.broadcast %add3A_205 : i32 to vector<16xi32>
        %add3A_207 = arith.addi %iota3A, %add3A_206 : vector<16xi32>
        %and3A_208 = arith.constant 15 : i32
        %and3A_209 = vector.broadcast %and3A_208 : i32 to vector<16xi32>
        %and3A_210 = arith.andi %add3A_207, %and3A_209 : vector<16xi32>
        %add3A_211 = vector.broadcast %mul3A_161 : i32 to vector<16xi32>
        %add3A_212 = arith.addi %and3A_210, %add3A_211 : vector<16xi32>
        %gather3A_213 = arith.constant 0 : i32
        %gather3A_214 = tpu.memref_slice %arg9[%mul3A_144, %gather3A_213] : memref<128x128xf32, #tpu.memory_space<vmem>> -> memref<16x128xf32, #tpu.memory_space<vmem>>
        %gather3A_215 = tpu.vector_load_idx %gather3A_214[%iota3A, %add3A_212] : memref<16x128xf32, #tpu.memory_space<vmem>>[vector<16xi32>, vector<16xi32>], vector<16xf32>,
        %add3A_216 = vector.broadcast %mul3A_144 : i32 to vector<16xi32>
        %add3A_217 = arith.addi %iota3A, %add3A_216 : vector<16xi32>
        %scatter3A_218 = arith.constant 0 : i32
        %scatter3A_219 = tpu.memref_slice %arg11[%mul3A_161, %scatter3A_218] : memref<64x128xf32, #tpu.memory_space<vmem>> -> memref<16x128xf32, #tpu.memory_space<vmem>>
        tpu.vector_store_idx %scatter3A_219[%and3A_210, %add3A_217], %gather3A_215 : memref<16x128xf32, #tpu.memory_space<vmem>>[vector<16xi32>, vector<16xi32>], vector<16xf32>,
        %add3A_220 = arith.constant 4 : i32
        %add3A_221 = vector.broadcast %add3A_220 : i32 to vector<16xi32>
        %add3A_222 = arith.addi %iota3A, %add3A_221 : vector<16xi32>
        %and3A_223 = arith.constant 15 : i32
        %and3A_224 = vector.broadcast %and3A_223 : i32 to vector<16xi32>
        %and3A_225 = arith.andi %add3A_222, %and3A_224 : vector<16xi32>
        %add3A_226 = vector.broadcast %mul3A_161 : i32 to vector<16xi32>
        %add3A_227 = arith.addi %and3A_225, %add3A_226 : vector<16xi32>
        %gather3A_228 = arith.constant 0 : i32
        %gather3A_229 = tpu.memref_slice %arg9[%mul3A_144, %gather3A_228] : memref<128x128xf32, #tpu.memory_space<vmem>> -> memref<16x128xf32, #tpu.memory_space<vmem>>
        %gather3A_230 = tpu.vector_load_idx %gather3A_229[%iota3A, %add3A_227] : memref<16x128xf32, #tpu.memory_space<vmem>>[vector<16xi32>, vector<16xi32>], vector<16xf32>,
        %add3A_231 = vector.broadcast %mul3A_144 : i32 to vector<16xi32>
        %add3A_232 = arith.addi %iota3A, %add3A_231 : vector<16xi32>
        %scatter3A_233 = arith.constant 0 : i32
        %scatter3A_234 = tpu.memref_slice %arg11[%mul3A_161, %scatter3A_233] : memref<64x128xf32, #tpu.memory_space<vmem>> -> memref<16x128xf32, #tpu.memory_space<vmem>>
        tpu.vector_store_idx %scatter3A_234[%and3A_225, %add3A_232], %gather3A_230 : memref<16x128xf32, #tpu.memory_space<vmem>>[vector<16xi32>, vector<16xi32>], vector<16xf32>,
        %add3A_235 = arith.constant 5 : i32
        %add3A_236 = vector.broadcast %add3A_235 : i32 to vector<16xi32>
        %add3A_237 = arith.addi %iota3A, %add3A_236 : vector<16xi32>
        %and3A_238 = arith.constant 15 : i32
        %and3A_239 = vector.broadcast %and3A_238 : i32 to vector<16xi32>
        %and3A_240 = arith.andi %add3A_237, %and3A_239 : vector<16xi32>
        %add3A_241 = vector.broadcast %mul3A_161 : i32 to vector<16xi32>
        %add3A_242 = arith.addi %and3A_240, %add3A_241 : vector<16xi32>
        %gather3A_243 = arith.constant 0 : i32
        %gather3A_244 = tpu.memref_slice %arg9[%mul3A_144, %gather3A_243] : memref<128x128xf32, #tpu.memory_space<vmem>> -> memref<16x128xf32, #tpu.memory_space<vmem>>
        %gather3A_245 = tpu.vector_load_idx %gather3A_244[%iota3A, %add3A_242] : memref<16x128xf32, #tpu.memory_space<vmem>>[vector<16xi32>, vector<16xi32>], vector<16xf32>,
        %add3A_246 = vector.broadcast %mul3A_144 : i32 to vector<16xi32>
        %add3A_247 = arith.addi %iota3A, %add3A_246 : vector<16xi32>
        %scatter3A_248 = arith.constant 0 : i32
        %scatter3A_249 = tpu.memref_slice %arg11[%mul3A_161, %scatter3A_248] : memref<64x128xf32, #tpu.memory_space<vmem>> -> memref<16x128xf32, #tpu.memory_space<vmem>>
        tpu.vector_store_idx %scatter3A_249[%and3A_240, %add3A_247], %gather3A_245 : memref<16x128xf32, #tpu.memory_space<vmem>>[vector<16xi32>, vector<16xi32>], vector<16xf32>,
        %add3A_250 = arith.constant 6 : i32
        %add3A_251 = vector.broadcast %add3A_250 : i32 to vector<16xi32>
        %add3A_252 = arith.addi %iota3A, %add3A_251 : vector<16xi32>
        %and3A_253 = arith.constant 15 : i32
        %and3A_254 = vector.broadcast %and3A_253 : i32 to vector<16xi32>
        %and3A_255 = arith.andi %add3A_252, %and3A_254 : vector<16xi32>
        %add3A_256 = vector.broadcast %mul3A_161 : i32 to vector<16xi32>
        %add3A_257 = arith.addi %and3A_255, %add3A_256 : vector<16xi32>
        %gather3A_258 = arith.constant 0 : i32
        %gather3A_259 = tpu.memref_slice %arg9[%mul3A_144, %gather3A_258] : memref<128x128xf32, #tpu.memory_space<vmem>> -> memref<16x128xf32, #tpu.memory_space<vmem>>
        %gather3A_260 = tpu.vector_load_idx %gather3A_259[%iota3A, %add3A_257] : memref<16x128xf32, #tpu.memory_space<vmem>>[vector<16xi32>, vector<16xi32>], vector<16xf32>,
        %add3A_261 = vector.broadcast %mul3A_144 : i32 to vector<16xi32>
        %add3A_262 = arith.addi %iota3A, %add3A_261 : vector<16xi32>
        %scatter3A_263 = arith.constant 0 : i32
        %scatter3A_264 = tpu.memref_slice %arg11[%mul3A_161, %scatter3A_263] : memref<64x128xf32, #tpu.memory_space<vmem>> -> memref<16x128xf32, #tpu.memory_space<vmem>>
        tpu.vector_store_idx %scatter3A_264[%and3A_255, %add3A_262], %gather3A_260 : memref<16x128xf32, #tpu.memory_space<vmem>>[vector<16xi32>, vector<16xi32>], vector<16xf32>,
        %add3A_265 = arith.constant 7 : i32
        %add3A_266 = vector.broadcast %add3A_265 : i32 to vector<16xi32>
        %add3A_267 = arith.addi %iota3A, %add3A_266 : vector<16xi32>
        %and3A_268 = arith.constant 15 : i32
        %and3A_269 = vector.broadcast %and3A_268 : i32 to vector<16xi32>
        %and3A_270 = arith.andi %add3A_267, %and3A_269 : vector<16xi32>
        %add3A_271 = vector.broadcast %mul3A_161 : i32 to vector<16xi32>
        %add3A_272 = arith.addi %and3A_270, %add3A_271 : vector<16xi32>
        %gather3A_273 = arith.constant 0 : i32
        %gather3A_274 = tpu.memref_slice %arg9[%mul3A_144, %gather3A_273] : memref<128x128xf32, #tpu.memory_space<vmem>> -> memref<16x128xf32, #tpu.memory_space<vmem>>
        %gather3A_275 = tpu.vector_load_idx %gather3A_274[%iota3A, %add3A_272] : memref<16x128xf32, #tpu.memory_space<vmem>>[vector<16xi32>, vector<16xi32>], vector<16xf32>,
        %add3A_276 = vector.broadcast %mul3A_144 : i32 to vector<16xi32>
        %add3A_277 = arith.addi %iota3A, %add3A_276 : vector<16xi32>
        %scatter3A_278 = arith.constant 0 : i32
        %scatter3A_279 = tpu.memref_slice %arg11[%mul3A_161, %scatter3A_278] : memref<64x128xf32, #tpu.memory_space<vmem>> -> memref<16x128xf32, #tpu.memory_space<vmem>>
        tpu.vector_store_idx %scatter3A_279[%and3A_270, %add3A_277], %gather3A_275 : memref<16x128xf32, #tpu.memory_space<vmem>>[vector<16xi32>, vector<16xi32>], vector<16xf32>,
        %add3A_280 = arith.constant 8 : i32
        %add3A_281 = vector.broadcast %add3A_280 : i32 to vector<16xi32>
        %add3A_282 = arith.addi %iota3A, %add3A_281 : vector<16xi32>
        %and3A_283 = arith.constant 15 : i32
        %and3A_284 = vector.broadcast %and3A_283 : i32 to vector<16xi32>
        %and3A_285 = arith.andi %add3A_282, %and3A_284 : vector<16xi32>
        %add3A_286 = vector.broadcast %mul3A_161 : i32 to vector<16xi32>
        %add3A_287 = arith.addi %and3A_285, %add3A_286 : vector<16xi32>
        %gather3A_288 = arith.constant 0 : i32
        %gather3A_289 = tpu.memref_slice %arg9[%mul3A_144, %gather3A_288] : memref<128x128xf32, #tpu.memory_space<vmem>> -> memref<16x128xf32, #tpu.memory_space<vmem>>
        %gather3A_290 = tpu.vector_load_idx %gather3A_289[%iota3A, %add3A_287] : memref<16x128xf32, #tpu.memory_space<vmem>>[vector<16xi32>, vector<16xi32>], vector<16xf32>,
        %add3A_291 = vector.broadcast %mul3A_144 : i32 to vector<16xi32>
        %add3A_292 = arith.addi %iota3A, %add3A_291 : vector<16xi32>
        %scatter3A_293 = arith.constant 0 : i32
        %scatter3A_294 = tpu.memref_slice %arg11[%mul3A_161, %scatter3A_293] : memref<64x128xf32, #tpu.memory_space<vmem>> -> memref<16x128xf32, #tpu.memory_space<vmem>>
        tpu.vector_store_idx %scatter3A_294[%and3A_285, %add3A_292], %gather3A_290 : memref<16x128xf32, #tpu.memory_space<vmem>>[vector<16xi32>, vector<16xi32>], vector<16xf32>,
        %add3A_295 = arith.constant 9 : i32
        %add3A_296 = vector.broadcast %add3A_295 : i32 to vector<16xi32>
        %add3A_297 = arith.addi %iota3A, %add3A_296 : vector<16xi32>
        %and3A_298 = arith.constant 15 : i32
        %and3A_299 = vector.broadcast %and3A_298 : i32 to vector<16xi32>
        %and3A_300 = arith.andi %add3A_297, %and3A_299 : vector<16xi32>
        %add3A_301 = vector.broadcast %mul3A_161 : i32 to vector<16xi32>
        %add3A_302 = arith.addi %and3A_300, %add3A_301 : vector<16xi32>
        %gather3A_303 = arith.constant 0 : i32
        %gather3A_304 = tpu.memref_slice %arg9[%mul3A_144, %gather3A_303] : memref<128x128xf32, #tpu.memory_space<vmem>> -> memref<16x128xf32, #tpu.memory_space<vmem>>
        %gather3A_305 = tpu.vector_load_idx %gather3A_304[%iota3A, %add3A_302] : memref<16x128xf32, #tpu.memory_space<vmem>>[vector<16xi32>, vector<16xi32>], vector<16xf32>,
        %add3A_306 = vector.broadcast %mul3A_144 : i32 to vector<16xi32>
        %add3A_307 = arith.addi %iota3A, %add3A_306 : vector<16xi32>
        %scatter3A_308 = arith.constant 0 : i32
        %scatter3A_309 = tpu.memref_slice %arg11[%mul3A_161, %scatter3A_308] : memref<64x128xf32, #tpu.memory_space<vmem>> -> memref<16x128xf32, #tpu.memory_space<vmem>>
        tpu.vector_store_idx %scatter3A_309[%and3A_300, %add3A_307], %gather3A_305 : memref<16x128xf32, #tpu.memory_space<vmem>>[vector<16xi32>, vector<16xi32>], vector<16xf32>,
        %add3A_310 = arith.constant 10 : i32
        %add3A_311 = vector.broadcast %add3A_310 : i32 to vector<16xi32>
        %add3A_312 = arith.addi %iota3A, %add3A_311 : vector<16xi32>
        %and3A_313 = arith.constant 15 : i32
        %and3A_314 = vector.broadcast %and3A_313 : i32 to vector<16xi32>
        %and3A_315 = arith.andi %add3A_312, %and3A_314 : vector<16xi32>
        %add3A_316 = vector.broadcast %mul3A_161 : i32 to vector<16xi32>
        %add3A_317 = arith.addi %and3A_315, %add3A_316 : vector<16xi32>
        %gather3A_318 = arith.constant 0 : i32
        %gather3A_319 = tpu.memref_slice %arg9[%mul3A_144, %gather3A_318] : memref<128x128xf32, #tpu.memory_space<vmem>> -> memref<16x128xf32, #tpu.memory_space<vmem>>
        %gather3A_320 = tpu.vector_load_idx %gather3A_319[%iota3A, %add3A_317] : memref<16x128xf32, #tpu.memory_space<vmem>>[vector<16xi32>, vector<16xi32>], vector<16xf32>,
        %add3A_321 = vector.broadcast %mul3A_144 : i32 to vector<16xi32>
        %add3A_322 = arith.addi %iota3A, %add3A_321 : vector<16xi32>
        %scatter3A_323 = arith.constant 0 : i32
        %scatter3A_324 = tpu.memref_slice %arg11[%mul3A_161, %scatter3A_323] : memref<64x128xf32, #tpu.memory_space<vmem>> -> memref<16x128xf32, #tpu.memory_space<vmem>>
        tpu.vector_store_idx %scatter3A_324[%and3A_315, %add3A_322], %gather3A_320 : memref<16x128xf32, #tpu.memory_space<vmem>>[vector<16xi32>, vector<16xi32>], vector<16xf32>,
        %add3A_325 = arith.constant 11 : i32
        %add3A_326 = vector.broadcast %add3A_325 : i32 to vector<16xi32>
        %add3A_327 = arith.addi %iota3A, %add3A_326 : vector<16xi32>
        %and3A_328 = arith.constant 15 : i32
        %and3A_329 = vector.broadcast %and3A_328 : i32 to vector<16xi32>
        %and3A_330 = arith.andi %add3A_327, %and3A_329 : vector<16xi32>
        %add3A_331 = vector.broadcast %mul3A_161 : i32 to vector<16xi32>
        %add3A_332 = arith.addi %and3A_330, %add3A_331 : vector<16xi32>
        %gather3A_333 = arith.constant 0 : i32
        %gather3A_334 = tpu.memref_slice %arg9[%mul3A_144, %gather3A_333] : memref<128x128xf32, #tpu.memory_space<vmem>> -> memref<16x128xf32, #tpu.memory_space<vmem>>
        %gather3A_335 = tpu.vector_load_idx %gather3A_334[%iota3A, %add3A_332] : memref<16x128xf32, #tpu.memory_space<vmem>>[vector<16xi32>, vector<16xi32>], vector<16xf32>,
        %add3A_336 = vector.broadcast %mul3A_144 : i32 to vector<16xi32>
        %add3A_337 = arith.addi %iota3A, %add3A_336 : vector<16xi32>
        %scatter3A_338 = arith.constant 0 : i32
        %scatter3A_339 = tpu.memref_slice %arg11[%mul3A_161, %scatter3A_338] : memref<64x128xf32, #tpu.memory_space<vmem>> -> memref<16x128xf32, #tpu.memory_space<vmem>>
        tpu.vector_store_idx %scatter3A_339[%and3A_330, %add3A_337], %gather3A_335 : memref<16x128xf32, #tpu.memory_space<vmem>>[vector<16xi32>, vector<16xi32>], vector<16xf32>,
        %add3A_340 = arith.constant 12 : i32
        %add3A_341 = vector.broadcast %add3A_340 : i32 to vector<16xi32>
        %add3A_342 = arith.addi %iota3A, %add3A_341 : vector<16xi32>
        %and3A_343 = arith.constant 15 : i32
        %and3A_344 = vector.broadcast %and3A_343 : i32 to vector<16xi32>
        %and3A_345 = arith.andi %add3A_342, %and3A_344 : vector<16xi32>
        %add3A_346 = vector.broadcast %mul3A_161 : i32 to vector<16xi32>
        %add3A_347 = arith.addi %and3A_345, %add3A_346 : vector<16xi32>
        %gather3A_348 = arith.constant 0 : i32
        %gather3A_349 = tpu.memref_slice %arg9[%mul3A_144, %gather3A_348] : memref<128x128xf32, #tpu.memory_space<vmem>> -> memref<16x128xf32, #tpu.memory_space<vmem>>
        %gather3A_350 = tpu.vector_load_idx %gather3A_349[%iota3A, %add3A_347] : memref<16x128xf32, #tpu.memory_space<vmem>>[vector<16xi32>, vector<16xi32>], vector<16xf32>,
        %add3A_351 = vector.broadcast %mul3A_144 : i32 to vector<16xi32>
        %add3A_352 = arith.addi %iota3A, %add3A_351 : vector<16xi32>
        %scatter3A_353 = arith.constant 0 : i32
        %scatter3A_354 = tpu.memref_slice %arg11[%mul3A_161, %scatter3A_353] : memref<64x128xf32, #tpu.memory_space<vmem>> -> memref<16x128xf32, #tpu.memory_space<vmem>>
        tpu.vector_store_idx %scatter3A_354[%and3A_345, %add3A_352], %gather3A_350 : memref<16x128xf32, #tpu.memory_space<vmem>>[vector<16xi32>, vector<16xi32>], vector<16xf32>,
        %add3A_355 = arith.constant 13 : i32
        %add3A_356 = vector.broadcast %add3A_355 : i32 to vector<16xi32>
        %add3A_357 = arith.addi %iota3A, %add3A_356 : vector<16xi32>
        %and3A_358 = arith.constant 15 : i32
        %and3A_359 = vector.broadcast %and3A_358 : i32 to vector<16xi32>
        %and3A_360 = arith.andi %add3A_357, %and3A_359 : vector<16xi32>
        %add3A_361 = vector.broadcast %mul3A_161 : i32 to vector<16xi32>
        %add3A_362 = arith.addi %and3A_360, %add3A_361 : vector<16xi32>
        %gather3A_363 = arith.constant 0 : i32
        %gather3A_364 = tpu.memref_slice %arg9[%mul3A_144, %gather3A_363] : memref<128x128xf32, #tpu.memory_space<vmem>> -> memref<16x128xf32, #tpu.memory_space<vmem>>
        %gather3A_365 = tpu.vector_load_idx %gather3A_364[%iota3A, %add3A_362] : memref<16x128xf32, #tpu.memory_space<vmem>>[vector<16xi32>, vector<16xi32>], vector<16xf32>,
        %add3A_366 = vector.broadcast %mul3A_144 : i32 to vector<16xi32>
        %add3A_367 = arith.addi %iota3A, %add3A_366 : vector<16xi32>
        %scatter3A_368 = arith.constant 0 : i32
        %scatter3A_369 = tpu.memref_slice %arg11[%mul3A_161, %scatter3A_368] : memref<64x128xf32, #tpu.memory_space<vmem>> -> memref<16x128xf32, #tpu.memory_space<vmem>>
        tpu.vector_store_idx %scatter3A_369[%and3A_360, %add3A_367], %gather3A_365 : memref<16x128xf32, #tpu.memory_space<vmem>>[vector<16xi32>, vector<16xi32>], vector<16xf32>,
        %add3A_370 = arith.constant 14 : i32
        %add3A_371 = vector.broadcast %add3A_370 : i32 to vector<16xi32>
        %add3A_372 = arith.addi %iota3A, %add3A_371 : vector<16xi32>
        %and3A_373 = arith.constant 15 : i32
        %and3A_374 = vector.broadcast %and3A_373 : i32 to vector<16xi32>
        %and3A_375 = arith.andi %add3A_372, %and3A_374 : vector<16xi32>
        %add3A_376 = vector.broadcast %mul3A_161 : i32 to vector<16xi32>
        %add3A_377 = arith.addi %and3A_375, %add3A_376 : vector<16xi32>
        %gather3A_378 = arith.constant 0 : i32
        %gather3A_379 = tpu.memref_slice %arg9[%mul3A_144, %gather3A_378] : memref<128x128xf32, #tpu.memory_space<vmem>> -> memref<16x128xf32, #tpu.memory_space<vmem>>
        %gather3A_380 = tpu.vector_load_idx %gather3A_379[%iota3A, %add3A_377] : memref<16x128xf32, #tpu.memory_space<vmem>>[vector<16xi32>, vector<16xi32>], vector<16xf32>,
        %add3A_381 = vector.broadcast %mul3A_144 : i32 to vector<16xi32>
        %add3A_382 = arith.addi %iota3A, %add3A_381 : vector<16xi32>
        %scatter3A_383 = arith.constant 0 : i32
        %scatter3A_384 = tpu.memref_slice %arg11[%mul3A_161, %scatter3A_383] : memref<64x128xf32, #tpu.memory_space<vmem>> -> memref<16x128xf32, #tpu.memory_space<vmem>>
        tpu.vector_store_idx %scatter3A_384[%and3A_375, %add3A_382], %gather3A_380 : memref<16x128xf32, #tpu.memory_space<vmem>>[vector<16xi32>, vector<16xi32>], vector<16xf32>,
        %add3A_385 = arith.constant 15 : i32
        %add3A_386 = vector.broadcast %add3A_385 : i32 to vector<16xi32>
        %add3A_387 = arith.addi %iota3A, %add3A_386 : vector<16xi32>
        %and3A_388 = arith.constant 15 : i32
        %and3A_389 = vector.broadcast %and3A_388 : i32 to vector<16xi32>
        %and3A_390 = arith.andi %add3A_387, %and3A_389 : vector<16xi32>
        %add3A_391 = vector.broadcast %mul3A_161 : i32 to vector<16xi32>
        %add3A_392 = arith.addi %and3A_390, %add3A_391 : vector<16xi32>
        %gather3A_393 = arith.constant 0 : i32
        %gather3A_394 = tpu.memref_slice %arg9[%mul3A_144, %gather3A_393] : memref<128x128xf32, #tpu.memory_space<vmem>> -> memref<16x128xf32, #tpu.memory_space<vmem>>
        %gather3A_395 = tpu.vector_load_idx %gather3A_394[%iota3A, %add3A_392] : memref<16x128xf32, #tpu.memory_space<vmem>>[vector<16xi32>, vector<16xi32>], vector<16xf32>,
        %add3A_396 = vector.broadcast %mul3A_144 : i32 to vector<16xi32>
        %add3A_397 = arith.addi %iota3A, %add3A_396 : vector<16xi32>
        %scatter3A_398 = arith.constant 0 : i32
        %scatter3A_399 = tpu.memref_slice %arg11[%mul3A_161, %scatter3A_398] : memref<64x128xf32, #tpu.memory_space<vmem>> -> memref<16x128xf32, #tpu.memory_space<vmem>>
        tpu.vector_store_idx %scatter3A_399[%and3A_390, %add3A_397], %gather3A_395 : memref<16x128xf32, #tpu.memory_space<vmem>>[vector<16xi32>, vector<16xi32>], vector<16xf32>,
        %scan3A_400 = arith.constant 1 : i32
        %scan3A_401 = arith.addi %scan3A_126, %scan3A_400 : i32
        %jit3A_402 = arith.constant 4 : i32
        %div3A_403 = arith.divsi %scan3A_401, %jit3A_402 : i32
        %sign3A_404 = arith.constant 0 : i32
        %sign3A_405 = arith.cmpi sgt, %scan3A_401, %sign3A_404 : i32
        %sign3A_406 = arith.extui %sign3A_405 : i1 to i32
        %sign3A_407 = arith.constant 0 : i32
        %sign3A_408 = arith.cmpi slt, %scan3A_401, %sign3A_407 : i32
        %sign3A_409 = arith.extui %sign3A_408 : i1 to i32
        %sign3A_410 = arith.subi %sign3A_406, %sign3A_409 : i32
        %sign3A_411 = arith.constant 0 : i32
        %sign3A_412 = arith.cmpi sgt, %jit3A_402, %sign3A_411 : i32
        %sign3A_413 = arith.extui %sign3A_412 : i1 to i32
        %sign3A_414 = arith.constant 0 : i32
        %sign3A_415 = arith.cmpi slt, %jit3A_402, %sign3A_414 : i32
        %sign3A_416 = arith.extui %sign3A_415 : i1 to i32
        %sign3A_417 = arith.subi %sign3A_413, %sign3A_416 : i32
        %ne3A_418 = arith.cmpi ne, %sign3A_410, %sign3A_417 : i32
        %rem3A_419 = arith.remsi %scan3A_401, %jit3A_402 : i32
        %ne3A_420 = arith.constant 0 : i32
        %ne3A_421 = arith.cmpi ne, %rem3A_419, %ne3A_420 : i32
        %and3A_422 = arith.andi %ne3A_418, %ne3A_421 : i1
        %sub3A_423 = arith.constant 1 : i32
        %sub3A_424 = arith.subi %div3A_403, %sub3A_423 : i32
        %select_n3A_425 = arith.select %and3A_422, %sub3A_424, %div3A_403 : i32
        %mul3A_426 = arith.constant 16 : i32
        %mul3A_427 = arith.muli %select_n3A_425, %mul3A_426 : i32
        %jit3A_428 = arith.constant 4 : i32
        %eq3A_429 = arith.constant 0 : i32
        %eq3A_430 = arith.cmpi eq, %jit3A_428, %eq3A_429 : i32
        %jit3A_431 = arith.constant 1 : i32
        %select_n3A_432 = arith.select %eq3A_430, %jit3A_431, %jit3A_428 : i32
        %rem3A_433 = arith.remsi %scan3A_401, %select_n3A_432 : i32
        %ne3A_434 = arith.constant 0 : i32
        %ne3A_435 = arith.cmpi ne, %rem3A_433, %ne3A_434 : i32
        %lt3A_436 = arith.constant 0 : i32
        %lt3A_437 = arith.cmpi slt, %rem3A_433, %lt3A_436 : i32
        %lt3A_438 = arith.constant 0 : i32
        %lt3A_439 = arith.cmpi slt, %select_n3A_432, %lt3A_438 : i32
        %ne3A_440 = arith.xori %lt3A_437, %lt3A_439 : i1
        %and3A_441 = arith.andi %ne3A_440, %ne3A_435 : i1
        %add3A_442 = arith.addi %rem3A_433, %select_n3A_432 : i32
        %select_n3A_443 = arith.select %and3A_441, %add3A_442, %rem3A_433 : i32
        %mul3A_444 = arith.constant 16 : i32
        %mul3A_445 = arith.muli %select_n3A_443, %mul3A_444 : i32
        %add3A_446 = arith.constant 0 : i32
        %add3A_447 = vector.broadcast %add3A_446 : i32 to vector<16xi32>
        %add3A_448 = arith.addi %iota3A, %add3A_447 : vector<16xi32>
        %and3A_449 = arith.constant 15 : i32
        %and3A_450 = vector.broadcast %and3A_449 : i32 to vector<16xi32>
        %and3A_451 = arith.andi %add3A_448, %and3A_450 : vector<16xi32>
        %add3A_452 = vector.broadcast %mul3A_445 : i32 to vector<16xi32>
        %add3A_453 = arith.addi %and3A_451, %add3A_452 : vector<16xi32>
        %gather3A_454 = arith.constant 0 : i32
        %gather3A_455 = tpu.memref_slice %arg9[%mul3A_427, %gather3A_454] : memref<128x128xf32, #tpu.memory_space<vmem>> -> memref<16x128xf32, #tpu.memory_space<vmem>>
        %gather3A_456 = tpu.vector_load_idx %gather3A_455[%iota3A, %add3A_453] : memref<16x128xf32, #tpu.memory_space<vmem>>[vector<16xi32>, vector<16xi32>], vector<16xf32>,
        %add3A_457 = vector.broadcast %mul3A_427 : i32 to vector<16xi32>
        %add3A_458 = arith.addi %iota3A, %add3A_457 : vector<16xi32>
        %scatter3A_459 = arith.constant 0 : i32
        %scatter3A_460 = tpu.memref_slice %arg11[%mul3A_445, %scatter3A_459] : memref<64x128xf32, #tpu.memory_space<vmem>> -> memref<16x128xf32, #tpu.memory_space<vmem>>
        tpu.vector_store_idx %scatter3A_460[%and3A_451, %add3A_458], %gather3A_456 : memref<16x128xf32, #tpu.memory_space<vmem>>[vector<16xi32>, vector<16xi32>], vector<16xf32>,
        %add3A_461 = arith.constant 1 : i32
        %add3A_462 = vector.broadcast %add3A_461 : i32 to vector<16xi32>
        %add3A_463 = arith.addi %iota3A, %add3A_462 : vector<16xi32>
        %and3A_464 = arith.constant 15 : i32
        %and3A_465 = vector.broadcast %and3A_464 : i32 to vector<16xi32>
        %and3A_466 = arith.andi %add3A_463, %and3A_465 : vector<16xi32>
        %add3A_467 = vector.broadcast %mul3A_445 : i32 to vector<16xi32>
        %add3A_468 = arith.addi %and3A_466, %add3A_467 : vector<16xi32>
        %gather3A_469 = arith.constant 0 : i32
        %gather3A_470 = tpu.memref_slice %arg9[%mul3A_427, %gather3A_469] : memref<128x128xf32, #tpu.memory_space<vmem>> -> memref<16x128xf32, #tpu.memory_space<vmem>>
        %gather3A_471 = tpu.vector_load_idx %gather3A_470[%iota3A, %add3A_468] : memref<16x128xf32, #tpu.memory_space<vmem>>[vector<16xi32>, vector<16xi32>], vector<16xf32>,
        %add3A_472 = vector.broadcast %mul3A_427 : i32 to vector<16xi32>
        %add3A_473 = arith.addi %iota3A, %add3A_472 : vector<16xi32>
        %scatter3A_474 = arith.constant 0 : i32
        %scatter3A_475 = tpu.memref_slice %arg11[%mul3A_445, %scatter3A_474] : memref<64x128xf32, #tpu.memory_space<vmem>> -> memref<16x128xf32, #tpu.memory_space<vmem>>
        tpu.vector_store_idx %scatter3A_475[%and3A_466, %add3A_473], %gather3A_471 : memref<16x128xf32, #tpu.memory_space<vmem>>[vector<16xi32>, vector<16xi32>], vector<16xf32>,
        %add3A_476 = arith.constant 2 : i32
        %add3A_477 = vector.broadcast %add3A_476 : i32 to vector<16xi32>
        %add3A_478 = arith.addi %iota3A, %add3A_477 : vector<16xi32>
        %and3A_479 = arith.constant 15 : i32
        %and3A_480 = vector.broadcast %and3A_479 : i32 to vector<16xi32>
        %and3A_481 = arith.andi %add3A_478, %and3A_480 : vector<16xi32>
        %add3A_482 = vector.broadcast %mul3A_445 : i32 to vector<16xi32>
        %add3A_483 = arith.addi %and3A_481, %add3A_482 : vector<16xi32>
        %gather3A_484 = arith.constant 0 : i32
        %gather3A_485 = tpu.memref_slice %arg9[%mul3A_427, %gather3A_484] : memref<128x128xf32, #tpu.memory_space<vmem>> -> memref<16x128xf32, #tpu.memory_space<vmem>>
        %gather3A_486 = tpu.vector_load_idx %gather3A_485[%iota3A, %add3A_483] : memref<16x128xf32, #tpu.memory_space<vmem>>[vector<16xi32>, vector<16xi32>], vector<16xf32>,
        %add3A_487 = vector.broadcast %mul3A_427 : i32 to vector<16xi32>
        %add3A_488 = arith.addi %iota3A, %add3A_487 : vector<16xi32>
        %scatter3A_489 = arith.constant 0 : i32
        %scatter3A_490 = tpu.memref_slice %arg11[%mul3A_445, %scatter3A_489] : memref<64x128xf32, #tpu.memory_space<vmem>> -> memref<16x128xf32, #tpu.memory_space<vmem>>
        tpu.vector_store_idx %scatter3A_490[%and3A_481, %add3A_488], %gather3A_486 : memref<16x128xf32, #tpu.memory_space<vmem>>[vector<16xi32>, vector<16xi32>], vector<16xf32>,
        %add3A_491 = arith.constant 3 : i32
        %add3A_492 = vector.broadcast %add3A_491 : i32 to vector<16xi32>
        %add3A_493 = arith.addi %iota3A, %add3A_492 : vector<16xi32>
        %and3A_494 = arith.constant 15 : i32
        %and3A_495 = vector.broadcast %and3A_494 : i32 to vector<16xi32>
        %and3A_496 = arith.andi %add3A_493, %and3A_495 : vector<16xi32>
        %add3A_497 = vector.broadcast %mul3A_445 : i32 to vector<16xi32>
        %add3A_498 = arith.addi %and3A_496, %add3A_497 : vector<16xi32>
        %gather3A_499 = arith.constant 0 : i32
        %gather3A_500 = tpu.memref_slice %arg9[%mul3A_427, %gather3A_499] : memref<128x128xf32, #tpu.memory_space<vmem>> -> memref<16x128xf32, #tpu.memory_space<vmem>>
        %gather3A_501 = tpu.vector_load_idx %gather3A_500[%iota3A, %add3A_498] : memref<16x128xf32, #tpu.memory_space<vmem>>[vector<16xi32>, vector<16xi32>], vector<16xf32>,
        %add3A_502 = vector.broadcast %mul3A_427 : i32 to vector<16xi32>
        %add3A_503 = arith.addi %iota3A, %add3A_502 : vector<16xi32>
        %scatter3A_504 = arith.constant 0 : i32
        %scatter3A_505 = tpu.memref_slice %arg11[%mul3A_445, %scatter3A_504] : memref<64x128xf32, #tpu.memory_space<vmem>> -> memref<16x128xf32, #tpu.memory_space<vmem>>
        tpu.vector_store_idx %scatter3A_505[%and3A_496, %add3A_503], %gather3A_501 : memref<16x128xf32, #tpu.memory_space<vmem>>[vector<16xi32>, vector<16xi32>], vector<16xf32>,
        %add3A_506 = arith.constant 4 : i32
        %add3A_507 = vector.broadcast %add3A_506 : i32 to vector<16xi32>
        %add3A_508 = arith.addi %iota3A, %add3A_507 : vector<16xi32>
        %and3A_509 = arith.constant 15 : i32
        %and3A_510 = vector.broadcast %and3A_509 : i32 to vector<16xi32>
        %and3A_511 = arith.andi %add3A_508, %and3A_510 : vector<16xi32>
        %add3A_512 = vector.broadcast %mul3A_445 : i32 to vector<16xi32>
        %add3A_513 = arith.addi %and3A_511, %add3A_512 : vector<16xi32>
        %gather3A_514 = arith.constant 0 : i32
        %gather3A_515 = tpu.memref_slice %arg9[%mul3A_427, %gather3A_514] : memref<128x128xf32, #tpu.memory_space<vmem>> -> memref<16x128xf32, #tpu.memory_space<vmem>>
        %gather3A_516 = tpu.vector_load_idx %gather3A_515[%iota3A, %add3A_513] : memref<16x128xf32, #tpu.memory_space<vmem>>[vector<16xi32>, vector<16xi32>], vector<16xf32>,
        %add3A_517 = vector.broadcast %mul3A_427 : i32 to vector<16xi32>
        %add3A_518 = arith.addi %iota3A, %add3A_517 : vector<16xi32>
        %scatter3A_519 = arith.constant 0 : i32
        %scatter3A_520 = tpu.memref_slice %arg11[%mul3A_445, %scatter3A_519] : memref<64x128xf32, #tpu.memory_space<vmem>> -> memref<16x128xf32, #tpu.memory_space<vmem>>
        tpu.vector_store_idx %scatter3A_520[%and3A_511, %add3A_518], %gather3A_516 : memref<16x128xf32, #tpu.memory_space<vmem>>[vector<16xi32>, vector<16xi32>], vector<16xf32>,
        %add3A_521 = arith.constant 5 : i32
        %add3A_522 = vector.broadcast %add3A_521 : i32 to vector<16xi32>
        %add3A_523 = arith.addi %iota3A, %add3A_522 : vector<16xi32>
        %and3A_524 = arith.constant 15 : i32
        %and3A_525 = vector.broadcast %and3A_524 : i32 to vector<16xi32>
        %and3A_526 = arith.andi %add3A_523, %and3A_525 : vector<16xi32>
        %add3A_527 = vector.broadcast %mul3A_445 : i32 to vector<16xi32>
        %add3A_528 = arith.addi %and3A_526, %add3A_527 : vector<16xi32>
        %gather3A_529 = arith.constant 0 : i32
        %gather3A_530 = tpu.memref_slice %arg9[%mul3A_427, %gather3A_529] : memref<128x128xf32, #tpu.memory_space<vmem>> -> memref<16x128xf32, #tpu.memory_space<vmem>>
        %gather3A_531 = tpu.vector_load_idx %gather3A_530[%iota3A, %add3A_528] : memref<16x128xf32, #tpu.memory_space<vmem>>[vector<16xi32>, vector<16xi32>], vector<16xf32>,
        %add3A_532 = vector.broadcast %mul3A_427 : i32 to vector<16xi32>
        %add3A_533 = arith.addi %iota3A, %add3A_532 : vector<16xi32>
        %scatter3A_534 = arith.constant 0 : i32
        %scatter3A_535 = tpu.memref_slice %arg11[%mul3A_445, %scatter3A_534] : memref<64x128xf32, #tpu.memory_space<vmem>> -> memref<16x128xf32, #tpu.memory_space<vmem>>
        tpu.vector_store_idx %scatter3A_535[%and3A_526, %add3A_533], %gather3A_531 : memref<16x128xf32, #tpu.memory_space<vmem>>[vector<16xi32>, vector<16xi32>], vector<16xf32>,
        %add3A_536 = arith.constant 6 : i32
        %add3A_537 = vector.broadcast %add3A_536 : i32 to vector<16xi32>
        %add3A_538 = arith.addi %iota3A, %add3A_537 : vector<16xi32>
        %and3A_539 = arith.constant 15 : i32
        %and3A_540 = vector.broadcast %and3A_539 : i32 to vector<16xi32>
        %and3A_541 = arith.andi %add3A_538, %and3A_540 : vector<16xi32>
        %add3A_542 = vector.broadcast %mul3A_445 : i32 to vector<16xi32>
        %add3A_543 = arith.addi %and3A_541, %add3A_542 : vector<16xi32>
        %gather3A_544 = arith.constant 0 : i32
        %gather3A_545 = tpu.memref_slice %arg9[%mul3A_427, %gather3A_544] : memref<128x128xf32, #tpu.memory_space<vmem>> -> memref<16x128xf32, #tpu.memory_space<vmem>>
        %gather3A_546 = tpu.vector_load_idx %gather3A_545[%iota3A, %add3A_543] : memref<16x128xf32, #tpu.memory_space<vmem>>[vector<16xi32>, vector<16xi32>], vector<16xf32>,
        %add3A_547 = vector.broadcast %mul3A_427 : i32 to vector<16xi32>
        %add3A_548 = arith.addi %iota3A, %add3A_547 : vector<16xi32>
        %scatter3A_549 = arith.constant 0 : i32
        %scatter3A_550 = tpu.memref_slice %arg11[%mul3A_445, %scatter3A_549] : memref<64x128xf32, #tpu.memory_space<vmem>> -> memref<16x128xf32, #tpu.memory_space<vmem>>
        tpu.vector_store_idx %scatter3A_550[%and3A_541, %add3A_548], %gather3A_546 : memref<16x128xf32, #tpu.memory_space<vmem>>[vector<16xi32>, vector<16xi32>], vector<16xf32>,
        %add3A_551 = arith.constant 7 : i32
        %add3A_552 = vector.broadcast %add3A_551 : i32 to vector<16xi32>
        %add3A_553 = arith.addi %iota3A, %add3A_552 : vector<16xi32>
        %and3A_554 = arith.constant 15 : i32
        %and3A_555 = vector.broadcast %and3A_554 : i32 to vector<16xi32>
        %and3A_556 = arith.andi %add3A_553, %and3A_555 : vector<16xi32>
        %add3A_557 = vector.broadcast %mul3A_445 : i32 to vector<16xi32>
        %add3A_558 = arith.addi %and3A_556, %add3A_557 : vector<16xi32>
        %gather3A_559 = arith.constant 0 : i32
        %gather3A_560 = tpu.memref_slice %arg9[%mul3A_427, %gather3A_559] : memref<128x128xf32, #tpu.memory_space<vmem>> -> memref<16x128xf32, #tpu.memory_space<vmem>>
        %gather3A_561 = tpu.vector_load_idx %gather3A_560[%iota3A, %add3A_558] : memref<16x128xf32, #tpu.memory_space<vmem>>[vector<16xi32>, vector<16xi32>], vector<16xf32>,
        %add3A_562 = vector.broadcast %mul3A_427 : i32 to vector<16xi32>
        %add3A_563 = arith.addi %iota3A, %add3A_562 : vector<16xi32>
        %scatter3A_564 = arith.constant 0 : i32
        %scatter3A_565 = tpu.memref_slice %arg11[%mul3A_445, %scatter3A_564] : memref<64x128xf32, #tpu.memory_space<vmem>> -> memref<16x128xf32, #tpu.memory_space<vmem>>
        tpu.vector_store_idx %scatter3A_565[%and3A_556, %add3A_563], %gather3A_561 : memref<16x128xf32, #tpu.memory_space<vmem>>[vector<16xi32>, vector<16xi32>], vector<16xf32>,
        %add3A_566 = arith.constant 8 : i32
        %add3A_567 = vector.broadcast %add3A_566 : i32 to vector<16xi32>
        %add3A_568 = arith.addi %iota3A, %add3A_567 : vector<16xi32>
        %and3A_569 = arith.constant 15 : i32
        %and3A_570 = vector.broadcast %and3A_569 : i32 to vector<16xi32>
        %and3A_571 = arith.andi %add3A_568, %and3A_570 : vector<16xi32>
        %add3A_572 = vector.broadcast %mul3A_445 : i32 to vector<16xi32>
        %add3A_573 = arith.addi %and3A_571, %add3A_572 : vector<16xi32>
        %gather3A_574 = arith.constant 0 : i32
        %gather3A_575 = tpu.memref_slice %arg9[%mul3A_427, %gather3A_574] : memref<128x128xf32, #tpu.memory_space<vmem>> -> memref<16x128xf32, #tpu.memory_space<vmem>>
        %gather3A_576 = tpu.vector_load_idx %gather3A_575[%iota3A, %add3A_573] : memref<16x128xf32, #tpu.memory_space<vmem>>[vector<16xi32>, vector<16xi32>], vector<16xf32>,
        %add3A_577 = vector.broadcast %mul3A_427 : i32 to vector<16xi32>
        %add3A_578 = arith.addi %iota3A, %add3A_577 : vector<16xi32>
        %scatter3A_579 = arith.constant 0 : i32
        %scatter3A_580 = tpu.memref_slice %arg11[%mul3A_445, %scatter3A_579] : memref<64x128xf32, #tpu.memory_space<vmem>> -> memref<16x128xf32, #tpu.memory_space<vmem>>
        tpu.vector_store_idx %scatter3A_580[%and3A_571, %add3A_578], %gather3A_576 : memref<16x128xf32, #tpu.memory_space<vmem>>[vector<16xi32>, vector<16xi32>], vector<16xf32>,
        %add3A_581 = arith.constant 9 : i32
        %add3A_582 = vector.broadcast %add3A_581 : i32 to vector<16xi32>
        %add3A_583 = arith.addi %iota3A, %add3A_582 : vector<16xi32>
        %and3A_584 = arith.constant 15 : i32
        %and3A_585 = vector.broadcast %and3A_584 : i32 to vector<16xi32>
        %and3A_586 = arith.andi %add3A_583, %and3A_585 : vector<16xi32>
        %add3A_587 = vector.broadcast %mul3A_445 : i32 to vector<16xi32>
        %add3A_588 = arith.addi %and3A_586, %add3A_587 : vector<16xi32>
        %gather3A_589 = arith.constant 0 : i32
        %gather3A_590 = tpu.memref_slice %arg9[%mul3A_427, %gather3A_589] : memref<128x128xf32, #tpu.memory_space<vmem>> -> memref<16x128xf32, #tpu.memory_space<vmem>>
        %gather3A_591 = tpu.vector_load_idx %gather3A_590[%iota3A, %add3A_588] : memref<16x128xf32, #tpu.memory_space<vmem>>[vector<16xi32>, vector<16xi32>], vector<16xf32>,
        %add3A_592 = vector.broadcast %mul3A_427 : i32 to vector<16xi32>
        %add3A_593 = arith.addi %iota3A, %add3A_592 : vector<16xi32>
        %scatter3A_594 = arith.constant 0 : i32
        %scatter3A_595 = tpu.memref_slice %arg11[%mul3A_445, %scatter3A_594] : memref<64x128xf32, #tpu.memory_space<vmem>> -> memref<16x128xf32, #tpu.memory_space<vmem>>
        tpu.vector_store_idx %scatter3A_595[%and3A_586, %add3A_593], %gather3A_591 : memref<16x128xf32, #tpu.memory_space<vmem>>[vector<16xi32>, vector<16xi32>], vector<16xf32>,
        %add3A_596 = arith.constant 10 : i32
        %add3A_597 = vector.broadcast %add3A_596 : i32 to vector<16xi32>
        %add3A_598 = arith.addi %iota3A, %add3A_597 : vector<16xi32>
        %and3A_599 = arith.constant 15 : i32
        %and3A_600 = vector.broadcast %and3A_599 : i32 to vector<16xi32>
        %and3A_601 = arith.andi %add3A_598, %and3A_600 : vector<16xi32>
        %add3A_602 = vector.broadcast %mul3A_445 : i32 to vector<16xi32>
        %add3A_603 = arith.addi %and3A_601, %add3A_602 : vector<16xi32>
        %gather3A_604 = arith.constant 0 : i32
        %gather3A_605 = tpu.memref_slice %arg9[%mul3A_427, %gather3A_604] : memref<128x128xf32, #tpu.memory_space<vmem>> -> memref<16x128xf32, #tpu.memory_space<vmem>>
        %gather3A_606 = tpu.vector_load_idx %gather3A_605[%iota3A, %add3A_603] : memref<16x128xf32, #tpu.memory_space<vmem>>[vector<16xi32>, vector<16xi32>], vector<16xf32>,
        %add3A_607 = vector.broadcast %mul3A_427 : i32 to vector<16xi32>
        %add3A_608 = arith.addi %iota3A, %add3A_607 : vector<16xi32>
        %scatter3A_609 = arith.constant 0 : i32
        %scatter3A_610 = tpu.memref_slice %arg11[%mul3A_445, %scatter3A_609] : memref<64x128xf32, #tpu.memory_space<vmem>> -> memref<16x128xf32, #tpu.memory_space<vmem>>
        tpu.vector_store_idx %scatter3A_610[%and3A_601, %add3A_608], %gather3A_606 : memref<16x128xf32, #tpu.memory_space<vmem>>[vector<16xi32>, vector<16xi32>], vector<16xf32>,
        %add3A_611 = arith.constant 11 : i32
        %add3A_612 = vector.broadcast %add3A_611 : i32 to vector<16xi32>
        %add3A_613 = arith.addi %iota3A, %add3A_612 : vector<16xi32>
        %and3A_614 = arith.constant 15 : i32
        %and3A_615 = vector.broadcast %and3A_614 : i32 to vector<16xi32>
        %and3A_616 = arith.andi %add3A_613, %and3A_615 : vector<16xi32>
        %add3A_617 = vector.broadcast %mul3A_445 : i32 to vector<16xi32>
        %add3A_618 = arith.addi %and3A_616, %add3A_617 : vector<16xi32>
        %gather3A_619 = arith.constant 0 : i32
        %gather3A_620 = tpu.memref_slice %arg9[%mul3A_427, %gather3A_619] : memref<128x128xf32, #tpu.memory_space<vmem>> -> memref<16x128xf32, #tpu.memory_space<vmem>>
        %gather3A_621 = tpu.vector_load_idx %gather3A_620[%iota3A, %add3A_618] : memref<16x128xf32, #tpu.memory_space<vmem>>[vector<16xi32>, vector<16xi32>], vector<16xf32>,
        %add3A_622 = vector.broadcast %mul3A_427 : i32 to vector<16xi32>
        %add3A_623 = arith.addi %iota3A, %add3A_622 : vector<16xi32>
        %scatter3A_624 = arith.constant 0 : i32
        %scatter3A_625 = tpu.memref_slice %arg11[%mul3A_445, %scatter3A_624] : memref<64x128xf32, #tpu.memory_space<vmem>> -> memref<16x128xf32, #tpu.memory_space<vmem>>
        tpu.vector_store_idx %scatter3A_625[%and3A_616, %add3A_623], %gather3A_621 : memref<16x128xf32, #tpu.memory_space<vmem>>[vector<16xi32>, vector<16xi32>], vector<16xf32>,
        %add3A_626 = arith.constant 12 : i32
        %add3A_627 = vector.broadcast %add3A_626 : i32 to vector<16xi32>
        %add3A_628 = arith.addi %iota3A, %add3A_627 : vector<16xi32>
        %and3A_629 = arith.constant 15 : i32
        %and3A_630 = vector.broadcast %and3A_629 : i32 to vector<16xi32>
        %and3A_631 = arith.andi %add3A_628, %and3A_630 : vector<16xi32>
        %add3A_632 = vector.broadcast %mul3A_445 : i32 to vector<16xi32>
        %add3A_633 = arith.addi %and3A_631, %add3A_632 : vector<16xi32>
        %gather3A_634 = arith.constant 0 : i32
        %gather3A_635 = tpu.memref_slice %arg9[%mul3A_427, %gather3A_634] : memref<128x128xf32, #tpu.memory_space<vmem>> -> memref<16x128xf32, #tpu.memory_space<vmem>>
        %gather3A_636 = tpu.vector_load_idx %gather3A_635[%iota3A, %add3A_633] : memref<16x128xf32, #tpu.memory_space<vmem>>[vector<16xi32>, vector<16xi32>], vector<16xf32>,
        %add3A_637 = vector.broadcast %mul3A_427 : i32 to vector<16xi32>
        %add3A_638 = arith.addi %iota3A, %add3A_637 : vector<16xi32>
        %scatter3A_639 = arith.constant 0 : i32
        %scatter3A_640 = tpu.memref_slice %arg11[%mul3A_445, %scatter3A_639] : memref<64x128xf32, #tpu.memory_space<vmem>> -> memref<16x128xf32, #tpu.memory_space<vmem>>
        tpu.vector_store_idx %scatter3A_640[%and3A_631, %add3A_638], %gather3A_636 : memref<16x128xf32, #tpu.memory_space<vmem>>[vector<16xi32>, vector<16xi32>], vector<16xf32>,
        %add3A_641 = arith.constant 13 : i32
        %add3A_642 = vector.broadcast %add3A_641 : i32 to vector<16xi32>
        %add3A_643 = arith.addi %iota3A, %add3A_642 : vector<16xi32>
        %and3A_644 = arith.constant 15 : i32
        %and3A_645 = vector.broadcast %and3A_644 : i32 to vector<16xi32>
        %and3A_646 = arith.andi %add3A_643, %and3A_645 : vector<16xi32>
        %add3A_647 = vector.broadcast %mul3A_445 : i32 to vector<16xi32>
        %add3A_648 = arith.addi %and3A_646, %add3A_647 : vector<16xi32>
        %gather3A_649 = arith.constant 0 : i32
        %gather3A_650 = tpu.memref_slice %arg9[%mul3A_427, %gather3A_649] : memref<128x128xf32, #tpu.memory_space<vmem>> -> memref<16x128xf32, #tpu.memory_space<vmem>>
        %gather3A_651 = tpu.vector_load_idx %gather3A_650[%iota3A, %add3A_648] : memref<16x128xf32, #tpu.memory_space<vmem>>[vector<16xi32>, vector<16xi32>], vector<16xf32>,
        %add3A_652 = vector.broadcast %mul3A_427 : i32 to vector<16xi32>
        %add3A_653 = arith.addi %iota3A, %add3A_652 : vector<16xi32>
        %scatter3A_654 = arith.constant 0 : i32
        %scatter3A_655 = tpu.memref_slice %arg11[%mul3A_445, %scatter3A_654] : memref<64x128xf32, #tpu.memory_space<vmem>> -> memref<16x128xf32, #tpu.memory_space<vmem>>
        tpu.vector_store_idx %scatter3A_655[%and3A_646, %add3A_653], %gather3A_651 : memref<16x128xf32, #tpu.memory_space<vmem>>[vector<16xi32>, vector<16xi32>], vector<16xf32>,
        %add3A_656 = arith.constant 14 : i32
        %add3A_657 = vector.broadcast %add3A_656 : i32 to vector<16xi32>
        %add3A_658 = arith.addi %iota3A, %add3A_657 : vector<16xi32>
        %and3A_659 = arith.constant 15 : i32
        %and3A_660 = vector.broadcast %and3A_659 : i32 to vector<16xi32>
        %and3A_661 = arith.andi %add3A_658, %and3A_660 : vector<16xi32>
        %add3A_662 = vector.broadcast %mul3A_445 : i32 to vector<16xi32>
        %add3A_663 = arith.addi %and3A_661, %add3A_662 : vector<16xi32>
        %gather3A_664 = arith.constant 0 : i32
        %gather3A_665 = tpu.memref_slice %arg9[%mul3A_427, %gather3A_664] : memref<128x128xf32, #tpu.memory_space<vmem>> -> memref<16x128xf32, #tpu.memory_space<vmem>>
        %gather3A_666 = tpu.vector_load_idx %gather3A_665[%iota3A, %add3A_663] : memref<16x128xf32, #tpu.memory_space<vmem>>[vector<16xi32>, vector<16xi32>], vector<16xf32>,
        %add3A_667 = vector.broadcast %mul3A_427 : i32 to vector<16xi32>
        %add3A_668 = arith.addi %iota3A, %add3A_667 : vector<16xi32>
        %scatter3A_669 = arith.constant 0 : i32
        %scatter3A_670 = tpu.memref_slice %arg11[%mul3A_445, %scatter3A_669] : memref<64x128xf32, #tpu.memory_space<vmem>> -> memref<16x128xf32, #tpu.memory_space<vmem>>
        tpu.vector_store_idx %scatter3A_670[%and3A_661, %add3A_668], %gather3A_666 : memref<16x128xf32, #tpu.memory_space<vmem>>[vector<16xi32>, vector<16xi32>], vector<16xf32>,
        %add3A_671 = arith.constant 15 : i32
        %add3A_672 = vector.broadcast %add3A_671 : i32 to vector<16xi32>
        %add3A_673 = arith.addi %iota3A, %add3A_672 : vector<16xi32>
        %and3A_674 = arith.constant 15 : i32
        %and3A_675 = vector.broadcast %and3A_674 : i32 to vector<16xi32>
        %and3A_676 = arith.andi %add3A_673, %and3A_675 : vector<16xi32>
        %add3A_677 = vector.broadcast %mul3A_445 : i32 to vector<16xi32>
        %add3A_678 = arith.addi %and3A_676, %add3A_677 : vector<16xi32>
        %gather3A_679 = arith.constant 0 : i32
        %gather3A_680 = tpu.memref_slice %arg9[%mul3A_427, %gather3A_679] : memref<128x128xf32, #tpu.memory_space<vmem>> -> memref<16x128xf32, #tpu.memory_space<vmem>>
        %gather3A_681 = tpu.vector_load_idx %gather3A_680[%iota3A, %add3A_678] : memref<16x128xf32, #tpu.memory_space<vmem>>[vector<16xi32>, vector<16xi32>], vector<16xf32>,
        %add3A_682 = vector.broadcast %mul3A_427 : i32 to vector<16xi32>
        %add3A_683 = arith.addi %iota3A, %add3A_682 : vector<16xi32>
        %scatter3A_684 = arith.constant 0 : i32
        %scatter3A_685 = tpu.memref_slice %arg11[%mul3A_445, %scatter3A_684] : memref<64x128xf32, #tpu.memory_space<vmem>> -> memref<16x128xf32, #tpu.memory_space<vmem>>
        tpu.vector_store_idx %scatter3A_685[%and3A_676, %add3A_683], %gather3A_681 : memref<16x128xf32, #tpu.memory_space<vmem>>[vector<16xi32>, vector<16xi32>], vector<16xf32>,
      }
      %scan3A_91 = arith.constant 32 : i32
      %dma_start3A_92 = arith.constant 1 : i32
      %dma_start3A_93 = arith.constant 0 : i32
      %dma_start3A_94 = tpu.memref_slice %arg6[%dma_start3A_92, %mul3A_68, %dma_start3A_93, %multiple_of3A] : memref<2x50x64x4096xf32, #tpu.memory_space<hbm>> -> memref<1x1x64x128xf32, #tpu.memory_space<hbm>>
      %dma_start3A_95 = tpu.memref_squeeze %dma_start3A_94 : memref<1x1x64x128xf32, #tpu.memory_space<hbm>> -> memref<64x128xf32, #tpu.memory_space<hbm>>
      %dma_start3A_96 = arith.constant 0 : i32
      %dma_start3A_97 = tpu.memref_slice %arg6[%dma_start3A_92, %mul3A_68, %dma_start3A_96, %multiple_of3A] : memref<2x50x64x4096xf32, #tpu.memory_space<hbm>> -> memref<1x1x64x128xf32, #tpu.memory_space<hbm>>
      %dma_start3A_98 = tpu.memref_squeeze %dma_start3A_97 : memref<1x1x64x128xf32, #tpu.memory_space<hbm>> -> memref<64x128xf32, #tpu.memory_space<hbm>>
      tpu.enqueue_dma source(%arg11 : memref<64x128xf32, #tpu.memory_space<vmem>>) target(%dma_start3A_98 : memref<64x128xf32, #tpu.memory_space<hbm>>) target_semaphore(%arg15 : memref<!tpu.dma_semaphore, #tpu.memory_space<semaphore_mem>>)
      %dma_wait3A_99 = arith.constant 0 : i32
      %dma_wait3A_100 = tpu.memref_slice %arg8[%add3A_72, %dma_wait3A_99] : memref<50x128xi32, #tpu.memory_space<vmem>> -> memref<1x128xi32, #tpu.memory_space<vmem>>
      %dma_wait3A_101 = tpu.memref_squeeze %dma_wait3A_100 : memref<1x128xi32, #tpu.memory_space<vmem>> -> memref<128xi32, #tpu.memory_space<vmem>>
      %dma_wait3A_102 = arith.constant 0 : i32
      %dma_wait3A_103 = arith.constant 0 : i32
      %dma_wait3A_104 = tpu.memref_slice %arg5[%dma_wait3A_102, %dma_wait3A_103] : memref<100000x128xf32, #tpu.memory_space<hbm>> -> memref<100000x128xf32, #tpu.memory_space<hbm>>
      tpu.wait_indirect_dma semaphore(%arg14 : memref<!tpu.dma_semaphore, #tpu.memory_space<semaphore_mem>>) src(%dma_wait3A_104 : memref<100000x128xf32, #tpu.memory_space<hbm>>) dst(%arg10 : memref<128x128xf32, #tpu.memory_space<vmem>>)
      %lt3A = arith.constant 24 : i32
      %lt3A_105 = arith.cmpi slt, %scan3A_66, %lt3A : i32
      %convert_element_type3A_106 = arith.extui %lt3A_105 : i1 to i32
      %cond3A_107 = arith.constant 0 : i32
      %cond3A_108 = arith.cmpi ne, %convert_element_type3A_106, %cond3A_107 : i32
      scf.if %cond3A_108 {
        %add3A_126 = arith.constant 2 : i32
        %add3A_127 = arith.addi %mul3A_68, %add3A_126 : i32
        %dma_start3A_128 = arith.constant 0 : i32
        %dma_start3A_129 = tpu.memref_slice %arg8[%add3A_127, %dma_start3A_128] : memref<50x128xi32, #tpu.memory_space<vmem>> -> memref<1x128xi32, #tpu.memory_space<vmem>>
        %dma_start3A_130 = tpu.memref_squeeze %dma_start3A_129 : memref<1x128xi32, #tpu.memory_space<vmem>> -> memref<128xi32, #tpu.memory_space<vmem>>
        %dma_start3A_131 = arith.constant 0 : i32
        %dma_start3A_132 = arith.constant 0 : i32
        %dma_start3A_133 = tpu.memref_slice %arg5[%dma_start3A_131, %dma_start3A_132] : memref<100000x128xf32, #tpu.memory_space<hbm>> -> memref<100000x128xf32, #tpu.memory_space<hbm>>
        tpu.enqueue_indirect_dma source(%dma_start3A_133 : memref<100000x128xf32, #tpu.memory_space<hbm>>) target(%arg9 : memref<128x128xf32, #tpu.memory_space<vmem>>) offsets(%dma_start3A_130 : memref<128xi32, #tpu.memory_space<vmem>>) semaphore(%arg13 : memref<!tpu.dma_semaphore, #tpu.memory_space<semaphore_mem>>)
      } else {
      }
      %gt3A_109 = arith.constant 0 : i32
      %gt3A_110 = arith.cmpi sgt, %scan3A_66, %gt3A_109 : i32
      %convert_element_type3A_111 = arith.extui %gt3A_110 : i1 to i32
      %cond3A_112 = arith.constant 0 : i32
      %cond3A_113 = arith.cmpi ne, %convert_element_type3A_111, %cond3A_112 : i32
      scf.if %cond3A_113 {
        %dma_wait3A_126 = arith.constant 1 : i32
        %dma_wait3A_127 = arith.constant 0 : i32
        %dma_wait3A_128 = tpu.memref_slice %arg6[%dma_wait3A_126, %add3A_72, %dma_wait3A_127, %multiple_of3A] : memref<2x50x64x4096xf32, #tpu.memory_space<hbm>> -> memref<1x1x64x128xf32, #tpu.memory_space<hbm>>
        %dma_wait3A_129 = tpu.memref_squeeze %dma_wait3A_128 : memref<1x1x64x128xf32, #tpu.memory_space<hbm>> -> memref<64x128xf32, #tpu.memory_space<hbm>>
        %dma_wait3A_130 = arith.constant 0 : i32
        %dma_wait3A_131 = tpu.memref_slice %arg6[%dma_wait3A_126, %add3A_72, %dma_wait3A_130, %multiple_of3A] : memref<2x50x64x4096xf32, #tpu.memory_space<hbm>> -> memref<1x1x64x128xf32, #tpu.memory_space<hbm>>
        %dma_wait3A_132 = tpu.memref_squeeze %dma_wait3A_131 : memref<1x1x64x128xf32, #tpu.memory_space<hbm>> -> memref<64x128xf32, #tpu.memory_space<hbm>>
        tpu.wait_dma2 semaphore(%arg16 : memref<!tpu.dma_semaphore, #tpu.memory_space<semaphore_mem>>) src(%arg12 : memref<64x128xf32, #tpu.memory_space<vmem>>) dst(%dma_wait3A_132 : memref<64x128xf32, #tpu.memory_space<hbm>>)
      } else {
      }
      %scan3A_114 = arith.constant 0 : i32
      %scan3A_115 = arith.constant 32 : i32
      %scan3A_116 = arith.addi %scan3A_114, %scan3A_115 : i32
      %scan3A_117 = arith.constant 2 : i32
      scf.for %scan3A_126 = %scan3A_114 to %scan3A_116 step %scan3A_117  : i32 {
        %jit3A = arith.constant 4 : i32
        %div3A = arith.divsi %scan3A_126, %jit3A : i32
        %sign3A = arith.constant 0 : i32
        %sign3A_127 = arith.cmpi sgt, %scan3A_126, %sign3A : i32
        %sign3A_128 = arith.extui %sign3A_127 : i1 to i32
        %sign3A_129 = arith.constant 0 : i32
        %sign3A_130 = arith.cmpi slt, %scan3A_126, %sign3A_129 : i32
        %sign3A_131 = arith.extui %sign3A_130 : i1 to i32
        %sign3A_132 = arith.subi %sign3A_128, %sign3A_131 : i32
        %sign3A_133 = arith.constant 0 : i32
        %sign3A_134 = arith.cmpi sgt, %jit3A, %sign3A_133 : i32
        %sign3A_135 = arith.extui %sign3A_134 : i1 to i32
        %sign3A_136 = arith.constant 0 : i32
        %sign3A_137 = arith.cmpi slt, %jit3A, %sign3A_136 : i32
        %sign3A_138 = arith.extui %sign3A_137 : i1 to i32
        %sign3A_139 = arith.subi %sign3A_135, %sign3A_138 : i32
        %ne3A = arith.cmpi ne, %sign3A_132, %sign3A_139 : i32
        %rem3A = arith.remsi %scan3A_126, %jit3A : i32
        %ne3A_140 = arith.constant 0 : i32
        %ne3A_141 = arith.cmpi ne, %rem3A, %ne3A_140 : i32
        %and3A = arith.andi %ne3A, %ne3A_141 : i1
        %sub3A = arith.constant 1 : i32
        %sub3A_142 = arith.subi %div3A, %sub3A : i32
        %select_n3A = arith.select %and3A, %sub3A_142, %div3A : i32
        %mul3A_143 = arith.constant 16 : i32
        %mul3A_144 = arith.muli %select_n3A, %mul3A_143 : i32
        %jit3A_145 = arith.constant 4 : i32
        %eq3A = arith.constant 0 : i32
        %eq3A_146 = arith.cmpi eq, %jit3A_145, %eq3A : i32
        %jit3A_147 = arith.constant 1 : i32
        %select_n3A_148 = arith.select %eq3A_146, %jit3A_147, %jit3A_145 : i32
        %rem3A_149 = arith.remsi %scan3A_126, %select_n3A_148 : i32
        %ne3A_150 = arith.constant 0 : i32
        %ne3A_151 = arith.cmpi ne, %rem3A_149, %ne3A_150 : i32
        %lt3A_152 = arith.constant 0 : i32
        %lt3A_153 = arith.cmpi slt, %rem3A_149, %lt3A_152 : i32
        %lt3A_154 = arith.constant 0 : i32
        %lt3A_155 = arith.cmpi slt, %select_n3A_148, %lt3A_154 : i32
        %ne3A_156 = arith.xori %lt3A_153, %lt3A_155 : i1
        %and3A_157 = arith.andi %ne3A_156, %ne3A_151 : i1
        %add3A_158 = arith.addi %rem3A_149, %select_n3A_148 : i32
        %select_n3A_159 = arith.select %and3A_157, %add3A_158, %rem3A_149 : i32
        %mul3A_160 = arith.constant 16 : i32
        %mul3A_161 = arith.muli %select_n3A_159, %mul3A_160 : i32
        %add3A_162 = arith.constant 0 : i32
        %add3A_163 = vector.broadcast %add3A_162 : i32 to vector<16xi32>
        %add3A_164 = arith.addi %iota3A, %add3A_163 : vector<16xi32>
        %and3A_165 = arith.constant 15 : i32
        %and3A_166 = vector.broadcast %and3A_165 : i32 to vector<16xi32>
        %and3A_167 = arith.andi %add3A_164, %and3A_166 : vector<16xi32>
        %add3A_168 = vector.broadcast %mul3A_161 : i32 to vector<16xi32>
        %add3A_169 = arith.addi %and3A_167, %add3A_168 : vector<16xi32>
        %gather3A = arith.constant 0 : i32
        %gather3A_170 = tpu.memref_slice %arg10[%mul3A_144, %gather3A] : memref<128x128xf32, #tpu.memory_space<vmem>> -> memref<16x128xf32, #tpu.memory_space<vmem>>
        %gather3A_171 = tpu.vector_load_idx %gather3A_170[%iota3A, %add3A_169] : memref<16x128xf32, #tpu.memory_space<vmem>>[vector<16xi32>, vector<16xi32>], vector<16xf32>,
        %add3A_172 = vector.broadcast %mul3A_144 : i32 to vector<16xi32>
        %add3A_173 = arith.addi %iota3A, %add3A_172 : vector<16xi32>
        %scatter3A = arith.constant 0 : i32
        %scatter3A_174 = tpu.memref_slice %arg12[%mul3A_161, %scatter3A] : memref<64x128xf32, #tpu.memory_space<vmem>> -> memref<16x128xf32, #tpu.memory_space<vmem>>
        tpu.vector_store_idx %scatter3A_174[%and3A_167, %add3A_173], %gather3A_171 : memref<16x128xf32, #tpu.memory_space<vmem>>[vector<16xi32>, vector<16xi32>], vector<16xf32>,
        %add3A_175 = arith.constant 1 : i32
        %add3A_176 = vector.broadcast %add3A_175 : i32 to vector<16xi32>
        %add3A_177 = arith.addi %iota3A, %add3A_176 : vector<16xi32>
        %and3A_178 = arith.constant 15 : i32
        %and3A_179 = vector.broadcast %and3A_178 : i32 to vector<16xi32>
        %and3A_180 = arith.andi %add3A_177, %and3A_179 : vector<16xi32>
        %add3A_181 = vector.broadcast %mul3A_161 : i32 to vector<16xi32>
        %add3A_182 = arith.addi %and3A_180, %add3A_181 : vector<16xi32>
        %gather3A_183 = arith.constant 0 : i32
        %gather3A_184 = tpu.memref_slice %arg10[%mul3A_144, %gather3A_183] : memref<128x128xf32, #tpu.memory_space<vmem>> -> memref<16x128xf32, #tpu.memory_space<vmem>>
        %gather3A_185 = tpu.vector_load_idx %gather3A_184[%iota3A, %add3A_182] : memref<16x128xf32, #tpu.memory_space<vmem>>[vector<16xi32>, vector<16xi32>], vector<16xf32>,
        %add3A_186 = vector.broadcast %mul3A_144 : i32 to vector<16xi32>
        %add3A_187 = arith.addi %iota3A, %add3A_186 : vector<16xi32>
        %scatter3A_188 = arith.constant 0 : i32
        %scatter3A_189 = tpu.memref_slice %arg12[%mul3A_161, %scatter3A_188] : memref<64x128xf32, #tpu.memory_space<vmem>> -> memref<16x128xf32, #tpu.memory_space<vmem>>
        tpu.vector_store_idx %scatter3A_189[%and3A_180, %add3A_187], %gather3A_185 : memref<16x128xf32, #tpu.memory_space<vmem>>[vector<16xi32>, vector<16xi32>], vector<16xf32>,
        %add3A_190 = arith.constant 2 : i32
        %add3A_191 = vector.broadcast %add3A_190 : i32 to vector<16xi32>
        %add3A_192 = arith.addi %iota3A, %add3A_191 : vector<16xi32>
        %and3A_193 = arith.constant 15 : i32
        %and3A_194 = vector.broadcast %and3A_193 : i32 to vector<16xi32>
        %and3A_195 = arith.andi %add3A_192, %and3A_194 : vector<16xi32>
        %add3A_196 = vector.broadcast %mul3A_161 : i32 to vector<16xi32>
        %add3A_197 = arith.addi %and3A_195, %add3A_196 : vector<16xi32>
        %gather3A_198 = arith.constant 0 : i32
        %gather3A_199 = tpu.memref_slice %arg10[%mul3A_144, %gather3A_198] : memref<128x128xf32, #tpu.memory_space<vmem>> -> memref<16x128xf32, #tpu.memory_space<vmem>>
        %gather3A_200 = tpu.vector_load_idx %gather3A_199[%iota3A, %add3A_197] : memref<16x128xf32, #tpu.memory_space<vmem>>[vector<16xi32>, vector<16xi32>], vector<16xf32>,
        %add3A_201 = vector.broadcast %mul3A_144 : i32 to vector<16xi32>
        %add3A_202 = arith.addi %iota3A, %add3A_201 : vector<16xi32>
        %scatter3A_203 = arith.constant 0 : i32
        %scatter3A_204 = tpu.memref_slice %arg12[%mul3A_161, %scatter3A_203] : memref<64x128xf32, #tpu.memory_space<vmem>> -> memref<16x128xf32, #tpu.memory_space<vmem>>
        tpu.vector_store_idx %scatter3A_204[%and3A_195, %add3A_202], %gather3A_200 : memref<16x128xf32, #tpu.memory_space<vmem>>[vector<16xi32>, vector<16xi32>], vector<16xf32>,
        %add3A_205 = arith.constant 3 : i32
        %add3A_206 = vector.broadcast %add3A_205 : i32 to vector<16xi32>
        %add3A_207 = arith.addi %iota3A, %add3A_206 : vector<16xi32>
        %and3A_208 = arith.constant 15 : i32
        %and3A_209 = vector.broadcast %and3A_208 : i32 to vector<16xi32>
        %and3A_210 = arith.andi %add3A_207, %and3A_209 : vector<16xi32>
        %add3A_211 = vector.broadcast %mul3A_161 : i32 to vector<16xi32>
        %add3A_212 = arith.addi %and3A_210, %add3A_211 : vector<16xi32>
        %gather3A_213 = arith.constant 0 : i32
        %gather3A_214 = tpu.memref_slice %arg10[%mul3A_144, %gather3A_213] : memref<128x128xf32, #tpu.memory_space<vmem>> -> memref<16x128xf32, #tpu.memory_space<vmem>>
        %gather3A_215 = tpu.vector_load_idx %gather3A_214[%iota3A, %add3A_212] : memref<16x128xf32, #tpu.memory_space<vmem>>[vector<16xi32>, vector<16xi32>], vector<16xf32>,
        %add3A_216 = vector.broadcast %mul3A_144 : i32 to vector<16xi32>
        %add3A_217 = arith.addi %iota3A, %add3A_216 : vector<16xi32>
        %scatter3A_218 = arith.constant 0 : i32
        %scatter3A_219 = tpu.memref_slice %arg12[%mul3A_161, %scatter3A_218] : memref<64x128xf32, #tpu.memory_space<vmem>> -> memref<16x128xf32, #tpu.memory_space<vmem>>
        tpu.vector_store_idx %scatter3A_219[%and3A_210, %add3A_217], %gather3A_215 : memref<16x128xf32, #tpu.memory_space<vmem>>[vector<16xi32>, vector<16xi32>], vector<16xf32>,
        %add3A_220 = arith.constant 4 : i32
        %add3A_221 = vector.broadcast %add3A_220 : i32 to vector<16xi32>
        %add3A_222 = arith.addi %iota3A, %add3A_221 : vector<16xi32>
        %and3A_223 = arith.constant 15 : i32
        %and3A_224 = vector.broadcast %and3A_223 : i32 to vector<16xi32>
        %and3A_225 = arith.andi %add3A_222, %and3A_224 : vector<16xi32>
        %add3A_226 = vector.broadcast %mul3A_161 : i32 to vector<16xi32>
        %add3A_227 = arith.addi %and3A_225, %add3A_226 : vector<16xi32>
        %gather3A_228 = arith.constant 0 : i32
        %gather3A_229 = tpu.memref_slice %arg10[%mul3A_144, %gather3A_228] : memref<128x128xf32, #tpu.memory_space<vmem>> -> memref<16x128xf32, #tpu.memory_space<vmem>>
        %gather3A_230 = tpu.vector_load_idx %gather3A_229[%iota3A, %add3A_227] : memref<16x128xf32, #tpu.memory_space<vmem>>[vector<16xi32>, vector<16xi32>], vector<16xf32>,
        %add3A_231 = vector.broadcast %mul3A_144 : i32 to vector<16xi32>
        %add3A_232 = arith.addi %iota3A, %add3A_231 : vector<16xi32>
        %scatter3A_233 = arith.constant 0 : i32
        %scatter3A_234 = tpu.memref_slice %arg12[%mul3A_161, %scatter3A_233] : memref<64x128xf32, #tpu.memory_space<vmem>> -> memref<16x128xf32, #tpu.memory_space<vmem>>
        tpu.vector_store_idx %scatter3A_234[%and3A_225, %add3A_232], %gather3A_230 : memref<16x128xf32, #tpu.memory_space<vmem>>[vector<16xi32>, vector<16xi32>], vector<16xf32>,
        %add3A_235 = arith.constant 5 : i32
        %add3A_236 = vector.broadcast %add3A_235 : i32 to vector<16xi32>
        %add3A_237 = arith.addi %iota3A, %add3A_236 : vector<16xi32>
        %and3A_238 = arith.constant 15 : i32
        %and3A_239 = vector.broadcast %and3A_238 : i32 to vector<16xi32>
        %and3A_240 = arith.andi %add3A_237, %and3A_239 : vector<16xi32>
        %add3A_241 = vector.broadcast %mul3A_161 : i32 to vector<16xi32>
        %add3A_242 = arith.addi %and3A_240, %add3A_241 : vector<16xi32>
        %gather3A_243 = arith.constant 0 : i32
        %gather3A_244 = tpu.memref_slice %arg10[%mul3A_144, %gather3A_243] : memref<128x128xf32, #tpu.memory_space<vmem>> -> memref<16x128xf32, #tpu.memory_space<vmem>>
        %gather3A_245 = tpu.vector_load_idx %gather3A_244[%iota3A, %add3A_242] : memref<16x128xf32, #tpu.memory_space<vmem>>[vector<16xi32>, vector<16xi32>], vector<16xf32>,
        %add3A_246 = vector.broadcast %mul3A_144 : i32 to vector<16xi32>
        %add3A_247 = arith.addi %iota3A, %add3A_246 : vector<16xi32>
        %scatter3A_248 = arith.constant 0 : i32
        %scatter3A_249 = tpu.memref_slice %arg12[%mul3A_161, %scatter3A_248] : memref<64x128xf32, #tpu.memory_space<vmem>> -> memref<16x128xf32, #tpu.memory_space<vmem>>
        tpu.vector_store_idx %scatter3A_249[%and3A_240, %add3A_247], %gather3A_245 : memref<16x128xf32, #tpu.memory_space<vmem>>[vector<16xi32>, vector<16xi32>], vector<16xf32>,
        %add3A_250 = arith.constant 6 : i32
        %add3A_251 = vector.broadcast %add3A_250 : i32 to vector<16xi32>
        %add3A_252 = arith.addi %iota3A, %add3A_251 : vector<16xi32>
        %and3A_253 = arith.constant 15 : i32
        %and3A_254 = vector.broadcast %and3A_253 : i32 to vector<16xi32>
        %and3A_255 = arith.andi %add3A_252, %and3A_254 : vector<16xi32>
        %add3A_256 = vector.broadcast %mul3A_161 : i32 to vector<16xi32>
        %add3A_257 = arith.addi %and3A_255, %add3A_256 : vector<16xi32>
        %gather3A_258 = arith.constant 0 : i32
        %gather3A_259 = tpu.memref_slice %arg10[%mul3A_144, %gather3A_258] : memref<128x128xf32, #tpu.memory_space<vmem>> -> memref<16x128xf32, #tpu.memory_space<vmem>>
        %gather3A_260 = tpu.vector_load_idx %gather3A_259[%iota3A, %add3A_257] : memref<16x128xf32, #tpu.memory_space<vmem>>[vector<16xi32>, vector<16xi32>], vector<16xf32>,
        %add3A_261 = vector.broadcast %mul3A_144 : i32 to vector<16xi32>
        %add3A_262 = arith.addi %iota3A, %add3A_261 : vector<16xi32>
        %scatter3A_263 = arith.constant 0 : i32
        %scatter3A_264 = tpu.memref_slice %arg12[%mul3A_161, %scatter3A_263] : memref<64x128xf32, #tpu.memory_space<vmem>> -> memref<16x128xf32, #tpu.memory_space<vmem>>
        tpu.vector_store_idx %scatter3A_264[%and3A_255, %add3A_262], %gather3A_260 : memref<16x128xf32, #tpu.memory_space<vmem>>[vector<16xi32>, vector<16xi32>], vector<16xf32>,
        %add3A_265 = arith.constant 7 : i32
        %add3A_266 = vector.broadcast %add3A_265 : i32 to vector<16xi32>
        %add3A_267 = arith.addi %iota3A, %add3A_266 : vector<16xi32>
        %and3A_268 = arith.constant 15 : i32
        %and3A_269 = vector.broadcast %and3A_268 : i32 to vector<16xi32>
        %and3A_270 = arith.andi %add3A_267, %and3A_269 : vector<16xi32>
        %add3A_271 = vector.broadcast %mul3A_161 : i32 to vector<16xi32>
        %add3A_272 = arith.addi %and3A_270, %add3A_271 : vector<16xi32>
        %gather3A_273 = arith.constant 0 : i32
        %gather3A_274 = tpu.memref_slice %arg10[%mul3A_144, %gather3A_273] : memref<128x128xf32, #tpu.memory_space<vmem>> -> memref<16x128xf32, #tpu.memory_space<vmem>>
        %gather3A_275 = tpu.vector_load_idx %gather3A_274[%iota3A, %add3A_272] : memref<16x128xf32, #tpu.memory_space<vmem>>[vector<16xi32>, vector<16xi32>], vector<16xf32>,
        %add3A_276 = vector.broadcast %mul3A_144 : i32 to vector<16xi32>
        %add3A_277 = arith.addi %iota3A, %add3A_276 : vector<16xi32>
        %scatter3A_278 = arith.constant 0 : i32
        %scatter3A_279 = tpu.memref_slice %arg12[%mul3A_161, %scatter3A_278] : memref<64x128xf32, #tpu.memory_space<vmem>> -> memref<16x128xf32, #tpu.memory_space<vmem>>
        tpu.vector_store_idx %scatter3A_279[%and3A_270, %add3A_277], %gather3A_275 : memref<16x128xf32, #tpu.memory_space<vmem>>[vector<16xi32>, vector<16xi32>], vector<16xf32>,
        %add3A_280 = arith.constant 8 : i32
        %add3A_281 = vector.broadcast %add3A_280 : i32 to vector<16xi32>
        %add3A_282 = arith.addi %iota3A, %add3A_281 : vector<16xi32>
        %and3A_283 = arith.constant 15 : i32
        %and3A_284 = vector.broadcast %and3A_283 : i32 to vector<16xi32>
        %and3A_285 = arith.andi %add3A_282, %and3A_284 : vector<16xi32>
        %add3A_286 = vector.broadcast %mul3A_161 : i32 to vector<16xi32>
        %add3A_287 = arith.addi %and3A_285, %add3A_286 : vector<16xi32>
        %gather3A_288 = arith.constant 0 : i32
        %gather3A_289 = tpu.memref_slice %arg10[%mul3A_144, %gather3A_288] : memref<128x128xf32, #tpu.memory_space<vmem>> -> memref<16x128xf32, #tpu.memory_space<vmem>>
        %gather3A_290 = tpu.vector_load_idx %gather3A_289[%iota3A, %add3A_287] : memref<16x128xf32, #tpu.memory_space<vmem>>[vector<16xi32>, vector<16xi32>], vector<16xf32>,
        %add3A_291 = vector.broadcast %mul3A_144 : i32 to vector<16xi32>
        %add3A_292 = arith.addi %iota3A, %add3A_291 : vector<16xi32>
        %scatter3A_293 = arith.constant 0 : i32
        %scatter3A_294 = tpu.memref_slice %arg12[%mul3A_161, %scatter3A_293] : memref<64x128xf32, #tpu.memory_space<vmem>> -> memref<16x128xf32, #tpu.memory_space<vmem>>
        tpu.vector_store_idx %scatter3A_294[%and3A_285, %add3A_292], %gather3A_290 : memref<16x128xf32, #tpu.memory_space<vmem>>[vector<16xi32>, vector<16xi32>], vector<16xf32>,
        %add3A_295 = arith.constant 9 : i32
        %add3A_296 = vector.broadcast %add3A_295 : i32 to vector<16xi32>
        %add3A_297 = arith.addi %iota3A, %add3A_296 : vector<16xi32>
        %and3A_298 = arith.constant 15 : i32
        %and3A_299 = vector.broadcast %and3A_298 : i32 to vector<16xi32>
        %and3A_300 = arith.andi %add3A_297, %and3A_299 : vector<16xi32>
        %add3A_301 = vector.broadcast %mul3A_161 : i32 to vector<16xi32>
        %add3A_302 = arith.addi %and3A_300, %add3A_301 : vector<16xi32>
        %gather3A_303 = arith.constant 0 : i32
        %gather3A_304 = tpu.memref_slice %arg10[%mul3A_144, %gather3A_303] : memref<128x128xf32, #tpu.memory_space<vmem>> -> memref<16x128xf32, #tpu.memory_space<vmem>>
        %gather3A_305 = tpu.vector_load_idx %gather3A_304[%iota3A, %add3A_302] : memref<16x128xf32, #tpu.memory_space<vmem>>[vector<16xi32>, vector<16xi32>], vector<16xf32>,
        %add3A_306 = vector.broadcast %mul3A_144 : i32 to vector<16xi32>
        %add3A_307 = arith.addi %iota3A, %add3A_306 : vector<16xi32>
        %scatter3A_308 = arith.constant 0 : i32
        %scatter3A_309 = tpu.memref_slice %arg12[%mul3A_161, %scatter3A_308] : memref<64x128xf32, #tpu.memory_space<vmem>> -> memref<16x128xf32, #tpu.memory_space<vmem>>
        tpu.vector_store_idx %scatter3A_309[%and3A_300, %add3A_307], %gather3A_305 : memref<16x128xf32, #tpu.memory_space<vmem>>[vector<16xi32>, vector<16xi32>], vector<16xf32>,
        %add3A_310 = arith.constant 10 : i32
        %add3A_311 = vector.broadcast %add3A_310 : i32 to vector<16xi32>
        %add3A_312 = arith.addi %iota3A, %add3A_311 : vector<16xi32>
        %and3A_313 = arith.constant 15 : i32
        %and3A_314 = vector.broadcast %and3A_313 : i32 to vector<16xi32>
        %and3A_315 = arith.andi %add3A_312, %and3A_314 : vector<16xi32>
        %add3A_316 = vector.broadcast %mul3A_161 : i32 to vector<16xi32>
        %add3A_317 = arith.addi %and3A_315, %add3A_316 : vector<16xi32>
        %gather3A_318 = arith.constant 0 : i32
        %gather3A_319 = tpu.memref_slice %arg10[%mul3A_144, %gather3A_318] : memref<128x128xf32, #tpu.memory_space<vmem>> -> memref<16x128xf32, #tpu.memory_space<vmem>>
        %gather3A_320 = tpu.vector_load_idx %gather3A_319[%iota3A, %add3A_317] : memref<16x128xf32, #tpu.memory_space<vmem>>[vector<16xi32>, vector<16xi32>], vector<16xf32>,
        %add3A_321 = vector.broadcast %mul3A_144 : i32 to vector<16xi32>
        %add3A_322 = arith.addi %iota3A, %add3A_321 : vector<16xi32>
        %scatter3A_323 = arith.constant 0 : i32
        %scatter3A_324 = tpu.memref_slice %arg12[%mul3A_161, %scatter3A_323] : memref<64x128xf32, #tpu.memory_space<vmem>> -> memref<16x128xf32, #tpu.memory_space<vmem>>
        tpu.vector_store_idx %scatter3A_324[%and3A_315, %add3A_322], %gather3A_320 : memref<16x128xf32, #tpu.memory_space<vmem>>[vector<16xi32>, vector<16xi32>], vector<16xf32>,
        %add3A_325 = arith.constant 11 : i32
        %add3A_326 = vector.broadcast %add3A_325 : i32 to vector<16xi32>
        %add3A_327 = arith.addi %iota3A, %add3A_326 : vector<16xi32>
        %and3A_328 = arith.constant 15 : i32
        %and3A_329 = vector.broadcast %and3A_328 : i32 to vector<16xi32>
        %and3A_330 = arith.andi %add3A_327, %and3A_329 : vector<16xi32>
        %add3A_331 = vector.broadcast %mul3A_161 : i32 to vector<16xi32>
        %add3A_332 = arith.addi %and3A_330, %add3A_331 : vector<16xi32>
        %gather3A_333 = arith.constant 0 : i32
        %gather3A_334 = tpu.memref_slice %arg10[%mul3A_144, %gather3A_333] : memref<128x128xf32, #tpu.memory_space<vmem>> -> memref<16x128xf32, #tpu.memory_space<vmem>>
        %gather3A_335 = tpu.vector_load_idx %gather3A_334[%iota3A, %add3A_332] : memref<16x128xf32, #tpu.memory_space<vmem>>[vector<16xi32>, vector<16xi32>], vector<16xf32>,
        %add3A_336 = vector.broadcast %mul3A_144 : i32 to vector<16xi32>
        %add3A_337 = arith.addi %iota3A, %add3A_336 : vector<16xi32>
        %scatter3A_338 = arith.constant 0 : i32
        %scatter3A_339 = tpu.memref_slice %arg12[%mul3A_161, %scatter3A_338] : memref<64x128xf32, #tpu.memory_space<vmem>> -> memref<16x128xf32, #tpu.memory_space<vmem>>
        tpu.vector_store_idx %scatter3A_339[%and3A_330, %add3A_337], %gather3A_335 : memref<16x128xf32, #tpu.memory_space<vmem>>[vector<16xi32>, vector<16xi32>], vector<16xf32>,
        %add3A_340 = arith.constant 12 : i32
        %add3A_341 = vector.broadcast %add3A_340 : i32 to vector<16xi32>
        %add3A_342 = arith.addi %iota3A, %add3A_341 : vector<16xi32>
        %and3A_343 = arith.constant 15 : i32
        %and3A_344 = vector.broadcast %and3A_343 : i32 to vector<16xi32>
        %and3A_345 = arith.andi %add3A_342, %and3A_344 : vector<16xi32>
        %add3A_346 = vector.broadcast %mul3A_161 : i32 to vector<16xi32>
        %add3A_347 = arith.addi %and3A_345, %add3A_346 : vector<16xi32>
        %gather3A_348 = arith.constant 0 : i32
        %gather3A_349 = tpu.memref_slice %arg10[%mul3A_144, %gather3A_348] : memref<128x128xf32, #tpu.memory_space<vmem>> -> memref<16x128xf32, #tpu.memory_space<vmem>>
        %gather3A_350 = tpu.vector_load_idx %gather3A_349[%iota3A, %add3A_347] : memref<16x128xf32, #tpu.memory_space<vmem>>[vector<16xi32>, vector<16xi32>], vector<16xf32>,
        %add3A_351 = vector.broadcast %mul3A_144 : i32 to vector<16xi32>
        %add3A_352 = arith.addi %iota3A, %add3A_351 : vector<16xi32>
        %scatter3A_353 = arith.constant 0 : i32
        %scatter3A_354 = tpu.memref_slice %arg12[%mul3A_161, %scatter3A_353] : memref<64x128xf32, #tpu.memory_space<vmem>> -> memref<16x128xf32, #tpu.memory_space<vmem>>
        tpu.vector_store_idx %scatter3A_354[%and3A_345, %add3A_352], %gather3A_350 : memref<16x128xf32, #tpu.memory_space<vmem>>[vector<16xi32>, vector<16xi32>], vector<16xf32>,
        %add3A_355 = arith.constant 13 : i32
        %add3A_356 = vector.broadcast %add3A_355 : i32 to vector<16xi32>
        %add3A_357 = arith.addi %iota3A, %add3A_356 : vector<16xi32>
        %and3A_358 = arith.constant 15 : i32
        %and3A_359 = vector.broadcast %and3A_358 : i32 to vector<16xi32>
        %and3A_360 = arith.andi %add3A_357, %and3A_359 : vector<16xi32>
        %add3A_361 = vector.broadcast %mul3A_161 : i32 to vector<16xi32>
        %add3A_362 = arith.addi %and3A_360, %add3A_361 : vector<16xi32>
        %gather3A_363 = arith.constant 0 : i32
        %gather3A_364 = tpu.memref_slice %arg10[%mul3A_144, %gather3A_363] : memref<128x128xf32, #tpu.memory_space<vmem>> -> memref<16x128xf32, #tpu.memory_space<vmem>>
        %gather3A_365 = tpu.vector_load_idx %gather3A_364[%iota3A, %add3A_362] : memref<16x128xf32, #tpu.memory_space<vmem>>[vector<16xi32>, vector<16xi32>], vector<16xf32>,
        %add3A_366 = vector.broadcast %mul3A_144 : i32 to vector<16xi32>
        %add3A_367 = arith.addi %iota3A, %add3A_366 : vector<16xi32>
        %scatter3A_368 = arith.constant 0 : i32
        %scatter3A_369 = tpu.memref_slice %arg12[%mul3A_161, %scatter3A_368] : memref<64x128xf32, #tpu.memory_space<vmem>> -> memref<16x128xf32, #tpu.memory_space<vmem>>
        tpu.vector_store_idx %scatter3A_369[%and3A_360, %add3A_367], %gather3A_365 : memref<16x128xf32, #tpu.memory_space<vmem>>[vector<16xi32>, vector<16xi32>], vector<16xf32>,
        %add3A_370 = arith.constant 14 : i32
        %add3A_371 = vector.broadcast %add3A_370 : i32 to vector<16xi32>
        %add3A_372 = arith.addi %iota3A, %add3A_371 : vector<16xi32>
        %and3A_373 = arith.constant 15 : i32
        %and3A_374 = vector.broadcast %and3A_373 : i32 to vector<16xi32>
        %and3A_375 = arith.andi %add3A_372, %and3A_374 : vector<16xi32>
        %add3A_376 = vector.broadcast %mul3A_161 : i32 to vector<16xi32>
        %add3A_377 = arith.addi %and3A_375, %add3A_376 : vector<16xi32>
        %gather3A_378 = arith.constant 0 : i32
        %gather3A_379 = tpu.memref_slice %arg10[%mul3A_144, %gather3A_378] : memref<128x128xf32, #tpu.memory_space<vmem>> -> memref<16x128xf32, #tpu.memory_space<vmem>>
        %gather3A_380 = tpu.vector_load_idx %gather3A_379[%iota3A, %add3A_377] : memref<16x128xf32, #tpu.memory_space<vmem>>[vector<16xi32>, vector<16xi32>], vector<16xf32>,
        %add3A_381 = vector.broadcast %mul3A_144 : i32 to vector<16xi32>
        %add3A_382 = arith.addi %iota3A, %add3A_381 : vector<16xi32>
        %scatter3A_383 = arith.constant 0 : i32
        %scatter3A_384 = tpu.memref_slice %arg12[%mul3A_161, %scatter3A_383] : memref<64x128xf32, #tpu.memory_space<vmem>> -> memref<16x128xf32, #tpu.memory_space<vmem>>
        tpu.vector_store_idx %scatter3A_384[%and3A_375, %add3A_382], %gather3A_380 : memref<16x128xf32, #tpu.memory_space<vmem>>[vector<16xi32>, vector<16xi32>], vector<16xf32>,
        %add3A_385 = arith.constant 15 : i32
        %add3A_386 = vector.broadcast %add3A_385 : i32 to vector<16xi32>
        %add3A_387 = arith.addi %iota3A, %add3A_386 : vector<16xi32>
        %and3A_388 = arith.constant 15 : i32
        %and3A_389 = vector.broadcast %and3A_388 : i32 to vector<16xi32>
        %and3A_390 = arith.andi %add3A_387, %and3A_389 : vector<16xi32>
        %add3A_391 = vector.broadcast %mul3A_161 : i32 to vector<16xi32>
        %add3A_392 = arith.addi %and3A_390, %add3A_391 : vector<16xi32>
        %gather3A_393 = arith.constant 0 : i32
        %gather3A_394 = tpu.memref_slice %arg10[%mul3A_144, %gather3A_393] : memref<128x128xf32, #tpu.memory_space<vmem>> -> memref<16x128xf32, #tpu.memory_space<vmem>>
        %gather3A_395 = tpu.vector_load_idx %gather3A_394[%iota3A, %add3A_392] : memref<16x128xf32, #tpu.memory_space<vmem>>[vector<16xi32>, vector<16xi32>], vector<16xf32>,
        %add3A_396 = vector.broadcast %mul3A_144 : i32 to vector<16xi32>
        %add3A_397 = arith.addi %iota3A, %add3A_396 : vector<16xi32>
        %scatter3A_398 = arith.constant 0 : i32
        %scatter3A_399 = tpu.memref_slice %arg12[%mul3A_161, %scatter3A_398] : memref<64x128xf32, #tpu.memory_space<vmem>> -> memref<16x128xf32, #tpu.memory_space<vmem>>
        tpu.vector_store_idx %scatter3A_399[%and3A_390, %add3A_397], %gather3A_395 : memref<16x128xf32, #tpu.memory_space<vmem>>[vector<16xi32>, vector<16xi32>], vector<16xf32>,
        %scan3A_400 = arith.constant 1 : i32
        %scan3A_401 = arith.addi %scan3A_126, %scan3A_400 : i32
        %jit3A_402 = arith.constant 4 : i32
        %div3A_403 = arith.divsi %scan3A_401, %jit3A_402 : i32
        %sign3A_404 = arith.constant 0 : i32
        %sign3A_405 = arith.cmpi sgt, %scan3A_401, %sign3A_404 : i32
        %sign3A_406 = arith.extui %sign3A_405 : i1 to i32
        %sign3A_407 = arith.constant 0 : i32
        %sign3A_408 = arith.cmpi slt, %scan3A_401, %sign3A_407 : i32
        %sign3A_409 = arith.extui %sign3A_408 : i1 to i32
        %sign3A_410 = arith.subi %sign3A_406, %sign3A_409 : i32
        %sign3A_411 = arith.constant 0 : i32
        %sign3A_412 = arith.cmpi sgt, %jit3A_402, %sign3A_411 : i32
        %sign3A_413 = arith.extui %sign3A_412 : i1 to i32
        %sign3A_414 = arith.constant 0 : i32
        %sign3A_415 = arith.cmpi slt, %jit3A_402, %sign3A_414 : i32
        %sign3A_416 = arith.extui %sign3A_415 : i1 to i32
        %sign3A_417 = arith.subi %sign3A_413, %sign3A_416 : i32
        %ne3A_418 = arith.cmpi ne, %sign3A_410, %sign3A_417 : i32
        %rem3A_419 = arith.remsi %scan3A_401, %jit3A_402 : i32
        %ne3A_420 = arith.constant 0 : i32
        %ne3A_421 = arith.cmpi ne, %rem3A_419, %ne3A_420 : i32
        %and3A_422 = arith.andi %ne3A_418, %ne3A_421 : i1
        %sub3A_423 = arith.constant 1 : i32
        %sub3A_424 = arith.subi %div3A_403, %sub3A_423 : i32
        %select_n3A_425 = arith.select %and3A_422, %sub3A_424, %div3A_403 : i32
        %mul3A_426 = arith.constant 16 : i32
        %mul3A_427 = arith.muli %select_n3A_425, %mul3A_426 : i32
        %jit3A_428 = arith.constant 4 : i32
        %eq3A_429 = arith.constant 0 : i32
        %eq3A_430 = arith.cmpi eq, %jit3A_428, %eq3A_429 : i32
        %jit3A_431 = arith.constant 1 : i32
        %select_n3A_432 = arith.select %eq3A_430, %jit3A_431, %jit3A_428 : i32
        %rem3A_433 = arith.remsi %scan3A_401, %select_n3A_432 : i32
        %ne3A_434 = arith.constant 0 : i32
        %ne3A_435 = arith.cmpi ne, %rem3A_433, %ne3A_434 : i32
        %lt3A_436 = arith.constant 0 : i32
        %lt3A_437 = arith.cmpi slt, %rem3A_433, %lt3A_436 : i32
        %lt3A_438 = arith.constant 0 : i32
        %lt3A_439 = arith.cmpi slt, %select_n3A_432, %lt3A_438 : i32
        %ne3A_440 = arith.xori %lt3A_437, %lt3A_439 : i1
        %and3A_441 = arith.andi %ne3A_440, %ne3A_435 : i1
        %add3A_442 = arith.addi %rem3A_433, %select_n3A_432 : i32
        %select_n3A_443 = arith.select %and3A_441, %add3A_442, %rem3A_433 : i32
        %mul3A_444 = arith.constant 16 : i32
        %mul3A_445 = arith.muli %select_n3A_443, %mul3A_444 : i32
        %add3A_446 = arith.constant 0 : i32
        %add3A_447 = vector.broadcast %add3A_446 : i32 to vector<16xi32>
        %add3A_448 = arith.addi %iota3A, %add3A_447 : vector<16xi32>
        %and3A_449 = arith.constant 15 : i32
        %and3A_450 = vector.broadcast %and3A_449 : i32 to vector<16xi32>
        %and3A_451 = arith.andi %add3A_448, %and3A_450 : vector<16xi32>
        %add3A_452 = vector.broadcast %mul3A_445 : i32 to vector<16xi32>
        %add3A_453 = arith.addi %and3A_451, %add3A_452 : vector<16xi32>
        %gather3A_454 = arith.constant 0 : i32
        %gather3A_455 = tpu.memref_slice %arg10[%mul3A_427, %gather3A_454] : memref<128x128xf32, #tpu.memory_space<vmem>> -> memref<16x128xf32, #tpu.memory_space<vmem>>
        %gather3A_456 = tpu.vector_load_idx %gather3A_455[%iota3A, %add3A_453] : memref<16x128xf32, #tpu.memory_space<vmem>>[vector<16xi32>, vector<16xi32>], vector<16xf32>,
        %add3A_457 = vector.broadcast %mul3A_427 : i32 to vector<16xi32>
        %add3A_458 = arith.addi %iota3A, %add3A_457 : vector<16xi32>
        %scatter3A_459 = arith.constant 0 : i32
        %scatter3A_460 = tpu.memref_slice %arg12[%mul3A_445, %scatter3A_459] : memref<64x128xf32, #tpu.memory_space<vmem>> -> memref<16x128xf32, #tpu.memory_space<vmem>>
        tpu.vector_store_idx %scatter3A_460[%and3A_451, %add3A_458], %gather3A_456 : memref<16x128xf32, #tpu.memory_space<vmem>>[vector<16xi32>, vector<16xi32>], vector<16xf32>,
        %add3A_461 = arith.constant 1 : i32
        %add3A_462 = vector.broadcast %add3A_461 : i32 to vector<16xi32>
        %add3A_463 = arith.addi %iota3A, %add3A_462 : vector<16xi32>
        %and3A_464 = arith.constant 15 : i32
        %and3A_465 = vector.broadcast %and3A_464 : i32 to vector<16xi32>
        %and3A_466 = arith.andi %add3A_463, %and3A_465 : vector<16xi32>
        %add3A_467 = vector.broadcast %mul3A_445 : i32 to vector<16xi32>
        %add3A_468 = arith.addi %and3A_466, %add3A_467 : vector<16xi32>
        %gather3A_469 = arith.constant 0 : i32
        %gather3A_470 = tpu.memref_slice %arg10[%mul3A_427, %gather3A_469] : memref<128x128xf32, #tpu.memory_space<vmem>> -> memref<16x128xf32, #tpu.memory_space<vmem>>
        %gather3A_471 = tpu.vector_load_idx %gather3A_470[%iota3A, %add3A_468] : memref<16x128xf32, #tpu.memory_space<vmem>>[vector<16xi32>, vector<16xi32>], vector<16xf32>,
        %add3A_472 = vector.broadcast %mul3A_427 : i32 to vector<16xi32>
        %add3A_473 = arith.addi %iota3A, %add3A_472 : vector<16xi32>
        %scatter3A_474 = arith.constant 0 : i32
        %scatter3A_475 = tpu.memref_slice %arg12[%mul3A_445, %scatter3A_474] : memref<64x128xf32, #tpu.memory_space<vmem>> -> memref<16x128xf32, #tpu.memory_space<vmem>>
        tpu.vector_store_idx %scatter3A_475[%and3A_466, %add3A_473], %gather3A_471 : memref<16x128xf32, #tpu.memory_space<vmem>>[vector<16xi32>, vector<16xi32>], vector<16xf32>,
        %add3A_476 = arith.constant 2 : i32
        %add3A_477 = vector.broadcast %add3A_476 : i32 to vector<16xi32>
        %add3A_478 = arith.addi %iota3A, %add3A_477 : vector<16xi32>
        %and3A_479 = arith.constant 15 : i32
        %and3A_480 = vector.broadcast %and3A_479 : i32 to vector<16xi32>
        %and3A_481 = arith.andi %add3A_478, %and3A_480 : vector<16xi32>
        %add3A_482 = vector.broadcast %mul3A_445 : i32 to vector<16xi32>
        %add3A_483 = arith.addi %and3A_481, %add3A_482 : vector<16xi32>
        %gather3A_484 = arith.constant 0 : i32
        %gather3A_485 = tpu.memref_slice %arg10[%mul3A_427, %gather3A_484] : memref<128x128xf32, #tpu.memory_space<vmem>> -> memref<16x128xf32, #tpu.memory_space<vmem>>
        %gather3A_486 = tpu.vector_load_idx %gather3A_485[%iota3A, %add3A_483] : memref<16x128xf32, #tpu.memory_space<vmem>>[vector<16xi32>, vector<16xi32>], vector<16xf32>,
        %add3A_487 = vector.broadcast %mul3A_427 : i32 to vector<16xi32>
        %add3A_488 = arith.addi %iota3A, %add3A_487 : vector<16xi32>
        %scatter3A_489 = arith.constant 0 : i32
        %scatter3A_490 = tpu.memref_slice %arg12[%mul3A_445, %scatter3A_489] : memref<64x128xf32, #tpu.memory_space<vmem>> -> memref<16x128xf32, #tpu.memory_space<vmem>>
        tpu.vector_store_idx %scatter3A_490[%and3A_481, %add3A_488], %gather3A_486 : memref<16x128xf32, #tpu.memory_space<vmem>>[vector<16xi32>, vector<16xi32>], vector<16xf32>,
        %add3A_491 = arith.constant 3 : i32
        %add3A_492 = vector.broadcast %add3A_491 : i32 to vector<16xi32>
        %add3A_493 = arith.addi %iota3A, %add3A_492 : vector<16xi32>
        %and3A_494 = arith.constant 15 : i32
        %and3A_495 = vector.broadcast %and3A_494 : i32 to vector<16xi32>
        %and3A_496 = arith.andi %add3A_493, %and3A_495 : vector<16xi32>
        %add3A_497 = vector.broadcast %mul3A_445 : i32 to vector<16xi32>
        %add3A_498 = arith.addi %and3A_496, %add3A_497 : vector<16xi32>
        %gather3A_499 = arith.constant 0 : i32
        %gather3A_500 = tpu.memref_slice %arg10[%mul3A_427, %gather3A_499] : memref<128x128xf32, #tpu.memory_space<vmem>> -> memref<16x128xf32, #tpu.memory_space<vmem>>
        %gather3A_501 = tpu.vector_load_idx %gather3A_500[%iota3A, %add3A_498] : memref<16x128xf32, #tpu.memory_space<vmem>>[vector<16xi32>, vector<16xi32>], vector<16xf32>,
        %add3A_502 = vector.broadcast %mul3A_427 : i32 to vector<16xi32>
        %add3A_503 = arith.addi %iota3A, %add3A_502 : vector<16xi32>
        %scatter3A_504 = arith.constant 0 : i32
        %scatter3A_505 = tpu.memref_slice %arg12[%mul3A_445, %scatter3A_504] : memref<64x128xf32, #tpu.memory_space<vmem>> -> memref<16x128xf32, #tpu.memory_space<vmem>>
        tpu.vector_store_idx %scatter3A_505[%and3A_496, %add3A_503], %gather3A_501 : memref<16x128xf32, #tpu.memory_space<vmem>>[vector<16xi32>, vector<16xi32>], vector<16xf32>,
        %add3A_506 = arith.constant 4 : i32
        %add3A_507 = vector.broadcast %add3A_506 : i32 to vector<16xi32>
        %add3A_508 = arith.addi %iota3A, %add3A_507 : vector<16xi32>
        %and3A_509 = arith.constant 15 : i32
        %and3A_510 = vector.broadcast %and3A_509 : i32 to vector<16xi32>
        %and3A_511 = arith.andi %add3A_508, %and3A_510 : vector<16xi32>
        %add3A_512 = vector.broadcast %mul3A_445 : i32 to vector<16xi32>
        %add3A_513 = arith.addi %and3A_511, %add3A_512 : vector<16xi32>
        %gather3A_514 = arith.constant 0 : i32
        %gather3A_515 = tpu.memref_slice %arg10[%mul3A_427, %gather3A_514] : memref<128x128xf32, #tpu.memory_space<vmem>> -> memref<16x128xf32, #tpu.memory_space<vmem>>
        %gather3A_516 = tpu.vector_load_idx %gather3A_515[%iota3A, %add3A_513] : memref<16x128xf32, #tpu.memory_space<vmem>>[vector<16xi32>, vector<16xi32>], vector<16xf32>,
        %add3A_517 = vector.broadcast %mul3A_427 : i32 to vector<16xi32>
        %add3A_518 = arith.addi %iota3A, %add3A_517 : vector<16xi32>
        %scatter3A_519 = arith.constant 0 : i32
        %scatter3A_520 = tpu.memref_slice %arg12[%mul3A_445, %scatter3A_519] : memref<64x128xf32, #tpu.memory_space<vmem>> -> memref<16x128xf32, #tpu.memory_space<vmem>>
        tpu.vector_store_idx %scatter3A_520[%and3A_511, %add3A_518], %gather3A_516 : memref<16x128xf32, #tpu.memory_space<vmem>>[vector<16xi32>, vector<16xi32>], vector<16xf32>,
        %add3A_521 = arith.constant 5 : i32
        %add3A_522 = vector.broadcast %add3A_521 : i32 to vector<16xi32>
        %add3A_523 = arith.addi %iota3A, %add3A_522 : vector<16xi32>
        %and3A_524 = arith.constant 15 : i32
        %and3A_525 = vector.broadcast %and3A_524 : i32 to vector<16xi32>
        %and3A_526 = arith.andi %add3A_523, %and3A_525 : vector<16xi32>
        %add3A_527 = vector.broadcast %mul3A_445 : i32 to vector<16xi32>
        %add3A_528 = arith.addi %and3A_526, %add3A_527 : vector<16xi32>
        %gather3A_529 = arith.constant 0 : i32
        %gather3A_530 = tpu.memref_slice %arg10[%mul3A_427, %gather3A_529] : memref<128x128xf32, #tpu.memory_space<vmem>> -> memref<16x128xf32, #tpu.memory_space<vmem>>
        %gather3A_531 = tpu.vector_load_idx %gather3A_530[%iota3A, %add3A_528] : memref<16x128xf32, #tpu.memory_space<vmem>>[vector<16xi32>, vector<16xi32>], vector<16xf32>,
        %add3A_532 = vector.broadcast %mul3A_427 : i32 to vector<16xi32>
        %add3A_533 = arith.addi %iota3A, %add3A_532 : vector<16xi32>
        %scatter3A_534 = arith.constant 0 : i32
        %scatter3A_535 = tpu.memref_slice %arg12[%mul3A_445, %scatter3A_534] : memref<64x128xf32, #tpu.memory_space<vmem>> -> memref<16x128xf32, #tpu.memory_space<vmem>>
        tpu.vector_store_idx %scatter3A_535[%and3A_526, %add3A_533], %gather3A_531 : memref<16x128xf32, #tpu.memory_space<vmem>>[vector<16xi32>, vector<16xi32>], vector<16xf32>,
        %add3A_536 = arith.constant 6 : i32
        %add3A_537 = vector.broadcast %add3A_536 : i32 to vector<16xi32>
        %add3A_538 = arith.addi %iota3A, %add3A_537 : vector<16xi32>
        %and3A_539 = arith.constant 15 : i32
        %and3A_540 = vector.broadcast %and3A_539 : i32 to vector<16xi32>
        %and3A_541 = arith.andi %add3A_538, %and3A_540 : vector<16xi32>
        %add3A_542 = vector.broadcast %mul3A_445 : i32 to vector<16xi32>
        %add3A_543 = arith.addi %and3A_541, %add3A_542 : vector<16xi32>
        %gather3A_544 = arith.constant 0 : i32
        %gather3A_545 = tpu.memref_slice %arg10[%mul3A_427, %gather3A_544] : memref<128x128xf32, #tpu.memory_space<vmem>> -> memref<16x128xf32, #tpu.memory_space<vmem>>
        %gather3A_546 = tpu.vector_load_idx %gather3A_545[%iota3A, %add3A_543] : memref<16x128xf32, #tpu.memory_space<vmem>>[vector<16xi32>, vector<16xi32>], vector<16xf32>,
        %add3A_547 = vector.broadcast %mul3A_427 : i32 to vector<16xi32>
        %add3A_548 = arith.addi %iota3A, %add3A_547 : vector<16xi32>
        %scatter3A_549 = arith.constant 0 : i32
        %scatter3A_550 = tpu.memref_slice %arg12[%mul3A_445, %scatter3A_549] : memref<64x128xf32, #tpu.memory_space<vmem>> -> memref<16x128xf32, #tpu.memory_space<vmem>>
        tpu.vector_store_idx %scatter3A_550[%and3A_541, %add3A_548], %gather3A_546 : memref<16x128xf32, #tpu.memory_space<vmem>>[vector<16xi32>, vector<16xi32>], vector<16xf32>,
        %add3A_551 = arith.constant 7 : i32
        %add3A_552 = vector.broadcast %add3A_551 : i32 to vector<16xi32>
        %add3A_553 = arith.addi %iota3A, %add3A_552 : vector<16xi32>
        %and3A_554 = arith.constant 15 : i32
        %and3A_555 = vector.broadcast %and3A_554 : i32 to vector<16xi32>
        %and3A_556 = arith.andi %add3A_553, %and3A_555 : vector<16xi32>
        %add3A_557 = vector.broadcast %mul3A_445 : i32 to vector<16xi32>
        %add3A_558 = arith.addi %and3A_556, %add3A_557 : vector<16xi32>
        %gather3A_559 = arith.constant 0 : i32
        %gather3A_560 = tpu.memref_slice %arg10[%mul3A_427, %gather3A_559] : memref<128x128xf32, #tpu.memory_space<vmem>> -> memref<16x128xf32, #tpu.memory_space<vmem>>
        %gather3A_561 = tpu.vector_load_idx %gather3A_560[%iota3A, %add3A_558] : memref<16x128xf32, #tpu.memory_space<vmem>>[vector<16xi32>, vector<16xi32>], vector<16xf32>,
        %add3A_562 = vector.broadcast %mul3A_427 : i32 to vector<16xi32>
        %add3A_563 = arith.addi %iota3A, %add3A_562 : vector<16xi32>
        %scatter3A_564 = arith.constant 0 : i32
        %scatter3A_565 = tpu.memref_slice %arg12[%mul3A_445, %scatter3A_564] : memref<64x128xf32, #tpu.memory_space<vmem>> -> memref<16x128xf32, #tpu.memory_space<vmem>>
        tpu.vector_store_idx %scatter3A_565[%and3A_556, %add3A_563], %gather3A_561 : memref<16x128xf32, #tpu.memory_space<vmem>>[vector<16xi32>, vector<16xi32>], vector<16xf32>,
        %add3A_566 = arith.constant 8 : i32
        %add3A_567 = vector.broadcast %add3A_566 : i32 to vector<16xi32>
        %add3A_568 = arith.addi %iota3A, %add3A_567 : vector<16xi32>
        %and3A_569 = arith.constant 15 : i32
        %and3A_570 = vector.broadcast %and3A_569 : i32 to vector<16xi32>
        %and3A_571 = arith.andi %add3A_568, %and3A_570 : vector<16xi32>
        %add3A_572 = vector.broadcast %mul3A_445 : i32 to vector<16xi32>
        %add3A_573 = arith.addi %and3A_571, %add3A_572 : vector<16xi32>
        %gather3A_574 = arith.constant 0 : i32
        %gather3A_575 = tpu.memref_slice %arg10[%mul3A_427, %gather3A_574] : memref<128x128xf32, #tpu.memory_space<vmem>> -> memref<16x128xf32, #tpu.memory_space<vmem>>
        %gather3A_576 = tpu.vector_load_idx %gather3A_575[%iota3A, %add3A_573] : memref<16x128xf32, #tpu.memory_space<vmem>>[vector<16xi32>, vector<16xi32>], vector<16xf32>,
        %add3A_577 = vector.broadcast %mul3A_427 : i32 to vector<16xi32>
        %add3A_578 = arith.addi %iota3A, %add3A_577 : vector<16xi32>
        %scatter3A_579 = arith.constant 0 : i32
        %scatter3A_580 = tpu.memref_slice %arg12[%mul3A_445, %scatter3A_579] : memref<64x128xf32, #tpu.memory_space<vmem>> -> memref<16x128xf32, #tpu.memory_space<vmem>>
        tpu.vector_store_idx %scatter3A_580[%and3A_571, %add3A_578], %gather3A_576 : memref<16x128xf32, #tpu.memory_space<vmem>>[vector<16xi32>, vector<16xi32>], vector<16xf32>,
        %add3A_581 = arith.constant 9 : i32
        %add3A_582 = vector.broadcast %add3A_581 : i32 to vector<16xi32>
        %add3A_583 = arith.addi %iota3A, %add3A_582 : vector<16xi32>
        %and3A_584 = arith.constant 15 : i32
        %and3A_585 = vector.broadcast %and3A_584 : i32 to vector<16xi32>
        %and3A_586 = arith.andi %add3A_583, %and3A_585 : vector<16xi32>
        %add3A_587 = vector.broadcast %mul3A_445 : i32 to vector<16xi32>
        %add3A_588 = arith.addi %and3A_586, %add3A_587 : vector<16xi32>
        %gather3A_589 = arith.constant 0 : i32
        %gather3A_590 = tpu.memref_slice %arg10[%mul3A_427, %gather3A_589] : memref<128x128xf32, #tpu.memory_space<vmem>> -> memref<16x128xf32, #tpu.memory_space<vmem>>
        %gather3A_591 = tpu.vector_load_idx %gather3A_590[%iota3A, %add3A_588] : memref<16x128xf32, #tpu.memory_space<vmem>>[vector<16xi32>, vector<16xi32>], vector<16xf32>,
        %add3A_592 = vector.broadcast %mul3A_427 : i32 to vector<16xi32>
        %add3A_593 = arith.addi %iota3A, %add3A_592 : vector<16xi32>
        %scatter3A_594 = arith.constant 0 : i32
        %scatter3A_595 = tpu.memref_slice %arg12[%mul3A_445, %scatter3A_594] : memref<64x128xf32, #tpu.memory_space<vmem>> -> memref<16x128xf32, #tpu.memory_space<vmem>>
        tpu.vector_store_idx %scatter3A_595[%and3A_586, %add3A_593], %gather3A_591 : memref<16x128xf32, #tpu.memory_space<vmem>>[vector<16xi32>, vector<16xi32>], vector<16xf32>,
        %add3A_596 = arith.constant 10 : i32
        %add3A_597 = vector.broadcast %add3A_596 : i32 to vector<16xi32>
        %add3A_598 = arith.addi %iota3A, %add3A_597 : vector<16xi32>
        %and3A_599 = arith.constant 15 : i32
        %and3A_600 = vector.broadcast %and3A_599 : i32 to vector<16xi32>
        %and3A_601 = arith.andi %add3A_598, %and3A_600 : vector<16xi32>
        %add3A_602 = vector.broadcast %mul3A_445 : i32 to vector<16xi32>
        %add3A_603 = arith.addi %and3A_601, %add3A_602 : vector<16xi32>
        %gather3A_604 = arith.constant 0 : i32
        %gather3A_605 = tpu.memref_slice %arg10[%mul3A_427, %gather3A_604] : memref<128x128xf32, #tpu.memory_space<vmem>> -> memref<16x128xf32, #tpu.memory_space<vmem>>
        %gather3A_606 = tpu.vector_load_idx %gather3A_605[%iota3A, %add3A_603] : memref<16x128xf32, #tpu.memory_space<vmem>>[vector<16xi32>, vector<16xi32>], vector<16xf32>,
        %add3A_607 = vector.broadcast %mul3A_427 : i32 to vector<16xi32>
        %add3A_608 = arith.addi %iota3A, %add3A_607 : vector<16xi32>
        %scatter3A_609 = arith.constant 0 : i32
        %scatter3A_610 = tpu.memref_slice %arg12[%mul3A_445, %scatter3A_609] : memref<64x128xf32, #tpu.memory_space<vmem>> -> memref<16x128xf32, #tpu.memory_space<vmem>>
        tpu.vector_store_idx %scatter3A_610[%and3A_601, %add3A_608], %gather3A_606 : memref<16x128xf32, #tpu.memory_space<vmem>>[vector<16xi32>, vector<16xi32>], vector<16xf32>,
        %add3A_611 = arith.constant 11 : i32
        %add3A_612 = vector.broadcast %add3A_611 : i32 to vector<16xi32>
        %add3A_613 = arith.addi %iota3A, %add3A_612 : vector<16xi32>
        %and3A_614 = arith.constant 15 : i32
        %and3A_615 = vector.broadcast %and3A_614 : i32 to vector<16xi32>
        %and3A_616 = arith.andi %add3A_613, %and3A_615 : vector<16xi32>
        %add3A_617 = vector.broadcast %mul3A_445 : i32 to vector<16xi32>
        %add3A_618 = arith.addi %and3A_616, %add3A_617 : vector<16xi32>
        %gather3A_619 = arith.constant 0 : i32
        %gather3A_620 = tpu.memref_slice %arg10[%mul3A_427, %gather3A_619] : memref<128x128xf32, #tpu.memory_space<vmem>> -> memref<16x128xf32, #tpu.memory_space<vmem>>
        %gather3A_621 = tpu.vector_load_idx %gather3A_620[%iota3A, %add3A_618] : memref<16x128xf32, #tpu.memory_space<vmem>>[vector<16xi32>, vector<16xi32>], vector<16xf32>,
        %add3A_622 = vector.broadcast %mul3A_427 : i32 to vector<16xi32>
        %add3A_623 = arith.addi %iota3A, %add3A_622 : vector<16xi32>
        %scatter3A_624 = arith.constant 0 : i32
        %scatter3A_625 = tpu.memref_slice %arg12[%mul3A_445, %scatter3A_624] : memref<64x128xf32, #tpu.memory_space<vmem>> -> memref<16x128xf32, #tpu.memory_space<vmem>>
        tpu.vector_store_idx %scatter3A_625[%and3A_616, %add3A_623], %gather3A_621 : memref<16x128xf32, #tpu.memory_space<vmem>>[vector<16xi32>, vector<16xi32>], vector<16xf32>,
        %add3A_626 = arith.constant 12 : i32
        %add3A_627 = vector.broadcast %add3A_626 : i32 to vector<16xi32>
        %add3A_628 = arith.addi %iota3A, %add3A_627 : vector<16xi32>
        %and3A_629 = arith.constant 15 : i32
        %and3A_630 = vector.broadcast %and3A_629 : i32 to vector<16xi32>
        %and3A_631 = arith.andi %add3A_628, %and3A_630 : vector<16xi32>
        %add3A_632 = vector.broadcast %mul3A_445 : i32 to vector<16xi32>
        %add3A_633 = arith.addi %and3A_631, %add3A_632 : vector<16xi32>
        %gather3A_634 = arith.constant 0 : i32
        %gather3A_635 = tpu.memref_slice %arg10[%mul3A_427, %gather3A_634] : memref<128x128xf32, #tpu.memory_space<vmem>> -> memref<16x128xf32, #tpu.memory_space<vmem>>
        %gather3A_636 = tpu.vector_load_idx %gather3A_635[%iota3A, %add3A_633] : memref<16x128xf32, #tpu.memory_space<vmem>>[vector<16xi32>, vector<16xi32>], vector<16xf32>,
        %add3A_637 = vector.broadcast %mul3A_427 : i32 to vector<16xi32>
        %add3A_638 = arith.addi %iota3A, %add3A_637 : vector<16xi32>
        %scatter3A_639 = arith.constant 0 : i32
        %scatter3A_640 = tpu.memref_slice %arg12[%mul3A_445, %scatter3A_639] : memref<64x128xf32, #tpu.memory_space<vmem>> -> memref<16x128xf32, #tpu.memory_space<vmem>>
        tpu.vector_store_idx %scatter3A_640[%and3A_631, %add3A_638], %gather3A_636 : memref<16x128xf32, #tpu.memory_space<vmem>>[vector<16xi32>, vector<16xi32>], vector<16xf32>,
        %add3A_641 = arith.constant 13 : i32
        %add3A_642 = vector.broadcast %add3A_641 : i32 to vector<16xi32>
        %add3A_643 = arith.addi %iota3A, %add3A_642 : vector<16xi32>
        %and3A_644 = arith.constant 15 : i32
        %and3A_645 = vector.broadcast %and3A_644 : i32 to vector<16xi32>
        %and3A_646 = arith.andi %add3A_643, %and3A_645 : vector<16xi32>
        %add3A_647 = vector.broadcast %mul3A_445 : i32 to vector<16xi32>
        %add3A_648 = arith.addi %and3A_646, %add3A_647 : vector<16xi32>
        %gather3A_649 = arith.constant 0 : i32
        %gather3A_650 = tpu.memref_slice %arg10[%mul3A_427, %gather3A_649] : memref<128x128xf32, #tpu.memory_space<vmem>> -> memref<16x128xf32, #tpu.memory_space<vmem>>
        %gather3A_651 = tpu.vector_load_idx %gather3A_650[%iota3A, %add3A_648] : memref<16x128xf32, #tpu.memory_space<vmem>>[vector<16xi32>, vector<16xi32>], vector<16xf32>,
        %add3A_652 = vector.broadcast %mul3A_427 : i32 to vector<16xi32>
        %add3A_653 = arith.addi %iota3A, %add3A_652 : vector<16xi32>
        %scatter3A_654 = arith.constant 0 : i32
        %scatter3A_655 = tpu.memref_slice %arg12[%mul3A_445, %scatter3A_654] : memref<64x128xf32, #tpu.memory_space<vmem>> -> memref<16x128xf32, #tpu.memory_space<vmem>>
        tpu.vector_store_idx %scatter3A_655[%and3A_646, %add3A_653], %gather3A_651 : memref<16x128xf32, #tpu.memory_space<vmem>>[vector<16xi32>, vector<16xi32>], vector<16xf32>,
        %add3A_656 = arith.constant 14 : i32
        %add3A_657 = vector.broadcast %add3A_656 : i32 to vector<16xi32>
        %add3A_658 = arith.addi %iota3A, %add3A_657 : vector<16xi32>
        %and3A_659 = arith.constant 15 : i32
        %and3A_660 = vector.broadcast %and3A_659 : i32 to vector<16xi32>
        %and3A_661 = arith.andi %add3A_658, %and3A_660 : vector<16xi32>
        %add3A_662 = vector.broadcast %mul3A_445 : i32 to vector<16xi32>
        %add3A_663 = arith.addi %and3A_661, %add3A_662 : vector<16xi32>
        %gather3A_664 = arith.constant 0 : i32
        %gather3A_665 = tpu.memref_slice %arg10[%mul3A_427, %gather3A_664] : memref<128x128xf32, #tpu.memory_space<vmem>> -> memref<16x128xf32, #tpu.memory_space<vmem>>
        %gather3A_666 = tpu.vector_load_idx %gather3A_665[%iota3A, %add3A_663] : memref<16x128xf32, #tpu.memory_space<vmem>>[vector<16xi32>, vector<16xi32>], vector<16xf32>,
        %add3A_667 = vector.broadcast %mul3A_427 : i32 to vector<16xi32>
        %add3A_668 = arith.addi %iota3A, %add3A_667 : vector<16xi32>
        %scatter3A_669 = arith.constant 0 : i32
        %scatter3A_670 = tpu.memref_slice %arg12[%mul3A_445, %scatter3A_669] : memref<64x128xf32, #tpu.memory_space<vmem>> -> memref<16x128xf32, #tpu.memory_space<vmem>>
        tpu.vector_store_idx %scatter3A_670[%and3A_661, %add3A_668], %gather3A_666 : memref<16x128xf32, #tpu.memory_space<vmem>>[vector<16xi32>, vector<16xi32>], vector<16xf32>,
        %add3A_671 = arith.constant 15 : i32
        %add3A_672 = vector.broadcast %add3A_671 : i32 to vector<16xi32>
        %add3A_673 = arith.addi %iota3A, %add3A_672 : vector<16xi32>
        %and3A_674 = arith.constant 15 : i32
        %and3A_675 = vector.broadcast %and3A_674 : i32 to vector<16xi32>
        %and3A_676 = arith.andi %add3A_673, %and3A_675 : vector<16xi32>
        %add3A_677 = vector.broadcast %mul3A_445 : i32 to vector<16xi32>
        %add3A_678 = arith.addi %and3A_676, %add3A_677 : vector<16xi32>
        %gather3A_679 = arith.constant 0 : i32
        %gather3A_680 = tpu.memref_slice %arg10[%mul3A_427, %gather3A_679] : memref<128x128xf32, #tpu.memory_space<vmem>> -> memref<16x128xf32, #tpu.memory_space<vmem>>
        %gather3A_681 = tpu.vector_load_idx %gather3A_680[%iota3A, %add3A_678] : memref<16x128xf32, #tpu.memory_space<vmem>>[vector<16xi32>, vector<16xi32>], vector<16xf32>,
        %add3A_682 = vector.broadcast %mul3A_427 : i32 to vector<16xi32>
        %add3A_683 = arith.addi %iota3A, %add3A_682 : vector<16xi32>
        %scatter3A_684 = arith.constant 0 : i32
        %scatter3A_685 = tpu.memref_slice %arg12[%mul3A_445, %scatter3A_684] : memref<64x128xf32, #tpu.memory_space<vmem>> -> memref<16x128xf32, #tpu.memory_space<vmem>>
        tpu.vector_store_idx %scatter3A_685[%and3A_676, %add3A_683], %gather3A_681 : memref<16x128xf32, #tpu.memory_space<vmem>>[vector<16xi32>, vector<16xi32>], vector<16xf32>,
      }
      %scan3A_118 = arith.constant 32 : i32
      %dma_start3A_119 = arith.constant 1 : i32
      %dma_start3A_120 = arith.constant 0 : i32
      %dma_start3A_121 = tpu.memref_slice %arg6[%dma_start3A_119, %add3A_72, %dma_start3A_120, %multiple_of3A] : memref<2x50x64x4096xf32, #tpu.memory_space<hbm>> -> memref<1x1x64x128xf32, #tpu.memory_space<hbm>>
      %dma_start3A_122 = tpu.memref_squeeze %dma_start3A_121 : memref<1x1x64x128xf32, #tpu.memory_space<hbm>> -> memref<64x128xf32, #tpu.memory_space<hbm>>
      %dma_start3A_123 = arith.constant 0 : i32
      %dma_start3A_124 = tpu.memref_slice %arg6[%dma_start3A_119, %add3A_72, %dma_start3A_123, %multiple_of3A] : memref<2x50x64x4096xf32, #tpu.memory_space<hbm>> -> memref<1x1x64x128xf32, #tpu.memory_space<hbm>>
      %dma_start3A_125 = tpu.memref_squeeze %dma_start3A_124 : memref<1x1x64x128xf32, #tpu.memory_space<hbm>> -> memref<64x128xf32, #tpu.memory_space<hbm>>
      tpu.enqueue_dma source(%arg12 : memref<64x128xf32, #tpu.memory_space<vmem>>) target(%dma_start3A_125 : memref<64x128xf32, #tpu.memory_space<hbm>>) target_semaphore(%arg16 : memref<!tpu.dma_semaphore, #tpu.memory_space<semaphore_mem>>)
    }
    %scan3A_49 = arith.constant 25 : i32
    %dma_wait3A_50 = arith.constant 1 : i32
    %dma_wait3A_51 = arith.constant 0 : i32
    %dma_wait3A_52 = arith.constant 0 : i32
    %dma_wait3A_53 = tpu.memref_slice %arg6[%dma_wait3A_50, %dma_wait3A_51, %dma_wait3A_52, %multiple_of3A] : memref<2x50x64x4096xf32, #tpu.memory_space<hbm>> -> memref<1x1x64x128xf32, #tpu.memory_space<hbm>>
    %dma_wait3A_54 = tpu.memref_squeeze %dma_wait3A_53 : memref<1x1x64x128xf32, #tpu.memory_space<hbm>> -> memref<64x128xf32, #tpu.memory_space<hbm>>
    %dma_wait3A_55 = arith.constant 0 : i32
    %dma_wait3A_56 = tpu.memref_slice %arg6[%dma_wait3A_50, %dma_wait3A_51, %dma_wait3A_55, %multiple_of3A] : memref<2x50x64x4096xf32, #tpu.memory_space<hbm>> -> memref<1x1x64x128xf32, #tpu.memory_space<hbm>>
    %dma_wait3A_57 = tpu.memref_squeeze %dma_wait3A_56 : memref<1x1x64x128xf32, #tpu.memory_space<hbm>> -> memref<64x128xf32, #tpu.memory_space<hbm>>
    tpu.wait_dma2 semaphore(%arg15 : memref<!tpu.dma_semaphore, #tpu.memory_space<semaphore_mem>>) src(%arg11 : memref<64x128xf32, #tpu.memory_space<vmem>>) dst(%dma_wait3A_57 : memref<64x128xf32, #tpu.memory_space<hbm>>)
    %dma_wait3A_58 = arith.constant 1 : i32
    %dma_wait3A_59 = arith.constant 1 : i32
    %dma_wait3A_60 = arith.constant 0 : i32
    %dma_wait3A_61 = tpu.memref_slice %arg6[%dma_wait3A_58, %dma_wait3A_59, %dma_wait3A_60, %multiple_of3A] : memref<2x50x64x4096xf32, #tpu.memory_space<hbm>> -> memref<1x1x64x128xf32, #tpu.memory_space<hbm>>
    %dma_wait3A_62 = tpu.memref_squeeze %dma_wait3A_61 : memref<1x1x64x128xf32, #tpu.memory_space<hbm>> -> memref<64x128xf32, #tpu.memory_space<hbm>>
    %dma_wait3A_63 = arith.constant 0 : i32
    %dma_wait3A_64 = tpu.memref_slice %arg6[%dma_wait3A_58, %dma_wait3A_59, %dma_wait3A_63, %multiple_of3A] : memref<2x50x64x4096xf32, #tpu.memory_space<hbm>> -> memref<1x1x64x128xf32, #tpu.memory_space<hbm>>
    %dma_wait3A_65 = tpu.memref_squeeze %dma_wait3A_64 : memref<1x1x64x128xf32, #tpu.memory_space<hbm>> -> memref<64x128xf32, #tpu.memory_space<hbm>>
    tpu.wait_dma2 semaphore(%arg16 : memref<!tpu.dma_semaphore, #tpu.memory_space<semaphore_mem>>) src(%arg12 : memref<64x128xf32, #tpu.memory_space<vmem>>) dst(%dma_wait3A_65 : memref<64x128xf32, #tpu.memory_space<hbm>>)
    return
  }
}

</mosaic_0001>

<sc_bundles>
// kernel: _embed.3.cloned.1.call-start
scs
__scs_entry_jumppad:
0x0: {  	(pc) =	sbr.rel $0x88, $3  }
0x1: {  	(tag) =	ssettag $0x0;
	lr =	simm.s32 $0x1  }
0x2: {  	[smem:$0x3F9D] =	sst lr;
	_ =	strace $0xD0000000  }
0x3: {  	_ = 	snop  }
0x4: {  	_ = 	snop  }
0x5: {  	_ = 	snop  }
0x6: {  	_ = 	snop  }
0x7: {  	_ = 	snop  }
__scs_overlays_trampoline_lowered:
0x8: {  	[smem:$0x3FAC] =	sst s0  }
0x9: {  	[smem:$0x3FAD] =	sst s1  }
0xa: {  	[smem:$0x3FAE] =	sst s2  }
0xb: {  	[smem:$0x3FAF] =	sst s3  }
0xc: {  	[smem:$0x3FB0] =	sst s4  }
0xd: {  	[smem:$0x3FB1] =	sst s5  }
0xe: {  	[smem:$0x3FB2] =	sst s6  }
0xf: {  	[smem:$0x3FB3] =	sst s7  }
0x10: {  	[smem:$0x3FB4] =	sst s8  }
0x11: {  	[smem:$0x3FB5] =	sst s9;
	s0 =	simm.s32 @!p0 $0x0  }
0x12: {  	s1 =	sld [smem:$0x3F9B];
	s0 =	simm.s32 @p0 $0x1  }
0x13: {  	[smem:$0x3FB6] =	sst s0;
	s0 =	simm.s32 @!p1 $0x0  }
0x14: {  	s2 =	sld [smem:$0x3F9A];
	s0 =	simm.s32 @p1 $0x1  }
0x15: {  	[smem:$0x3FB7] =	sst s0;
	s0 =	simm.s32 @!p2 $0x0  }
0x16: {  	s3 =	sld [smem:$0x3FDB];
	s0 =	simm.s32 @p2 $0x1  }
0x17: {  	s4 =	simm.s32 $0x1BF5;
	[smem:$0x3FB9] =	sst s0  }
0x18: {  	s0 =	sld [smem:$0x3F9C];
	_ =	swait.ge [sflag:s4], $0x0  }
0x19: {  	s7 =	sld [smem:$0x3F9D]  }
0x1a: {  	s8 =	sadd.s32 $0xFFFFE003, lr  }
0x1b: {  	s9 =	sadd.s32 $0xFFFFFEF7, lr;
	s5 =	simm.s32 $0xFFFFFFFF;
	p2 =	slt.u32 s8, $0xFFFFF086  }
0x1c: {  	p1 =	slt.u32 s9, $0xF7A;
	s5 =	simm.s32 @!p2 $0x0  }
0x1d: {  	s5 =	simm.s32 @p1 $0x1;
	p0 =	seq.s32 s7, s2  }
0x1e: {  	s7 =	smul.u32 @!p0 $0xF7A, s2;
	p2 =	seq.s32 @!p0 s5, $0x0  }
0x1f: {  	s9 =	smul.u32 $0xF7A, s1;
	s8 =	simm.s32 @!p0 $0x1BF5;
	p2 =	por !p2, p0  }
0x20: {  	[sflag:s8] =	ssyncset.s32 @!p0 $0xFFFFF086;
	s6 =	sadd.s32 @!p0 s3, s7;
	s7 =	simm.s32 @!p0 $0x108  }
0x21: {  	s3 =	sadd.s32 s3, s9;
	s6 =	sadd.s32 @!p0 $0x88, s6;
	s7 =	simm.s32 @p2 $0x1082  }
0x22: {  	[simem:s7], [sflag:s8] =	dma.local @!p0 [hbm:s6], $0xF7A  }
0x23: {  	s9 =	sor.u32 $0xD0000000, s2;
	s6 =	simm.s32 $0x108;
	_ =	swait.ge @!p0 [sflag:s8], $0x0  }
0x24: {  	s3 =	sadd.s32 $0x88, s3;
	s6 =	simm.s32 @!p1 $0x1082;
	[sflag:s4] =	ssyncset.s32 $0xFFFFF086  }
0x25: {  	[simem:s6], [sflag:s4] =	dma.local [hbm:s3], $0xF7A  }
0x26: {  	[smem:$0x3F9D] =	sst s1;
	(tag) =	ssettag s2;
	_ =	strace s9  }
0x27: {  	s1 =	sld [smem:$0x3FAD]  }
0x28: {  	s2 =	sld [smem:$0x3FAE]  }
0x29: {  	s4 =	sld [smem:$0x3FB0]  }
0x2a: {  	p0 =	seq.s32 s5, $0x0;
	s5 =	sld [smem:$0x3FB1]  }
0x2b: {  	s6 =	sld [smem:$0x3FB2]  }
0x2c: {  	s7 =	sld [smem:$0x3FB3]  }
0x2d: {  	s3 =	simm.s32 $0x108;
	s8 =	sld [smem:$0x3FB4]  }
0x2e: {  	s3 =	simm.s32 @!p0 $0x1082;
	s9 =	sld [smem:$0x3FB5]  }
0x2f: {  	lr =	sadd.s32 s0, s3;
	s0 =	sld [smem:$0x3FAC]  }
0x30: {  	s3 =	sld [smem:$0x3FAF]  }
0x31: {  	[smem:$0x3FB8] =	sst s10  }
0x32: {  	s10 =	sld [smem:$0x3FB6];
	_ =	sdelay $0x3  }
0x33: {  	p0 =	seq.s32 s10, $0x1;
	s10 =	sld [smem:$0x3FB8];
	_ =	sdelay $0x3  }
0x34: {  	[smem:$0x3FB8] =	sst s10  }
0x35: {  	s10 =	sld [smem:$0x3FB7];
	_ =	sdelay $0x3  }
0x36: {  	p1 =	seq.s32 s10, $0x1;
	s10 =	sld [smem:$0x3FB8];
	_ =	sdelay $0x3  }
0x37: {  	[smem:$0x3FB8] =	sst s10  }
0x38: {  	s10 =	sld [smem:$0x3FB9]  }
0x39: {  	_ = 	snop;
	(pc) =	sbr.ind lr, $3  }
0x3a: {  	_ = 	snop  }
0x3b: {  	_ = 	snop  }
0x3c: {  	p2 =	seq.s32 s10, $0x1;
	s10 =	sld [smem:$0x3FB8]  }
0x3d: {  	_ =	shalt  }
0x3e: {  	_ =	shalt  }
0x3f: {  	_ =	shalt  }
0x40: {  	_ =	shalt  }
0x41: {  	_ =	shalt  }
0x42: {  	_ =	shalt  }
0x43: {  	_ =	shalt  }
0x44: {  	_ =	shalt  }
0x45: {  	_ =	shalt  }
0x46: {  	_ =	shalt  }
0x47: {  	_ =	shalt  }
0x48: {  	_ =	shalt  }
0x49: {  	_ =	shalt  }
0x4a: {  	_ =	shalt  }
0x4b: {  	_ =	shalt  }
0x4c: {  	_ =	shalt  }
0x4d: {  	_ =	shalt  }
0x4e: {  	_ =	shalt  }
0x4f: {  	_ =	shalt  }
0x50: {  	_ =	shalt  }
0x51: {  	_ =	shalt  }
0x52: {  	_ =	shalt  }
0x53: {  	_ =	shalt  }
0x54: {  	_ =	shalt  }
0x55: {  	_ =	shalt  }
0x56: {  	_ =	shalt  }
0x57: {  	_ =	shalt  }
0x58: {  	_ =	shalt  }
0x59: {  	_ =	shalt  }
0x5a: {  	_ =	shalt  }
0x5b: {  	_ =	shalt  }
0x5c: {  	_ =	shalt  }
0x5d: {  	_ =	shalt  }
0x5e: {  	_ =	shalt  }
0x5f: {  	_ =	shalt  }
0x60: {  	_ =	shalt  }
0x61: {  	_ =	shalt  }
0x62: {  	_ =	shalt  }
0x63: {  	_ =	shalt  }
0x64: {  	_ =	shalt  }
0x65: {  	_ =	shalt  }
0x66: {  	_ =	shalt  }
0x67: {  	_ =	shalt  }
0x68: {  	_ =	shalt  }
0x69: {  	_ =	shalt  }
0x6a: {  	_ =	shalt  }
0x6b: {  	_ =	shalt  }
0x6c: {  	_ =	shalt  }
0x6d: {  	_ =	shalt  }
0x6e: {  	_ =	shalt  }
0x6f: {  	_ =	shalt  }
0x70: {  	_ =	shalt  }
0x71: {  	_ =	shalt  }
0x72: {  	_ =	shalt  }
0x73: {  	_ =	shalt  }
0x74: {  	_ =	shalt  }
0x75: {  	_ =	shalt  }
0x76: {  	_ =	shalt  }
0x77: {  	_ =	shalt  }
0x78: {  	_ =	shalt  }
0x79: {  	_ =	shalt  }
0x7a: {  	_ =	shalt  }
0x7b: {  	_ =	shalt  }
0x7c: {  	_ =	shalt  }
0x7d: {  	_ =	shalt  }
0x7e: {  	_ =	shalt  }
0x7f: {  	_ =	shalt  }
0x80: {  	_ =	shalt  }
0x81: {  	_ =	shalt  }
0x82: {  	_ =	shalt  }
0x83: {  	_ =	shalt  }
0x84: {  	_ =	shalt  }
0x85: {  	_ =	shalt  }
0x86: {  	_ =	shalt  }
0x87: {  	_ =	shalt  }
.Lfunc_end0:
.L_simem_size_0:
called_computation_lowered:
.L_overlay_start_0:
0x88: {  	s2 =	sld [smem:$0x3FD9]  }
0x89: {  	s3 =	sld [smem:$0x3FFE];
	_ =	sdelay $0x1  }
0x8a: {  	s1 =	srdreg.scid  }
0x8b: {  	s0 =	sand.u32 $0x1, s1  }
0x8c: {  	s17 =	sshll.u32 s0, $0xA;
	s2 =	sadd.s32 s3, s2  }
0x8d: {  	s2 =	sadd.s32 s2, s17  }
0x8e: {  	[smem:$0x3FC4] =	sst s2  }
0x8f: {  	_ = 	snop  }
0x90: {  	s2 =	sld [smem:$0x3FC7]  }
0x91: {  	s18 =	sld [smem:$0x3FC6]  }
0x92: {  	s4 =	sld [smem:$0x3FD0];
	(tm) =	ssettm $0x1  }
0x93: {  	s5 =	sld [smem:$0x3FFB];
	_ =	sdelay $0x3  }
0x94: {  	_ =	strace s5  }
0x95: {  	s5 =	sld [smem:$0x3FFC];
	_ =	sdelay $0x3  }
0x96: {  	_ =	strace s5  }
0x97: {  	s5 =	sld [smem:$0x3FFD];
	_ =	sdelay $0x3  }
0x98: {  	_ =	strace s5  }
0x99: {  	_ =	strace $0x8FFFFFFF  }
0x9a: {  	s19 =	sld [smem:$0x3FDB];
	_ =	sdelay $0x1  }
0x9b: {  	s6 =	simm.s32 $_scs_section_size  }
0x9c: {  	s7 =	simm.s32 $_size__tile_overlayer_lowered;
	s8 =	simm.s32 $_tile_overlayer_lowered  }
0x9d: {  	s22 =	simm.s32 $0x1BFF;
	s21 =	sshll.u32 s8, $0x1;
	s5 =	sadd.s32 s6, s19  }
0x9e: {  	s9 =	simm.s32 $0x0;
	s20 =	sshll.u32 s7, $0x1;
	s7 =	sadd.s32 s21, s5  }
0x9f: {  	[timem:s9], [sflag:s22] =	dma.local [hbm:s7], s20  }
0xa0: {  	_ =	swait.ge [sflag:s22], s20  }
0xa1: {  	s6 =	ssub.s32 $0x0, s20;
	[sflag:s22] =	ssyncset.done $0x0  }
0xa2: {  	[sflag:s22] =	ssyncadd.s32 s6;
	_ =	sdelay $0x1  }
0xa3: {  	s23 =	simm.s32 $0x1B8B  }
0xa4: {  	_ =	swait.ge [sflag:s23], $0x1  }
0xa5: {  	[sflag:s23] =	ssyncset.done $0x0  }
0xa6: {  	s25 =	simm.s32 $0x1B8E;
	s24 =	sld [smem:$0x3FFE];
	[sflag:s23] =	ssyncadd.s32 $0xFFFFFFFF  }
0xa7: {  	s26 =	simm.s32 $execute0_lowered;
	[smem:$0x3FD2] =	sst s25  }
0xa8: {  	s7 =	sshll.u32 s26, $0x1;
	_ =	strace $0x80000046;
	[dreg:$0x1] =	wrdreg $0xFFFFFFFF  }
0xa9: {  	s28 =	simm.s32 $_size_execute0_lowered;
	s5 =	sadd.s32 s5, s7;
	[dreg:$0x0] =	wrdreg $0x0  }
0xaa: {  	s7 =	sshll.u32 s28, $0x1;
	[dreg:$0x2] =	wrdreg s5  }
0xab: {  	[dreg:$0x3] =	wrdreg s7  }
0xac: {  	[dreg:$0x4] =	wrdreg $0xC0  }
0xad: {  	_ =	task [dreg:s9], $0x5FFFF  }
0xae: {  	[dreg:$0x1] =	wrdreg $0xFFFFFFFF  }
0xaf: {  	[dreg:$0x0] =	wrdreg $0x60  }
0xb0: {  	[dreg:$0x2] =	wrdreg s24  }
0xb1: {  	[dreg:$0x3] =	wrdreg s2  }
0xb2: {  	[dreg:$0x4] =	wrdreg s18  }
0xb3: {  	[dreg:$0x5] =	wrdreg s4  }
0xb4: {  	[dreg:$0x6] =	wrdreg $0x9  }
0xb5: {  	_ =	task.clear_ibuf [dreg:s9], $0x7FFFF;
	_ =	strace $0x90000046  }
0xb6: {  	s29 =	simm.s32 $0x9;
	_ =	strace $0x80000048  }
0xb7: {  	_ =	swait.ge [sflag:s29], $0x1  }
0xb8: {  	[sflag:s29] =	ssyncadd.s32 $0xFFFFFFFF  }
0xb9: {  	_ =	strace $0x90000048  }
0xba: {  	_ =	sfence  }
0xbb: {  	s30 =	sld [smem:$0x0];
	_ =	sdelay $0x2  }
0xbc: {  	s31 =	sshll.u32 s1, $0xD;
	s1 =	sshrl.u32 s1, $0x2  }
0xbd: {  	s3 =	sand.u32 $0x4000, s31;
	s1 =	sadd.s32 s1, s30  }
0xbe: {  	s0 =	sor.u32 s3, s0;
	s1 =	sshll.u32 s1, $0x11  }
0xbf: {  	s0 =	sor.u32 s1, s0  }
0xc0: {  	s0 =	sadd.s32 $0x8F2B, s0  }
0xc1: {  	[sflag:s0] =	ssyncadd.remote.s32 $0x1  }
0xc2: {  	_ =	sfence.sel $0xFFFF  }
0xc3: {  	[dreg:$0x0] =	wrdreg $0xFFFFFFFF;
	(pc) =	sbr.abs _section_cstart, $3  }
0xc4: {  	[dreg:$0x1] =	wrdreg $0xFFFFFFFF  }
0xc5: {  	_ =	task.clear_ibuf [dreg:s9], $0x2FFFF;
	_ =	strace $0x9FFFFFFF  }
0xc6: {  	(tm) =	ssettm $0x7FFFFFFF  }
0xc7: {  	_ =	shalt  }
tec
execute0_lowered:
.L_overlay_start_1:
0x0: {  	(tag) =	ssettag $0x1  }
0x1: {  	v8 =	vlaneseq.u32  }
0x2: {  	vm13 =	vcmask $0x300;
	v2 =	vimm.s32 $0x780;
	vm14 =	vcmask $0x704  }
0x3: {  	vm12 =	vcmask $0xB08;
	vm11 =	vcmask $0xF0C;
	vm10 =	vcmask $0x1310  }
0x4: {  	vm9 =	vcmask $0x1714;
	vm5 =	vcmask $0x1B18;
	vm0 =	vcmask $0x1F1C  }
0x5: {  	v10 =	vimm.s32 $0xF;
	v11 =	vimm.s32 $0x781;
	vm1 =	vcmask $0x2320  }
0x6: {  	vm2 =	vcmask $0x2724;
	vm3 =	vcmask $0x2B28;
	vm4 =	vcmask $0x2F2C  }
0x7: {  	vm6 =	vcmask $0x3330;
	vm7 =	vcmask $0x3734;
	vm8 =	vcmask $0x3B38  }
0x8: {  	v12 =	vimm.s32 $0x8F;
	v13 =	vimm.s32 $0x782;
	v14 =	vimm.s32 $0x10F  }
0x9: {  	v15 =	vimm.s32 $0x783;
	v16 =	vimm.s32 $0x18F;
	v17 =	vimm.s32 $0x784  }
0xa: {  	v18 =	vimm.s32 $0x20F;
	v19 =	vimm.s32 $0x785;
	v20 =	vimm.s32 $0x28F  }
0xb: {  	v21 =	vimm.s32 $0x786;
	v22 =	vimm.s32 $0x30F;
	v23 =	vimm.s32 $0x787  }
0xc: {  	v24 =	vimm.s32 $0x38F;
	v25 =	vimm.s32 $0x788;
	v26 =	vimm.s32 $0x40F  }
0xd: {  	v27 =	vimm.s32 $0x789;
	v28 =	vimm.s32 $0x48F;
	v29 =	vimm.s32 $0x78A  }
0xe: {  	v30 =	vimm.s32 $0x50F;
	v31 =	vimm.s32 $0x78B;
	v32 =	vimm.s32 $0x58F  }
0xf: {  	v33 =	vimm.s32 $0x78C;
	v34 =	vimm.s32 $0x60F;
	v35 =	vimm.s32 $0x78D  }
0x10: {  	v36 =	vimm.s32 $0x68F;
	v37 =	vimm.s32 $0x78E;
	v38 =	vimm.s32 $0x70F  }
0x11: {  	v0 =	vmul.u32 $0x80, v8;
	v3 =	vsel vm13, $0x1, v2;
	v8 =	vmul.u32 $0x81, v8  }
0x12: {  	v10 =	vsel vm13, $0x80, v10;
	v11 =	vsel vm13, $0x2, v11;
	v12 =	vsel vm13, $0x100, v12  }
0x13: {  	v13 =	vsel vm13, $0x3, v13;
	v14 =	vsel vm13, $0x180, v14;
	v15 =	vsel vm13, $0x4, v15  }
0x14: {  	v16 =	vsel vm13, $0x200, v16;
	v17 =	vsel vm13, $0x5, v17;
	v18 =	vsel vm13, $0x280, v18  }
0x15: {  	v19 =	vsel vm13, $0x6, v19;
	v20 =	vsel vm13, $0x300, v20;
	v21 =	vsel vm13, $0x7, v21  }
0x16: {  	v22 =	vsel vm13, $0x380, v22;
	v23 =	vsel vm13, $0x8, v23;
	v24 =	vsel vm13, $0x400, v24  }
0x17: {  	v25 =	vsel vm13, $0x9, v25;
	v26 =	vsel vm13, $0x480, v26;
	v27 =	vsel vm13, $0xA, v27  }
0x18: {  	v28 =	vsel vm13, $0x500, v28;
	v29 =	vsel vm13, $0xB, v29;
	v30 =	vsel vm13, $0x580, v30  }
0x19: {  	v31 =	vsel vm13, $0xC, v31;
	v32 =	vsel vm13, $0x600, v32;
	v33 =	vsel vm13, $0xD, v33  }
0x1a: {  	v34 =	vsel vm13, $0x680, v34;
	v35 =	vsel vm13, $0xE, v35;
	v36 =	vsel vm13, $0x700, v36  }
0x1b: {  	v37 =	vsel vm13, $0xF, v37;
	v38 =	vsel vm13, $0x780, v38;
	v4 =	vsel vm14, $0x82, v3  }
0x1c: {  	v10 =	vsel vm14, $0x101, v10;
	v11 =	vsel vm14, $0x83, v11;
	v12 =	vsel vm14, $0x181, v12  }
0x1d: {  	v13 =	vsel vm14, $0x84, v13;
	v14 =	vsel vm14, $0x201, v14;
	v15 =	vsel vm14, $0x85, v15  }
0x1e: {  	v16 =	vsel vm14, $0x281, v16;
	v17 =	vsel vm14, $0x86, v17;
	v18 =	vsel vm14, $0x301, v18  }
0x1f: {  	v19 =	vsel vm14, $0x87, v19;
	v20 =	vsel vm14, $0x381, v20;
	v21 =	vsel vm14, $0x88, v21  }
0x20: {  	v22 =	vsel vm14, $0x401, v22;
	v23 =	vsel vm14, $0x89, v23;
	v24 =	vsel vm14, $0x481, v24  }
0x21: {  	v25 =	vsel vm14, $0x8A, v25;
	v26 =	vsel vm14, $0x501, v26;
	v27 =	vsel vm14, $0x8B, v27  }
0x22: {  	v28 =	vsel vm14, $0x581, v28;
	v29 =	vsel vm14, $0x8C, v29;
	v30 =	vsel vm14, $0x601, v30  }
0x23: {  	v31 =	vsel vm14, $0x8D, v31;
	v32 =	vsel vm14, $0x681, v32;
	v33 =	vsel vm14, $0x8E, v33  }
0x24: {  	v34 =	vsel vm14, $0x701, v34;
	v35 =	vsel vm14, $0x8F, v35;
	v36 =	vsel vm14, $0x781, v36  }
0x25: {  	v37 =	vsel vm14, $0x80, v37;
	v38 =	vsel vm14, $0x1, v38;
	v1 =	vor.u32 $0x800, v0  }
0x26: {  	v2 =	vor.u32 $0x1000, v0;
	v3 =	vor.u32 $0x1800, v0;
	v5 =	vsel vm12, $0x103, v4  }
0x27: {  	v4 =	vor.u32 $0x2000, v0;
	v10 =	vsel vm12, $0x182, v10;
	v11 =	vsel vm12, $0x104, v11  }
0x28: {  	v12 =	vsel vm12, $0x202, v12;
	v13 =	vsel vm12, $0x105, v13;
	v14 =	vsel vm12, $0x282, v14  }
0x29: {  	v15 =	vsel vm12, $0x106, v15;
	v16 =	vsel vm12, $0x302, v16;
	v17 =	vsel vm12, $0x107, v17  }
0x2a: {  	v18 =	vsel vm12, $0x382, v18;
	v19 =	vsel vm12, $0x108, v19;
	v20 =	vsel vm12, $0x402, v20  }
0x2b: {  	v21 =	vsel vm12, $0x109, v21;
	v22 =	vsel vm12, $0x482, v22;
	v23 =	vsel vm12, $0x10A, v23  }
0x2c: {  	v24 =	vsel vm12, $0x502, v24;
	v25 =	vsel vm12, $0x10B, v25;
	v26 =	vsel vm12, $0x582, v26  }
0x2d: {  	v27 =	vsel vm12, $0x10C, v27;
	v28 =	vsel vm12, $0x602, v28;
	v29 =	vsel vm12, $0x10D, v29  }
0x2e: {  	v30 =	vsel vm12, $0x682, v30;
	v31 =	vsel vm12, $0x10E, v31;
	v32 =	vsel vm12, $0x702, v32  }
0x2f: {  	v33 =	vsel vm12, $0x10F, v33;
	v34 =	vsel vm12, $0x782, v34;
	v35 =	vsel vm12, $0x100, v35  }
0x30: {  	v36 =	vsel vm12, $0x2, v36;
	v37 =	vsel vm12, $0x101, v37;
	v38 =	vsel vm12, $0x82, v38  }
0x31: {  	v6 =	vsel vm11, $0x184, v5;
	v5 =	vor.u32 $0x2800, v0;
	v10 =	vsel vm11, $0x203, v10  }
0x32: {  	v11 =	vsel vm11, $0x185, v11;
	v12 =	vsel vm11, $0x283, v12;
	v13 =	vsel vm11, $0x186, v13  }
0x33: {  	v14 =	vsel vm11, $0x303, v14;
	v15 =	vsel vm11, $0x187, v15;
	v16 =	vsel vm11, $0x383, v16  }
0x34: {  	v17 =	vsel vm11, $0x188, v17;
	v18 =	vsel vm11, $0x403, v18;
	v19 =	vsel vm11, $0x189, v19  }
0x35: {  	v20 =	vsel vm11, $0x483, v20;
	v21 =	vsel vm11, $0x18A, v21;
	v22 =	vsel vm11, $0x503, v22  }
0x36: {  	v23 =	vsel vm11, $0x18B, v23;
	v24 =	vsel vm11, $0x583, v24;
	v25 =	vsel vm11, $0x18C, v25  }
0x37: {  	v26 =	vsel vm11, $0x603, v26;
	v27 =	vsel vm11, $0x18D, v27;
	v28 =	vsel vm11, $0x683, v28  }
0x38: {  	v29 =	vsel vm11, $0x18E, v29;
	v30 =	vsel vm11, $0x703, v30;
	v31 =	vsel vm11, $0x18F, v31  }
0x39: {  	v32 =	vsel vm11, $0x783, v32;
	v33 =	vsel vm11, $0x180, v33;
	v34 =	vsel vm11, $0x3, v34  }
0x3a: {  	v35 =	vsel vm11, $0x181, v35;
	v36 =	vsel vm11, $0x83, v36;
	v37 =	vsel vm11, $0x182, v37  }
0x3b: {  	v38 =	vsel vm11, $0x103, v38;
	v7 =	vsel vm10, $0x205, v6;
	v6 =	vor.u32 $0x3000, v0  }
0x3c: {  	v10 =	vsel vm10, $0x284, v10;
	v11 =	vsel vm10, $0x206, v11;
	v12 =	vsel vm10, $0x304, v12  }
0x3d: {  	v13 =	vsel vm10, $0x207, v13;
	v14 =	vsel vm10, $0x384, v14;
	v15 =	vsel vm10, $0x208, v15  }
0x3e: {  	v16 =	vsel vm10, $0x404, v16;
	v17 =	vsel vm10, $0x209, v17;
	v18 =	vsel vm10, $0x484, v18  }
0x3f: {  	v19 =	vsel vm10, $0x20A, v19;
	v20 =	vsel vm10, $0x504, v20;
	v21 =	vsel vm10, $0x20B, v21  }
0x40: {  	v22 =	vsel vm10, $0x584, v22;
	v23 =	vsel vm10, $0x20C, v23;
	v24 =	vsel vm10, $0x604, v24  }
0x41: {  	v25 =	vsel vm10, $0x20D, v25;
	v26 =	vsel vm10, $0x684, v26;
	v27 =	vsel vm10, $0x20E, v27  }
0x42: {  	v28 =	vsel vm10, $0x704, v28;
	v29 =	vsel vm10, $0x20F, v29;
	v30 =	vsel vm10, $0x784, v30  }
0x43: {  	v31 =	vsel vm10, $0x200, v31;
	v32 =	vsel vm10, $0x4, v32;
	v33 =	vsel vm10, $0x201, v33  }
0x44: {  	v34 =	vsel vm10, $0x84, v34;
	v35 =	vsel vm10, $0x202, v35;
	v36 =	vsel vm10, $0x104, v36  }
0x45: {  	v37 =	vsel vm10, $0x203, v37;
	v38 =	vsel vm10, $0x184, v38;
	v9 =	vsel vm9, $0x286, v7  }
0x46: {  	v7 =	vor.u32 $0x3800, v0;
	v10 =	vsel vm9, $0x305, v10;
	v11 =	vsel vm9, $0x287, v11  }
0x47: {  	v12 =	vsel vm9, $0x385, v12;
	v13 =	vsel vm9, $0x288, v13;
	v14 =	vsel vm9, $0x405, v14  }
0x48: {  	v15 =	vsel vm9, $0x289, v15;
	v16 =	vsel vm9, $0x485, v16;
	v17 =	vsel vm9, $0x28A, v17  }
0x49: {  	v18 =	vsel vm9, $0x505, v18;
	v19 =	vsel vm9, $0x28B, v19;
	v20 =	vsel vm9, $0x585, v20  }
0x4a: {  	v21 =	vsel vm9, $0x28C, v21;
	v22 =	vsel vm9, $0x605, v22;
	v23 =	vsel vm9, $0x28D, v23  }
0x4b: {  	v24 =	vsel vm9, $0x685, v24;
	v25 =	vsel vm9, $0x28E, v25;
	v26 =	vsel vm9, $0x705, v26  }
0x4c: {  	v27 =	vsel vm9, $0x28F, v27;
	v28 =	vsel vm9, $0x785, v28;
	v29 =	vsel vm9, $0x280, v29  }
0x4d: {  	v30 =	vsel vm9, $0x5, v30;
	v31 =	vsel vm9, $0x281, v31;
	v32 =	vsel vm9, $0x85, v32  }
0x4e: {  	v33 =	vsel vm9, $0x282, v33;
	v34 =	vsel vm9, $0x105, v34;
	v35 =	vsel vm9, $0x283, v35  }
0x4f: {  	v36 =	vsel vm9, $0x185, v36;
	v37 =	vsel vm9, $0x284, v37;
	v38 =	vsel vm9, $0x205, v38  }
0x50: {  	v9 =	vsel vm5, $0x307, v9;
	v10 =	vsel vm5, $0x386, v10;
	v11 =	vsel vm5, $0x308, v11  }
0x51: {  	v12 =	vsel vm5, $0x406, v12;
	v13 =	vsel vm5, $0x309, v13;
	v14 =	vsel vm5, $0x486, v14  }
0x52: {  	v15 =	vsel vm5, $0x30A, v15;
	v16 =	vsel vm5, $0x506, v16;
	v17 =	vsel vm5, $0x30B, v17  }
0x53: {  	v18 =	vsel vm5, $0x586, v18;
	v19 =	vsel vm5, $0x30C, v19;
	v20 =	vsel vm5, $0x606, v20  }
0x54: {  	v21 =	vsel vm5, $0x30D, v21;
	v22 =	vsel vm5, $0x686, v22;
	v23 =	vsel vm5, $0x30E, v23  }
0x55: {  	v24 =	vsel vm5, $0x706, v24;
	v25 =	vsel vm5, $0x30F, v25;
	v26 =	vsel vm5, $0x786, v26  }
0x56: {  	v27 =	vsel vm5, $0x300, v27;
	v28 =	vsel vm5, $0x6, v28;
	v29 =	vsel vm5, $0x301, v29  }
0x57: {  	v30 =	vsel vm5, $0x86, v30;
	v31 =	vsel vm5, $0x302, v31;
	v32 =	vsel vm5, $0x106, v32  }
0x58: {  	v33 =	vsel vm5, $0x303, v33;
	v34 =	vsel vm5, $0x186, v34;
	v35 =	vsel vm5, $0x304, v35  }
0x59: {  	v36 =	vsel vm5, $0x206, v36;
	v37 =	vsel vm5, $0x305, v37;
	v38 =	vsel vm5, $0x286, v38  }
0x5a: {  	v9 =	vsel vm0, $0x388, v9;
	v10 =	vsel vm0, $0x407, v10;
	v11 =	vsel vm0, $0x389, v11  }
0x5b: {  	v12 =	vsel vm0, $0x487, v12;
	v13 =	vsel vm0, $0x38A, v13;
	v14 =	vsel vm0, $0x507, v14  }
0x5c: {  	v15 =	vsel vm0, $0x38B, v15;
	v16 =	vsel vm0, $0x587, v16;
	v17 =	vsel vm0, $0x38C, v17  }
0x5d: {  	v18 =	vsel vm0, $0x607, v18;
	v19 =	vsel vm0, $0x38D, v19;
	v20 =	vsel vm0, $0x687, v20  }
0x5e: {  	v21 =	vsel vm0, $0x38E, v21;
	v22 =	vsel vm0, $0x707, v22;
	v23 =	vsel vm0, $0x38F, v23  }
0x5f: {  	v24 =	vsel vm0, $0x787, v24;
	v25 =	vsel vm0, $0x380, v25;
	v26 =	vsel vm0, $0x7, v26  }
0x60: {  	v27 =	vsel vm0, $0x381, v27;
	v28 =	vsel vm0, $0x87, v28;
	v29 =	vsel vm0, $0x382, v29  }
0x61: {  	v30 =	vsel vm0, $0x107, v30;
	v31 =	vsel vm0, $0x383, v31;
	v32 =	vsel vm0, $0x187, v32  }
0x62: {  	v33 =	vsel vm0, $0x384, v33;
	v34 =	vsel vm0, $0x207, v34;
	v35 =	vsel vm0, $0x385, v35  }
0x63: {  	v36 =	vsel vm0, $0x287, v36;
	v37 =	vsel vm0, $0x386, v37;
	v38 =	vsel vm0, $0x307, v38  }
0x64: {  	v9 =	vsel vm1, $0x409, v9;
	v10 =	vsel vm1, $0x488, v10;
	v11 =	vsel vm1, $0x40A, v11  }
0x65: {  	v12 =	vsel vm1, $0x508, v12;
	v13 =	vsel vm1, $0x40B, v13;
	v14 =	vsel vm1, $0x588, v14  }
0x66: {  	v15 =	vsel vm1, $0x40C, v15;
	v16 =	vsel vm1, $0x608, v16;
	v17 =	vsel vm1, $0x40D, v17  }
0x67: {  	v18 =	vsel vm1, $0x688, v18;
	v19 =	vsel vm1, $0x40E, v19;
	v20 =	vsel vm1, $0x708, v20  }
0x68: {  	v21 =	vsel vm1, $0x40F, v21;
	v22 =	vsel vm1, $0x788, v22;
	v23 =	vsel vm1, $0x400, v23  }
0x69: {  	v24 =	vsel vm1, $0x8, v24;
	v25 =	vsel vm1, $0x401, v25;
	v26 =	vsel vm1, $0x88, v26  }
0x6a: {  	v27 =	vsel vm1, $0x402, v27;
	v28 =	vsel vm1, $0x108, v28;
	v29 =	vsel vm1, $0x403, v29  }
0x6b: {  	v30 =	vsel vm1, $0x188, v30;
	v31 =	vsel vm1, $0x404, v31;
	v32 =	vsel vm1, $0x208, v32  }
0x6c: {  	v33 =	vsel vm1, $0x405, v33;
	v34 =	vsel vm1, $0x288, v34;
	v35 =	vsel vm1, $0x406, v35  }
0x6d: {  	v36 =	vsel vm1, $0x308, v36;
	v37 =	vsel vm1, $0x407, v37;
	v38 =	vsel vm1, $0x388, v38  }
0x6e: {  	v9 =	vsel vm2, $0x48A, v9;
	v10 =	vsel vm2, $0x509, v10;
	v11 =	vsel vm2, $0x48B, v11  }
0x6f: {  	v12 =	vsel vm2, $0x589, v12;
	v13 =	vsel vm2, $0x48C, v13;
	v14 =	vsel vm2, $0x609, v14  }
0x70: {  	v15 =	vsel vm2, $0x48D, v15;
	v16 =	vsel vm2, $0x689, v16;
	v17 =	vsel vm2, $0x48E, v17  }
0x71: {  	v18 =	vsel vm2, $0x709, v18;
	v19 =	vsel vm2, $0x48F, v19;
	v20 =	vsel vm2, $0x789, v20  }
0x72: {  	v21 =	vsel vm2, $0x480, v21;
	v22 =	vsel vm2, $0x9, v22;
	v23 =	vsel vm2, $0x481, v23  }
0x73: {  	v24 =	vsel vm2, $0x89, v24;
	v25 =	vsel vm2, $0x482, v25;
	v26 =	vsel vm2, $0x109, v26  }
0x74: {  	v27 =	vsel vm2, $0x483, v27;
	v28 =	vsel vm2, $0x189, v28;
	v29 =	vsel vm2, $0x484, v29  }
0x75: {  	v30 =	vsel vm2, $0x209, v30;
	v31 =	vsel vm2, $0x485, v31;
	v32 =	vsel vm2, $0x289, v32  }
0x76: {  	v33 =	vsel vm2, $0x486, v33;
	v34 =	vsel vm2, $0x309, v34;
	v35 =	vsel vm2, $0x487, v35  }
0x77: {  	v36 =	vsel vm2, $0x389, v36;
	v37 =	vsel vm2, $0x488, v37;
	v38 =	vsel vm2, $0x409, v38  }
0x78: {  	v9 =	vsel vm3, $0x50B, v9;
	v10 =	vsel vm3, $0x58A, v10;
	v11 =	vsel vm3, $0x50C, v11  }
0x79: {  	v12 =	vsel vm3, $0x60A, v12;
	v13 =	vsel vm3, $0x50D, v13;
	v14 =	vsel vm3, $0x68A, v14  }
0x7a: {  	v15 =	vsel vm3, $0x50E, v15;
	v16 =	vsel vm3, $0x70A, v16;
	v17 =	vsel vm3, $0x50F, v17  }
0x7b: {  	v18 =	vsel vm3, $0x78A, v18;
	v19 =	vsel vm3, $0x500, v19;
	v20 =	vsel vm3, $0xA, v20  }
0x7c: {  	v21 =	vsel vm3, $0x501, v21;
	v22 =	vsel vm3, $0x8A, v22;
	v23 =	vsel vm3, $0x502, v23  }
0x7d: {  	v24 =	vsel vm3, $0x10A, v24;
	v25 =	vsel vm3, $0x503, v25;
	v26 =	vsel vm3, $0x18A, v26  }
0x7e: {  	v27 =	vsel vm3, $0x504, v27;
	v28 =	vsel vm3, $0x20A, v28;
	v29 =	vsel vm3, $0x505, v29  }
0x7f: {  	v30 =	vsel vm3, $0x28A, v30;
	v31 =	vsel vm3, $0x506, v31;
	v32 =	vsel vm3, $0x30A, v32  }
0x80: {  	v33 =	vsel vm3, $0x507, v33;
	v34 =	vsel vm3, $0x38A, v34;
	v35 =	vsel vm3, $0x508, v35  }
0x81: {  	v36 =	vsel vm3, $0x40A, v36;
	v37 =	vsel vm3, $0x509, v37;
	v38 =	vsel vm3, $0x48A, v38  }
0x82: {  	v9 =	vsel vm4, $0x58C, v9;
	v10 =	vsel vm4, $0x60B, v10;
	v11 =	vsel vm4, $0x58D, v11  }
0x83: {  	v12 =	vsel vm4, $0x68B, v12;
	v13 =	vsel vm4, $0x58E, v13;
	v14 =	vsel vm4, $0x70B, v14  }
0x84: {  	v15 =	vsel vm4, $0x58F, v15;
	v16 =	vsel vm4, $0x78B, v16;
	v17 =	vsel vm4, $0x580, v17  }
0x85: {  	v18 =	vsel vm4, $0xB, v18;
	v19 =	vsel vm4, $0x581, v19;
	v20 =	vsel vm4, $0x8B, v20  }
0x86: {  	v21 =	vsel vm4, $0x582, v21;
	v22 =	vsel vm4, $0x10B, v22;
	v23 =	vsel vm4, $0x583, v23  }
0x87: {  	v24 =	vsel vm4, $0x18B, v24;
	v25 =	vsel vm4, $0x584, v25;
	v26 =	vsel vm4, $0x20B, v26  }
0x88: {  	v27 =	vsel vm4, $0x585, v27;
	v28 =	vsel vm4, $0x28B, v28;
	v29 =	vsel vm4, $0x586, v29  }
0x89: {  	v30 =	vsel vm4, $0x30B, v30;
	v31 =	vsel vm4, $0x587, v31;
	v32 =	vsel vm4, $0x38B, v32  }
0x8a: {  	v33 =	vsel vm4, $0x588, v33;
	v34 =	vsel vm4, $0x40B, v34;
	v35 =	vsel vm4, $0x589, v35  }
0x8b: {  	v36 =	vsel vm4, $0x48B, v36;
	v37 =	vsel vm4, $0x58A, v37;
	v38 =	vsel vm4, $0x50B, v38  }
0x8c: {  	v9 =	vsel vm6, $0x60D, v9;
	v10 =	vsel vm6, $0x68C, v10;
	v11 =	vsel vm6, $0x60E, v11  }
0x8d: {  	v12 =	vsel vm6, $0x70C, v12;
	v13 =	vsel vm6, $0x60F, v13;
	v14 =	vsel vm6, $0x78C, v14  }
0x8e: {  	v15 =	vsel vm6, $0x600, v15;
	v16 =	vsel vm6, $0xC, v16;
	v17 =	vsel vm6, $0x601, v17  }
0x8f: {  	v18 =	vsel vm6, $0x8C, v18;
	v19 =	vsel vm6, $0x602, v19;
	v20 =	vsel vm6, $0x10C, v20  }
0x90: {  	v21 =	vsel vm6, $0x603, v21;
	v22 =	vsel vm6, $0x18C, v22;
	v23 =	vsel vm6, $0x604, v23  }
0x91: {  	v24 =	vsel vm6, $0x20C, v24;
	v25 =	vsel vm6, $0x605, v25;
	v26 =	vsel vm6, $0x28C, v26  }
0x92: {  	v27 =	vsel vm6, $0x606, v27;
	v28 =	vsel vm6, $0x30C, v28;
	v29 =	vsel vm6, $0x607, v29  }
0x93: {  	v30 =	vsel vm6, $0x38C, v30;
	v31 =	vsel vm6, $0x608, v31;
	v32 =	vsel vm6, $0x40C, v32  }
0x94: {  	v33 =	vsel vm6, $0x609, v33;
	v34 =	vsel vm6, $0x48C, v34;
	v35 =	vsel vm6, $0x60A, v35  }
0x95: {  	v36 =	vsel vm6, $0x50C, v36;
	v37 =	vsel vm6, $0x60B, v37;
	v38 =	vsel vm6, $0x58C, v38  }
0x96: {  	v9 =	vsel vm7, $0x68E, v9;
	v10 =	vsel vm7, $0x70D, v10;
	v11 =	vsel vm7, $0x68F, v11  }
0x97: {  	v12 =	vsel vm7, $0x78D, v12;
	v13 =	vsel vm7, $0x680, v13;
	v14 =	vsel vm7, $0xD, v14  }
0x98: {  	v15 =	vsel vm7, $0x681, v15;
	v16 =	vsel vm7, $0x8D, v16;
	v17 =	vsel vm7, $0x682, v17  }
0x99: {  	v18 =	vsel vm7, $0x10D, v18;
	v19 =	vsel vm7, $0x683, v19;
	v20 =	vsel vm7, $0x18D, v20  }
0x9a: {  	v21 =	vsel vm7, $0x684, v21;
	v22 =	vsel vm7, $0x20D, v22;
	v23 =	vsel vm7, $0x685, v23  }
0x9b: {  	v24 =	vsel vm7, $0x28D, v24;
	v25 =	vsel vm7, $0x686, v25;
	v26 =	vsel vm7, $0x30D, v26  }
0x9c: {  	s1 =	rddreg [dreg:$0x0];
	v27 =	vsel vm7, $0x687, v27;
	v28 =	vsel vm7, $0x38D, v28;
	v29 =	vsel vm7, $0x688, v29  }
0x9d: {  	s0 =	rddreg [dreg:$0x1];
	v30 =	vsel vm7, $0x40D, v30;
	v31 =	vsel vm7, $0x689, v31;
	v32 =	vsel vm7, $0x48D, v32  }
0x9e: {  	s3 =	srdreg.scid;
	s2 =	rddreg [dreg:$0x2];
	v33 =	vsel vm7, $0x68A, v33;
	v34 =	vsel vm7, $0x50D, v34;
	v35 =	vsel vm7, $0x68B, v35  }
0x9f: {  	s5 =	stileid.u32;
	s4 =	rddreg [dreg:$0x3];
	v36 =	vsel vm7, $0x58D, v36;
	v37 =	vsel vm7, $0x68C, v37;
	v38 =	vsel vm7, $0x60D, v38  }
0xa0: {  	s11 =	simm.s32 $0x5;
	s12 =	simm.s32 $0x80;
	s15 =	simm.s32 $0x1;
	v9 =	vsel vm8, $0x70F, v9;
	v10 =	vsel vm8, $0x78E, v10;
	v11 =	vsel vm8, $0x700, v11  }
0xa1: {  	s16 =	simm.s32 $0x9C00;
	s17 =	simm.s32 $0x400;
	s18 =	simm.s32 $0x8000;
	v12 =	vsel vm8, $0xE, v12;
	v13 =	vsel vm8, $0x701, v13;
	v14 =	vsel vm8, $0x8E, v14  }
0xa2: {  	s19 =	simm.s32 $0xDC00;
	s20 =	simm.s32 $0x2;
	s21 =	simm.s32 $0xFC00;
	v15 =	vsel vm8, $0x702, v15;
	v16 =	vsel vm8, $0x10E, v16;
	v17 =	vsel vm8, $0x703, v17  }
0xa3: {  	s22 =	simm.s32 $0x3;
	s23 =	simm.s32 $0x4;
	s24 =	simm.s32 $0x0;
	v18 =	vsel vm8, $0x18E, v18;
	v19 =	vsel vm8, $0x704, v19;
	v20 =	vsel vm8, $0x20E, v20  }
0xa4: {  	s3 =	sand.u32 $0x1, s3;
	s6 =	sshll.u32 s5, $0x8;
	s5 =	simm.s32 $0x0;
	v21 =	vsel vm8, $0x705, v21;
	v22 =	vsel vm8, $0x28E, v22;
	v23 =	vsel vm8, $0x706, v23  }
0xa5: {  	s7 =	sshll.u32 s3, $0x7;
	[smem:$0x7FF] =	sst s5;
	s3 =	ssub.s32 $0x2, s3;
	v24 =	vsel vm8, $0x30E, v24;
	v25 =	vsel vm8, $0x707, v25;
	v26 =	vsel vm8, $0x38E, v26  }
0xa6: {  	s7 =	sor.u32 s7, s6;
	_ =	strace $0x80000047;
	s31 =	sshrl.u32 s3, $0x1;
	v27 =	vsel vm8, $0x708, v27;
	v28 =	vsel vm8, $0x40E, v28;
	v29 =	vsel vm8, $0x709, v29  }
0xa7: {  	s6 =	sshll.u32 s7, $0x4;
	s3 =	ssub.s32 s3, s31;
	s9 =	sshll.u32 s7, $0x3;
	v30 =	vsel vm8, $0x48E, v30;
	v31 =	vsel vm8, $0x70A, v31;
	v32 =	vsel vm8, $0x50E, v32  }
0xa8: {  	s7 =	sadd.s32 s4, s7;
	s1 =	sadd.s32 s6, s1;
	s9 =	sor.u32 $0xC80000, s9;
	v33 =	vsel vm8, $0x70B, v33;
	v34 =	vsel vm8, $0x58E, v34;
	v35 =	vsel vm8, $0x70C, v35  }
0xa9: {  	s10 =	smax.u32 s3, $0x1;
	s6 =	sadd.s32 $0x400, s1;
	s8 =	sadd.s32 $0x10400, s1;
	v36 =	vsel vm8, $0x60E, v36;
	v37 =	vsel vm8, $0x70D, v37;
	v38 =	vsel vm8, $0x68E, v38  }
.LBB2_1:
0xaa: {  	v39 =	vmov s5  }
0xab: {  	v39 =	vand.u32 $0x7F, v39  }
0xac: {  	v39 =	vbroadcast v39, $0x0;
	_ =	sdelay $0x1  }
0xad: {  	v40 =	vor.u32 v0, v39  }
0xae: {  	[tilespmem:s5], [sflag:$0x5] =	stream.linear.gather [hbm4b:s6+s5], $0x4000, $0x38;
	[tilespmem:$0x11C00] =	vst v63  }
0xaf: {  	_ =	swait.ge [sflag:s11], $0x4000  }
0xb0: {  	[sflag:s11] =	ssyncset.done $0x0  }
0xb1: {  	[sflag:s11] =	ssyncadd.s32 $0xFFFFC000  }
0xb2: {  	v40 =	vld.idx.msk [tilespmem:v40+s5+$0x0], $0xffff  }
0xb3: {  	v41 =	vor.u32 v1, v39;
	_ =	sdelay $0x2  }
0xb4: {  	s1 =	simm.s32 $0x4040  }
0xb5: {  	[tilespmem:s1+$0xFFFFFFC0] =	vst v40  }
0xb6: {  	v40 =	vld.idx.msk [tilespmem:v41+s5+$0x0], $0xffff  }
0xb7: {  	v59 =	vor.u32 v2, v39;
	_ =	sdelay $0x3  }
0xb8: {  	[tilespmem:s1+$0xFFFFFFD0] =	vst v40  }
0xb9: {  	v40 =	vld.idx.msk [tilespmem:v59+s5+$0x0], $0xffff  }
0xba: {  	v60 =	vor.u32 v3, v39;
	_ =	sdelay $0x3  }
0xbb: {  	[tilespmem:s1+$0xFFFFFFE0] =	vst v40  }
0xbc: {  	v40 =	vld.idx.msk [tilespmem:v60+s5+$0x0], $0xffff  }
0xbd: {  	v61 =	vor.u32 v4, v39;
	_ =	sdelay $0x3  }
0xbe: {  	[tilespmem:s1+$0xFFFFFFF0] =	vst v40  }
0xbf: {  	v40 =	vld.idx.msk [tilespmem:v61+s5+$0x0], $0xffff  }
0xc0: {  	v62 =	vor.u32 v5, v39;
	_ =	sdelay $0x3  }
0xc1: {  	[tilespmem:s1+$0x0] =	vst v40  }
0xc2: {  	v40 =	vld.idx.msk [tilespmem:v62+s5+$0x0], $0xffff  }
0xc3: {  	v63 =	vor.u32 v6, v39;
	_ =	sdelay $0x3  }
0xc4: {  	[tilespmem:s1+$0x10] =	vst v40  }
0xc5: {  	v40 =	vld.idx.msk [tilespmem:v63+s5+$0x0], $0xffff  }
0xc6: {  	v39 =	vor.u32 v7, v39;
	_ =	sdelay $0x1  }
0xc7: {  	s3 =	simm.s32 $0x1  }
0xc8: {  	v41 =	vmov s3;
	s3 =	simm.s32 $0x2  }
.LBB2_2:
0xc9: {  	p0 =	sne.s32 s3, $0x31;
	v41 =	vand.u32 $0x7F, v41;
	[tilespmem:s1+$0x20] =	vst v40  }
0xca: {  	v41 =	vbroadcast v41, $0x0;
	v39 =	vld.idx.msk [tilespmem:v39+s5+$0x0], $0xffff;
	_ =	sdelay $0x1  }
0xcb: {  	v40 =	vor.u32 v0, v41;
	_ =	sdelay $0x3  }
0xcc: {  	[tilespmem:s1+$0x30] =	vst v39  }
0xcd: {  	v39 =	vld.idx.msk [tilespmem:v40+s5+$0x0], $0xffff;
	_ =	sdelay $0x1  }
0xce: {  	v40 =	vor.u32 v1, v41;
	_ =	sdelay $0x2  }
0xcf: {  	s1 =	sadd.s32 $0x80, s1  }
0xd0: {  	[tilespmem:s1+$0xFFFFFFC0] =	vst v39  }
0xd1: {  	v39 =	vld.idx.msk [tilespmem:v40+s5+$0x0], $0xffff;
	_ =	sdelay $0x1  }
0xd2: {  	v40 =	vor.u32 v2, v41;
	_ =	sdelay $0x3  }
0xd3: {  	[tilespmem:s1+$0xFFFFFFD0] =	vst v39  }
0xd4: {  	v39 =	vld.idx.msk [tilespmem:v40+s5+$0x0], $0xffff;
	_ =	sdelay $0x1  }
0xd5: {  	v40 =	vor.u32 v3, v41;
	_ =	sdelay $0x3  }
0xd6: {  	[tilespmem:s1+$0xFFFFFFE0] =	vst v39  }
0xd7: {  	v39 =	vld.idx.msk [tilespmem:v40+s5+$0x0], $0xffff;
	_ =	sdelay $0x1  }
0xd8: {  	v40 =	vor.u32 v4, v41;
	_ =	sdelay $0x3  }
0xd9: {  	[tilespmem:s1+$0xFFFFFFF0] =	vst v39  }
0xda: {  	v39 =	vld.idx.msk [tilespmem:v40+s5+$0x0], $0xffff;
	_ =	sdelay $0x1  }
0xdb: {  	v40 =	vor.u32 v5, v41;
	_ =	sdelay $0x3  }
0xdc: {  	[tilespmem:s1+$0x0] =	vst v39  }
0xdd: {  	v39 =	vld.idx.msk [tilespmem:v40+s5+$0x0], $0xffff;
	_ =	sdelay $0x1  }
0xde: {  	v40 =	vor.u32 v6, v41;
	_ =	sdelay $0x3  }
0xdf: {  	[tilespmem:s1+$0x10] =	vst v39  }
0xe0: {  	v40 =	vld.idx.msk [tilespmem:v40+s5+$0x0], $0xffff  }
.Ltmp0:
0xe1: {  	(pc) =	sbr.rel @p0 .LBB2_2-.Ltmp0, $2  }
0xe2: {  	v39 =	vor.u32 v7, v41;
	_ =	sdelay $0x2  }
0xe3: {  	v41 =	vmov s3;
	s3 =	sadd.s32 $0x1, s3  }
0xe4: {  	_ =	sdelay $0x1  }
0xe5: {  	v41 =	vand.u32 $0x7F, v41  }
0xe6: {  	[tilespmem:s1+$0x20] =	vst v40;
	v57 =	vbroadcast v41, $0x0  }
0xe7: {  	v39 =	vld.idx.msk [tilespmem:v39+s5+$0x0], $0xffff  }
0xe8: {  	v41 =	vor.u32 v0, v57;
	_ =	sdelay $0x3  }
0xe9: {  	[tilespmem:s1+$0x30] =	vst v39  }
0xea: {  	v39 =	vld.idx.msk [tilespmem:v41+s5+$0x0], $0xffff  }
0xeb: {  	v58 =	vor.u32 v1, v57;
	_ =	sdelay $0x2  }
0xec: {  	s30 =	sadd.s32 $0x80, s1  }
0xed: {  	[tilespmem:s30+$0xFFFFFFC0] =	vst v39  }
0xee: {  	v39 =	vld.idx.msk [tilespmem:v58+s5+$0x0], $0xffff  }
0xef: {  	v59 =	vor.u32 v2, v57;
	_ =	sdelay $0x3  }
0xf0: {  	[tilespmem:s30+$0xFFFFFFD0] =	vst v39  }
0xf1: {  	v39 =	vld.idx.msk [tilespmem:v59+s5+$0x0], $0xffff  }
0xf2: {  	v60 =	vor.u32 v3, v57;
	_ =	sdelay $0x3  }
0xf3: {  	[tilespmem:s30+$0xFFFFFFE0] =	vst v39  }
0xf4: {  	v39 =	vld.idx.msk [tilespmem:v60+s5+$0x0], $0xffff  }
0xf5: {  	v61 =	vor.u32 v4, v57;
	_ =	sdelay $0x3  }
0xf6: {  	[tilespmem:s30+$0xFFFFFFF0] =	vst v39  }
0xf7: {  	v39 =	vld.idx.msk [tilespmem:v61+s5+$0x0], $0xffff  }
0xf8: {  	v62 =	vor.u32 v5, v57;
	_ =	sdelay $0x3  }
0xf9: {  	[tilespmem:s30+$0x0] =	vst v39  }
0xfa: {  	v39 =	vld.idx.msk [tilespmem:v62+s5+$0x0], $0xffff  }
0xfb: {  	v63 =	vor.u32 v6, v57;
	_ =	sdelay $0x3  }
0xfc: {  	[tilespmem:s30+$0x10] =	vst v39  }
0xfd: {  	v39 =	vld.idx.msk [tilespmem:v63+s5+$0x0], $0xffff  }
0xfe: {  	v40 =	vor.u32 v7, v57;
	_ =	sdelay $0x3  }
0xff: {  	[tilespmem:s30+$0x20] =	vst v39  }
0x100: {  	v39 =	vld.idx.msk [tilespmem:v40+s5+$0x0], $0xffff;
	_ =	sdelay $0x3  }
0x101: {  	s31 =	simm.s32 $0x4000  }
0x102: {  	s3 =	simm.s32 $0x5C00;
	s25 =	simm.s32 $0x0;
	s26 =	simm.s32 $0x0;
	[tilespmem:s30+$0x30] =	vst v39  }
0x103: {  	[tilespmem:s3], [sflag:$0x1] =	stream.indirect.gather [hbm4b:s0+s12], $0x80, s31, s12, $0xb8;
	[tilespmem:$0x11C00] =	vst v63  }
.LBB2_4:
0x104: {  	s28 =	sshllo.u32 s26, $0x1  }
0x105: {  	_ =	swait.ge [sflag:s15], $0x4000;
	s1 =	sshll.u32 s28, $0x7  }
0x106: {  	s3 =	sand.u32 $0x20, s25;
	[sflag:s15] =	ssyncset.done $0x0;
	s1 =	sand.u32 $0x3FFFFF80, s1  }
0x107: {  	p0 =	seq.s32 s26, $0x0;
	[sflag:s15] =	ssyncadd.s32 $0xFFFFC000;
	s1 =	sadd.s32 $0x4000, s1  }
0x108: {  	v39 =	vor.u32 s3, v8;
	[tilespmem:s16], [sflag:$0x2] =	stream.indirect.gather [hbm4b:s0+s12], $0x80, s1, s12, $0xb8;
	[tilespmem:$0x11C00] =	vst v63  }
0x109: {  	s1 =	simm.s32 @!p0 $0x3  }
0x10a: {  	_ =	swait.ge @!p0 [sflag:s1], $0x2000  }
0x10b: {  	s13 =	simm.s32 $0x0;
	s29 =	simm.s32 $0x0;
	[sflag:s1] =	ssyncset.done @!p0 $0x0  }
0x10c: {  	s14 =	sand.u32 $0xFFFFFFF0, s29;
	[sflag:s1] =	ssyncadd.s32 @!p0 $0xFFFFE000;
	s1 =	sand.u32 $0x3FFFF800, s13  }
0x10d: {  	v40 =	vor.u32 s14, v8;
	v39 =	vld.idx.msk [tilespmem:v39+s1+$0x5C00], $0xffff  }
0x10e: {  	v41 =	vor.u32 s3, v9;
	_ =	sdelay $0x2  }
0x10f: {  	s29 =	sshll.u32 s3, $0x7  }
0x110: {  	[tilespmem:v40+s29+$0xDC00] =	vst.idx.msk $0xffff, v39  }
0x111: {  	v61 =	vor.u32 s14, v10;
	v39 =	vld.idx.msk [tilespmem:v41+s1+$0x5C00], $0xffff  }
0x112: {  	v42 =	vor.u32 s3, v11;
	_ =	sdelay $0x3  }
0x113: {  	[tilespmem:v61+s29+$0xDC00] =	vst.idx.msk $0xffff, v39  }
0x114: {  	v62 =	vor.u32 s14, v12;
	v39 =	vld.idx.msk [tilespmem:v42+s1+$0x5C00], $0xffff  }
0x115: {  	v43 =	vor.u32 s3, v13;
	_ =	sdelay $0x3  }
0x116: {  	[tilespmem:v62+s29+$0xDC00] =	vst.idx.msk $0xffff, v39  }
0x117: {  	v39 =	vld.idx.msk [tilespmem:v43+s1+$0x5C00], $0xffff;
	v43 =	vor.u32 s14, v14  }
0x118: {  	v44 =	vor.u32 s3, v15;
	_ =	sdelay $0x3  }
0x119: {  	[tilespmem:v43+s29+$0xDC00] =	vst.idx.msk $0xffff, v39  }
0x11a: {  	v39 =	vld.idx.msk [tilespmem:v44+s1+$0x5C00], $0xffff;
	v44 =	vor.u32 s14, v16  }
0x11b: {  	v45 =	vor.u32 s3, v17;
	_ =	sdelay $0x3  }
0x11c: {  	[tilespmem:v44+s29+$0xDC00] =	vst.idx.msk $0xffff, v39  }
0x11d: {  	v39 =	vld.idx.msk [tilespmem:v45+s1+$0x5C00], $0xffff;
	v45 =	vor.u32 s14, v18  }
0x11e: {  	v46 =	vor.u32 s3, v19;
	_ =	sdelay $0x3  }
0x11f: {  	[tilespmem:v45+s29+$0xDC00] =	vst.idx.msk $0xffff, v39  }
0x120: {  	v39 =	vld.idx.msk [tilespmem:v46+s1+$0x5C00], $0xffff;
	v46 =	vor.u32 s14, v20  }
0x121: {  	v47 =	vor.u32 s3, v21;
	_ =	sdelay $0x3  }
0x122: {  	[tilespmem:v46+s29+$0xDC00] =	vst.idx.msk $0xffff, v39  }
0x123: {  	v39 =	vld.idx.msk [tilespmem:v47+s1+$0x5C00], $0xffff;
	v47 =	vor.u32 s14, v22  }
0x124: {  	v48 =	vor.u32 s3, v23;
	_ =	sdelay $0x3  }
0x125: {  	[tilespmem:v47+s29+$0xDC00] =	vst.idx.msk $0xffff, v39  }
0x126: {  	v39 =	vld.idx.msk [tilespmem:v48+s1+$0x5C00], $0xffff;
	v48 =	vor.u32 s14, v24  }
0x127: {  	v49 =	vor.u32 s3, v25;
	_ =	sdelay $0x3  }
0x128: {  	[tilespmem:v48+s29+$0xDC00] =	vst.idx.msk $0xffff, v39  }
0x129: {  	v39 =	vld.idx.msk [tilespmem:v49+s1+$0x5C00], $0xffff;
	v49 =	vor.u32 s14, v26  }
0x12a: {  	v50 =	vor.u32 s3, v27;
	_ =	sdelay $0x3  }
0x12b: {  	[tilespmem:v49+s29+$0xDC00] =	vst.idx.msk $0xffff, v39  }
0x12c: {  	v39 =	vld.idx.msk [tilespmem:v50+s1+$0x5C00], $0xffff;
	v50 =	vor.u32 s14, v28  }
0x12d: {  	v51 =	vor.u32 s3, v29;
	_ =	sdelay $0x3  }
0x12e: {  	[tilespmem:v50+s29+$0xDC00] =	vst.idx.msk $0xffff, v39  }
0x12f: {  	v39 =	vld.idx.msk [tilespmem:v51+s1+$0x5C00], $0xffff;
	v51 =	vor.u32 s14, v30  }
0x130: {  	v52 =	vor.u32 s3, v31;
	_ =	sdelay $0x3  }
0x131: {  	[tilespmem:v51+s29+$0xDC00] =	vst.idx.msk $0xffff, v39  }
0x132: {  	v39 =	vld.idx.msk [tilespmem:v52+s1+$0x5C00], $0xffff;
	v52 =	vor.u32 s14, v32  }
0x133: {  	v53 =	vor.u32 s3, v33;
	_ =	sdelay $0x3  }
0x134: {  	[tilespmem:v52+s29+$0xDC00] =	vst.idx.msk $0xffff, v39  }
0x135: {  	v39 =	vld.idx.msk [tilespmem:v53+s1+$0x5C00], $0xffff;
	v53 =	vor.u32 s14, v34  }
0x136: {  	v54 =	vor.u32 s3, v35;
	_ =	sdelay $0x3  }
0x137: {  	[tilespmem:v53+s29+$0xDC00] =	vst.idx.msk $0xffff, v39  }
0x138: {  	v39 =	vld.idx.msk [tilespmem:v54+s1+$0x5C00], $0xffff;
	v54 =	vor.u32 s14, v36  }
0x139: {  	v55 =	vor.u32 s3, v37;
	_ =	sdelay $0x3  }
0x13a: {  	[tilespmem:v54+s29+$0xDC00] =	vst.idx.msk $0xffff, v39  }
0x13b: {  	s31 =	sor.u32 $0x10, s3;
	v39 =	vor.u32 s14, v38;
	v55 =	vld.idx.msk [tilespmem:v55+s1+$0x5C00], $0xffff  }
0x13c: {  	v56 =	vor.u32 s31, v8;
	_ =	sdelay $0x3  }
0x13d: {  	[tilespmem:v39+s29+$0xDC00] =	vst.idx.msk $0xffff, v55  }
0x13e: {  	v55 =	vld.idx.msk [tilespmem:v56+s1+$0x5C00], $0xffff  }
0x13f: {  	v63 =	vor.u32 s31, v9;
	_ =	sdelay $0x2  }
0x140: {  	s3 =	sshll.u32 s31, $0x7  }
0x141: {  	[tilespmem:v40+s3+$0xDC00] =	vst.idx.msk $0xffff, v55  }
0x142: {  	v40 =	vld.idx.msk [tilespmem:v63+s1+$0x5C00], $0xffff  }
0x143: {  	v60 =	vor.u32 s31, v11;
	_ =	sdelay $0x3  }
0x144: {  	[tilespmem:v61+s3+$0xDC00] =	vst.idx.msk $0xffff, v40  }
0x145: {  	v40 =	vld.idx.msk [tilespmem:v60+s1+$0x5C00], $0xffff  }
0x146: {  	v61 =	vor.u32 s31, v13;
	_ =	sdelay $0x3  }
0x147: {  	[tilespmem:v62+s3+$0xDC00] =	vst.idx.msk $0xffff, v40  }
0x148: {  	v40 =	vld.idx.msk [tilespmem:v61+s1+$0x5C00], $0xffff  }
0x149: {  	v62 =	vor.u32 s31, v15;
	_ =	sdelay $0x3  }
0x14a: {  	[tilespmem:v43+s3+$0xDC00] =	vst.idx.msk $0xffff, v40  }
0x14b: {  	v40 =	vld.idx.msk [tilespmem:v62+s1+$0x5C00], $0xffff  }
0x14c: {  	v63 =	vor.u32 s31, v17;
	_ =	sdelay $0x3  }
0x14d: {  	[tilespmem:v44+s3+$0xDC00] =	vst.idx.msk $0xffff, v40  }
0x14e: {  	v40 =	vld.idx.msk [tilespmem:v63+s1+$0x5C00], $0xffff  }
0x14f: {  	v44 =	vor.u32 s31, v19;
	_ =	sdelay $0x3  }
0x150: {  	[tilespmem:v45+s3+$0xDC00] =	vst.idx.msk $0xffff, v40  }
0x151: {  	v40 =	vld.idx.msk [tilespmem:v44+s1+$0x5C00], $0xffff  }
0x152: {  	v55 =	vor.u32 s31, v21;
	_ =	sdelay $0x3  }
0x153: {  	[tilespmem:v46+s3+$0xDC00] =	vst.idx.msk $0xffff, v40  }
0x154: {  	v40 =	vld.idx.msk [tilespmem:v55+s1+$0x5C00], $0xffff  }
0x155: {  	v56 =	vor.u32 s31, v23;
	_ =	sdelay $0x3  }
0x156: {  	[tilespmem:v47+s3+$0xDC00] =	vst.idx.msk $0xffff, v40  }
0x157: {  	v40 =	vld.idx.msk [tilespmem:v56+s1+$0x5C00], $0xffff  }
0x158: {  	v57 =	vor.u32 s31, v25;
	_ =	sdelay $0x3  }
0x159: {  	[tilespmem:v48+s3+$0xDC00] =	vst.idx.msk $0xffff, v40  }
0x15a: {  	v40 =	vld.idx.msk [tilespmem:v57+s1+$0x5C00], $0xffff  }
0x15b: {  	v58 =	vor.u32 s31, v27;
	_ =	sdelay $0x3  }
0x15c: {  	[tilespmem:v49+s3+$0xDC00] =	vst.idx.msk $0xffff, v40  }
0x15d: {  	v40 =	vld.idx.msk [tilespmem:v58+s1+$0x5C00], $0xffff  }
0x15e: {  	v59 =	vor.u32 s31, v29;
	_ =	sdelay $0x3  }
0x15f: {  	[tilespmem:v50+s3+$0xDC00] =	vst.idx.msk $0xffff, v40  }
0x160: {  	v40 =	vld.idx.msk [tilespmem:v59+s1+$0x5C00], $0xffff  }
0x161: {  	v60 =	vor.u32 s31, v31;
	_ =	sdelay $0x3  }
0x162: {  	[tilespmem:v51+s3+$0xDC00] =	vst.idx.msk $0xffff, v40  }
0x163: {  	v40 =	vld.idx.msk [tilespmem:v60+s1+$0x5C00], $0xffff  }
0x164: {  	v61 =	vor.u32 s31, v33;
	_ =	sdelay $0x3  }
0x165: {  	[tilespmem:v52+s3+$0xDC00] =	vst.idx.msk $0xffff, v40  }
0x166: {  	v40 =	vld.idx.msk [tilespmem:v61+s1+$0x5C00], $0xffff  }
0x167: {  	v62 =	vor.u32 s31, v35;
	_ =	sdelay $0x3  }
0x168: {  	[tilespmem:v53+s3+$0xDC00] =	vst.idx.msk $0xffff, v40  }
0x169: {  	v40 =	vld.idx.msk [tilespmem:v62+s1+$0x5C00], $0xffff  }
0x16a: {  	v63 =	vor.u32 s31, v37;
	_ =	sdelay $0x3  }
0x16b: {  	[tilespmem:v54+s3+$0xDC00] =	vst.idx.msk $0xffff, v40  }
0x16c: {  	s30 =	simm.s32 $0x20;
	s29 =	simm.s32 $0x0;
	v40 =	vld.idx.msk [tilespmem:v63+s1+$0x5C00], $0xffff  }
.LBB2_5:
0x16d: {  	s1 =	sand.u32 $0x20, s30  }
0x16e: {  	v41 =	vor.u32 s1, v8;
	_ =	sdelay $0x1  }
0x16f: {  	s29 =	sadd.s32 $0x2, s29  }
0x170: {  	s13 =	sshll.u32 s29, $0x9;
	p0 =	slt.u32 s29, $0x1E  }
0x171: {  	s14 =	sshll.u32 s29, $0x2;
	s31 =	sand.u32 $0x3FFFF800, s13;
	[tilespmem:v39+s3+$0xDC00] =	vst.idx.msk $0xffff, v40  }
0x172: {  	s3 =	sand.u32 $0xFFFFFFF0, s14;
	v39 =	vld.idx.msk [tilespmem:v41+s31+$0x5C00], $0xffff  }
0x173: {  	v40 =	vor.u32 s3, v8  }
0x174: {  	v41 =	vor.u32 s1, v9;
	_ =	sdelay $0x2  }
0x175: {  	s13 =	sshll.u32 s1, $0x7  }
0x176: {  	[tilespmem:v40+s13+$0xDC00] =	vst.idx.msk $0xffff, v39  }
0x177: {  	v39 =	vld.idx.msk [tilespmem:v41+s31+$0x5C00], $0xffff  }
0x178: {  	v41 =	vor.u32 s3, v10  }
0x179: {  	v42 =	vor.u32 s1, v11;
	_ =	sdelay $0x3  }
0x17a: {  	[tilespmem:v41+s13+$0xDC00] =	vst.idx.msk $0xffff, v39  }
0x17b: {  	v39 =	vld.idx.msk [tilespmem:v42+s31+$0x5C00], $0xffff  }
0x17c: {  	v42 =	vor.u32 s3, v12  }
0x17d: {  	v43 =	vor.u32 s1, v13;
	_ =	sdelay $0x3  }
0x17e: {  	[tilespmem:v42+s13+$0xDC00] =	vst.idx.msk $0xffff, v39  }
0x17f: {  	v39 =	vld.idx.msk [tilespmem:v43+s31+$0x5C00], $0xffff  }
0x180: {  	v43 =	vor.u32 s3, v14  }
0x181: {  	v44 =	vor.u32 s1, v15;
	_ =	sdelay $0x3  }
0x182: {  	[tilespmem:v43+s13+$0xDC00] =	vst.idx.msk $0xffff, v39  }
0x183: {  	v39 =	vld.idx.msk [tilespmem:v44+s31+$0x5C00], $0xffff  }
0x184: {  	v44 =	vor.u32 s3, v16  }
0x185: {  	v45 =	vor.u32 s1, v17;
	_ =	sdelay $0x3  }
0x186: {  	[tilespmem:v44+s13+$0xDC00] =	vst.idx.msk $0xffff, v39  }
0x187: {  	v39 =	vld.idx.msk [tilespmem:v45+s31+$0x5C00], $0xffff  }
0x188: {  	v45 =	vor.u32 s3, v18  }
0x189: {  	v46 =	vor.u32 s1, v19;
	_ =	sdelay $0x3  }
0x18a: {  	[tilespmem:v45+s13+$0xDC00] =	vst.idx.msk $0xffff, v39  }
0x18b: {  	v39 =	vld.idx.msk [tilespmem:v46+s31+$0x5C00], $0xffff  }
0x18c: {  	v46 =	vor.u32 s3, v20  }
0x18d: {  	v47 =	vor.u32 s1, v21;
	_ =	sdelay $0x3  }
0x18e: {  	[tilespmem:v46+s13+$0xDC00] =	vst.idx.msk $0xffff, v39  }
0x18f: {  	v39 =	vld.idx.msk [tilespmem:v47+s31+$0x5C00], $0xffff  }
0x190: {  	v47 =	vor.u32 s3, v22  }
0x191: {  	v48 =	vor.u32 s1, v23;
	_ =	sdelay $0x3  }
0x192: {  	[tilespmem:v47+s13+$0xDC00] =	vst.idx.msk $0xffff, v39  }
0x193: {  	v39 =	vld.idx.msk [tilespmem:v48+s31+$0x5C00], $0xffff  }
0x194: {  	v48 =	vor.u32 s3, v24  }
0x195: {  	v49 =	vor.u32 s1, v25;
	_ =	sdelay $0x3  }
0x196: {  	[tilespmem:v48+s13+$0xDC00] =	vst.idx.msk $0xffff, v39  }
0x197: {  	v39 =	vld.idx.msk [tilespmem:v49+s31+$0x5C00], $0xffff  }
0x198: {  	v49 =	vor.u32 s3, v26  }
0x199: {  	v50 =	vor.u32 s1, v27;
	_ =	sdelay $0x3  }
0x19a: {  	[tilespmem:v49+s13+$0xDC00] =	vst.idx.msk $0xffff, v39  }
0x19b: {  	v39 =	vld.idx.msk [tilespmem:v50+s31+$0x5C00], $0xffff  }
0x19c: {  	v50 =	vor.u32 s3, v28  }
0x19d: {  	v51 =	vor.u32 s1, v29;
	_ =	sdelay $0x3  }
0x19e: {  	[tilespmem:v50+s13+$0xDC00] =	vst.idx.msk $0xffff, v39  }
0x19f: {  	v39 =	vld.idx.msk [tilespmem:v51+s31+$0x5C00], $0xffff  }
0x1a0: {  	v51 =	vor.u32 s3, v30  }
0x1a1: {  	v52 =	vor.u32 s1, v31;
	_ =	sdelay $0x3  }
0x1a2: {  	[tilespmem:v51+s13+$0xDC00] =	vst.idx.msk $0xffff, v39  }
0x1a3: {  	v39 =	vld.idx.msk [tilespmem:v52+s31+$0x5C00], $0xffff  }
0x1a4: {  	v52 =	vor.u32 s3, v32  }
0x1a5: {  	v53 =	vor.u32 s1, v33;
	_ =	sdelay $0x3  }
0x1a6: {  	[tilespmem:v52+s13+$0xDC00] =	vst.idx.msk $0xffff, v39  }
0x1a7: {  	v39 =	vld.idx.msk [tilespmem:v53+s31+$0x5C00], $0xffff  }
0x1a8: {  	v53 =	vor.u32 s3, v34  }
0x1a9: {  	v54 =	vor.u32 s1, v35;
	_ =	sdelay $0x3  }
0x1aa: {  	[tilespmem:v53+s13+$0xDC00] =	vst.idx.msk $0xffff, v39  }
0x1ab: {  	v39 =	vld.idx.msk [tilespmem:v54+s31+$0x5C00], $0xffff  }
0x1ac: {  	v54 =	vor.u32 s3, v36  }
0x1ad: {  	v55 =	vor.u32 s1, v37;
	_ =	sdelay $0x3  }
0x1ae: {  	[tilespmem:v54+s13+$0xDC00] =	vst.idx.msk $0xffff, v39  }
0x1af: {  	v55 =	vld.idx.msk [tilespmem:v55+s31+$0x5C00], $0xffff  }
0x1b0: {  	s1 =	sor.u32 $0x10, s1;
	v39 =	vor.u32 s3, v38  }
0x1b1: {  	v56 =	vor.u32 s1, v8;
	_ =	sdelay $0x3  }
0x1b2: {  	[tilespmem:v39+s13+$0xDC00] =	vst.idx.msk $0xffff, v55  }
0x1b3: {  	v55 =	vld.idx.msk [tilespmem:v56+s31+$0x5C00], $0xffff;
	_ =	sdelay $0x1  }
0x1b4: {  	v56 =	vor.u32 s1, v9;
	_ =	sdelay $0x2  }
0x1b5: {  	s3 =	sshll.u32 s1, $0x7  }
0x1b6: {  	[tilespmem:v40+s3+$0xDC00] =	vst.idx.msk $0xffff, v55  }
0x1b7: {  	v40 =	vld.idx.msk [tilespmem:v56+s31+$0x5C00], $0xffff;
	_ =	sdelay $0x1  }
0x1b8: {  	v55 =	vor.u32 s1, v11;
	_ =	sdelay $0x3  }
0x1b9: {  	[tilespmem:v41+s3+$0xDC00] =	vst.idx.msk $0xffff, v40  }
0x1ba: {  	v40 =	vld.idx.msk [tilespmem:v55+s31+$0x5C00], $0xffff;
	_ =	sdelay $0x1  }
0x1bb: {  	v41 =	vor.u32 s1, v13;
	_ =	sdelay $0x3  }
0x1bc: {  	[tilespmem:v42+s3+$0xDC00] =	vst.idx.msk $0xffff, v40  }
0x1bd: {  	v40 =	vld.idx.msk [tilespmem:v41+s31+$0x5C00], $0xffff;
	_ =	sdelay $0x1  }
0x1be: {  	v41 =	vor.u32 s1, v15;
	_ =	sdelay $0x3  }
0x1bf: {  	[tilespmem:v43+s3+$0xDC00] =	vst.idx.msk $0xffff, v40  }
0x1c0: {  	v40 =	vld.idx.msk [tilespmem:v41+s31+$0x5C00], $0xffff;
	_ =	sdelay $0x1  }
0x1c1: {  	v41 =	vor.u32 s1, v17;
	_ =	sdelay $0x3  }
0x1c2: {  	[tilespmem:v44+s3+$0xDC00] =	vst.idx.msk $0xffff, v40  }
0x1c3: {  	v40 =	vld.idx.msk [tilespmem:v41+s31+$0x5C00], $0xffff;
	_ =	sdelay $0x1  }
0x1c4: {  	v41 =	vor.u32 s1, v19;
	_ =	sdelay $0x3  }
0x1c5: {  	[tilespmem:v45+s3+$0xDC00] =	vst.idx.msk $0xffff, v40  }
0x1c6: {  	v40 =	vld.idx.msk [tilespmem:v41+s31+$0x5C00], $0xffff;
	_ =	sdelay $0x1  }
0x1c7: {  	v41 =	vor.u32 s1, v21;
	_ =	sdelay $0x3  }
0x1c8: {  	[tilespmem:v46+s3+$0xDC00] =	vst.idx.msk $0xffff, v40  }
0x1c9: {  	v40 =	vld.idx.msk [tilespmem:v41+s31+$0x5C00], $0xffff;
	_ =	sdelay $0x1  }
0x1ca: {  	v41 =	vor.u32 s1, v23;
	_ =	sdelay $0x3  }
0x1cb: {  	[tilespmem:v47+s3+$0xDC00] =	vst.idx.msk $0xffff, v40  }
0x1cc: {  	v40 =	vld.idx.msk [tilespmem:v41+s31+$0x5C00], $0xffff;
	_ =	sdelay $0x1  }
0x1cd: {  	v41 =	vor.u32 s1, v25;
	_ =	sdelay $0x3  }
0x1ce: {  	[tilespmem:v48+s3+$0xDC00] =	vst.idx.msk $0xffff, v40  }
0x1cf: {  	v40 =	vld.idx.msk [tilespmem:v41+s31+$0x5C00], $0xffff;
	_ =	sdelay $0x1  }
0x1d0: {  	v41 =	vor.u32 s1, v27;
	_ =	sdelay $0x3  }
0x1d1: {  	[tilespmem:v49+s3+$0xDC00] =	vst.idx.msk $0xffff, v40  }
0x1d2: {  	v40 =	vld.idx.msk [tilespmem:v41+s31+$0x5C00], $0xffff;
	_ =	sdelay $0x1  }
0x1d3: {  	v41 =	vor.u32 s1, v29;
	_ =	sdelay $0x3  }
0x1d4: {  	[tilespmem:v50+s3+$0xDC00] =	vst.idx.msk $0xffff, v40  }
0x1d5: {  	v40 =	vld.idx.msk [tilespmem:v41+s31+$0x5C00], $0xffff;
	_ =	sdelay $0x1  }
0x1d6: {  	v41 =	vor.u32 s1, v31;
	_ =	sdelay $0x3  }
0x1d7: {  	[tilespmem:v51+s3+$0xDC00] =	vst.idx.msk $0xffff, v40  }
0x1d8: {  	v40 =	vld.idx.msk [tilespmem:v41+s31+$0x5C00], $0xffff;
	_ =	sdelay $0x1  }
0x1d9: {  	v41 =	vor.u32 s1, v33;
	_ =	sdelay $0x3  }
0x1da: {  	[tilespmem:v52+s3+$0xDC00] =	vst.idx.msk $0xffff, v40  }
0x1db: {  	v40 =	vld.idx.msk [tilespmem:v41+s31+$0x5C00], $0xffff;
	_ =	sdelay $0x1  }
0x1dc: {  	v41 =	vor.u32 s1, v35;
	_ =	sdelay $0x3  }
0x1dd: {  	[tilespmem:v53+s3+$0xDC00] =	vst.idx.msk $0xffff, v40  }
0x1de: {  	v40 =	vld.idx.msk [tilespmem:v41+s31+$0x5C00], $0xffff;
	_ =	sdelay $0x1  }
0x1df: {  	v41 =	vor.u32 s1, v37  }
.Ltmp1:
0x1e0: {  	(pc) =	sbr.rel @p0 .LBB2_5-.Ltmp1, $3  }
0x1e1: {  	_ =	sdelay $0x1  }
0x1e2: {  	[tilespmem:v54+s3+$0xDC00] =	vst.idx.msk $0xffff, v40  }
0x1e3: {  	s30 =	sadd.s32 $0x20, s30;
	v40 =	vld.idx.msk [tilespmem:v41+s31+$0x5C00], $0xffff  }
0x1e4: {  	_ =	sdelay $0x2  }
0x1e5: {  	s1 =	sshll.u32 s26, $0x10;
	p0 =	seq.s32 s26, $0x18  }
0x1e6: {  	s14 =	simm.s32 $0x0;
	s1 =	sadd.s32 s1, s7;
	p1 =	seq.s32 @!p0 s26, $0x0;
	[tilespmem:v39+s3+$0xDC00] =	vst.idx.msk $0xffff, v40  }
0x1e7: {  	[hbm4b:s1+s17] =	stream.strided.scatter [tilespmem:s19], [sflag:$0x3], $0x2000, s18, s17, $0x38;
	[tilespmem:$0x11C00] =	vst v63  }
0x1e8: {  	s13 =	simm.s32 @!p0 $0x5C00;
	s1 =	sshll.u32 @!p0 s26, $0x8;
	_ =	swait.ge [sflag:s20], $0x4000  }
0x1e9: {  	s31 =	sand.u32 $0x20, s14;
	s1 =	sand.u32 @!p0 $0x3FFFFF00, s1;
	[sflag:s20] =	ssyncset.done $0x0  }
0x1ea: {  	s3 =	simm.s32 @!p0 $0x80;
	s1 =	sadd.s32 @!p0 $0x4100, s1;
	[sflag:s20] =	ssyncadd.s32 $0xFFFFC000  }
0x1eb: {  	v59 =	vor.u32 s31, v8;
	[tilespmem:s13], [sflag:$0x1] =	stream.indirect.gather @!p0 [hbm4b:s0+s3], $0x80, s1, s3, $0xb8;
	[tilespmem:$0x11C00] =	vst v63  }
0x1ec: {  	p0 =	por p0, !p1  }
0x1ed: {  	_ =	swait.ge @p0 [sflag:s23], $0x2000  }
0x1ee: {  	s14 =	simm.s32 $0x0;
	s13 =	simm.s32 $0x0;
	[sflag:s23] =	ssyncset.done @p0 $0x0  }
0x1ef: {  	s1 =	sand.u32 $0x3FFFF800, s13;
	s13 =	sand.u32 $0xFFFFFFF0, s14;
	[sflag:s23] =	ssyncadd.s32 @p0 $0xFFFFE000  }
0x1f0: {  	v60 =	vor.u32 s13, v8;
	v39 =	vld.idx.msk [tilespmem:v59+s1+$0x9C00], $0xffff  }
0x1f1: {  	v41 =	vor.u32 s31, v9;
	_ =	sdelay $0x2  }
0x1f2: {  	s14 =	sshll.u32 s31, $0x7  }
0x1f3: {  	[tilespmem:v60+s14+$0xFC00] =	vst.idx.msk $0xffff, v39  }
0x1f4: {  	v61 =	vor.u32 s13, v10;
	v39 =	vld.idx.msk [tilespmem:v41+s1+$0x9C00], $0xffff  }
0x1f5: {  	v42 =	vor.u32 s31, v11;
	_ =	sdelay $0x3  }
0x1f6: {  	[tilespmem:v61+s14+$0xFC00] =	vst.idx.msk $0xffff, v39  }
0x1f7: {  	v62 =	vor.u32 s13, v12;
	v39 =	vld.idx.msk [tilespmem:v42+s1+$0x9C00], $0xffff  }
0x1f8: {  	v43 =	vor.u32 s31, v13;
	_ =	sdelay $0x3  }
0x1f9: {  	[tilespmem:v62+s14+$0xFC00] =	vst.idx.msk $0xffff, v39  }
0x1fa: {  	v39 =	vld.idx.msk [tilespmem:v43+s1+$0x9C00], $0xffff;
	v43 =	vor.u32 s13, v14  }
0x1fb: {  	v44 =	vor.u32 s31, v15;
	_ =	sdelay $0x3  }
0x1fc: {  	[tilespmem:v43+s14+$0xFC00] =	vst.idx.msk $0xffff, v39  }
0x1fd: {  	v39 =	vld.idx.msk [tilespmem:v44+s1+$0x9C00], $0xffff;
	v44 =	vor.u32 s13, v16  }
0x1fe: {  	v45 =	vor.u32 s31, v17;
	_ =	sdelay $0x3  }
0x1ff: {  	[tilespmem:v44+s14+$0xFC00] =	vst.idx.msk $0xffff, v39  }
0x200: {  	v39 =	vld.idx.msk [tilespmem:v45+s1+$0x9C00], $0xffff;
	v45 =	vor.u32 s13, v18  }
0x201: {  	v46 =	vor.u32 s31, v19;
	_ =	sdelay $0x3  }
0x202: {  	[tilespmem:v45+s14+$0xFC00] =	vst.idx.msk $0xffff, v39  }
0x203: {  	v39 =	vld.idx.msk [tilespmem:v46+s1+$0x9C00], $0xffff;
	v46 =	vor.u32 s13, v20  }
0x204: {  	v47 =	vor.u32 s31, v21;
	_ =	sdelay $0x3  }
0x205: {  	[tilespmem:v46+s14+$0xFC00] =	vst.idx.msk $0xffff, v39  }
0x206: {  	v39 =	vld.idx.msk [tilespmem:v47+s1+$0x9C00], $0xffff;
	v47 =	vor.u32 s13, v22  }
0x207: {  	v48 =	vor.u32 s31, v23;
	_ =	sdelay $0x3  }
0x208: {  	[tilespmem:v47+s14+$0xFC00] =	vst.idx.msk $0xffff, v39  }
0x209: {  	v39 =	vld.idx.msk [tilespmem:v48+s1+$0x9C00], $0xffff;
	v48 =	vor.u32 s13, v24  }
0x20a: {  	v49 =	vor.u32 s31, v25;
	_ =	sdelay $0x3  }
0x20b: {  	[tilespmem:v48+s14+$0xFC00] =	vst.idx.msk $0xffff, v39  }
0x20c: {  	v39 =	vld.idx.msk [tilespmem:v49+s1+$0x9C00], $0xffff;
	v49 =	vor.u32 s13, v26  }
0x20d: {  	v50 =	vor.u32 s31, v27;
	_ =	sdelay $0x3  }
0x20e: {  	[tilespmem:v49+s14+$0xFC00] =	vst.idx.msk $0xffff, v39  }
0x20f: {  	v39 =	vld.idx.msk [tilespmem:v50+s1+$0x9C00], $0xffff;
	v50 =	vor.u32 s13, v28  }
0x210: {  	v51 =	vor.u32 s31, v29;
	_ =	sdelay $0x3  }
0x211: {  	[tilespmem:v50+s14+$0xFC00] =	vst.idx.msk $0xffff, v39  }
0x212: {  	v39 =	vld.idx.msk [tilespmem:v51+s1+$0x9C00], $0xffff;
	v51 =	vor.u32 s13, v30  }
0x213: {  	v52 =	vor.u32 s31, v31;
	_ =	sdelay $0x3  }
0x214: {  	[tilespmem:v51+s14+$0xFC00] =	vst.idx.msk $0xffff, v39  }
0x215: {  	v39 =	vld.idx.msk [tilespmem:v52+s1+$0x9C00], $0xffff;
	v52 =	vor.u32 s13, v32  }
0x216: {  	v53 =	vor.u32 s31, v33;
	_ =	sdelay $0x3  }
0x217: {  	[tilespmem:v52+s14+$0xFC00] =	vst.idx.msk $0xffff, v39  }
0x218: {  	v39 =	vld.idx.msk [tilespmem:v53+s1+$0x9C00], $0xffff;
	v53 =	vor.u32 s13, v34  }
0x219: {  	v54 =	vor.u32 s31, v35;
	_ =	sdelay $0x3  }
0x21a: {  	[tilespmem:v53+s14+$0xFC00] =	vst.idx.msk $0xffff, v39  }
0x21b: {  	v39 =	vld.idx.msk [tilespmem:v54+s1+$0x9C00], $0xffff;
	v54 =	vor.u32 s13, v36  }
0x21c: {  	v55 =	vor.u32 s31, v37;
	_ =	sdelay $0x3  }
0x21d: {  	[tilespmem:v54+s14+$0xFC00] =	vst.idx.msk $0xffff, v39  }
0x21e: {  	s31 =	sor.u32 $0x10, s31;
	v39 =	vor.u32 s13, v38;
	v55 =	vld.idx.msk [tilespmem:v55+s1+$0x9C00], $0xffff  }
0x21f: {  	v56 =	vor.u32 s31, v8;
	_ =	sdelay $0x3  }
0x220: {  	[tilespmem:v39+s14+$0xFC00] =	vst.idx.msk $0xffff, v55  }
0x221: {  	v55 =	vld.idx.msk [tilespmem:v56+s1+$0x9C00], $0xffff  }
0x222: {  	v63 =	vor.u32 s31, v9;
	_ =	sdelay $0x2  }
0x223: {  	s3 =	sshll.u32 s31, $0x7  }
0x224: {  	[tilespmem:v60+s3+$0xFC00] =	vst.idx.msk $0xffff, v55  }
0x225: {  	v40 =	vld.idx.msk [tilespmem:v63+s1+$0x9C00], $0xffff  }
0x226: {  	v60 =	vor.u32 s31, v11;
	_ =	sdelay $0x3  }
0x227: {  	[tilespmem:v61+s3+$0xFC00] =	vst.idx.msk $0xffff, v40  }
0x228: {  	v40 =	vld.idx.msk [tilespmem:v60+s1+$0x9C00], $0xffff  }
0x229: {  	v61 =	vor.u32 s31, v13;
	_ =	sdelay $0x3  }
0x22a: {  	[tilespmem:v62+s3+$0xFC00] =	vst.idx.msk $0xffff, v40  }
0x22b: {  	v40 =	vld.idx.msk [tilespmem:v61+s1+$0x9C00], $0xffff  }
0x22c: {  	v62 =	vor.u32 s31, v15;
	_ =	sdelay $0x3  }
0x22d: {  	[tilespmem:v43+s3+$0xFC00] =	vst.idx.msk $0xffff, v40  }
0x22e: {  	v40 =	vld.idx.msk [tilespmem:v62+s1+$0x9C00], $0xffff  }
0x22f: {  	v63 =	vor.u32 s31, v17;
	_ =	sdelay $0x3  }
0x230: {  	[tilespmem:v44+s3+$0xFC00] =	vst.idx.msk $0xffff, v40  }
0x231: {  	v40 =	vld.idx.msk [tilespmem:v63+s1+$0x9C00], $0xffff  }
0x232: {  	v44 =	vor.u32 s31, v19;
	_ =	sdelay $0x3  }
0x233: {  	[tilespmem:v45+s3+$0xFC00] =	vst.idx.msk $0xffff, v40  }
0x234: {  	v40 =	vld.idx.msk [tilespmem:v44+s1+$0x9C00], $0xffff  }
0x235: {  	v55 =	vor.u32 s31, v21;
	_ =	sdelay $0x3  }
0x236: {  	[tilespmem:v46+s3+$0xFC00] =	vst.idx.msk $0xffff, v40  }
0x237: {  	v40 =	vld.idx.msk [tilespmem:v55+s1+$0x9C00], $0xffff  }
0x238: {  	v56 =	vor.u32 s31, v23;
	_ =	sdelay $0x3  }
0x239: {  	[tilespmem:v47+s3+$0xFC00] =	vst.idx.msk $0xffff, v40  }
0x23a: {  	v40 =	vld.idx.msk [tilespmem:v56+s1+$0x9C00], $0xffff  }
0x23b: {  	v57 =	vor.u32 s31, v25;
	_ =	sdelay $0x3  }
0x23c: {  	[tilespmem:v48+s3+$0xFC00] =	vst.idx.msk $0xffff, v40  }
0x23d: {  	v40 =	vld.idx.msk [tilespmem:v57+s1+$0x9C00], $0xffff  }
0x23e: {  	v58 =	vor.u32 s31, v27;
	_ =	sdelay $0x3  }
0x23f: {  	[tilespmem:v49+s3+$0xFC00] =	vst.idx.msk $0xffff, v40  }
0x240: {  	v40 =	vld.idx.msk [tilespmem:v58+s1+$0x9C00], $0xffff  }
0x241: {  	v59 =	vor.u32 s31, v29;
	_ =	sdelay $0x3  }
0x242: {  	[tilespmem:v50+s3+$0xFC00] =	vst.idx.msk $0xffff, v40  }
0x243: {  	v40 =	vld.idx.msk [tilespmem:v59+s1+$0x9C00], $0xffff  }
0x244: {  	v60 =	vor.u32 s31, v31;
	_ =	sdelay $0x3  }
0x245: {  	[tilespmem:v51+s3+$0xFC00] =	vst.idx.msk $0xffff, v40  }
0x246: {  	v40 =	vld.idx.msk [tilespmem:v60+s1+$0x9C00], $0xffff  }
0x247: {  	v61 =	vor.u32 s31, v33;
	_ =	sdelay $0x3  }
0x248: {  	[tilespmem:v52+s3+$0xFC00] =	vst.idx.msk $0xffff, v40  }
0x249: {  	v40 =	vld.idx.msk [tilespmem:v61+s1+$0x9C00], $0xffff  }
0x24a: {  	v62 =	vor.u32 s31, v35;
	_ =	sdelay $0x3  }
0x24b: {  	[tilespmem:v53+s3+$0xFC00] =	vst.idx.msk $0xffff, v40  }
0x24c: {  	v40 =	vld.idx.msk [tilespmem:v62+s1+$0x9C00], $0xffff  }
0x24d: {  	v63 =	vor.u32 s31, v37;
	_ =	sdelay $0x3  }
0x24e: {  	[tilespmem:v54+s3+$0xFC00] =	vst.idx.msk $0xffff, v40  }
0x24f: {  	s29 =	simm.s32 $0x0;
	s30 =	simm.s32 $0x20;
	v40 =	vld.idx.msk [tilespmem:v63+s1+$0x9C00], $0xffff  }
.LBB2_7:
0x250: {  	s1 =	sand.u32 $0x20, s30  }
0x251: {  	v41 =	vor.u32 s1, v8;
	_ =	sdelay $0x1  }
0x252: {  	s29 =	sadd.s32 $0x2, s29  }
0x253: {  	s13 =	sshll.u32 s29, $0x9;
	p0 =	slt.u32 s29, $0x1E  }
0x254: {  	s14 =	sshll.u32 s29, $0x2;
	s31 =	sand.u32 $0x3FFFF800, s13;
	[tilespmem:v39+s3+$0xFC00] =	vst.idx.msk $0xffff, v40  }
0x255: {  	s3 =	sand.u32 $0xFFFFFFF0, s14;
	v39 =	vld.idx.msk [tilespmem:v41+s31+$0x9C00], $0xffff  }
0x256: {  	v40 =	vor.u32 s3, v8  }
0x257: {  	v41 =	vor.u32 s1, v9;
	_ =	sdelay $0x2  }
0x258: {  	s13 =	sshll.u32 s1, $0x7  }
0x259: {  	[tilespmem:v40+s13+$0xFC00] =	vst.idx.msk $0xffff, v39  }
0x25a: {  	v39 =	vld.idx.msk [tilespmem:v41+s31+$0x9C00], $0xffff  }
0x25b: {  	v41 =	vor.u32 s3, v10  }
0x25c: {  	v42 =	vor.u32 s1, v11;
	_ =	sdelay $0x3  }
0x25d: {  	[tilespmem:v41+s13+$0xFC00] =	vst.idx.msk $0xffff, v39  }
0x25e: {  	v39 =	vld.idx.msk [tilespmem:v42+s31+$0x9C00], $0xffff  }
0x25f: {  	v42 =	vor.u32 s3, v12  }
0x260: {  	v43 =	vor.u32 s1, v13;
	_ =	sdelay $0x3  }
0x261: {  	[tilespmem:v42+s13+$0xFC00] =	vst.idx.msk $0xffff, v39  }
0x262: {  	v39 =	vld.idx.msk [tilespmem:v43+s31+$0x9C00], $0xffff  }
0x263: {  	v43 =	vor.u32 s3, v14  }
0x264: {  	v44 =	vor.u32 s1, v15;
	_ =	sdelay $0x3  }
0x265: {  	[tilespmem:v43+s13+$0xFC00] =	vst.idx.msk $0xffff, v39  }
0x266: {  	v39 =	vld.idx.msk [tilespmem:v44+s31+$0x9C00], $0xffff  }
0x267: {  	v44 =	vor.u32 s3, v16  }
0x268: {  	v45 =	vor.u32 s1, v17;
	_ =	sdelay $0x3  }
0x269: {  	[tilespmem:v44+s13+$0xFC00] =	vst.idx.msk $0xffff, v39  }
0x26a: {  	v39 =	vld.idx.msk [tilespmem:v45+s31+$0x9C00], $0xffff  }
0x26b: {  	v45 =	vor.u32 s3, v18  }
0x26c: {  	v46 =	vor.u32 s1, v19;
	_ =	sdelay $0x3  }
0x26d: {  	[tilespmem:v45+s13+$0xFC00] =	vst.idx.msk $0xffff, v39  }
0x26e: {  	v39 =	vld.idx.msk [tilespmem:v46+s31+$0x9C00], $0xffff  }
0x26f: {  	v46 =	vor.u32 s3, v20  }
0x270: {  	v47 =	vor.u32 s1, v21;
	_ =	sdelay $0x3  }
0x271: {  	[tilespmem:v46+s13+$0xFC00] =	vst.idx.msk $0xffff, v39  }
0x272: {  	v39 =	vld.idx.msk [tilespmem:v47+s31+$0x9C00], $0xffff  }
0x273: {  	v47 =	vor.u32 s3, v22  }
0x274: {  	v48 =	vor.u32 s1, v23;
	_ =	sdelay $0x3  }
0x275: {  	[tilespmem:v47+s13+$0xFC00] =	vst.idx.msk $0xffff, v39  }
0x276: {  	v39 =	vld.idx.msk [tilespmem:v48+s31+$0x9C00], $0xffff  }
0x277: {  	v48 =	vor.u32 s3, v24  }
0x278: {  	v49 =	vor.u32 s1, v25;
	_ =	sdelay $0x3  }
0x279: {  	[tilespmem:v48+s13+$0xFC00] =	vst.idx.msk $0xffff, v39  }
0x27a: {  	v39 =	vld.idx.msk [tilespmem:v49+s31+$0x9C00], $0xffff  }
0x27b: {  	v49 =	vor.u32 s3, v26  }
0x27c: {  	v50 =	vor.u32 s1, v27;
	_ =	sdelay $0x3  }
0x27d: {  	[tilespmem:v49+s13+$0xFC00] =	vst.idx.msk $0xffff, v39  }
0x27e: {  	v39 =	vld.idx.msk [tilespmem:v50+s31+$0x9C00], $0xffff  }
0x27f: {  	v50 =	vor.u32 s3, v28  }
0x280: {  	v51 =	vor.u32 s1, v29;
	_ =	sdelay $0x3  }
0x281: {  	[tilespmem:v50+s13+$0xFC00] =	vst.idx.msk $0xffff, v39  }
0x282: {  	v39 =	vld.idx.msk [tilespmem:v51+s31+$0x9C00], $0xffff  }
0x283: {  	v51 =	vor.u32 s3, v30  }
0x284: {  	v52 =	vor.u32 s1, v31;
	_ =	sdelay $0x3  }
0x285: {  	[tilespmem:v51+s13+$0xFC00] =	vst.idx.msk $0xffff, v39  }
0x286: {  	v39 =	vld.idx.msk [tilespmem:v52+s31+$0x9C00], $0xffff  }
0x287: {  	v52 =	vor.u32 s3, v32  }
0x288: {  	v53 =	vor.u32 s1, v33;
	_ =	sdelay $0x3  }
0x289: {  	[tilespmem:v52+s13+$0xFC00] =	vst.idx.msk $0xffff, v39  }
0x28a: {  	v39 =	vld.idx.msk [tilespmem:v53+s31+$0x9C00], $0xffff  }
0x28b: {  	v53 =	vor.u32 s3, v34  }
0x28c: {  	v54 =	vor.u32 s1, v35;
	_ =	sdelay $0x3  }
0x28d: {  	[tilespmem:v53+s13+$0xFC00] =	vst.idx.msk $0xffff, v39  }
0x28e: {  	v39 =	vld.idx.msk [tilespmem:v54+s31+$0x9C00], $0xffff  }
0x28f: {  	v54 =	vor.u32 s3, v36  }
0x290: {  	v55 =	vor.u32 s1, v37;
	_ =	sdelay $0x3  }
0x291: {  	[tilespmem:v54+s13+$0xFC00] =	vst.idx.msk $0xffff, v39  }
0x292: {  	v55 =	vld.idx.msk [tilespmem:v55+s31+$0x9C00], $0xffff  }
0x293: {  	s1 =	sor.u32 $0x10, s1;
	v39 =	vor.u32 s3, v38  }
0x294: {  	v56 =	vor.u32 s1, v8;
	_ =	sdelay $0x3  }
0x295: {  	[tilespmem:v39+s13+$0xFC00] =	vst.idx.msk $0xffff, v55  }
0x296: {  	v55 =	vld.idx.msk [tilespmem:v56+s31+$0x9C00], $0xffff;
	_ =	sdelay $0x1  }
0x297: {  	v56 =	vor.u32 s1, v9;
	_ =	sdelay $0x2  }
0x298: {  	s3 =	sshll.u32 s1, $0x7  }
0x299: {  	[tilespmem:v40+s3+$0xFC00] =	vst.idx.msk $0xffff, v55  }
0x29a: {  	v40 =	vld.idx.msk [tilespmem:v56+s31+$0x9C00], $0xffff;
	_ =	sdelay $0x1  }
0x29b: {  	v55 =	vor.u32 s1, v11;
	_ =	sdelay $0x3  }
0x29c: {  	[tilespmem:v41+s3+$0xFC00] =	vst.idx.msk $0xffff, v40  }
0x29d: {  	v40 =	vld.idx.msk [tilespmem:v55+s31+$0x9C00], $0xffff;
	_ =	sdelay $0x1  }
0x29e: {  	v41 =	vor.u32 s1, v13;
	_ =	sdelay $0x3  }
0x29f: {  	[tilespmem:v42+s3+$0xFC00] =	vst.idx.msk $0xffff, v40  }
0x2a0: {  	v40 =	vld.idx.msk [tilespmem:v41+s31+$0x9C00], $0xffff;
	_ =	sdelay $0x1  }
0x2a1: {  	v41 =	vor.u32 s1, v15;
	_ =	sdelay $0x3  }
0x2a2: {  	[tilespmem:v43+s3+$0xFC00] =	vst.idx.msk $0xffff, v40  }
0x2a3: {  	v40 =	vld.idx.msk [tilespmem:v41+s31+$0x9C00], $0xffff;
	_ =	sdelay $0x1  }
0x2a4: {  	v41 =	vor.u32 s1, v17;
	_ =	sdelay $0x3  }
0x2a5: {  	[tilespmem:v44+s3+$0xFC00] =	vst.idx.msk $0xffff, v40  }
0x2a6: {  	v40 =	vld.idx.msk [tilespmem:v41+s31+$0x9C00], $0xffff;
	_ =	sdelay $0x1  }
0x2a7: {  	v41 =	vor.u32 s1, v19;
	_ =	sdelay $0x3  }
0x2a8: {  	[tilespmem:v45+s3+$0xFC00] =	vst.idx.msk $0xffff, v40  }
0x2a9: {  	v40 =	vld.idx.msk [tilespmem:v41+s31+$0x9C00], $0xffff;
	_ =	sdelay $0x1  }
0x2aa: {  	v41 =	vor.u32 s1, v21;
	_ =	sdelay $0x3  }
0x2ab: {  	[tilespmem:v46+s3+$0xFC00] =	vst.idx.msk $0xffff, v40  }
0x2ac: {  	v40 =	vld.idx.msk [tilespmem:v41+s31+$0x9C00], $0xffff;
	_ =	sdelay $0x1  }
0x2ad: {  	v41 =	vor.u32 s1, v23;
	_ =	sdelay $0x3  }
0x2ae: {  	[tilespmem:v47+s3+$0xFC00] =	vst.idx.msk $0xffff, v40  }
0x2af: {  	v40 =	vld.idx.msk [tilespmem:v41+s31+$0x9C00], $0xffff;
	_ =	sdelay $0x1  }
0x2b0: {  	v41 =	vor.u32 s1, v25;
	_ =	sdelay $0x3  }
0x2b1: {  	[tilespmem:v48+s3+$0xFC00] =	vst.idx.msk $0xffff, v40  }
0x2b2: {  	v40 =	vld.idx.msk [tilespmem:v41+s31+$0x9C00], $0xffff;
	_ =	sdelay $0x1  }
0x2b3: {  	v41 =	vor.u32 s1, v27;
	_ =	sdelay $0x3  }
0x2b4: {  	[tilespmem:v49+s3+$0xFC00] =	vst.idx.msk $0xffff, v40  }
0x2b5: {  	v40 =	vld.idx.msk [tilespmem:v41+s31+$0x9C00], $0xffff;
	_ =	sdelay $0x1  }
0x2b6: {  	v41 =	vor.u32 s1, v29;
	_ =	sdelay $0x3  }
0x2b7: {  	[tilespmem:v50+s3+$0xFC00] =	vst.idx.msk $0xffff, v40  }
0x2b8: {  	v40 =	vld.idx.msk [tilespmem:v41+s31+$0x9C00], $0xffff;
	_ =	sdelay $0x1  }
0x2b9: {  	v41 =	vor.u32 s1, v31;
	_ =	sdelay $0x3  }
0x2ba: {  	[tilespmem:v51+s3+$0xFC00] =	vst.idx.msk $0xffff, v40  }
0x2bb: {  	v40 =	vld.idx.msk [tilespmem:v41+s31+$0x9C00], $0xffff;
	_ =	sdelay $0x1  }
0x2bc: {  	v41 =	vor.u32 s1, v33;
	_ =	sdelay $0x3  }
0x2bd: {  	[tilespmem:v52+s3+$0xFC00] =	vst.idx.msk $0xffff, v40  }
0x2be: {  	v40 =	vld.idx.msk [tilespmem:v41+s31+$0x9C00], $0xffff;
	_ =	sdelay $0x1  }
0x2bf: {  	v41 =	vor.u32 s1, v35;
	_ =	sdelay $0x3  }
0x2c0: {  	[tilespmem:v53+s3+$0xFC00] =	vst.idx.msk $0xffff, v40  }
0x2c1: {  	v40 =	vld.idx.msk [tilespmem:v41+s31+$0x9C00], $0xffff;
	_ =	sdelay $0x1  }
0x2c2: {  	v41 =	vor.u32 s1, v37  }
.Ltmp2:
0x2c3: {  	(pc) =	sbr.rel @p0 .LBB2_7-.Ltmp2, $3  }
0x2c4: {  	_ =	sdelay $0x1  }
0x2c5: {  	[tilespmem:v54+s3+$0xFC00] =	vst.idx.msk $0xffff, v40  }
0x2c6: {  	s30 =	sadd.s32 $0x20, s30;
	v40 =	vld.idx.msk [tilespmem:v41+s31+$0x9C00], $0xffff  }
0x2c7: {  	s26 =	sadd.s32 $0x1, s26  }
0x2c8: {  	p0 =	sne.s32 s26, $0x19  }
.Ltmp3:
0x2c9: {  	_ = 	snop;
	(pc) =	sbr.rel @p0 .LBB2_4-.Ltmp3, $4  }
0x2ca: {  	_ = 	snop  }
0x2cb: {  	s1 =	sshll.u32 s28, $0xF  }
0x2cc: {  	s1 =	sadd.s32 s1, s7;
	[tilespmem:v39+s3+$0xFC00] =	vst.idx.msk $0xffff, v40  }
0x2cd: {  	[hbm4b:s1+s17] =	stream.strided.scatter [tilespmem:s21], [sflag:$0x4], $0x2000, s18, s17, $0x38;
	[tilespmem:$0x11C00] =	vst v63  }
0x2ce: {  	_ =	swait.ge [sflag:s22], $0x2000;
	s1 =	simm.s32 $0x0  }
0x2cf: {  	[sflag:s22] =	ssyncset.done $0x0;
	v39 =	vmov s1  }
0x2d0: {  	[sflag:s22] =	ssyncadd.s32 $0xFFFFE000;
	v39 =	vand.u32 $0x7F, v39  }
0x2d1: {  	_ =	swait.ge [sflag:s23], $0x2000;
	v39 =	vbroadcast v39, $0x0  }
0x2d2: {  	[sflag:s23] =	ssyncset.done $0x0  }
0x2d3: {  	[sflag:s23] =	ssyncadd.s32 $0xFFFFE000;
	v40 =	vor.u32 v0, v39  }
0x2d4: {  	[tilespmem:s1], [sflag:$0x5] =	stream.linear.gather [hbm4b:s8+s1], $0x4000, $0x38;
	[tilespmem:$0x11C00] =	vst v63  }
0x2d5: {  	_ =	swait.ge [sflag:s11], $0x4000  }
0x2d6: {  	[sflag:s11] =	ssyncset.done $0x0  }
0x2d7: {  	[sflag:s11] =	ssyncadd.s32 $0xFFFFC000  }
0x2d8: {  	v40 =	vld.idx.msk [tilespmem:v40+s5+$0x0], $0xffff  }
0x2d9: {  	v41 =	vor.u32 v1, v39;
	_ =	sdelay $0x2  }
0x2da: {  	s1 =	simm.s32 $0x4040  }
0x2db: {  	[tilespmem:s1+$0xFFFFFFC0] =	vst v40  }
0x2dc: {  	v40 =	vld.idx.msk [tilespmem:v41+s5+$0x0], $0xffff  }
0x2dd: {  	v59 =	vor.u32 v2, v39;
	_ =	sdelay $0x3  }
0x2de: {  	[tilespmem:s1+$0xFFFFFFD0] =	vst v40  }
0x2df: {  	v40 =	vld.idx.msk [tilespmem:v59+s5+$0x0], $0xffff  }
0x2e0: {  	v60 =	vor.u32 v3, v39;
	_ =	sdelay $0x3  }
0x2e1: {  	[tilespmem:s1+$0xFFFFFFE0] =	vst v40  }
0x2e2: {  	v40 =	vld.idx.msk [tilespmem:v60+s5+$0x0], $0xffff  }
0x2e3: {  	v61 =	vor.u32 v4, v39;
	_ =	sdelay $0x3  }
0x2e4: {  	[tilespmem:s1+$0xFFFFFFF0] =	vst v40  }
0x2e5: {  	v40 =	vld.idx.msk [tilespmem:v61+s5+$0x0], $0xffff  }
0x2e6: {  	v62 =	vor.u32 v5, v39;
	_ =	sdelay $0x3  }
0x2e7: {  	[tilespmem:s1+$0x0] =	vst v40  }
0x2e8: {  	v40 =	vld.idx.msk [tilespmem:v62+s5+$0x0], $0xffff  }
0x2e9: {  	v63 =	vor.u32 v6, v39;
	_ =	sdelay $0x3  }
0x2ea: {  	[tilespmem:s1+$0x10] =	vst v40  }
0x2eb: {  	v40 =	vld.idx.msk [tilespmem:v63+s5+$0x0], $0xffff  }
0x2ec: {  	v39 =	vor.u32 v7, v39;
	_ =	sdelay $0x1  }
0x2ed: {  	s3 =	simm.s32 $0x1  }
0x2ee: {  	v41 =	vmov s3;
	s3 =	simm.s32 $0x2  }
.LBB2_10:
0x2ef: {  	p0 =	sne.s32 s3, $0x31;
	v41 =	vand.u32 $0x7F, v41;
	[tilespmem:s1+$0x20] =	vst v40  }
0x2f0: {  	v41 =	vbroadcast v41, $0x0;
	v39 =	vld.idx.msk [tilespmem:v39+s5+$0x0], $0xffff;
	_ =	sdelay $0x1  }
0x2f1: {  	v40 =	vor.u32 v0, v41;
	_ =	sdelay $0x3  }
0x2f2: {  	[tilespmem:s1+$0x30] =	vst v39  }
0x2f3: {  	v39 =	vld.idx.msk [tilespmem:v40+s5+$0x0], $0xffff;
	_ =	sdelay $0x1  }
0x2f4: {  	v40 =	vor.u32 v1, v41;
	_ =	sdelay $0x2  }
0x2f5: {  	s1 =	sadd.s32 $0x80, s1  }
0x2f6: {  	[tilespmem:s1+$0xFFFFFFC0] =	vst v39  }
0x2f7: {  	v39 =	vld.idx.msk [tilespmem:v40+s5+$0x0], $0xffff;
	_ =	sdelay $0x1  }
0x2f8: {  	v40 =	vor.u32 v2, v41;
	_ =	sdelay $0x3  }
0x2f9: {  	[tilespmem:s1+$0xFFFFFFD0] =	vst v39  }
0x2fa: {  	v39 =	vld.idx.msk [tilespmem:v40+s5+$0x0], $0xffff;
	_ =	sdelay $0x1  }
0x2fb: {  	v40 =	vor.u32 v3, v41;
	_ =	sdelay $0x3  }
0x2fc: {  	[tilespmem:s1+$0xFFFFFFE0] =	vst v39  }
0x2fd: {  	v39 =	vld.idx.msk [tilespmem:v40+s5+$0x0], $0xffff;
	_ =	sdelay $0x1  }
0x2fe: {  	v40 =	vor.u32 v4, v41;
	_ =	sdelay $0x3  }
0x2ff: {  	[tilespmem:s1+$0xFFFFFFF0] =	vst v39  }
0x300: {  	v39 =	vld.idx.msk [tilespmem:v40+s5+$0x0], $0xffff;
	_ =	sdelay $0x1  }
0x301: {  	v40 =	vor.u32 v5, v41;
	_ =	sdelay $0x3  }
0x302: {  	[tilespmem:s1+$0x0] =	vst v39  }
0x303: {  	v39 =	vld.idx.msk [tilespmem:v40+s5+$0x0], $0xffff;
	_ =	sdelay $0x1  }
0x304: {  	v40 =	vor.u32 v6, v41;
	_ =	sdelay $0x3  }
0x305: {  	[tilespmem:s1+$0x10] =	vst v39  }
0x306: {  	v40 =	vld.idx.msk [tilespmem:v40+s5+$0x0], $0xffff  }
.Ltmp4:
0x307: {  	(pc) =	sbr.rel @p0 .LBB2_10-.Ltmp4, $2  }
0x308: {  	v39 =	vor.u32 v7, v41;
	_ =	sdelay $0x2  }
0x309: {  	v41 =	vmov s3;
	s3 =	sadd.s32 $0x1, s3  }
0x30a: {  	_ =	sdelay $0x1  }
0x30b: {  	v41 =	vand.u32 $0x7F, v41  }
0x30c: {  	[tilespmem:s1+$0x20] =	vst v40;
	v57 =	vbroadcast v41, $0x0  }
0x30d: {  	v39 =	vld.idx.msk [tilespmem:v39+s5+$0x0], $0xffff  }
0x30e: {  	v41 =	vor.u32 v0, v57;
	_ =	sdelay $0x3  }
0x30f: {  	[tilespmem:s1+$0x30] =	vst v39  }
0x310: {  	v39 =	vld.idx.msk [tilespmem:v41+s5+$0x0], $0xffff  }
0x311: {  	v58 =	vor.u32 v1, v57;
	_ =	sdelay $0x2  }
0x312: {  	s30 =	sadd.s32 $0x80, s1  }
0x313: {  	[tilespmem:s30+$0xFFFFFFC0] =	vst v39  }
0x314: {  	v39 =	vld.idx.msk [tilespmem:v58+s5+$0x0], $0xffff  }
0x315: {  	v59 =	vor.u32 v2, v57;
	_ =	sdelay $0x3  }
0x316: {  	[tilespmem:s30+$0xFFFFFFD0] =	vst v39  }
0x317: {  	v39 =	vld.idx.msk [tilespmem:v59+s5+$0x0], $0xffff  }
0x318: {  	v60 =	vor.u32 v3, v57;
	_ =	sdelay $0x3  }
0x319: {  	[tilespmem:s30+$0xFFFFFFE0] =	vst v39  }
0x31a: {  	v39 =	vld.idx.msk [tilespmem:v60+s5+$0x0], $0xffff  }
0x31b: {  	v61 =	vor.u32 v4, v57;
	_ =	sdelay $0x3  }
0x31c: {  	[tilespmem:s30+$0xFFFFFFF0] =	vst v39  }
0x31d: {  	v39 =	vld.idx.msk [tilespmem:v61+s5+$0x0], $0xffff  }
0x31e: {  	v62 =	vor.u32 v5, v57;
	_ =	sdelay $0x3  }
0x31f: {  	[tilespmem:s30+$0x0] =	vst v39  }
0x320: {  	v39 =	vld.idx.msk [tilespmem:v62+s5+$0x0], $0xffff  }
0x321: {  	v63 =	vor.u32 v6, v57;
	_ =	sdelay $0x3  }
0x322: {  	[tilespmem:s30+$0x10] =	vst v39  }
0x323: {  	v39 =	vld.idx.msk [tilespmem:v63+s5+$0x0], $0xffff  }
0x324: {  	v40 =	vor.u32 v7, v57;
	_ =	sdelay $0x3  }
0x325: {  	[tilespmem:s30+$0x20] =	vst v39  }
0x326: {  	v39 =	vld.idx.msk [tilespmem:v40+s5+$0x0], $0xffff;
	_ =	sdelay $0x3  }
0x327: {  	s31 =	simm.s32 $0x4000  }
0x328: {  	s3 =	simm.s32 $0x5C00;
	s25 =	simm.s32 $0x0;
	s26 =	simm.s32 $0x0;
	[tilespmem:s30+$0x30] =	vst v39  }
0x329: {  	[tilespmem:s3], [sflag:$0x1] =	stream.indirect.gather [hbm4b:s2+s12], $0x80, s31, s12, $0xb8;
	[tilespmem:$0x11C00] =	vst v63  }
.LBB2_12:
0x32a: {  	s28 =	sshllo.u32 s26, $0x1  }
0x32b: {  	_ =	swait.ge [sflag:s15], $0x4000;
	s1 =	sshll.u32 s28, $0x7  }
0x32c: {  	s3 =	sand.u32 $0x20, s25;
	[sflag:s15] =	ssyncset.done $0x0;
	s1 =	sand.u32 $0x3FFFFF80, s1  }
0x32d: {  	p0 =	seq.s32 s26, $0x0;
	[sflag:s15] =	ssyncadd.s32 $0xFFFFC000;
	s1 =	sadd.s32 $0x4000, s1  }
0x32e: {  	v39 =	vor.u32 s3, v8;
	[tilespmem:s16], [sflag:$0x2] =	stream.indirect.gather [hbm4b:s2+s12], $0x80, s1, s12, $0xb8;
	[tilespmem:$0x11C00] =	vst v63  }
0x32f: {  	s1 =	simm.s32 @!p0 $0x3  }
0x330: {  	_ =	swait.ge @!p0 [sflag:s1], $0x2000  }
0x331: {  	s13 =	simm.s32 $0x0;
	s14 =	simm.s32 $0x0;
	[sflag:s1] =	ssyncset.done @!p0 $0x0  }
0x332: {  	s31 =	sand.u32 $0xFFFFFFF0, s14;
	[sflag:s1] =	ssyncadd.s32 @!p0 $0xFFFFE000;
	s1 =	sand.u32 $0x3FFFF800, s13  }
0x333: {  	v40 =	vor.u32 s31, v8;
	v39 =	vld.idx.msk [tilespmem:v39+s1+$0x5C00], $0xffff  }
0x334: {  	v41 =	vor.u32 s3, v9;
	_ =	sdelay $0x2  }
0x335: {  	s14 =	sshll.u32 s3, $0x7  }
0x336: {  	[tilespmem:v40+s14+$0xDC00] =	vst.idx.msk $0xffff, v39  }
0x337: {  	v61 =	vor.u32 s31, v10;
	v39 =	vld.idx.msk [tilespmem:v41+s1+$0x5C00], $0xffff  }
0x338: {  	v42 =	vor.u32 s3, v11;
	_ =	sdelay $0x3  }
0x339: {  	[tilespmem:v61+s14+$0xDC00] =	vst.idx.msk $0xffff, v39  }
0x33a: {  	v62 =	vor.u32 s31, v12;
	v39 =	vld.idx.msk [tilespmem:v42+s1+$0x5C00], $0xffff  }
0x33b: {  	v43 =	vor.u32 s3, v13;
	_ =	sdelay $0x3  }
0x33c: {  	[tilespmem:v62+s14+$0xDC00] =	vst.idx.msk $0xffff, v39  }
0x33d: {  	v39 =	vld.idx.msk [tilespmem:v43+s1+$0x5C00], $0xffff;
	v43 =	vor.u32 s31, v14  }
0x33e: {  	v44 =	vor.u32 s3, v15;
	_ =	sdelay $0x3  }
0x33f: {  	[tilespmem:v43+s14+$0xDC00] =	vst.idx.msk $0xffff, v39  }
0x340: {  	v39 =	vld.idx.msk [tilespmem:v44+s1+$0x5C00], $0xffff;
	v44 =	vor.u32 s31, v16  }
0x341: {  	v45 =	vor.u32 s3, v17;
	_ =	sdelay $0x3  }
0x342: {  	[tilespmem:v44+s14+$0xDC00] =	vst.idx.msk $0xffff, v39  }
0x343: {  	v39 =	vld.idx.msk [tilespmem:v45+s1+$0x5C00], $0xffff;
	v45 =	vor.u32 s31, v18  }
0x344: {  	v46 =	vor.u32 s3, v19;
	_ =	sdelay $0x3  }
0x345: {  	[tilespmem:v45+s14+$0xDC00] =	vst.idx.msk $0xffff, v39  }
0x346: {  	v39 =	vld.idx.msk [tilespmem:v46+s1+$0x5C00], $0xffff;
	v46 =	vor.u32 s31, v20  }
0x347: {  	v47 =	vor.u32 s3, v21;
	_ =	sdelay $0x3  }
0x348: {  	[tilespmem:v46+s14+$0xDC00] =	vst.idx.msk $0xffff, v39  }
0x349: {  	v39 =	vld.idx.msk [tilespmem:v47+s1+$0x5C00], $0xffff;
	v47 =	vor.u32 s31, v22  }
0x34a: {  	v48 =	vor.u32 s3, v23;
	_ =	sdelay $0x3  }
0x34b: {  	[tilespmem:v47+s14+$0xDC00] =	vst.idx.msk $0xffff, v39  }
0x34c: {  	v39 =	vld.idx.msk [tilespmem:v48+s1+$0x5C00], $0xffff;
	v48 =	vor.u32 s31, v24  }
0x34d: {  	v49 =	vor.u32 s3, v25;
	_ =	sdelay $0x3  }
0x34e: {  	[tilespmem:v48+s14+$0xDC00] =	vst.idx.msk $0xffff, v39  }
0x34f: {  	v39 =	vld.idx.msk [tilespmem:v49+s1+$0x5C00], $0xffff;
	v49 =	vor.u32 s31, v26  }
0x350: {  	v50 =	vor.u32 s3, v27;
	_ =	sdelay $0x3  }
0x351: {  	[tilespmem:v49+s14+$0xDC00] =	vst.idx.msk $0xffff, v39  }
0x352: {  	v39 =	vld.idx.msk [tilespmem:v50+s1+$0x5C00], $0xffff;
	v50 =	vor.u32 s31, v28  }
0x353: {  	v51 =	vor.u32 s3, v29;
	_ =	sdelay $0x3  }
0x354: {  	[tilespmem:v50+s14+$0xDC00] =	vst.idx.msk $0xffff, v39  }
0x355: {  	v39 =	vld.idx.msk [tilespmem:v51+s1+$0x5C00], $0xffff;
	v51 =	vor.u32 s31, v30  }
0x356: {  	v52 =	vor.u32 s3, v31;
	_ =	sdelay $0x3  }
0x357: {  	[tilespmem:v51+s14+$0xDC00] =	vst.idx.msk $0xffff, v39  }
0x358: {  	v39 =	vld.idx.msk [tilespmem:v52+s1+$0x5C00], $0xffff;
	v52 =	vor.u32 s31, v32  }
0x359: {  	v53 =	vor.u32 s3, v33;
	_ =	sdelay $0x3  }
0x35a: {  	[tilespmem:v52+s14+$0xDC00] =	vst.idx.msk $0xffff, v39  }
0x35b: {  	v39 =	vld.idx.msk [tilespmem:v53+s1+$0x5C00], $0xffff;
	v53 =	vor.u32 s31, v34  }
0x35c: {  	v54 =	vor.u32 s3, v35;
	_ =	sdelay $0x3  }
0x35d: {  	[tilespmem:v53+s14+$0xDC00] =	vst.idx.msk $0xffff, v39  }
0x35e: {  	v39 =	vld.idx.msk [tilespmem:v54+s1+$0x5C00], $0xffff;
	v54 =	vor.u32 s31, v36  }
0x35f: {  	v55 =	vor.u32 s3, v37;
	_ =	sdelay $0x3  }
0x360: {  	[tilespmem:v54+s14+$0xDC00] =	vst.idx.msk $0xffff, v39  }
0x361: {  	v39 =	vor.u32 s31, v38;
	s31 =	sor.u32 $0x10, s3;
	v55 =	vld.idx.msk [tilespmem:v55+s1+$0x5C00], $0xffff  }
0x362: {  	v56 =	vor.u32 s31, v8;
	_ =	sdelay $0x3  }
0x363: {  	[tilespmem:v39+s14+$0xDC00] =	vst.idx.msk $0xffff, v55  }
0x364: {  	v55 =	vld.idx.msk [tilespmem:v56+s1+$0x5C00], $0xffff  }
0x365: {  	v63 =	vor.u32 s31, v9;
	_ =	sdelay $0x2  }
0x366: {  	s3 =	sshll.u32 s31, $0x7  }
0x367: {  	[tilespmem:v40+s3+$0xDC00] =	vst.idx.msk $0xffff, v55  }
0x368: {  	v40 =	vld.idx.msk [tilespmem:v63+s1+$0x5C00], $0xffff  }
0x369: {  	v60 =	vor.u32 s31, v11;
	_ =	sdelay $0x3  }
0x36a: {  	[tilespmem:v61+s3+$0xDC00] =	vst.idx.msk $0xffff, v40  }
0x36b: {  	v40 =	vld.idx.msk [tilespmem:v60+s1+$0x5C00], $0xffff  }
0x36c: {  	v61 =	vor.u32 s31, v13;
	_ =	sdelay $0x3  }
0x36d: {  	[tilespmem:v62+s3+$0xDC00] =	vst.idx.msk $0xffff, v40  }
0x36e: {  	v40 =	vld.idx.msk [tilespmem:v61+s1+$0x5C00], $0xffff  }
0x36f: {  	v62 =	vor.u32 s31, v15;
	_ =	sdelay $0x3  }
0x370: {  	[tilespmem:v43+s3+$0xDC00] =	vst.idx.msk $0xffff, v40  }
0x371: {  	v40 =	vld.idx.msk [tilespmem:v62+s1+$0x5C00], $0xffff  }
0x372: {  	v63 =	vor.u32 s31, v17;
	_ =	sdelay $0x3  }
0x373: {  	[tilespmem:v44+s3+$0xDC00] =	vst.idx.msk $0xffff, v40  }
0x374: {  	v40 =	vld.idx.msk [tilespmem:v63+s1+$0x5C00], $0xffff  }
0x375: {  	v44 =	vor.u32 s31, v19;
	_ =	sdelay $0x3  }
0x376: {  	[tilespmem:v45+s3+$0xDC00] =	vst.idx.msk $0xffff, v40  }
0x377: {  	v40 =	vld.idx.msk [tilespmem:v44+s1+$0x5C00], $0xffff  }
0x378: {  	v55 =	vor.u32 s31, v21;
	_ =	sdelay $0x3  }
0x379: {  	[tilespmem:v46+s3+$0xDC00] =	vst.idx.msk $0xffff, v40  }
0x37a: {  	v40 =	vld.idx.msk [tilespmem:v55+s1+$0x5C00], $0xffff  }
0x37b: {  	v56 =	vor.u32 s31, v23;
	_ =	sdelay $0x3  }
0x37c: {  	[tilespmem:v47+s3+$0xDC00] =	vst.idx.msk $0xffff, v40  }
0x37d: {  	v40 =	vld.idx.msk [tilespmem:v56+s1+$0x5C00], $0xffff  }
0x37e: {  	v57 =	vor.u32 s31, v25;
	_ =	sdelay $0x3  }
0x37f: {  	[tilespmem:v48+s3+$0xDC00] =	vst.idx.msk $0xffff, v40  }
0x380: {  	v40 =	vld.idx.msk [tilespmem:v57+s1+$0x5C00], $0xffff  }
0x381: {  	v58 =	vor.u32 s31, v27;
	_ =	sdelay $0x3  }
0x382: {  	[tilespmem:v49+s3+$0xDC00] =	vst.idx.msk $0xffff, v40  }
0x383: {  	v40 =	vld.idx.msk [tilespmem:v58+s1+$0x5C00], $0xffff  }
0x384: {  	v59 =	vor.u32 s31, v29;
	_ =	sdelay $0x3  }
0x385: {  	[tilespmem:v50+s3+$0xDC00] =	vst.idx.msk $0xffff, v40  }
0x386: {  	v40 =	vld.idx.msk [tilespmem:v59+s1+$0x5C00], $0xffff  }
0x387: {  	v60 =	vor.u32 s31, v31;
	_ =	sdelay $0x3  }
0x388: {  	[tilespmem:v51+s3+$0xDC00] =	vst.idx.msk $0xffff, v40  }
0x389: {  	v40 =	vld.idx.msk [tilespmem:v60+s1+$0x5C00], $0xffff  }
0x38a: {  	v61 =	vor.u32 s31, v33;
	_ =	sdelay $0x3  }
0x38b: {  	[tilespmem:v52+s3+$0xDC00] =	vst.idx.msk $0xffff, v40  }
0x38c: {  	v40 =	vld.idx.msk [tilespmem:v61+s1+$0x5C00], $0xffff  }
0x38d: {  	v62 =	vor.u32 s31, v35;
	_ =	sdelay $0x3  }
0x38e: {  	[tilespmem:v53+s3+$0xDC00] =	vst.idx.msk $0xffff, v40  }
0x38f: {  	v40 =	vld.idx.msk [tilespmem:v62+s1+$0x5C00], $0xffff  }
0x390: {  	v63 =	vor.u32 s31, v37;
	_ =	sdelay $0x3  }
0x391: {  	[tilespmem:v54+s3+$0xDC00] =	vst.idx.msk $0xffff, v40  }
0x392: {  	s29 =	simm.s32 $0x0;
	s30 =	simm.s32 $0x20;
	v40 =	vld.idx.msk [tilespmem:v63+s1+$0x5C00], $0xffff  }
.LBB2_13:
0x393: {  	s1 =	sand.u32 $0x20, s30  }
0x394: {  	v41 =	vor.u32 s1, v8;
	_ =	sdelay $0x1  }
0x395: {  	s29 =	sadd.s32 $0x2, s29  }
0x396: {  	s13 =	sshll.u32 s29, $0x9;
	p0 =	slt.u32 s29, $0x1E  }
0x397: {  	s14 =	sshll.u32 s29, $0x2;
	s31 =	sand.u32 $0x3FFFF800, s13;
	[tilespmem:v39+s3+$0xDC00] =	vst.idx.msk $0xffff, v40  }
0x398: {  	s3 =	sand.u32 $0xFFFFFFF0, s14;
	v39 =	vld.idx.msk [tilespmem:v41+s31+$0x5C00], $0xffff  }
0x399: {  	v40 =	vor.u32 s3, v8  }
0x39a: {  	v41 =	vor.u32 s1, v9;
	_ =	sdelay $0x2  }
0x39b: {  	s13 =	sshll.u32 s1, $0x7  }
0x39c: {  	[tilespmem:v40+s13+$0xDC00] =	vst.idx.msk $0xffff, v39  }
0x39d: {  	v39 =	vld.idx.msk [tilespmem:v41+s31+$0x5C00], $0xffff  }
0x39e: {  	v41 =	vor.u32 s3, v10  }
0x39f: {  	v42 =	vor.u32 s1, v11;
	_ =	sdelay $0x3  }
0x3a0: {  	[tilespmem:v41+s13+$0xDC00] =	vst.idx.msk $0xffff, v39  }
0x3a1: {  	v39 =	vld.idx.msk [tilespmem:v42+s31+$0x5C00], $0xffff  }
0x3a2: {  	v42 =	vor.u32 s3, v12  }
0x3a3: {  	v43 =	vor.u32 s1, v13;
	_ =	sdelay $0x3  }
0x3a4: {  	[tilespmem:v42+s13+$0xDC00] =	vst.idx.msk $0xffff, v39  }
0x3a5: {  	v39 =	vld.idx.msk [tilespmem:v43+s31+$0x5C00], $0xffff  }
0x3a6: {  	v43 =	vor.u32 s3, v14  }
0x3a7: {  	v44 =	vor.u32 s1, v15;
	_ =	sdelay $0x3  }
0x3a8: {  	[tilespmem:v43+s13+$0xDC00] =	vst.idx.msk $0xffff, v39  }
0x3a9: {  	v39 =	vld.idx.msk [tilespmem:v44+s31+$0x5C00], $0xffff  }
0x3aa: {  	v44 =	vor.u32 s3, v16  }
0x3ab: {  	v45 =	vor.u32 s1, v17;
	_ =	sdelay $0x3  }
0x3ac: {  	[tilespmem:v44+s13+$0xDC00] =	vst.idx.msk $0xffff, v39  }
0x3ad: {  	v39 =	vld.idx.msk [tilespmem:v45+s31+$0x5C00], $0xffff  }
0x3ae: {  	v45 =	vor.u32 s3, v18  }
0x3af: {  	v46 =	vor.u32 s1, v19;
	_ =	sdelay $0x3  }
0x3b0: {  	[tilespmem:v45+s13+$0xDC00] =	vst.idx.msk $0xffff, v39  }
0x3b1: {  	v39 =	vld.idx.msk [tilespmem:v46+s31+$0x5C00], $0xffff  }
0x3b2: {  	v46 =	vor.u32 s3, v20  }
0x3b3: {  	v47 =	vor.u32 s1, v21;
	_ =	sdelay $0x3  }
0x3b4: {  	[tilespmem:v46+s13+$0xDC00] =	vst.idx.msk $0xffff, v39  }
0x3b5: {  	v39 =	vld.idx.msk [tilespmem:v47+s31+$0x5C00], $0xffff  }
0x3b6: {  	v47 =	vor.u32 s3, v22  }
0x3b7: {  	v48 =	vor.u32 s1, v23;
	_ =	sdelay $0x3  }
0x3b8: {  	[tilespmem:v47+s13+$0xDC00] =	vst.idx.msk $0xffff, v39  }
0x3b9: {  	v39 =	vld.idx.msk [tilespmem:v48+s31+$0x5C00], $0xffff  }
0x3ba: {  	v48 =	vor.u32 s3, v24  }
0x3bb: {  	v49 =	vor.u32 s1, v25;
	_ =	sdelay $0x3  }
0x3bc: {  	[tilespmem:v48+s13+$0xDC00] =	vst.idx.msk $0xffff, v39  }
0x3bd: {  	v39 =	vld.idx.msk [tilespmem:v49+s31+$0x5C00], $0xffff  }
0x3be: {  	v49 =	vor.u32 s3, v26  }
0x3bf: {  	v50 =	vor.u32 s1, v27;
	_ =	sdelay $0x3  }
0x3c0: {  	[tilespmem:v49+s13+$0xDC00] =	vst.idx.msk $0xffff, v39  }
0x3c1: {  	v39 =	vld.idx.msk [tilespmem:v50+s31+$0x5C00], $0xffff  }
0x3c2: {  	v50 =	vor.u32 s3, v28  }
0x3c3: {  	v51 =	vor.u32 s1, v29;
	_ =	sdelay $0x3  }
0x3c4: {  	[tilespmem:v50+s13+$0xDC00] =	vst.idx.msk $0xffff, v39  }
0x3c5: {  	v39 =	vld.idx.msk [tilespmem:v51+s31+$0x5C00], $0xffff  }
0x3c6: {  	v51 =	vor.u32 s3, v30  }
0x3c7: {  	v52 =	vor.u32 s1, v31;
	_ =	sdelay $0x3  }
0x3c8: {  	[tilespmem:v51+s13+$0xDC00] =	vst.idx.msk $0xffff, v39  }
0x3c9: {  	v39 =	vld.idx.msk [tilespmem:v52+s31+$0x5C00], $0xffff  }
0x3ca: {  	v52 =	vor.u32 s3, v32  }
0x3cb: {  	v53 =	vor.u32 s1, v33;
	_ =	sdelay $0x3  }
0x3cc: {  	[tilespmem:v52+s13+$0xDC00] =	vst.idx.msk $0xffff, v39  }
0x3cd: {  	v39 =	vld.idx.msk [tilespmem:v53+s31+$0x5C00], $0xffff  }
0x3ce: {  	v53 =	vor.u32 s3, v34  }
0x3cf: {  	v54 =	vor.u32 s1, v35;
	_ =	sdelay $0x3  }
0x3d0: {  	[tilespmem:v53+s13+$0xDC00] =	vst.idx.msk $0xffff, v39  }
0x3d1: {  	v39 =	vld.idx.msk [tilespmem:v54+s31+$0x5C00], $0xffff  }
0x3d2: {  	v54 =	vor.u32 s3, v36  }
0x3d3: {  	v55 =	vor.u32 s1, v37;
	_ =	sdelay $0x3  }
0x3d4: {  	[tilespmem:v54+s13+$0xDC00] =	vst.idx.msk $0xffff, v39  }
0x3d5: {  	v55 =	vld.idx.msk [tilespmem:v55+s31+$0x5C00], $0xffff  }
0x3d6: {  	s1 =	sor.u32 $0x10, s1;
	v39 =	vor.u32 s3, v38  }
0x3d7: {  	v56 =	vor.u32 s1, v8;
	_ =	sdelay $0x3  }
0x3d8: {  	[tilespmem:v39+s13+$0xDC00] =	vst.idx.msk $0xffff, v55  }
0x3d9: {  	v55 =	vld.idx.msk [tilespmem:v56+s31+$0x5C00], $0xffff;
	_ =	sdelay $0x1  }
0x3da: {  	v56 =	vor.u32 s1, v9;
	_ =	sdelay $0x2  }
0x3db: {  	s3 =	sshll.u32 s1, $0x7  }
0x3dc: {  	[tilespmem:v40+s3+$0xDC00] =	vst.idx.msk $0xffff, v55  }
0x3dd: {  	v40 =	vld.idx.msk [tilespmem:v56+s31+$0x5C00], $0xffff;
	_ =	sdelay $0x1  }
0x3de: {  	v55 =	vor.u32 s1, v11;
	_ =	sdelay $0x3  }
0x3df: {  	[tilespmem:v41+s3+$0xDC00] =	vst.idx.msk $0xffff, v40  }
0x3e0: {  	v40 =	vld.idx.msk [tilespmem:v55+s31+$0x5C00], $0xffff;
	_ =	sdelay $0x1  }
0x3e1: {  	v41 =	vor.u32 s1, v13;
	_ =	sdelay $0x3  }
0x3e2: {  	[tilespmem:v42+s3+$0xDC00] =	vst.idx.msk $0xffff, v40  }
0x3e3: {  	v40 =	vld.idx.msk [tilespmem:v41+s31+$0x5C00], $0xffff;
	_ =	sdelay $0x1  }
0x3e4: {  	v41 =	vor.u32 s1, v15;
	_ =	sdelay $0x3  }
0x3e5: {  	[tilespmem:v43+s3+$0xDC00] =	vst.idx.msk $0xffff, v40  }
0x3e6: {  	v40 =	vld.idx.msk [tilespmem:v41+s31+$0x5C00], $0xffff;
	_ =	sdelay $0x1  }
0x3e7: {  	v41 =	vor.u32 s1, v17;
	_ =	sdelay $0x3  }
0x3e8: {  	[tilespmem:v44+s3+$0xDC00] =	vst.idx.msk $0xffff, v40  }
0x3e9: {  	v40 =	vld.idx.msk [tilespmem:v41+s31+$0x5C00], $0xffff;
	_ =	sdelay $0x1  }
0x3ea: {  	v41 =	vor.u32 s1, v19;
	_ =	sdelay $0x3  }
0x3eb: {  	[tilespmem:v45+s3+$0xDC00] =	vst.idx.msk $0xffff, v40  }
0x3ec: {  	v40 =	vld.idx.msk [tilespmem:v41+s31+$0x5C00], $0xffff;
	_ =	sdelay $0x1  }
0x3ed: {  	v41 =	vor.u32 s1, v21;
	_ =	sdelay $0x3  }
0x3ee: {  	[tilespmem:v46+s3+$0xDC00] =	vst.idx.msk $0xffff, v40  }
0x3ef: {  	v40 =	vld.idx.msk [tilespmem:v41+s31+$0x5C00], $0xffff;
	_ =	sdelay $0x1  }
0x3f0: {  	v41 =	vor.u32 s1, v23;
	_ =	sdelay $0x3  }
0x3f1: {  	[tilespmem:v47+s3+$0xDC00] =	vst.idx.msk $0xffff, v40  }
0x3f2: {  	v40 =	vld.idx.msk [tilespmem:v41+s31+$0x5C00], $0xffff;
	_ =	sdelay $0x1  }
0x3f3: {  	v41 =	vor.u32 s1, v25;
	_ =	sdelay $0x3  }
0x3f4: {  	[tilespmem:v48+s3+$0xDC00] =	vst.idx.msk $0xffff, v40  }
0x3f5: {  	v40 =	vld.idx.msk [tilespmem:v41+s31+$0x5C00], $0xffff;
	_ =	sdelay $0x1  }
0x3f6: {  	v41 =	vor.u32 s1, v27;
	_ =	sdelay $0x3  }
0x3f7: {  	[tilespmem:v49+s3+$0xDC00] =	vst.idx.msk $0xffff, v40  }
0x3f8: {  	v40 =	vld.idx.msk [tilespmem:v41+s31+$0x5C00], $0xffff;
	_ =	sdelay $0x1  }
0x3f9: {  	v41 =	vor.u32 s1, v29;
	_ =	sdelay $0x3  }
0x3fa: {  	[tilespmem:v50+s3+$0xDC00] =	vst.idx.msk $0xffff, v40  }
0x3fb: {  	v40 =	vld.idx.msk [tilespmem:v41+s31+$0x5C00], $0xffff;
	_ =	sdelay $0x1  }
0x3fc: {  	v41 =	vor.u32 s1, v31;
	_ =	sdelay $0x3  }
0x3fd: {  	[tilespmem:v51+s3+$0xDC00] =	vst.idx.msk $0xffff, v40  }
0x3fe: {  	v40 =	vld.idx.msk [tilespmem:v41+s31+$0x5C00], $0xffff;
	_ =	sdelay $0x1  }
0x3ff: {  	v41 =	vor.u32 s1, v33;
	_ =	sdelay $0x3  }
0x400: {  	[tilespmem:v52+s3+$0xDC00] =	vst.idx.msk $0xffff, v40  }
0x401: {  	v40 =	vld.idx.msk [tilespmem:v41+s31+$0x5C00], $0xffff;
	_ =	sdelay $0x1  }
0x402: {  	v41 =	vor.u32 s1, v35;
	_ =	sdelay $0x3  }
0x403: {  	[tilespmem:v53+s3+$0xDC00] =	vst.idx.msk $0xffff, v40  }
0x404: {  	v40 =	vld.idx.msk [tilespmem:v41+s31+$0x5C00], $0xffff;
	_ =	sdelay $0x1  }
0x405: {  	v41 =	vor.u32 s1, v37  }
.Ltmp5:
0x406: {  	(pc) =	sbr.rel @p0 .LBB2_13-.Ltmp5, $3  }
0x407: {  	_ =	sdelay $0x1  }
0x408: {  	[tilespmem:v54+s3+$0xDC00] =	vst.idx.msk $0xffff, v40  }
0x409: {  	s30 =	sadd.s32 $0x20, s30;
	v40 =	vld.idx.msk [tilespmem:v41+s31+$0x5C00], $0xffff  }
0x40a: {  	_ = 	snop  }
0x40b: {  	s1 =	sshll.u32 s26, $0x13  }
0x40c: {  	s1 =	sadd.s32 s1, s9  }
0x40d: {  	p0 =	seq.s32 s26, $0x18;
	s1 =	sshrl.u32 s1, $0x3  }
0x40e: {  	s14 =	simm.s32 $0x0;
	p1 =	seq.s32 @!p0 s26, $0x0;
	s1 =	sadd.s32 s4, s1;
	[tilespmem:v39+s3+$0xDC00] =	vst.idx.msk $0xffff, v40  }
0x40f: {  	[hbm4b:s1+s17] =	stream.strided.scatter [tilespmem:s19], [sflag:$0x3], $0x2000, s18, s17, $0x38;
	[tilespmem:$0x11C00] =	vst v63  }
0x410: {  	s13 =	simm.s32 @!p0 $0x5C00;
	s1 =	sshll.u32 @!p0 s26, $0x8;
	_ =	swait.ge [sflag:s20], $0x4000  }
0x411: {  	s31 =	sand.u32 $0x20, s14;
	s1 =	sand.u32 @!p0 $0x3FFFFF00, s1;
	[sflag:s20] =	ssyncset.done $0x0  }
0x412: {  	s3 =	simm.s32 @!p0 $0x80;
	s1 =	sadd.s32 @!p0 $0x4100, s1;
	[sflag:s20] =	ssyncadd.s32 $0xFFFFC000  }
0x413: {  	v59 =	vor.u32 s31, v8;
	[tilespmem:s13], [sflag:$0x1] =	stream.indirect.gather @!p0 [hbm4b:s2+s3], $0x80, s1, s3, $0xb8;
	[tilespmem:$0x11C00] =	vst v63  }
0x414: {  	p0 =	por p0, !p1  }
0x415: {  	_ =	swait.ge @p0 [sflag:s23], $0x2000  }
0x416: {  	s14 =	simm.s32 $0x0;
	s13 =	simm.s32 $0x0;
	[sflag:s23] =	ssyncset.done @p0 $0x0  }
0x417: {  	s1 =	sand.u32 $0x3FFFF800, s13;
	s13 =	sand.u32 $0xFFFFFFF0, s14;
	[sflag:s23] =	ssyncadd.s32 @p0 $0xFFFFE000  }
0x418: {  	v60 =	vor.u32 s13, v8;
	v39 =	vld.idx.msk [tilespmem:v59+s1+$0x9C00], $0xffff  }
0x419: {  	v41 =	vor.u32 s31, v9;
	_ =	sdelay $0x2  }
0x41a: {  	s14 =	sshll.u32 s31, $0x7  }
0x41b: {  	[tilespmem:v60+s14+$0xFC00] =	vst.idx.msk $0xffff, v39  }
0x41c: {  	v61 =	vor.u32 s13, v10;
	v39 =	vld.idx.msk [tilespmem:v41+s1+$0x9C00], $0xffff  }
0x41d: {  	v42 =	vor.u32 s31, v11;
	_ =	sdelay $0x3  }
0x41e: {  	[tilespmem:v61+s14+$0xFC00] =	vst.idx.msk $0xffff, v39  }
0x41f: {  	v62 =	vor.u32 s13, v12;
	v39 =	vld.idx.msk [tilespmem:v42+s1+$0x9C00], $0xffff  }
0x420: {  	v43 =	vor.u32 s31, v13;
	_ =	sdelay $0x3  }
0x421: {  	[tilespmem:v62+s14+$0xFC00] =	vst.idx.msk $0xffff, v39  }
0x422: {  	v39 =	vld.idx.msk [tilespmem:v43+s1+$0x9C00], $0xffff;
	v43 =	vor.u32 s13, v14  }
0x423: {  	v44 =	vor.u32 s31, v15;
	_ =	sdelay $0x3  }
0x424: {  	[tilespmem:v43+s14+$0xFC00] =	vst.idx.msk $0xffff, v39  }
0x425: {  	v39 =	vld.idx.msk [tilespmem:v44+s1+$0x9C00], $0xffff;
	v44 =	vor.u32 s13, v16  }
0x426: {  	v45 =	vor.u32 s31, v17;
	_ =	sdelay $0x3  }
0x427: {  	[tilespmem:v44+s14+$0xFC00] =	vst.idx.msk $0xffff, v39  }
0x428: {  	v39 =	vld.idx.msk [tilespmem:v45+s1+$0x9C00], $0xffff;
	v45 =	vor.u32 s13, v18  }
0x429: {  	v46 =	vor.u32 s31, v19;
	_ =	sdelay $0x3  }
0x42a: {  	[tilespmem:v45+s14+$0xFC00] =	vst.idx.msk $0xffff, v39  }
0x42b: {  	v39 =	vld.idx.msk [tilespmem:v46+s1+$0x9C00], $0xffff;
	v46 =	vor.u32 s13, v20  }
0x42c: {  	v47 =	vor.u32 s31, v21;
	_ =	sdelay $0x3  }
0x42d: {  	[tilespmem:v46+s14+$0xFC00] =	vst.idx.msk $0xffff, v39  }
0x42e: {  	v39 =	vld.idx.msk [tilespmem:v47+s1+$0x9C00], $0xffff;
	v47 =	vor.u32 s13, v22  }
0x42f: {  	v48 =	vor.u32 s31, v23;
	_ =	sdelay $0x3  }
0x430: {  	[tilespmem:v47+s14+$0xFC00] =	vst.idx.msk $0xffff, v39  }
0x431: {  	v39 =	vld.idx.msk [tilespmem:v48+s1+$0x9C00], $0xffff;
	v48 =	vor.u32 s13, v24  }
0x432: {  	v49 =	vor.u32 s31, v25;
	_ =	sdelay $0x3  }
0x433: {  	[tilespmem:v48+s14+$0xFC00] =	vst.idx.msk $0xffff, v39  }
0x434: {  	v39 =	vld.idx.msk [tilespmem:v49+s1+$0x9C00], $0xffff;
	v49 =	vor.u32 s13, v26  }
0x435: {  	v50 =	vor.u32 s31, v27;
	_ =	sdelay $0x3  }
0x436: {  	[tilespmem:v49+s14+$0xFC00] =	vst.idx.msk $0xffff, v39  }
0x437: {  	v39 =	vld.idx.msk [tilespmem:v50+s1+$0x9C00], $0xffff;
	v50 =	vor.u32 s13, v28  }
0x438: {  	v51 =	vor.u32 s31, v29;
	_ =	sdelay $0x3  }
0x439: {  	[tilespmem:v50+s14+$0xFC00] =	vst.idx.msk $0xffff, v39  }
0x43a: {  	v39 =	vld.idx.msk [tilespmem:v51+s1+$0x9C00], $0xffff;
	v51 =	vor.u32 s13, v30  }
0x43b: {  	v52 =	vor.u32 s31, v31;
	_ =	sdelay $0x3  }
0x43c: {  	[tilespmem:v51+s14+$0xFC00] =	vst.idx.msk $0xffff, v39  }
0x43d: {  	v39 =	vld.idx.msk [tilespmem:v52+s1+$0x9C00], $0xffff;
	v52 =	vor.u32 s13, v32  }
0x43e: {  	v53 =	vor.u32 s31, v33;
	_ =	sdelay $0x3  }
0x43f: {  	[tilespmem:v52+s14+$0xFC00] =	vst.idx.msk $0xffff, v39  }
0x440: {  	v39 =	vld.idx.msk [tilespmem:v53+s1+$0x9C00], $0xffff;
	v53 =	vor.u32 s13, v34  }
0x441: {  	v54 =	vor.u32 s31, v35;
	_ =	sdelay $0x3  }
0x442: {  	[tilespmem:v53+s14+$0xFC00] =	vst.idx.msk $0xffff, v39  }
0x443: {  	v39 =	vld.idx.msk [tilespmem:v54+s1+$0x9C00], $0xffff;
	v54 =	vor.u32 s13, v36  }
0x444: {  	v55 =	vor.u32 s31, v37;
	_ =	sdelay $0x3  }
0x445: {  	[tilespmem:v54+s14+$0xFC00] =	vst.idx.msk $0xffff, v39  }
0x446: {  	s31 =	sor.u32 $0x10, s31;
	v39 =	vor.u32 s13, v38;
	v55 =	vld.idx.msk [tilespmem:v55+s1+$0x9C00], $0xffff  }
0x447: {  	v56 =	vor.u32 s31, v8;
	_ =	sdelay $0x3  }
0x448: {  	[tilespmem:v39+s14+$0xFC00] =	vst.idx.msk $0xffff, v55  }
0x449: {  	v55 =	vld.idx.msk [tilespmem:v56+s1+$0x9C00], $0xffff  }
0x44a: {  	v63 =	vor.u32 s31, v9;
	_ =	sdelay $0x2  }
0x44b: {  	s3 =	sshll.u32 s31, $0x7  }
0x44c: {  	[tilespmem:v60+s3+$0xFC00] =	vst.idx.msk $0xffff, v55  }
0x44d: {  	v40 =	vld.idx.msk [tilespmem:v63+s1+$0x9C00], $0xffff  }
0x44e: {  	v60 =	vor.u32 s31, v11;
	_ =	sdelay $0x3  }
0x44f: {  	[tilespmem:v61+s3+$0xFC00] =	vst.idx.msk $0xffff, v40  }
0x450: {  	v40 =	vld.idx.msk [tilespmem:v60+s1+$0x9C00], $0xffff  }
0x451: {  	v61 =	vor.u32 s31, v13;
	_ =	sdelay $0x3  }
0x452: {  	[tilespmem:v62+s3+$0xFC00] =	vst.idx.msk $0xffff, v40  }
0x453: {  	v40 =	vld.idx.msk [tilespmem:v61+s1+$0x9C00], $0xffff  }
0x454: {  	v62 =	vor.u32 s31, v15;
	_ =	sdelay $0x3  }
0x455: {  	[tilespmem:v43+s3+$0xFC00] =	vst.idx.msk $0xffff, v40  }
0x456: {  	v40 =	vld.idx.msk [tilespmem:v62+s1+$0x9C00], $0xffff  }
0x457: {  	v63 =	vor.u32 s31, v17;
	_ =	sdelay $0x3  }
0x458: {  	[tilespmem:v44+s3+$0xFC00] =	vst.idx.msk $0xffff, v40  }
0x459: {  	v40 =	vld.idx.msk [tilespmem:v63+s1+$0x9C00], $0xffff  }
0x45a: {  	v44 =	vor.u32 s31, v19;
	_ =	sdelay $0x3  }
0x45b: {  	[tilespmem:v45+s3+$0xFC00] =	vst.idx.msk $0xffff, v40  }
0x45c: {  	v40 =	vld.idx.msk [tilespmem:v44+s1+$0x9C00], $0xffff  }
0x45d: {  	v55 =	vor.u32 s31, v21;
	_ =	sdelay $0x3  }
0x45e: {  	[tilespmem:v46+s3+$0xFC00] =	vst.idx.msk $0xffff, v40  }
0x45f: {  	v40 =	vld.idx.msk [tilespmem:v55+s1+$0x9C00], $0xffff  }
0x460: {  	v56 =	vor.u32 s31, v23;
	_ =	sdelay $0x3  }
0x461: {  	[tilespmem:v47+s3+$0xFC00] =	vst.idx.msk $0xffff, v40  }
0x462: {  	v40 =	vld.idx.msk [tilespmem:v56+s1+$0x9C00], $0xffff  }
0x463: {  	v57 =	vor.u32 s31, v25;
	_ =	sdelay $0x3  }
0x464: {  	[tilespmem:v48+s3+$0xFC00] =	vst.idx.msk $0xffff, v40  }
0x465: {  	v40 =	vld.idx.msk [tilespmem:v57+s1+$0x9C00], $0xffff  }
0x466: {  	v58 =	vor.u32 s31, v27;
	_ =	sdelay $0x3  }
0x467: {  	[tilespmem:v49+s3+$0xFC00] =	vst.idx.msk $0xffff, v40  }
0x468: {  	v40 =	vld.idx.msk [tilespmem:v58+s1+$0x9C00], $0xffff  }
0x469: {  	v59 =	vor.u32 s31, v29;
	_ =	sdelay $0x3  }
0x46a: {  	[tilespmem:v50+s3+$0xFC00] =	vst.idx.msk $0xffff, v40  }
0x46b: {  	v40 =	vld.idx.msk [tilespmem:v59+s1+$0x9C00], $0xffff  }
0x46c: {  	v60 =	vor.u32 s31, v31;
	_ =	sdelay $0x3  }
0x46d: {  	[tilespmem:v51+s3+$0xFC00] =	vst.idx.msk $0xffff, v40  }
0x46e: {  	v40 =	vld.idx.msk [tilespmem:v60+s1+$0x9C00], $0xffff  }
0x46f: {  	v61 =	vor.u32 s31, v33;
	_ =	sdelay $0x3  }
0x470: {  	[tilespmem:v52+s3+$0xFC00] =	vst.idx.msk $0xffff, v40  }
0x471: {  	v40 =	vld.idx.msk [tilespmem:v61+s1+$0x9C00], $0xffff  }
0x472: {  	v62 =	vor.u32 s31, v35;
	_ =	sdelay $0x3  }
0x473: {  	[tilespmem:v53+s3+$0xFC00] =	vst.idx.msk $0xffff, v40  }
0x474: {  	v40 =	vld.idx.msk [tilespmem:v62+s1+$0x9C00], $0xffff  }
0x475: {  	v63 =	vor.u32 s31, v37;
	_ =	sdelay $0x3  }
0x476: {  	[tilespmem:v54+s3+$0xFC00] =	vst.idx.msk $0xffff, v40  }
0x477: {  	s29 =	simm.s32 $0x0;
	s30 =	simm.s32 $0x20;
	v40 =	vld.idx.msk [tilespmem:v63+s1+$0x9C00], $0xffff  }
.LBB2_15:
0x478: {  	s1 =	sand.u32 $0x20, s30  }
0x479: {  	v41 =	vor.u32 s1, v8;
	_ =	sdelay $0x1  }
0x47a: {  	s29 =	sadd.s32 $0x2, s29  }
0x47b: {  	s13 =	sshll.u32 s29, $0x9;
	p0 =	slt.u32 s29, $0x1E  }
0x47c: {  	s14 =	sshll.u32 s29, $0x2;
	s31 =	sand.u32 $0x3FFFF800, s13;
	[tilespmem:v39+s3+$0xFC00] =	vst.idx.msk $0xffff, v40  }
0x47d: {  	s3 =	sand.u32 $0xFFFFFFF0, s14;
	v39 =	vld.idx.msk [tilespmem:v41+s31+$0x9C00], $0xffff  }
0x47e: {  	v40 =	vor.u32 s3, v8  }
0x47f: {  	v41 =	vor.u32 s1, v9;
	_ =	sdelay $0x2  }
0x480: {  	s13 =	sshll.u32 s1, $0x7  }
0x481: {  	[tilespmem:v40+s13+$0xFC00] =	vst.idx.msk $0xffff, v39  }
0x482: {  	v39 =	vld.idx.msk [tilespmem:v41+s31+$0x9C00], $0xffff  }
0x483: {  	v41 =	vor.u32 s3, v10  }
0x484: {  	v42 =	vor.u32 s1, v11;
	_ =	sdelay $0x3  }
0x485: {  	[tilespmem:v41+s13+$0xFC00] =	vst.idx.msk $0xffff, v39  }
0x486: {  	v39 =	vld.idx.msk [tilespmem:v42+s31+$0x9C00], $0xffff  }
0x487: {  	v42 =	vor.u32 s3, v12  }
0x488: {  	v43 =	vor.u32 s1, v13;
	_ =	sdelay $0x3  }
0x489: {  	[tilespmem:v42+s13+$0xFC00] =	vst.idx.msk $0xffff, v39  }
0x48a: {  	v39 =	vld.idx.msk [tilespmem:v43+s31+$0x9C00], $0xffff  }
0x48b: {  	v43 =	vor.u32 s3, v14  }
0x48c: {  	v44 =	vor.u32 s1, v15;
	_ =	sdelay $0x3  }
0x48d: {  	[tilespmem:v43+s13+$0xFC00] =	vst.idx.msk $0xffff, v39  }
0x48e: {  	v39 =	vld.idx.msk [tilespmem:v44+s31+$0x9C00], $0xffff  }
0x48f: {  	v44 =	vor.u32 s3, v16  }
0x490: {  	v45 =	vor.u32 s1, v17;
	_ =	sdelay $0x3  }
0x491: {  	[tilespmem:v44+s13+$0xFC00] =	vst.idx.msk $0xffff, v39  }
0x492: {  	v39 =	vld.idx.msk [tilespmem:v45+s31+$0x9C00], $0xffff  }
0x493: {  	v45 =	vor.u32 s3, v18  }
0x494: {  	v46 =	vor.u32 s1, v19;
	_ =	sdelay $0x3  }
0x495: {  	[tilespmem:v45+s13+$0xFC00] =	vst.idx.msk $0xffff, v39  }
0x496: {  	v39 =	vld.idx.msk [tilespmem:v46+s31+$0x9C00], $0xffff  }
0x497: {  	v46 =	vor.u32 s3, v20  }
0x498: {  	v47 =	vor.u32 s1, v21;
	_ =	sdelay $0x3  }
0x499: {  	[tilespmem:v46+s13+$0xFC00] =	vst.idx.msk $0xffff, v39  }
0x49a: {  	v39 =	vld.idx.msk [tilespmem:v47+s31+$0x9C00], $0xffff  }
0x49b: {  	v47 =	vor.u32 s3, v22  }
0x49c: {  	v48 =	vor.u32 s1, v23;
	_ =	sdelay $0x3  }
0x49d: {  	[tilespmem:v47+s13+$0xFC00] =	vst.idx.msk $0xffff, v39  }
0x49e: {  	v39 =	vld.idx.msk [tilespmem:v48+s31+$0x9C00], $0xffff  }
0x49f: {  	v48 =	vor.u32 s3, v24  }
0x4a0: {  	v49 =	vor.u32 s1, v25;
	_ =	sdelay $0x3  }
0x4a1: {  	[tilespmem:v48+s13+$0xFC00] =	vst.idx.msk $0xffff, v39  }
0x4a2: {  	v39 =	vld.idx.msk [tilespmem:v49+s31+$0x9C00], $0xffff  }
0x4a3: {  	v49 =	vor.u32 s3, v26  }
0x4a4: {  	v50 =	vor.u32 s1, v27;
	_ =	sdelay $0x3  }
0x4a5: {  	[tilespmem:v49+s13+$0xFC00] =	vst.idx.msk $0xffff, v39  }
0x4a6: {  	v39 =	vld.idx.msk [tilespmem:v50+s31+$0x9C00], $0xffff  }
0x4a7: {  	v50 =	vor.u32 s3, v28  }
0x4a8: {  	v51 =	vor.u32 s1, v29;
	_ =	sdelay $0x3  }
0x4a9: {  	[tilespmem:v50+s13+$0xFC00] =	vst.idx.msk $0xffff, v39  }
0x4aa: {  	v39 =	vld.idx.msk [tilespmem:v51+s31+$0x9C00], $0xffff  }
0x4ab: {  	v51 =	vor.u32 s3, v30  }
0x4ac: {  	v52 =	vor.u32 s1, v31;
	_ =	sdelay $0x3  }
0x4ad: {  	[tilespmem:v51+s13+$0xFC00] =	vst.idx.msk $0xffff, v39  }
0x4ae: {  	v39 =	vld.idx.msk [tilespmem:v52+s31+$0x9C00], $0xffff  }
0x4af: {  	v52 =	vor.u32 s3, v32  }
0x4b0: {  	v53 =	vor.u32 s1, v33;
	_ =	sdelay $0x3  }
0x4b1: {  	[tilespmem:v52+s13+$0xFC00] =	vst.idx.msk $0xffff, v39  }
0x4b2: {  	v39 =	vld.idx.msk [tilespmem:v53+s31+$0x9C00], $0xffff  }
0x4b3: {  	v53 =	vor.u32 s3, v34  }
0x4b4: {  	v54 =	vor.u32 s1, v35;
	_ =	sdelay $0x3  }
0x4b5: {  	[tilespmem:v53+s13+$0xFC00] =	vst.idx.msk $0xffff, v39  }
0x4b6: {  	v39 =	vld.idx.msk [tilespmem:v54+s31+$0x9C00], $0xffff  }
0x4b7: {  	v54 =	vor.u32 s3, v36  }
0x4b8: {  	v55 =	vor.u32 s1, v37;
	_ =	sdelay $0x3  }
0x4b9: {  	[tilespmem:v54+s13+$0xFC00] =	vst.idx.msk $0xffff, v39  }
0x4ba: {  	v55 =	vld.idx.msk [tilespmem:v55+s31+$0x9C00], $0xffff  }
0x4bb: {  	s1 =	sor.u32 $0x10, s1;
	v39 =	vor.u32 s3, v38  }
0x4bc: {  	v56 =	vor.u32 s1, v8;
	_ =	sdelay $0x3  }
0x4bd: {  	[tilespmem:v39+s13+$0xFC00] =	vst.idx.msk $0xffff, v55  }
0x4be: {  	v55 =	vld.idx.msk [tilespmem:v56+s31+$0x9C00], $0xffff;
	_ =	sdelay $0x1  }
0x4bf: {  	v56 =	vor.u32 s1, v9;
	_ =	sdelay $0x2  }
0x4c0: {  	s3 =	sshll.u32 s1, $0x7  }
0x4c1: {  	[tilespmem:v40+s3+$0xFC00] =	vst.idx.msk $0xffff, v55  }
0x4c2: {  	v40 =	vld.idx.msk [tilespmem:v56+s31+$0x9C00], $0xffff;
	_ =	sdelay $0x1  }
0x4c3: {  	v55 =	vor.u32 s1, v11;
	_ =	sdelay $0x3  }
0x4c4: {  	[tilespmem:v41+s3+$0xFC00] =	vst.idx.msk $0xffff, v40  }
0x4c5: {  	v40 =	vld.idx.msk [tilespmem:v55+s31+$0x9C00], $0xffff;
	_ =	sdelay $0x1  }
0x4c6: {  	v41 =	vor.u32 s1, v13;
	_ =	sdelay $0x3  }
0x4c7: {  	[tilespmem:v42+s3+$0xFC00] =	vst.idx.msk $0xffff, v40  }
0x4c8: {  	v40 =	vld.idx.msk [tilespmem:v41+s31+$0x9C00], $0xffff;
	_ =	sdelay $0x1  }
0x4c9: {  	v41 =	vor.u32 s1, v15;
	_ =	sdelay $0x3  }
0x4ca: {  	[tilespmem:v43+s3+$0xFC00] =	vst.idx.msk $0xffff, v40  }
0x4cb: {  	v40 =	vld.idx.msk [tilespmem:v41+s31+$0x9C00], $0xffff;
	_ =	sdelay $0x1  }
0x4cc: {  	v41 =	vor.u32 s1, v17;
	_ =	sdelay $0x3  }
0x4cd: {  	[tilespmem:v44+s3+$0xFC00] =	vst.idx.msk $0xffff, v40  }
0x4ce: {  	v40 =	vld.idx.msk [tilespmem:v41+s31+$0x9C00], $0xffff;
	_ =	sdelay $0x1  }
0x4cf: {  	v41 =	vor.u32 s1, v19;
	_ =	sdelay $0x3  }
0x4d0: {  	[tilespmem:v45+s3+$0xFC00] =	vst.idx.msk $0xffff, v40  }
0x4d1: {  	v40 =	vld.idx.msk [tilespmem:v41+s31+$0x9C00], $0xffff;
	_ =	sdelay $0x1  }
0x4d2: {  	v41 =	vor.u32 s1, v21;
	_ =	sdelay $0x3  }
0x4d3: {  	[tilespmem:v46+s3+$0xFC00] =	vst.idx.msk $0xffff, v40  }
0x4d4: {  	v40 =	vld.idx.msk [tilespmem:v41+s31+$0x9C00], $0xffff;
	_ =	sdelay $0x1  }
0x4d5: {  	v41 =	vor.u32 s1, v23;
	_ =	sdelay $0x3  }
0x4d6: {  	[tilespmem:v47+s3+$0xFC00] =	vst.idx.msk $0xffff, v40  }
0x4d7: {  	v40 =	vld.idx.msk [tilespmem:v41+s31+$0x9C00], $0xffff;
	_ =	sdelay $0x1  }
0x4d8: {  	v41 =	vor.u32 s1, v25;
	_ =	sdelay $0x3  }
0x4d9: {  	[tilespmem:v48+s3+$0xFC00] =	vst.idx.msk $0xffff, v40  }
0x4da: {  	v40 =	vld.idx.msk [tilespmem:v41+s31+$0x9C00], $0xffff;
	_ =	sdelay $0x1  }
0x4db: {  	v41 =	vor.u32 s1, v27;
	_ =	sdelay $0x3  }
0x4dc: {  	[tilespmem:v49+s3+$0xFC00] =	vst.idx.msk $0xffff, v40  }
0x4dd: {  	v40 =	vld.idx.msk [tilespmem:v41+s31+$0x9C00], $0xffff;
	_ =	sdelay $0x1  }
0x4de: {  	v41 =	vor.u32 s1, v29;
	_ =	sdelay $0x3  }
0x4df: {  	[tilespmem:v50+s3+$0xFC00] =	vst.idx.msk $0xffff, v40  }
0x4e0: {  	v40 =	vld.idx.msk [tilespmem:v41+s31+$0x9C00], $0xffff;
	_ =	sdelay $0x1  }
0x4e1: {  	v41 =	vor.u32 s1, v31;
	_ =	sdelay $0x3  }
0x4e2: {  	[tilespmem:v51+s3+$0xFC00] =	vst.idx.msk $0xffff, v40  }
0x4e3: {  	v40 =	vld.idx.msk [tilespmem:v41+s31+$0x9C00], $0xffff;
	_ =	sdelay $0x1  }
0x4e4: {  	v41 =	vor.u32 s1, v33;
	_ =	sdelay $0x3  }
0x4e5: {  	[tilespmem:v52+s3+$0xFC00] =	vst.idx.msk $0xffff, v40  }
0x4e6: {  	v40 =	vld.idx.msk [tilespmem:v41+s31+$0x9C00], $0xffff;
	_ =	sdelay $0x1  }
0x4e7: {  	v41 =	vor.u32 s1, v35;
	_ =	sdelay $0x3  }
0x4e8: {  	[tilespmem:v53+s3+$0xFC00] =	vst.idx.msk $0xffff, v40  }
0x4e9: {  	v40 =	vld.idx.msk [tilespmem:v41+s31+$0x9C00], $0xffff;
	_ =	sdelay $0x1  }
0x4ea: {  	v41 =	vor.u32 s1, v37  }
.Ltmp6:
0x4eb: {  	(pc) =	sbr.rel @p0 .LBB2_15-.Ltmp6, $3  }
0x4ec: {  	_ =	sdelay $0x1  }
0x4ed: {  	[tilespmem:v54+s3+$0xFC00] =	vst.idx.msk $0xffff, v40  }
0x4ee: {  	s30 =	sadd.s32 $0x20, s30;
	v40 =	vld.idx.msk [tilespmem:v41+s31+$0x9C00], $0xffff  }
0x4ef: {  	s26 =	sadd.s32 $0x1, s26  }
0x4f0: {  	p0 =	sne.s32 s26, $0x19  }
.Ltmp7:
0x4f1: {  	s1 =	sshll.u32 s28, $0x12;
	(pc) =	sbr.rel @p0 .LBB2_12-.Ltmp7, $4  }
0x4f2: {  	s1 =	sadd.s32 s1, s9  }
0x4f3: {  	s1 =	sshrl.u32 s1, $0x3  }
0x4f4: {  	s1 =	sadd.s32 s4, s1;
	[tilespmem:v39+s3+$0xFC00] =	vst.idx.msk $0xffff, v40  }
0x4f5: {  	[hbm4b:s1+s17] =	stream.strided.scatter [tilespmem:s21], [sflag:$0x4], $0x2000, s18, s17, $0x38;
	[tilespmem:$0x11C00] =	vst v63  }
0x4f6: {  	s24 =	sadd.s32 $0x1, s24  }
0x4f7: {  	_ =	swait.ge [sflag:s22], $0x2000;
	p0 =	sne.s32 s24, s10  }
.Ltmp8:
0x4f8: {  	[sflag:s22] =	ssyncset.done $0x0;
	(pc) =	sbr.rel @p0 .LBB2_1-.Ltmp8, $4  }
0x4f9: {  	[sflag:s22] =	ssyncadd.s32 $0xFFFFE000  }
0x4fa: {  	_ =	swait.ge [sflag:s23], $0x2000  }
0x4fb: {  	[sflag:s23] =	ssyncset.done $0x0  }
0x4fc: {  	[sflag:s23] =	ssyncadd.s32 $0xFFFFE000  }
0x4fd: {  	_ =	sfence.sel $0x180000  }
0x4fe: {  	[bflag:$0x0] =	sbarrier.arrive $0xFFFF  }
0x4ff: {  	_ =	strace $0x90000047  }
0x500: {  	s0 =	stileid.u32;
	[bflag:$0x2] =	sbarrier.arrive $0xFFFF  }
0x501: {  	p0 =	sne.s32 s0, $0x0;
	s0 =	rddreg [dreg:$0x4]  }
0x502: {  	s0 =	sadd.s32 @!p0 $0x100000, s0  }
0x503: {  	[sflag:s0] =	ssyncadd.tile.s32 @!p0 $0x1;
	_ =	shalt  }
.Lfunc_end2:
_tile_overlayer_lowered:
.L_overlay_start_2:
0x504: {  	(tag) =	ssettag $0x2  }
0x505: {  	s0 =	rddreg [dreg:$0x0];
	s2 =	stileid.u32  }
0x506: {  	s1 =	rddreg [dreg:$0x1];
	p0 =	sne.s32 s2, $0x0  }
0x507: {  	s3 =	rddreg [dreg:$0x2];
	[bflag:$0x3] =	sbarrier.arrive $0xFFFF;
	s2 =	simm.s32 @!p0 $0x1C05  }
0x508: {  	[timem:s3], [sflag:s2] =	dma.local @!p0 [hbm:s0], s1  }
0x509: {  	s0 =	simm.s32 @!p0 $0x5  }
0x50a: {  	_ =	swait.ge @!p0 [sflag:s0], s1  }
0x50b: {  	s1 =	ssub.s32 @!p0 $0x0, s1;
	[sflag:s0] =	ssyncset.done @!p0 $0x0  }
0x50c: {  	[sflag:s0] =	ssyncadd.s32 @!p0 s1  }
0x50d: {  	[bflag:$0x3] =	sbarrier.arrive $0xFFFF  }
0x50e: {  	_ =	shalt  }

</sc_bundles>
